<compile_context>
chip_gen: v7x
topology: tpu7x:2x2x1
jax: 0.10.2.dev20260603
libtpu: 0.0.44.dev20260713+nightly
codegen_flags: <defaults>
</compile_context>

<pallas_src>
import dataclasses
import functools

import jax
import jax.numpy as jnp
from jax import lax
from jax.experimental import pallas as pl
from jax.experimental.pallas import tpu as pltpu
from jax.experimental.pallas import tpu_sc as plsc

N = 10000
E = 320000
FIN = 128
HID = 8
HEADS = 8
HH = HEADS * HID

NW = 32
ET = E + N
CH1, CPT1 = 48, 216
CH2, CPT2 = 48, 216
ETP = NW * CH1 * CPT1
NB = 128
NP = -(-N // NB) * NB
DUMMY = N


_G16_DNUMS = lax.GatherDimensionNumbers(
    offset_dims=(), collapsed_slice_dims=(0,), start_index_map=(0,))


def _g16(v, idx):
    return lax.gather(v, idx[:, None], _G16_DNUMS, (1,),
                      mode=lax.GatherScatterMode.PROMISE_IN_BOUNDS)



def _tc_a_body(x_ref, w1_ref, p_ref, g_ref):
    h = jnp.dot(x_ref[...], w1_ref[...], preferred_element_type=jnp.float32)
    g_ref[...] = jnp.dot(h, p_ref[...], preferred_element_type=jnp.float32)


def _tc_a(xp, W1, P):
    return pl.pallas_call(
        _tc_a_body,
        grid=(NP // NB,),
        in_specs=[
            pl.BlockSpec((NB, FIN), lambda i: (i, 0)),
            pl.BlockSpec((FIN, HH), lambda i: (0, 0)),
            pl.BlockSpec((HH, FIN), lambda i: (0, 0)),
        ],
        out_specs=pl.BlockSpec((NB, FIN), lambda i: (i, 0)),
        out_shape=jax.ShapeDtypeStruct((NP, FIN), jnp.float32),
    )(xp, W1, P)


def _tc_b_body(p_ref, rsel_ref, msel_ref, b1_ref, w2_ref, a2_ref, h2_ref, c2_ref):
    o = p_ref[0] + p_ref[1]
    drep = jnp.dot(o, rsel_ref[...], preferred_element_type=jnp.float32)
    msgs = jnp.dot(o, msel_ref[...], preferred_element_type=jnp.float32)
    h1 = msgs / (drep + 1e-16) + b1_ref[0]
    hin = jnp.where(h1 > 0, h1, jnp.exp(jnp.minimum(h1, 0.0)) - 1.0)
    h2 = jnp.dot(hin, w2_ref[...], preferred_element_type=jnp.float32)
    h2_ref[...] = h2
    c2_ref[...] = jnp.dot(h2, a2_ref[...], preferred_element_type=jnp.float32)


def _tc_b(out1_parts, Rsel, Msel, b1, W2, A2w):
    return pl.pallas_call(
        _tc_b_body,
        grid=(NP // NB,),
        in_specs=[
            pl.BlockSpec((2, NB, FIN), lambda i: (0, i, 0)),
            pl.BlockSpec((FIN, HH), lambda i: (0, 0)),
            pl.BlockSpec((FIN, HH), lambda i: (0, 0)),
            pl.BlockSpec((1, HH), lambda i: (0, 0)),
            pl.BlockSpec((HH, FIN), lambda i: (0, 0)),
            pl.BlockSpec((FIN, 2), lambda i: (0, 0)),
        ],
        out_specs=[
            pl.BlockSpec((NB, FIN), lambda i: (i, 0)),
            pl.BlockSpec((NB, 2), lambda i: (i, 0)),
        ],
        out_shape=[
            jax.ShapeDtypeStruct((NP, FIN), jnp.float32),
            jax.ShapeDtypeStruct((NP, 2), jnp.float32),
        ],
    )(out1_parts, Rsel, Msel, b1, W2, A2w)


def _tc_c_body(p_ref, d_ref, ones_ref, b2_ref, o_ref):
    o = p_ref[0] + p_ref[1]
    den = lax.dot_general(d_ref[...], ones_ref[...], (((0,), (0,)), ((), ())),
                          preferred_element_type=jnp.float32)
    out = o / (den + 1e-16) + b2_ref[0]
    m = jnp.max(out, axis=1, keepdims=True)
    s = jnp.sum(jnp.exp(out - m), axis=1, keepdims=True)
    o_ref[...] = out - m - jnp.log(s)


def _tc_c(out2_parts, den2_parts, ones, b2):
    return pl.pallas_call(
        _tc_c_body,
        grid=(NP // NB,),
        in_specs=[
            pl.BlockSpec((2, NB, FIN), lambda i: (0, i, 0)),
            pl.BlockSpec((NW, NB), lambda i: (0, i)),
            pl.BlockSpec((NW, 1), lambda i: (0, 0)),
            pl.BlockSpec((1, FIN), lambda i: (0, 0)),
        ],
        out_specs=pl.BlockSpec((NB, FIN), lambda i: (i, 0)),
        out_shape=jax.ShapeDtypeStruct((NP, FIN), jnp.float32),
    )(out2_parts, den2_parts, ones, b2)



_MESH = plsc.VectorSubcoreMesh(core_axis_name="c", subcore_axis_name="s")
_ROWS_PER_TILE = NP // 16

_SC_PARAMS = pltpu.CompilerParams()
if "needs_layout_passes" in pltpu.CompilerParams.__dataclass_fields__:
    _SC_PARAMS = dataclasses.replace(_SC_PARAMS, needs_layout_passes=False)


def _zero_vmem_2d(ref, ncols):
    z = jnp.zeros((16,), jnp.float32)

    @pl.loop(0, ref.shape[0])
    def _(i):
        for k in range(ncols // 16):
            ref[i, pl.ds(k * 16, 16)] = z


def _zero_shared_acc(msg, oacc, sid):
    ch = msg.shape[0]
    base = sid * _ROWS_PER_TILE
    nfull = _ROWS_PER_TILE // ch
    rem = _ROWS_PER_TILE - nfull * ch
    for t in range(nfull):
        pltpu.sync_copy(msg, oacc.at[pl.ds(base + t * ch, ch)])
    if rem:
        pltpu.sync_copy(msg.at[pl.ds(0, rem)], oacc.at[pl.ds(base + nfull * ch, rem)])


def _sc_layer1_body(src_hbm, dst_hbm, g_hbm, out_hbm,
                    si0, di0, si1, di1, si2, di2, dc0, dc1, dc2,
                    gs0, gd0, gs1, gd1, gs2, gd2, oacc,
                    sg0, sg1, sg2, sic0, sic1, sic2, ss0, ss1, ss2):
    cid = lax.axis_index("c")
    sid = lax.axis_index("s")
    wid = cid * 16 + sid

    iota = lax.iota(jnp.int32, 16)
    lo = iota < 8
    rot8 = (iota + 8) & 15
    half = iota >> 3

    _zero_vmem_2d(gs0, FIN)
    _zero_shared_acc(gs0, oacc, sid)
    plsc.subcore_barrier()

    SI = (si0, si1, si2)
    DI = (di0, di1, di2)
    DC = (dc0, dc1, dc2)
    GS = (gs0, gs1, gs2)
    GD = (gd0, gd1, gd2)
    SG = (sg0, sg1, sg2)
    SIC = (sic0, sic1, sic2)
    SS = (ss0, ss1, ss2)

    def base(c):
        return (c * NW + wid) * CH1

    def compute(gs, gd):
        @plsc.parallel_loop(0, CH1 // 2, 1, unroll=2)
        def _pair(p):
            e0 = 2 * p
            e1 = e0 + 1
            ev0 = jnp.where(lo, gs[e0, pl.ds(0, 16)], gd[e0, pl.ds(0, 16)])
            f0 = ev0 + _g16(ev0, rot8)
            ev1 = jnp.where(lo, gs[e1, pl.ds(0, 16)], gd[e1, pl.ds(0, 16)])
            f1 = ev1 + _g16(ev1, rot8)
            cc = jnp.where(lo, f0, f1)
            cc = jnp.maximum(cc, 0.2 * cc)
            ee = jnp.exp(cc)
            for k in range(HH // 16):
                a0 = _g16(ee, 2 * k + half)
                gs[e0, pl.ds(16 + k * 16, 16)] = gs[e0, pl.ds(16 + k * 16, 16)] * a0
                a1 = _g16(ee, 8 + 2 * k + half)
                gs[e1, pl.ds(16 + k * 16, 16)] = gs[e1, pl.ds(16 + k * 16, 16)] * a1
            gs[e0, pl.ds(0, 16)] = ee
            gs[e1, pl.ds(0, 16)] = _g16(ee, rot8)

    for b in range(3):
        pltpu.sync_copy(src_hbm.at[pl.ds(base(b), CH1)], SI[b])
        pltpu.sync_copy(dst_hbm.at[pl.ds(base(b), CH1)], DI[b])
    for b in range(2):
        pltpu.async_copy(g_hbm.at[SI[b]], GS[b], SG[b])
        pltpu.async_copy(g_hbm.at[DI[b]], GD[b], SG[b])

    @pl.loop(0, CPT1, step=3)
    def _trio(c):
        for b in range(3):
            ch = c + b
            b2 = (b + 2) % 3
            pltpu.make_async_copy(g_hbm.at[SI[b]], GS[b], SG[b]).wait()
            pltpu.make_async_copy(g_hbm.at[DI[b]], GD[b], SG[b]).wait()
            compute(GS[b], GD[b])
            for k in range(CH1 // 16):
                DC[b][pl.ds(k * 16, 16)] = DI[b][pl.ds(k * 16, 16)]
            pltpu.async_copy(GS[b], oacc.at[DC[b]], SS[b], add=True)

            @pl.when(ch + 3 < CPT1)
            def _():
                pltpu.async_copy(src_hbm.at[pl.ds(base(ch + 3), CH1)], SI[b], SIC[b])
                pltpu.async_copy(dst_hbm.at[pl.ds(base(ch + 3), CH1)], DI[b], SIC[b])

            @pl.when(ch + 2 < CPT1)
            def _():
                @pl.when(ch >= 1)
                def _():
                    pltpu.make_async_copy(GS[b2], oacc.at[DC[b2]], SS[b2]).wait()
                    pltpu.make_async_copy(src_hbm.at[pl.ds(0, CH1)], SI[b2], SIC[b2]).wait()
                    pltpu.make_async_copy(dst_hbm.at[pl.ds(0, CH1)], DI[b2], SIC[b2]).wait()

                pltpu.async_copy(g_hbm.at[SI[b2]], GS[b2], SG[b2])
                pltpu.async_copy(g_hbm.at[DI[b2]], GD[b2], SG[b2])

    for b in range(3):
        pltpu.make_async_copy(GS[b], oacc.at[DC[b]], SS[b]).wait()

    plsc.subcore_barrier()
    obase = sid * _ROWS_PER_TILE
    pltpu.sync_copy(oacc.at[pl.ds(obase, _ROWS_PER_TILE)],
                    out_hbm.at[cid, pl.ds(obase, _ROWS_PER_TILE)])


def _sc_layer1(src, dst, G1):
    k = pl.kernel(
        _sc_layer1_body,
        out_type=jax.ShapeDtypeStruct((2, NP, FIN), jnp.float32),
        mesh=_MESH,
        scratch_types=[
            pltpu.VMEM((CH1,), jnp.int32),
            pltpu.VMEM((CH1,), jnp.int32),
            pltpu.VMEM((CH1,), jnp.int32),
            pltpu.VMEM((CH1,), jnp.int32),
            pltpu.VMEM((CH1,), jnp.int32),
            pltpu.VMEM((CH1,), jnp.int32),
            pltpu.VMEM((CH1,), jnp.int32),
            pltpu.VMEM((CH1,), jnp.int32),
            pltpu.VMEM((CH1,), jnp.int32),
            pltpu.VMEM((CH1, FIN), jnp.float32),
            pltpu.VMEM((CH1, FIN), jnp.float32),
            pltpu.VMEM((CH1, FIN), jnp.float32),
            pltpu.VMEM((CH1, FIN), jnp.float32),
            pltpu.VMEM((CH1, FIN), jnp.float32),
            pltpu.VMEM((CH1, FIN), jnp.float32),
            pltpu.VMEM_SHARED((NP, FIN), jnp.float32),
            pltpu.SemaphoreType.DMA,
            pltpu.SemaphoreType.DMA,
            pltpu.SemaphoreType.DMA,
            pltpu.SemaphoreType.DMA,
            pltpu.SemaphoreType.DMA,
            pltpu.SemaphoreType.DMA,
            pltpu.SemaphoreType.DMA,
            pltpu.SemaphoreType.DMA,
            pltpu.SemaphoreType.DMA,
        ],
        compiler_params=_SC_PARAMS,
    )
    return k(src, dst, G1)


def _sc_layer2_body(src_hbm, dst_hbm, a2_hbm, h2_hbm, out_hbm, den_hbm,
                    si0, di0, si1, di1, si2, di2, dc0, dc1, dc2,
                    a2t, hv0, hv1, hv2, dacc, oacc,
                    sh0, sh1, sh2, sic0, sic1, sic2, ss0, ss1, ss2):
    cid = lax.axis_index("c")
    sid = lax.axis_index("s")
    wid = cid * 16 + sid

    iota = lax.iota(jnp.int32, 16)
    z = jnp.zeros((16,), jnp.float32)

    pltpu.sync_copy(a2_hbm, a2t)

    @pl.loop(0, NP, step=16)
    def _(i):
        dacc[pl.ds(i, 16)] = z

    _zero_vmem_2d(hv0, FIN)
    _zero_shared_acc(hv0, oacc, sid)
    plsc.subcore_barrier()

    SI = (si0, si1, si2)
    DI = (di0, di1, di2)
    DC = (dc0, dc1, dc2)
    HV = (hv0, hv1, hv2)
    SH = (sh0, sh1, sh2)
    SIC = (sic0, sic1, sic2)
    SS = (ss0, ss1, ss2)

    def base(c):
        return (c * NW + wid) * CH2

    def compute(hv, si, di):
        @pl.loop(0, CH2 // 16)
        def _grp(g):
            s16 = si[pl.ds(g * 16, 16)]
            d16 = di[pl.ds(g * 16, 16)]
            av = plsc.load_gather(a2t, [s16 * 2])
            bv = plsc.load_gather(a2t, [d16 * 2 + 1])
            cc = av + bv
            cc = jnp.maximum(cc, 0.2 * cc)
            ee = jnp.exp(cc)

            @pl.loop(0, 16)
            def _den(l):
                plsc.addupdate_scatter(dacc, [d16], ee, mask=iota == l)

            @plsc.parallel_loop(0, 16, 1, unroll=2)
            def _msg(j):
                e = g * 16 + j
                aj = _g16(ee, jnp.broadcast_to(j, (16,)))
                for k in range(FIN // 16):
                    hv[e, pl.ds(k * 16, 16)] = hv[e, pl.ds(k * 16, 16)] * aj

    for b in range(3):
        pltpu.sync_copy(src_hbm.at[pl.ds(base(b), CH2)], SI[b])
        pltpu.sync_copy(dst_hbm.at[pl.ds(base(b), CH2)], DI[b])
    for b in range(2):
        pltpu.async_copy(h2_hbm.at[SI[b]], HV[b], SH[b])

    @pl.loop(0, CPT2, step=3)
    def _trio(c):
        for b in range(3):
            ch = c + b
            b2 = (b + 2) % 3
            pltpu.make_async_copy(h2_hbm.at[SI[b]], HV[b], SH[b]).wait()
            compute(HV[b], SI[b], DI[b])
            for k in range(CH2 // 16):
                DC[b][pl.ds(k * 16, 16)] = DI[b][pl.ds(k * 16, 16)]
            pltpu.async_copy(HV[b], oacc.at[DC[b]], SS[b], add=True)

            @pl.when(ch + 3 < CPT2)
            def _():
                pltpu.async_copy(src_hbm.at[pl.ds(base(ch + 3), CH2)], SI[b], SIC[b])
                pltpu.async_copy(dst_hbm.at[pl.ds(base(ch + 3), CH2)], DI[b], SIC[b])

            @pl.when(ch + 2 < CPT2)
            def _():
                @pl.when(ch >= 1)
                def _():
                    pltpu.make_async_copy(HV[b2], oacc.at[DC[b2]], SS[b2]).wait()
                    pltpu.make_async_copy(src_hbm.at[pl.ds(0, CH2)], SI[b2], SIC[b2]).wait()
                    pltpu.make_async_copy(dst_hbm.at[pl.ds(0, CH2)], DI[b2], SIC[b2]).wait()

                pltpu.async_copy(h2_hbm.at[SI[b2]], HV[b2], SH[b2])

    for b in range(3):
        pltpu.make_async_copy(HV[b], oacc.at[DC[b]], SS[b]).wait()

    plsc.subcore_barrier()
    pltpu.sync_copy(dacc, den_hbm.at[wid])
    obase = sid * _ROWS_PER_TILE
    pltpu.sync_copy(oacc.at[pl.ds(obase, _ROWS_PER_TILE)],
                    out_hbm.at[cid, pl.ds(obase, _ROWS_PER_TILE)])


def _sc_layer2(src, dst, A2flat, h2):
    k = pl.kernel(
        _sc_layer2_body,
        out_type=(
            jax.ShapeDtypeStruct((2, NP, FIN), jnp.float32),
            jax.ShapeDtypeStruct((NW, NP), jnp.float32),
        ),
        mesh=_MESH,
        scratch_types=[
            pltpu.VMEM((CH2,), jnp.int32),
            pltpu.VMEM((CH2,), jnp.int32),
            pltpu.VMEM((CH2,), jnp.int32),
            pltpu.VMEM((CH2,), jnp.int32),
            pltpu.VMEM((CH2,), jnp.int32),
            pltpu.VMEM((CH2,), jnp.int32),
            pltpu.VMEM((CH2,), jnp.int32),
            pltpu.VMEM((CH2,), jnp.int32),
            pltpu.VMEM((CH2,), jnp.int32),
            pltpu.VMEM((NP * 2,), jnp.float32),
            pltpu.VMEM((CH2, FIN), jnp.float32),
            pltpu.VMEM((CH2, FIN), jnp.float32),
            pltpu.VMEM((CH2, FIN), jnp.float32),
            pltpu.VMEM((NP,), jnp.float32),
            pltpu.VMEM_SHARED((NP, FIN), jnp.float32),
            pltpu.SemaphoreType.DMA,
            pltpu.SemaphoreType.DMA,
            pltpu.SemaphoreType.DMA,
            pltpu.SemaphoreType.DMA,
            pltpu.SemaphoreType.DMA,
            pltpu.SemaphoreType.DMA,
            pltpu.SemaphoreType.DMA,
            pltpu.SemaphoreType.DMA,
            pltpu.SemaphoreType.DMA,
        ],
        compiler_params=_SC_PARAMS,
    )
    return k(src, dst, A2flat, h2)



def kernel(x, edge_index, W1, att_src1, att_dst1, b1, W2, att_src2, att_dst2, b2):
    ei = edge_index.astype(jnp.int32)
    loops = jnp.arange(N, dtype=jnp.int32)
    pad_src = jnp.full((ETP - ET,), DUMMY, jnp.int32)
    pad_dst = N + (jnp.arange(ETP - ET, dtype=jnp.int32) % (NP - N))
    src = jnp.concatenate([ei[0], loops, pad_src])
    dst = jnp.concatenate([ei[1], loops, pad_dst])

    xp = jnp.pad(x, ((0, NP - N), (0, 0)))

    eye8 = jnp.eye(HEADS, dtype=jnp.float32)
    s_src = (att_src1[:, :, None] * eye8[:, None, :]).reshape(HH, HEADS)
    s_dst = (att_dst1[:, :, None] * eye8[:, None, :]).reshape(HH, HEADS)
    S1 = jnp.concatenate([s_src, s_dst], axis=1)
    P = jnp.concatenate(
        [S1, jnp.eye(HH, dtype=jnp.float32),
         jnp.zeros((HH, FIN - 16 - HH), jnp.float32)], axis=1)

    G1 = _tc_a(xp, W1, P)

    out1_parts = _sc_layer1(src, dst, G1)

    Rsel = jnp.concatenate(
        [jnp.repeat(eye8, HID, axis=1),
         jnp.zeros((FIN - HEADS, HH), jnp.float32)], axis=0)
    Msel = jnp.concatenate(
        [jnp.zeros((16, HH), jnp.float32),
         jnp.eye(HH, dtype=jnp.float32),
         jnp.zeros((FIN - 16 - HH, HH), jnp.float32)], axis=0)
    A2w = jnp.concatenate([att_src2.T, att_dst2.T], axis=1)
    h2, A2 = _tc_b(out1_parts, Rsel, Msel, b1.reshape(1, HH), W2, A2w)

    out2_parts, den2 = _sc_layer2(src, dst, A2.reshape(NP * 2), h2)

    ones = jnp.ones((NW, 1), jnp.float32)
    out = _tc_c(out2_parts, den2, ones, b2.reshape(1, FIN))
    return out[:N]

# --- scband reference (transcript-rebuilt; emitter-appended) ---
"""Pipeline reference for scband-gatsby-21809843929144 (READ-ONLY COPY).

The authoritative reference and input builder live on the scoring server;
editing this copy changes nothing except your own understanding.
"""

import jax, jax.numpy as jnp
import numpy as np

N = 10000
E = 320000
F_IN = 128
HID = 8
HEADS = 8


def setup_inputs(seed: int = 0) -> dict:
    key = jax.random.key(seed)
    ks = jax.random.split(key, 10)
    x = jax.random.normal(ks[0], (N, F_IN), dtype=jnp.float32)
    edge_index = jax.random.randint(ks[1], (2, E), 0, N)
    W1 = jax.random.normal(ks[2], (F_IN, HEADS * HID), dtype=jnp.float32) * (1.0 / np.sqrt(F_IN))
    att_src1 = jax.random.normal(ks[3], (HEADS, HID), dtype=jnp.float32) * 0.1
    att_dst1 = jax.random.normal(ks[4], (HEADS, HID), dtype=jnp.float32) * 0.1
    b1 = jnp.zeros((HEADS * HID,), dtype=jnp.float32)
    W2 = jax.random.normal(ks[5], (HEADS * HID, F_IN), dtype=jnp.float32) * (1.0 / np.sqrt(HEADS * HID))
    att_src2 = jax.random.normal(ks[6], (1, F_IN), dtype=jnp.float32) * 0.1
    att_dst2 = jax.random.normal(ks[7], (1, F_IN), dtype=jnp.float32) * 0.1
    b2 = jnp.zeros((F_IN,), dtype=jnp.float32)
    return {"x": x, "edge_index": edge_index, "W1": W1, "att_src1": att_src1,
            "att_dst1": att_dst1, "b1": b1, "W2": W2, "att_src2": att_src2,
            "att_dst2": att_dst2, "b2": b2}


def _gat_conv(x, src, dst, W, att_src, att_dst, bias, heads, out_ch, concat):
    # PyG GATConv (eval mode, dropout disabled), self-loops already appended.
    n = x.shape[0]
    h = (x @ W).reshape(n, heads, out_ch)
    a_src = (h * att_src[None, :, :]).sum(-1)  # [N, H]
    a_dst = (h * att_dst[None, :, :]).sum(-1)  # [N, H]
    e = a_src[src] + a_dst[dst]                # [Etot, H]
    e = jax.nn.leaky_relu(e, 0.2)
    e_max = jax.lax.stop_gradient(jax.ops.segment_max(e, dst, num_segments=n))
    e_max = jnp.where(jnp.isfinite(e_max), e_max, 0.0)
    ee = jnp.exp(e - e_max[dst])
    denom = jax.ops.segment_sum(ee, dst, num_segments=n)
    alpha = ee / (denom[dst] + 1e-16)          # segment softmax over incoming edges
    msg = h[src] * alpha[:, :, None]
    out = jax.ops.segment_sum(msg, dst, num_segments=n)
    if concat:
        out = out.reshape(n, heads * out_ch)
    else:
        out = out.mean(axis=1)
    return out + bias


def reference(x, edge_index, W1, att_src1, att_dst1, b1, W2, att_src2, att_dst2, b2):
    n = x.shape[0]
    loops = jnp.arange(n, dtype=edge_index.dtype)
    src = jnp.concatenate([edge_index[0], loops])
    dst = jnp.concatenate([edge_index[1], loops])
    # eval mode: F.dropout is identity
    h = _gat_conv(x, src, dst, W1, att_src1, att_dst1, b1, HEADS, HID, True)
    h = jax.nn.elu(h)
    out = _gat_conv(h, src, dst, W2, att_src2, att_dst2, b2, 1, F_IN, False)
    return jax.nn.log_softmax(out, axis=1)

if __name__ == "__main__":
    import jax
    _d = setup_inputs()
    print(jax.jit(kernel)(*tuple(_d.values())))

</pallas_src>

<mosaic_0001>
#map = affine_map<(d0, d1) -> (0)>
#map1 = affine_map<(d0, d1) -> (0, 0)>
#map2 = affine_map<(d0, d1) -> (0, 0, 0)>
module attributes {stable_mosaic.version = 14 : i64} {
  func.func @_sc_layer1_body(%arg0: i32, %arg1: i32, %arg2: memref<331776xi32, #tpu.memory_space<hbm>>, %arg3: memref<331776xi32, #tpu.memory_space<hbm>>, %arg4: memref<10112x128xf32, #tpu.memory_space<hbm>>, %arg5: memref<2x10112x128xf32, #tpu.memory_space<hbm>>, %arg6: memref<48xi32, #tpu.memory_space<vmem>>, %arg7: memref<48xi32, #tpu.memory_space<vmem>>, %arg8: memref<48xi32, #tpu.memory_space<vmem>>, %arg9: memref<48xi32, #tpu.memory_space<vmem>>, %arg10: memref<48xi32, #tpu.memory_space<vmem>>, %arg11: memref<48xi32, #tpu.memory_space<vmem>>, %arg12: memref<48xi32, #tpu.memory_space<vmem>>, %arg13: memref<48xi32, #tpu.memory_space<vmem>>, %arg14: memref<48xi32, #tpu.memory_space<vmem>>, %arg15: memref<48x128xf32, #tpu.memory_space<vmem>>, %arg16: memref<48x128xf32, #tpu.memory_space<vmem>>, %arg17: memref<48x128xf32, #tpu.memory_space<vmem>>, %arg18: memref<48x128xf32, #tpu.memory_space<vmem>>, %arg19: memref<48x128xf32, #tpu.memory_space<vmem>>, %arg20: memref<48x128xf32, #tpu.memory_space<vmem>>, %arg21: memref<10112x128xf32, #tpu.memory_space<vmem_shared>>, %arg22: memref<!tpu.dma_semaphore, #tpu.memory_space<semaphore_mem>>, %arg23: memref<!tpu.dma_semaphore, #tpu.memory_space<semaphore_mem>>, %arg24: memref<!tpu.dma_semaphore, #tpu.memory_space<semaphore_mem>>, %arg25: memref<!tpu.dma_semaphore, #tpu.memory_space<semaphore_mem>>, %arg26: memref<!tpu.dma_semaphore, #tpu.memory_space<semaphore_mem>>, %arg27: memref<!tpu.dma_semaphore, #tpu.memory_space<semaphore_mem>>, %arg28: memref<!tpu.dma_semaphore, #tpu.memory_space<semaphore_mem>>, %arg29: memref<!tpu.dma_semaphore, #tpu.memory_space<semaphore_mem>>, %arg30: memref<!tpu.dma_semaphore, #tpu.memory_space<semaphore_mem>>) attributes {dimension_semantics = [#tpu.dimension_semantics<core_parallel>, #tpu.dimension_semantics<subcore_parallel>], iteration_bounds = array<i64: 2, 16>, scalar_prefetch = 0 : i64, scratch_operands = 25 : i64, tpu.core_type = #tpu.core_type<sc_vector_subcore>, window_params = [{transform_indices = #map}, {transform_indices = #map}, {transform_indices = #map1}, {transform_indices = #map2}]} {
    %mul3A = arith.constant 16 : i32
    %mul3A_0 = arith.muli %arg0, %mul3A : i32
    %add3A = arith.addi %mul3A_0, %arg1 : i32
    %iota3A = tpu.iota {dimensions = array<i32: 0>} : vector<16xi32>
    %lt3A = arith.constant 8 : i32
    %lt3A_1 = vector.broadcast %lt3A : i32 to vector<16xi32>
    %lt3A_2 = arith.cmpi slt, %iota3A, %lt3A_1 : vector<16xi32>
    %add3A_3 = arith.constant 8 : i32
    %add3A_4 = vector.broadcast %add3A_3 : i32 to vector<16xi32>
    %add3A_5 = arith.addi %iota3A, %add3A_4 : vector<16xi32>
    %and3A = arith.constant 15 : i32
    %and3A_6 = vector.broadcast %and3A : i32 to vector<16xi32>
    %and3A_7 = arith.andi %add3A_5, %and3A_6 : vector<16xi32>
    %shift_right_arithmetic3A = arith.constant 3 : i32
    %shift_right_arithmetic3A_8 = vector.broadcast %shift_right_arithmetic3A : i32 to vector<16xi32>
    %shift_right_arithmetic3A_9 = arith.shrsi %iota3A, %shift_right_arithmetic3A_8 : vector<16xi32>
    %broadcast_in_dim3A = arith.constant 0.000000e+00 : f32
    %broadcast_in_dim3A_10 = vector.broadcast %broadcast_in_dim3A : f32 to vector<16xf32>
    %scan3A = arith.constant 0 : i32
    %scan3A_11 = arith.constant 48 : i32
    %scan3A_12 = arith.addi %scan3A, %scan3A_11 : i32
    %scan3A_13 = arith.constant 1 : i32
    scf.for %scan3A_96 = %scan3A to %scan3A_12 step %scan3A_13  : i32 {
      %mul3A_97 = arith.constant 1 : i32
      %mul3A_98 = arith.muli %scan3A_96, %mul3A_97 : i32
      %add3A_99 = arith.constant 0 : i32
      %add3A_100 = arith.addi %add3A_99, %mul3A_98 : i32
      %swap3A = arith.index_cast %add3A_100 : i32 to index
      %swap3A_101 = arith.constant 0 : index
      %swap3A_102 = tpu.vector_load %arg15[%swap3A, %swap3A_101] {strides = array<i32>} : memref<48x128xf32, #tpu.memory_space<vmem>>, vector<16xf32>,
      tpu.vector_store %arg15[%swap3A, %swap3A_101], %broadcast_in_dim3A_10 {strides = array<i32>} : memref<48x128xf32, #tpu.memory_space<vmem>>, vector<16xf32>,
      %swap3A_103 = arith.index_cast %add3A_100 : i32 to index
      %swap3A_104 = arith.constant 16 : index
      %swap3A_105 = tpu.vector_load %arg15[%swap3A_103, %swap3A_104] {strides = array<i32>} : memref<48x128xf32, #tpu.memory_space<vmem>>, vector<16xf32>,
      tpu.vector_store %arg15[%swap3A_103, %swap3A_104], %broadcast_in_dim3A_10 {strides = array<i32>} : memref<48x128xf32, #tpu.memory_space<vmem>>, vector<16xf32>,
      %swap3A_106 = arith.index_cast %add3A_100 : i32 to index
      %swap3A_107 = arith.constant 32 : index
      %swap3A_108 = tpu.vector_load %arg15[%swap3A_106, %swap3A_107] {strides = array<i32>} : memref<48x128xf32, #tpu.memory_space<vmem>>, vector<16xf32>,
      tpu.vector_store %arg15[%swap3A_106, %swap3A_107], %broadcast_in_dim3A_10 {strides = array<i32>} : memref<48x128xf32, #tpu.memory_space<vmem>>, vector<16xf32>,
      %swap3A_109 = arith.index_cast %add3A_100 : i32 to index
      %swap3A_110 = arith.constant 48 : index
      %swap3A_111 = tpu.vector_load %arg15[%swap3A_109, %swap3A_110] {strides = array<i32>} : memref<48x128xf32, #tpu.memory_space<vmem>>, vector<16xf32>,
      tpu.vector_store %arg15[%swap3A_109, %swap3A_110], %broadcast_in_dim3A_10 {strides = array<i32>} : memref<48x128xf32, #tpu.memory_space<vmem>>, vector<16xf32>,
      %swap3A_112 = arith.index_cast %add3A_100 : i32 to index
      %swap3A_113 = arith.constant 64 : index
      %swap3A_114 = tpu.vector_load %arg15[%swap3A_112, %swap3A_113] {strides = array<i32>} : memref<48x128xf32, #tpu.memory_space<vmem>>, vector<16xf32>,
      tpu.vector_store %arg15[%swap3A_112, %swap3A_113], %broadcast_in_dim3A_10 {strides = array<i32>} : memref<48x128xf32, #tpu.memory_space<vmem>>, vector<16xf32>,
      %swap3A_115 = arith.index_cast %add3A_100 : i32 to index
      %swap3A_116 = arith.constant 80 : index
      %swap3A_117 = tpu.vector_load %arg15[%swap3A_115, %swap3A_116] {strides = array<i32>} : memref<48x128xf32, #tpu.memory_space<vmem>>, vector<16xf32>,
      tpu.vector_store %arg15[%swap3A_115, %swap3A_116], %broadcast_in_dim3A_10 {strides = array<i32>} : memref<48x128xf32, #tpu.memory_space<vmem>>, vector<16xf32>,
      %swap3A_118 = arith.index_cast %add3A_100 : i32 to index
      %swap3A_119 = arith.constant 96 : index
      %swap3A_120 = tpu.vector_load %arg15[%swap3A_118, %swap3A_119] {strides = array<i32>} : memref<48x128xf32, #tpu.memory_space<vmem>>, vector<16xf32>,
      tpu.vector_store %arg15[%swap3A_118, %swap3A_119], %broadcast_in_dim3A_10 {strides = array<i32>} : memref<48x128xf32, #tpu.memory_space<vmem>>, vector<16xf32>,
      %swap3A_121 = arith.index_cast %add3A_100 : i32 to index
      %swap3A_122 = arith.constant 112 : index
      %swap3A_123 = tpu.vector_load %arg15[%swap3A_121, %swap3A_122] {strides = array<i32>} : memref<48x128xf32, #tpu.memory_space<vmem>>, vector<16xf32>,
      tpu.vector_store %arg15[%swap3A_121, %swap3A_122], %broadcast_in_dim3A_10 {strides = array<i32>} : memref<48x128xf32, #tpu.memory_space<vmem>>, vector<16xf32>,
    }
    %scan3A_14 = arith.constant 48 : i32
    %mul3A_15 = arith.constant 632 : i32
    %mul3A_16 = arith.muli %arg1, %mul3A_15 : i32
    %add3A_17 = arith.constant 0 : i32
    %add3A_18 = arith.addi %mul3A_16, %add3A_17 : i32
    "tpu.region"() ({
      %run_scoped3A = tpu.sem_alloc : memref<!tpu.dma_semaphore, #tpu.memory_space<semaphore_mem>>
      %dma_start3A_96 = arith.constant 0 : i32
      %dma_start3A_97 = tpu.memref_slice %arg21[%add3A_18, %dma_start3A_96] : memref<10112x128xf32, #tpu.memory_space<vmem_shared>> -> memref<48x128xf32, #tpu.memory_space<vmem_shared>>
      %dma_start3A_98 = arith.constant 0 : i32
      %dma_start3A_99 = tpu.memref_slice %arg21[%add3A_18, %dma_start3A_98] : memref<10112x128xf32, #tpu.memory_space<vmem_shared>> -> memref<48x128xf32, #tpu.memory_space<vmem_shared>>
      tpu.enqueue_dma source(%arg15 : memref<48x128xf32, #tpu.memory_space<vmem>>) target(%dma_start3A_99 : memref<48x128xf32, #tpu.memory_space<vmem_shared>>) target_semaphore(%run_scoped3A : memref<!tpu.dma_semaphore, #tpu.memory_space<semaphore_mem>>)
      %dma_wait3A_100 = arith.constant 0 : i32
      %dma_wait3A_101 = tpu.memref_slice %arg21[%add3A_18, %dma_wait3A_100] : memref<10112x128xf32, #tpu.memory_space<vmem_shared>> -> memref<48x128xf32, #tpu.memory_space<vmem_shared>>
      %dma_wait3A_102 = arith.constant 0 : i32
      %dma_wait3A_103 = tpu.memref_slice %arg21[%add3A_18, %dma_wait3A_102] : memref<10112x128xf32, #tpu.memory_space<vmem_shared>> -> memref<48x128xf32, #tpu.memory_space<vmem_shared>>
      tpu.wait_dma2 semaphore(%run_scoped3A : memref<!tpu.dma_semaphore, #tpu.memory_space<semaphore_mem>>) src(%arg15 : memref<48x128xf32, #tpu.memory_space<vmem>>) dst(%dma_wait3A_103 : memref<48x128xf32, #tpu.memory_space<vmem_shared>>)
      tpu.yield
    }) : () -> ()
    %add3A_19 = arith.constant 48 : i32
    %add3A_20 = arith.addi %mul3A_16, %add3A_19 : i32
    "tpu.region"() ({
      %run_scoped3A = tpu.sem_alloc : memref<!tpu.dma_semaphore, #tpu.memory_space<semaphore_mem>>
      %dma_start3A_96 = arith.constant 0 : i32
      %dma_start3A_97 = tpu.memref_slice %arg21[%add3A_20, %dma_start3A_96] : memref<10112x128xf32, #tpu.memory_space<vmem_shared>> -> memref<48x128xf32, #tpu.memory_space<vmem_shared>>
      %dma_start3A_98 = arith.constant 0 : i32
      %dma_start3A_99 = tpu.memref_slice %arg21[%add3A_20, %dma_start3A_98] : memref<10112x128xf32, #tpu.memory_space<vmem_shared>> -> memref<48x128xf32, #tpu.memory_space<vmem_shared>>
      tpu.enqueue_dma source(%arg15 : memref<48x128xf32, #tpu.memory_space<vmem>>) target(%dma_start3A_99 : memref<48x128xf32, #tpu.memory_space<vmem_shared>>) target_semaphore(%run_scoped3A : memref<!tpu.dma_semaphore, #tpu.memory_space<semaphore_mem>>)
      %dma_wait3A_100 = arith.constant 0 : i32
      %dma_wait3A_101 = tpu.memref_slice %arg21[%add3A_20, %dma_wait3A_100] : memref<10112x128xf32, #tpu.memory_space<vmem_shared>> -> memref<48x128xf32, #tpu.memory_space<vmem_shared>>
      %dma_wait3A_102 = arith.constant 0 : i32
      %dma_wait3A_103 = tpu.memref_slice %arg21[%add3A_20, %dma_wait3A_102] : memref<10112x128xf32, #tpu.memory_space<vmem_shared>> -> memref<48x128xf32, #tpu.memory_space<vmem_shared>>
      tpu.wait_dma2 semaphore(%run_scoped3A : memref<!tpu.dma_semaphore, #tpu.memory_space<semaphore_mem>>) src(%arg15 : memref<48x128xf32, #tpu.memory_space<vmem>>) dst(%dma_wait3A_103 : memref<48x128xf32, #tpu.memory_space<vmem_shared>>)
      tpu.yield
    }) : () -> ()
    %add3A_21 = arith.constant 96 : i32
    %add3A_22 = arith.addi %mul3A_16, %add3A_21 : i32
    "tpu.region"() ({
      %run_scoped3A = tpu.sem_alloc : memref<!tpu.dma_semaphore, #tpu.memory_space<semaphore_mem>>
      %dma_start3A_96 = arith.constant 0 : i32
      %dma_start3A_97 = tpu.memref_slice %arg21[%add3A_22, %dma_start3A_96] : memref<10112x128xf32, #tpu.memory_space<vmem_shared>> -> memref<48x128xf32, #tpu.memory_space<vmem_shared>>
      %dma_start3A_98 = arith.constant 0 : i32
      %dma_start3A_99 = tpu.memref_slice %arg21[%add3A_22, %dma_start3A_98] : memref<10112x128xf32, #tpu.memory_space<vmem_shared>> -> memref<48x128xf32, #tpu.memory_space<vmem_shared>>
      tpu.enqueue_dma source(%arg15 : memref<48x128xf32, #tpu.memory_space<vmem>>) target(%dma_start3A_99 : memref<48x128xf32, #tpu.memory_space<vmem_shared>>) target_semaphore(%run_scoped3A : memref<!tpu.dma_semaphore, #tpu.memory_space<semaphore_mem>>)
      %dma_wait3A_100 = arith.constant 0 : i32
      %dma_wait3A_101 = tpu.memref_slice %arg21[%add3A_22, %dma_wait3A_100] : memref<10112x128xf32, #tpu.memory_space<vmem_shared>> -> memref<48x128xf32, #tpu.memory_space<vmem_shared>>
      %dma_wait3A_102 = arith.constant 0 : i32
      %dma_wait3A_103 = tpu.memref_slice %arg21[%add3A_22, %dma_wait3A_102] : memref<10112x128xf32, #tpu.memory_space<vmem_shared>> -> memref<48x128xf32, #tpu.memory_space<vmem_shared>>
      tpu.wait_dma2 semaphore(%run_scoped3A : memref<!tpu.dma_semaphore, #tpu.memory_space<semaphore_mem>>) src(%arg15 : memref<48x128xf32, #tpu.memory_space<vmem>>) dst(%dma_wait3A_103 : memref<48x128xf32, #tpu.memory_space<vmem_shared>>)
      tpu.yield
    }) : () -> ()
    %add3A_23 = arith.constant 144 : i32
    %add3A_24 = arith.addi %mul3A_16, %add3A_23 : i32
    "tpu.region"() ({
      %run_scoped3A = tpu.sem_alloc : memref<!tpu.dma_semaphore, #tpu.memory_space<semaphore_mem>>
      %dma_start3A_96 = arith.constant 0 : i32
      %dma_start3A_97 = tpu.memref_slice %arg21[%add3A_24, %dma_start3A_96] : memref<10112x128xf32, #tpu.memory_space<vmem_shared>> -> memref<48x128xf32, #tpu.memory_space<vmem_shared>>
      %dma_start3A_98 = arith.constant 0 : i32
      %dma_start3A_99 = tpu.memref_slice %arg21[%add3A_24, %dma_start3A_98] : memref<10112x128xf32, #tpu.memory_space<vmem_shared>> -> memref<48x128xf32, #tpu.memory_space<vmem_shared>>
      tpu.enqueue_dma source(%arg15 : memref<48x128xf32, #tpu.memory_space<vmem>>) target(%dma_start3A_99 : memref<48x128xf32, #tpu.memory_space<vmem_shared>>) target_semaphore(%run_scoped3A : memref<!tpu.dma_semaphore, #tpu.memory_space<semaphore_mem>>)
      %dma_wait3A_100 = arith.constant 0 : i32
      %dma_wait3A_101 = tpu.memref_slice %arg21[%add3A_24, %dma_wait3A_100] : memref<10112x128xf32, #tpu.memory_space<vmem_shared>> -> memref<48x128xf32, #tpu.memory_space<vmem_shared>>
      %dma_wait3A_102 = arith.constant 0 : i32
      %dma_wait3A_103 = tpu.memref_slice %arg21[%add3A_24, %dma_wait3A_102] : memref<10112x128xf32, #tpu.memory_space<vmem_shared>> -> memref<48x128xf32, #tpu.memory_space<vmem_shared>>
      tpu.wait_dma2 semaphore(%run_scoped3A : memref<!tpu.dma_semaphore, #tpu.memory_space<semaphore_mem>>) src(%arg15 : memref<48x128xf32, #tpu.memory_space<vmem>>) dst(%dma_wait3A_103 : memref<48x128xf32, #tpu.memory_space<vmem_shared>>)
      tpu.yield
    }) : () -> ()
    %add3A_25 = arith.constant 192 : i32
    %add3A_26 = arith.addi %mul3A_16, %add3A_25 : i32
    "tpu.region"() ({
      %run_scoped3A = tpu.sem_alloc : memref<!tpu.dma_semaphore, #tpu.memory_space<semaphore_mem>>
      %dma_start3A_96 = arith.constant 0 : i32
      %dma_start3A_97 = tpu.memref_slice %arg21[%add3A_26, %dma_start3A_96] : memref<10112x128xf32, #tpu.memory_space<vmem_shared>> -> memref<48x128xf32, #tpu.memory_space<vmem_shared>>
      %dma_start3A_98 = arith.constant 0 : i32
      %dma_start3A_99 = tpu.memref_slice %arg21[%add3A_26, %dma_start3A_98] : memref<10112x128xf32, #tpu.memory_space<vmem_shared>> -> memref<48x128xf32, #tpu.memory_space<vmem_shared>>
      tpu.enqueue_dma source(%arg15 : memref<48x128xf32, #tpu.memory_space<vmem>>) target(%dma_start3A_99 : memref<48x128xf32, #tpu.memory_space<vmem_shared>>) target_semaphore(%run_scoped3A : memref<!tpu.dma_semaphore, #tpu.memory_space<semaphore_mem>>)
      %dma_wait3A_100 = arith.constant 0 : i32
      %dma_wait3A_101 = tpu.memref_slice %arg21[%add3A_26, %dma_wait3A_100] : memref<10112x128xf32, #tpu.memory_space<vmem_shared>> -> memref<48x128xf32, #tpu.memory_space<vmem_shared>>
      %dma_wait3A_102 = arith.constant 0 : i32
      %dma_wait3A_103 = tpu.memref_slice %arg21[%add3A_26, %dma_wait3A_102] : memref<10112x128xf32, #tpu.memory_space<vmem_shared>> -> memref<48x128xf32, #tpu.memory_space<vmem_shared>>
      tpu.wait_dma2 semaphore(%run_scoped3A : memref<!tpu.dma_semaphore, #tpu.memory_space<semaphore_mem>>) src(%arg15 : memref<48x128xf32, #tpu.memory_space<vmem>>) dst(%dma_wait3A_103 : memref<48x128xf32, #tpu.memory_space<vmem_shared>>)
      tpu.yield
    }) : () -> ()
    %add3A_27 = arith.constant 240 : i32
    %add3A_28 = arith.addi %mul3A_16, %add3A_27 : i32
    "tpu.region"() ({
      %run_scoped3A = tpu.sem_alloc : memref<!tpu.dma_semaphore, #tpu.memory_space<semaphore_mem>>
      %dma_start3A_96 = arith.constant 0 : i32
      %dma_start3A_97 = tpu.memref_slice %arg21[%add3A_28, %dma_start3A_96] : memref<10112x128xf32, #tpu.memory_space<vmem_shared>> -> memref<48x128xf32, #tpu.memory_space<vmem_shared>>
      %dma_start3A_98 = arith.constant 0 : i32
      %dma_start3A_99 = tpu.memref_slice %arg21[%add3A_28, %dma_start3A_98] : memref<10112x128xf32, #tpu.memory_space<vmem_shared>> -> memref<48x128xf32, #tpu.memory_space<vmem_shared>>
      tpu.enqueue_dma source(%arg15 : memref<48x128xf32, #tpu.memory_space<vmem>>) target(%dma_start3A_99 : memref<48x128xf32, #tpu.memory_space<vmem_shared>>) target_semaphore(%run_scoped3A : memref<!tpu.dma_semaphore, #tpu.memory_space<semaphore_mem>>)
      %dma_wait3A_100 = arith.constant 0 : i32
      %dma_wait3A_101 = tpu.memref_slice %arg21[%add3A_28, %dma_wait3A_100] : memref<10112x128xf32, #tpu.memory_space<vmem_shared>> -> memref<48x128xf32, #tpu.memory_space<vmem_shared>>
      %dma_wait3A_102 = arith.constant 0 : i32
      %dma_wait3A_103 = tpu.memref_slice %arg21[%add3A_28, %dma_wait3A_102] : memref<10112x128xf32, #tpu.memory_space<vmem_shared>> -> memref<48x128xf32, #tpu.memory_space<vmem_shared>>
      tpu.wait_dma2 semaphore(%run_scoped3A : memref<!tpu.dma_semaphore, #tpu.memory_space<semaphore_mem>>) src(%arg15 : memref<48x128xf32, #tpu.memory_space<vmem>>) dst(%dma_wait3A_103 : memref<48x128xf32, #tpu.memory_space<vmem_shared>>)
      tpu.yield
    }) : () -> ()
    %add3A_29 = arith.constant 288 : i32
    %add3A_30 = arith.addi %mul3A_16, %add3A_29 : i32
    "tpu.region"() ({
      %run_scoped3A = tpu.sem_alloc : memref<!tpu.dma_semaphore, #tpu.memory_space<semaphore_mem>>
      %dma_start3A_96 = arith.constant 0 : i32
      %dma_start3A_97 = tpu.memref_slice %arg21[%add3A_30, %dma_start3A_96] : memref<10112x128xf32, #tpu.memory_space<vmem_shared>> -> memref<48x128xf32, #tpu.memory_space<vmem_shared>>
      %dma_start3A_98 = arith.constant 0 : i32
      %dma_start3A_99 = tpu.memref_slice %arg21[%add3A_30, %dma_start3A_98] : memref<10112x128xf32, #tpu.memory_space<vmem_shared>> -> memref<48x128xf32, #tpu.memory_space<vmem_shared>>
      tpu.enqueue_dma source(%arg15 : memref<48x128xf32, #tpu.memory_space<vmem>>) target(%dma_start3A_99 : memref<48x128xf32, #tpu.memory_space<vmem_shared>>) target_semaphore(%run_scoped3A : memref<!tpu.dma_semaphore, #tpu.memory_space<semaphore_mem>>)
      %dma_wait3A_100 = arith.constant 0 : i32
      %dma_wait3A_101 = tpu.memref_slice %arg21[%add3A_30, %dma_wait3A_100] : memref<10112x128xf32, #tpu.memory_space<vmem_shared>> -> memref<48x128xf32, #tpu.memory_space<vmem_shared>>
      %dma_wait3A_102 = arith.constant 0 : i32
      %dma_wait3A_103 = tpu.memref_slice %arg21[%add3A_30, %dma_wait3A_102] : memref<10112x128xf32, #tpu.memory_space<vmem_shared>> -> memref<48x128xf32, #tpu.memory_space<vmem_shared>>
      tpu.wait_dma2 semaphore(%run_scoped3A : memref<!tpu.dma_semaphore, #tpu.memory_space<semaphore_mem>>) src(%arg15 : memref<48x128xf32, #tpu.memory_space<vmem>>) dst(%dma_wait3A_103 : memref<48x128xf32, #tpu.memory_space<vmem_shared>>)
      tpu.yield
    }) : () -> ()
    %add3A_31 = arith.constant 336 : i32
    %add3A_32 = arith.addi %mul3A_16, %add3A_31 : i32
    "tpu.region"() ({
      %run_scoped3A = tpu.sem_alloc : memref<!tpu.dma_semaphore, #tpu.memory_space<semaphore_mem>>
      %dma_start3A_96 = arith.constant 0 : i32
      %dma_start3A_97 = tpu.memref_slice %arg21[%add3A_32, %dma_start3A_96] : memref<10112x128xf32, #tpu.memory_space<vmem_shared>> -> memref<48x128xf32, #tpu.memory_space<vmem_shared>>
      %dma_start3A_98 = arith.constant 0 : i32
      %dma_start3A_99 = tpu.memref_slice %arg21[%add3A_32, %dma_start3A_98] : memref<10112x128xf32, #tpu.memory_space<vmem_shared>> -> memref<48x128xf32, #tpu.memory_space<vmem_shared>>
      tpu.enqueue_dma source(%arg15 : memref<48x128xf32, #tpu.memory_space<vmem>>) target(%dma_start3A_99 : memref<48x128xf32, #tpu.memory_space<vmem_shared>>) target_semaphore(%run_scoped3A : memref<!tpu.dma_semaphore, #tpu.memory_space<semaphore_mem>>)
      %dma_wait3A_100 = arith.constant 0 : i32
      %dma_wait3A_101 = tpu.memref_slice %arg21[%add3A_32, %dma_wait3A_100] : memref<10112x128xf32, #tpu.memory_space<vmem_shared>> -> memref<48x128xf32, #tpu.memory_space<vmem_shared>>
      %dma_wait3A_102 = arith.constant 0 : i32
      %dma_wait3A_103 = tpu.memref_slice %arg21[%add3A_32, %dma_wait3A_102] : memref<10112x128xf32, #tpu.memory_space<vmem_shared>> -> memref<48x128xf32, #tpu.memory_space<vmem_shared>>
      tpu.wait_dma2 semaphore(%run_scoped3A : memref<!tpu.dma_semaphore, #tpu.memory_space<semaphore_mem>>) src(%arg15 : memref<48x128xf32, #tpu.memory_space<vmem>>) dst(%dma_wait3A_103 : memref<48x128xf32, #tpu.memory_space<vmem_shared>>)
      tpu.yield
    }) : () -> ()
    %add3A_33 = arith.constant 384 : i32
    %add3A_34 = arith.addi %mul3A_16, %add3A_33 : i32
    "tpu.region"() ({
      %run_scoped3A = tpu.sem_alloc : memref<!tpu.dma_semaphore, #tpu.memory_space<semaphore_mem>>
      %dma_start3A_96 = arith.constant 0 : i32
      %dma_start3A_97 = tpu.memref_slice %arg21[%add3A_34, %dma_start3A_96] : memref<10112x128xf32, #tpu.memory_space<vmem_shared>> -> memref<48x128xf32, #tpu.memory_space<vmem_shared>>
      %dma_start3A_98 = arith.constant 0 : i32
      %dma_start3A_99 = tpu.memref_slice %arg21[%add3A_34, %dma_start3A_98] : memref<10112x128xf32, #tpu.memory_space<vmem_shared>> -> memref<48x128xf32, #tpu.memory_space<vmem_shared>>
      tpu.enqueue_dma source(%arg15 : memref<48x128xf32, #tpu.memory_space<vmem>>) target(%dma_start3A_99 : memref<48x128xf32, #tpu.memory_space<vmem_shared>>) target_semaphore(%run_scoped3A : memref<!tpu.dma_semaphore, #tpu.memory_space<semaphore_mem>>)
      %dma_wait3A_100 = arith.constant 0 : i32
      %dma_wait3A_101 = tpu.memref_slice %arg21[%add3A_34, %dma_wait3A_100] : memref<10112x128xf32, #tpu.memory_space<vmem_shared>> -> memref<48x128xf32, #tpu.memory_space<vmem_shared>>
      %dma_wait3A_102 = arith.constant 0 : i32
      %dma_wait3A_103 = tpu.memref_slice %arg21[%add3A_34, %dma_wait3A_102] : memref<10112x128xf32, #tpu.memory_space<vmem_shared>> -> memref<48x128xf32, #tpu.memory_space<vmem_shared>>
      tpu.wait_dma2 semaphore(%run_scoped3A : memref<!tpu.dma_semaphore, #tpu.memory_space<semaphore_mem>>) src(%arg15 : memref<48x128xf32, #tpu.memory_space<vmem>>) dst(%dma_wait3A_103 : memref<48x128xf32, #tpu.memory_space<vmem_shared>>)
      tpu.yield
    }) : () -> ()
    %add3A_35 = arith.constant 432 : i32
    %add3A_36 = arith.addi %mul3A_16, %add3A_35 : i32
    "tpu.region"() ({
      %run_scoped3A = tpu.sem_alloc : memref<!tpu.dma_semaphore, #tpu.memory_space<semaphore_mem>>
      %dma_start3A_96 = arith.constant 0 : i32
      %dma_start3A_97 = tpu.memref_slice %arg21[%add3A_36, %dma_start3A_96] : memref<10112x128xf32, #tpu.memory_space<vmem_shared>> -> memref<48x128xf32, #tpu.memory_space<vmem_shared>>
      %dma_start3A_98 = arith.constant 0 : i32
      %dma_start3A_99 = tpu.memref_slice %arg21[%add3A_36, %dma_start3A_98] : memref<10112x128xf32, #tpu.memory_space<vmem_shared>> -> memref<48x128xf32, #tpu.memory_space<vmem_shared>>
      tpu.enqueue_dma source(%arg15 : memref<48x128xf32, #tpu.memory_space<vmem>>) target(%dma_start3A_99 : memref<48x128xf32, #tpu.memory_space<vmem_shared>>) target_semaphore(%run_scoped3A : memref<!tpu.dma_semaphore, #tpu.memory_space<semaphore_mem>>)
      %dma_wait3A_100 = arith.constant 0 : i32
      %dma_wait3A_101 = tpu.memref_slice %arg21[%add3A_36, %dma_wait3A_100] : memref<10112x128xf32, #tpu.memory_space<vmem_shared>> -> memref<48x128xf32, #tpu.memory_space<vmem_shared>>
      %dma_wait3A_102 = arith.constant 0 : i32
      %dma_wait3A_103 = tpu.memref_slice %arg21[%add3A_36, %dma_wait3A_102] : memref<10112x128xf32, #tpu.memory_space<vmem_shared>> -> memref<48x128xf32, #tpu.memory_space<vmem_shared>>
      tpu.wait_dma2 semaphore(%run_scoped3A : memref<!tpu.dma_semaphore, #tpu.memory_space<semaphore_mem>>) src(%arg15 : memref<48x128xf32, #tpu.memory_space<vmem>>) dst(%dma_wait3A_103 : memref<48x128xf32, #tpu.memory_space<vmem_shared>>)
      tpu.yield
    }) : () -> ()
    %add3A_37 = arith.constant 480 : i32
    %add3A_38 = arith.addi %mul3A_16, %add3A_37 : i32
    "tpu.region"() ({
      %run_scoped3A = tpu.sem_alloc : memref<!tpu.dma_semaphore, #tpu.memory_space<semaphore_mem>>
      %dma_start3A_96 = arith.constant 0 : i32
      %dma_start3A_97 = tpu.memref_slice %arg21[%add3A_38, %dma_start3A_96] : memref<10112x128xf32, #tpu.memory_space<vmem_shared>> -> memref<48x128xf32, #tpu.memory_space<vmem_shared>>
      %dma_start3A_98 = arith.constant 0 : i32
      %dma_start3A_99 = tpu.memref_slice %arg21[%add3A_38, %dma_start3A_98] : memref<10112x128xf32, #tpu.memory_space<vmem_shared>> -> memref<48x128xf32, #tpu.memory_space<vmem_shared>>
      tpu.enqueue_dma source(%arg15 : memref<48x128xf32, #tpu.memory_space<vmem>>) target(%dma_start3A_99 : memref<48x128xf32, #tpu.memory_space<vmem_shared>>) target_semaphore(%run_scoped3A : memref<!tpu.dma_semaphore, #tpu.memory_space<semaphore_mem>>)
      %dma_wait3A_100 = arith.constant 0 : i32
      %dma_wait3A_101 = tpu.memref_slice %arg21[%add3A_38, %dma_wait3A_100] : memref<10112x128xf32, #tpu.memory_space<vmem_shared>> -> memref<48x128xf32, #tpu.memory_space<vmem_shared>>
      %dma_wait3A_102 = arith.constant 0 : i32
      %dma_wait3A_103 = tpu.memref_slice %arg21[%add3A_38, %dma_wait3A_102] : memref<10112x128xf32, #tpu.memory_space<vmem_shared>> -> memref<48x128xf32, #tpu.memory_space<vmem_shared>>
      tpu.wait_dma2 semaphore(%run_scoped3A : memref<!tpu.dma_semaphore, #tpu.memory_space<semaphore_mem>>) src(%arg15 : memref<48x128xf32, #tpu.memory_space<vmem>>) dst(%dma_wait3A_103 : memref<48x128xf32, #tpu.memory_space<vmem_shared>>)
      tpu.yield
    }) : () -> ()
    %add3A_39 = arith.constant 528 : i32
    %add3A_40 = arith.addi %mul3A_16, %add3A_39 : i32
    "tpu.region"() ({
      %run_scoped3A = tpu.sem_alloc : memref<!tpu.dma_semaphore, #tpu.memory_space<semaphore_mem>>
      %dma_start3A_96 = arith.constant 0 : i32
      %dma_start3A_97 = tpu.memref_slice %arg21[%add3A_40, %dma_start3A_96] : memref<10112x128xf32, #tpu.memory_space<vmem_shared>> -> memref<48x128xf32, #tpu.memory_space<vmem_shared>>
      %dma_start3A_98 = arith.constant 0 : i32
      %dma_start3A_99 = tpu.memref_slice %arg21[%add3A_40, %dma_start3A_98] : memref<10112x128xf32, #tpu.memory_space<vmem_shared>> -> memref<48x128xf32, #tpu.memory_space<vmem_shared>>
      tpu.enqueue_dma source(%arg15 : memref<48x128xf32, #tpu.memory_space<vmem>>) target(%dma_start3A_99 : memref<48x128xf32, #tpu.memory_space<vmem_shared>>) target_semaphore(%run_scoped3A : memref<!tpu.dma_semaphore, #tpu.memory_space<semaphore_mem>>)
      %dma_wait3A_100 = arith.constant 0 : i32
      %dma_wait3A_101 = tpu.memref_slice %arg21[%add3A_40, %dma_wait3A_100] : memref<10112x128xf32, #tpu.memory_space<vmem_shared>> -> memref<48x128xf32, #tpu.memory_space<vmem_shared>>
      %dma_wait3A_102 = arith.constant 0 : i32
      %dma_wait3A_103 = tpu.memref_slice %arg21[%add3A_40, %dma_wait3A_102] : memref<10112x128xf32, #tpu.memory_space<vmem_shared>> -> memref<48x128xf32, #tpu.memory_space<vmem_shared>>
      tpu.wait_dma2 semaphore(%run_scoped3A : memref<!tpu.dma_semaphore, #tpu.memory_space<semaphore_mem>>) src(%arg15 : memref<48x128xf32, #tpu.memory_space<vmem>>) dst(%dma_wait3A_103 : memref<48x128xf32, #tpu.memory_space<vmem_shared>>)
      tpu.yield
    }) : () -> ()
    %add3A_41 = arith.constant 576 : i32
    %add3A_42 = arith.addi %mul3A_16, %add3A_41 : i32
    "tpu.region"() ({
      %run_scoped3A = tpu.sem_alloc : memref<!tpu.dma_semaphore, #tpu.memory_space<semaphore_mem>>
      %dma_start3A_96 = arith.constant 0 : i32
      %dma_start3A_97 = tpu.memref_slice %arg21[%add3A_42, %dma_start3A_96] : memref<10112x128xf32, #tpu.memory_space<vmem_shared>> -> memref<48x128xf32, #tpu.memory_space<vmem_shared>>
      %dma_start3A_98 = arith.constant 0 : i32
      %dma_start3A_99 = tpu.memref_slice %arg21[%add3A_42, %dma_start3A_98] : memref<10112x128xf32, #tpu.memory_space<vmem_shared>> -> memref<48x128xf32, #tpu.memory_space<vmem_shared>>
      tpu.enqueue_dma source(%arg15 : memref<48x128xf32, #tpu.memory_space<vmem>>) target(%dma_start3A_99 : memref<48x128xf32, #tpu.memory_space<vmem_shared>>) target_semaphore(%run_scoped3A : memref<!tpu.dma_semaphore, #tpu.memory_space<semaphore_mem>>)
      %dma_wait3A_100 = arith.constant 0 : i32
      %dma_wait3A_101 = tpu.memref_slice %arg21[%add3A_42, %dma_wait3A_100] : memref<10112x128xf32, #tpu.memory_space<vmem_shared>> -> memref<48x128xf32, #tpu.memory_space<vmem_shared>>
      %dma_wait3A_102 = arith.constant 0 : i32
      %dma_wait3A_103 = tpu.memref_slice %arg21[%add3A_42, %dma_wait3A_102] : memref<10112x128xf32, #tpu.memory_space<vmem_shared>> -> memref<48x128xf32, #tpu.memory_space<vmem_shared>>
      tpu.wait_dma2 semaphore(%run_scoped3A : memref<!tpu.dma_semaphore, #tpu.memory_space<semaphore_mem>>) src(%arg15 : memref<48x128xf32, #tpu.memory_space<vmem>>) dst(%dma_wait3A_103 : memref<48x128xf32, #tpu.memory_space<vmem_shared>>)
      tpu.yield
    }) : () -> ()
    %add3A_43 = arith.constant 624 : i32
    %add3A_44 = arith.addi %mul3A_16, %add3A_43 : i32
    "tpu.region"() ({
      %run_scoped3A = tpu.sem_alloc : memref<!tpu.dma_semaphore, #tpu.memory_space<semaphore_mem>>
      %dma_start3A_96 = arith.constant 0 : i32
      %dma_start3A_97 = arith.constant 0 : i32
      %dma_start3A_98 = tpu.memref_slice %arg15[%dma_start3A_96, %dma_start3A_97] : memref<48x128xf32, #tpu.memory_space<vmem>> -> memref<8x128xf32, #tpu.memory_space<vmem>>
      %dma_start3A_99 = arith.constant 0 : i32
      %dma_start3A_100 = tpu.memref_slice %arg21[%add3A_44, %dma_start3A_99] : memref<10112x128xf32, #tpu.memory_space<vmem_shared>> -> memref<8x128xf32, #tpu.memory_space<vmem_shared>>
      %dma_start3A_101 = arith.constant 0 : i32
      %dma_start3A_102 = tpu.memref_slice %arg21[%add3A_44, %dma_start3A_101] : memref<10112x128xf32, #tpu.memory_space<vmem_shared>> -> memref<8x128xf32, #tpu.memory_space<vmem_shared>>
      %dma_start3A_103 = arith.constant 0 : i32
      %dma_start3A_104 = arith.constant 0 : i32
      %dma_start3A_105 = tpu.memref_slice %arg15[%dma_start3A_103, %dma_start3A_104] : memref<48x128xf32, #tpu.memory_space<vmem>> -> memref<8x128xf32, #tpu.memory_space<vmem>>
      tpu.enqueue_dma source(%dma_start3A_105 : memref<8x128xf32, #tpu.memory_space<vmem>>) target(%dma_start3A_102 : memref<8x128xf32, #tpu.memory_space<vmem_shared>>) target_semaphore(%run_scoped3A : memref<!tpu.dma_semaphore, #tpu.memory_space<semaphore_mem>>)
      %dma_wait3A_106 = arith.constant 0 : i32
      %dma_wait3A_107 = arith.constant 0 : i32
      %dma_wait3A_108 = tpu.memref_slice %arg15[%dma_wait3A_106, %dma_wait3A_107] : memref<48x128xf32, #tpu.memory_space<vmem>> -> memref<8x128xf32, #tpu.memory_space<vmem>>
      %dma_wait3A_109 = arith.constant 0 : i32
      %dma_wait3A_110 = tpu.memref_slice %arg21[%add3A_44, %dma_wait3A_109] : memref<10112x128xf32, #tpu.memory_space<vmem_shared>> -> memref<8x128xf32, #tpu.memory_space<vmem_shared>>
      %dma_wait3A_111 = arith.constant 0 : i32
      %dma_wait3A_112 = tpu.memref_slice %arg21[%add3A_44, %dma_wait3A_111] : memref<10112x128xf32, #tpu.memory_space<vmem_shared>> -> memref<8x128xf32, #tpu.memory_space<vmem_shared>>
      %dma_wait3A_113 = arith.constant 0 : i32
      %dma_wait3A_114 = arith.constant 0 : i32
      %dma_wait3A_115 = tpu.memref_slice %arg15[%dma_wait3A_113, %dma_wait3A_114] : memref<48x128xf32, #tpu.memory_space<vmem>> -> memref<8x128xf32, #tpu.memory_space<vmem>>
      tpu.wait_dma2 semaphore(%run_scoped3A : memref<!tpu.dma_semaphore, #tpu.memory_space<semaphore_mem>>) src(%dma_wait3A_115 : memref<8x128xf32, #tpu.memory_space<vmem>>) dst(%dma_wait3A_112 : memref<8x128xf32, #tpu.memory_space<vmem_shared>>)
      tpu.yield
    }) : () -> ()
    %barrier3A = arith.constant 0 : index
    tpu.barrier barrier_id(%barrier3A)
    %add3A_45 = arith.constant 0 : i32
    %add3A_46 = arith.addi %add3A_45, %add3A : i32
    %mul3A_47 = arith.constant 48 : i32
    %mul3A_48 = arith.muli %add3A_46, %mul3A_47 : i32
    "tpu.region"() ({
      %run_scoped3A = tpu.sem_alloc : memref<!tpu.dma_semaphore, #tpu.memory_space<semaphore_mem>>
      %dma_start3A_96 = tpu.memref_slice %arg2[%mul3A_48] : memref<331776xi32, #tpu.memory_space<hbm>> -> memref<48xi32, #tpu.memory_space<hbm>>
      %dma_start3A_97 = tpu.memref_slice %arg2[%mul3A_48] : memref<331776xi32, #tpu.memory_space<hbm>> -> memref<48xi32, #tpu.memory_space<hbm>>
      tpu.enqueue_dma source(%dma_start3A_97 : memref<48xi32, #tpu.memory_space<hbm>>) target(%arg6 : memref<48xi32, #tpu.memory_space<vmem>>) target_semaphore(%run_scoped3A : memref<!tpu.dma_semaphore, #tpu.memory_space<semaphore_mem>>)
      %dma_wait3A_98 = tpu.memref_slice %arg2[%mul3A_48] : memref<331776xi32, #tpu.memory_space<hbm>> -> memref<48xi32, #tpu.memory_space<hbm>>
      %dma_wait3A_99 = tpu.memref_slice %arg2[%mul3A_48] : memref<331776xi32, #tpu.memory_space<hbm>> -> memref<48xi32, #tpu.memory_space<hbm>>
      tpu.wait_dma2 semaphore(%run_scoped3A : memref<!tpu.dma_semaphore, #tpu.memory_space<semaphore_mem>>) src(%dma_wait3A_99 : memref<48xi32, #tpu.memory_space<hbm>>) dst(%arg6 : memref<48xi32, #tpu.memory_space<vmem>>)
      tpu.yield
    }) : () -> ()
    %add3A_49 = arith.constant 0 : i32
    %add3A_50 = arith.addi %add3A_49, %add3A : i32
    %mul3A_51 = arith.constant 48 : i32
    %mul3A_52 = arith.muli %add3A_50, %mul3A_51 : i32
    "tpu.region"() ({
      %run_scoped3A = tpu.sem_alloc : memref<!tpu.dma_semaphore, #tpu.memory_space<semaphore_mem>>
      %dma_start3A_96 = tpu.memref_slice %arg3[%mul3A_52] : memref<331776xi32, #tpu.memory_space<hbm>> -> memref<48xi32, #tpu.memory_space<hbm>>
      %dma_start3A_97 = tpu.memref_slice %arg3[%mul3A_52] : memref<331776xi32, #tpu.memory_space<hbm>> -> memref<48xi32, #tpu.memory_space<hbm>>
      tpu.enqueue_dma source(%dma_start3A_97 : memref<48xi32, #tpu.memory_space<hbm>>) target(%arg7 : memref<48xi32, #tpu.memory_space<vmem>>) target_semaphore(%run_scoped3A : memref<!tpu.dma_semaphore, #tpu.memory_space<semaphore_mem>>)
      %dma_wait3A_98 = tpu.memref_slice %arg3[%mul3A_52] : memref<331776xi32, #tpu.memory_space<hbm>> -> memref<48xi32, #tpu.memory_space<hbm>>
      %dma_wait3A_99 = tpu.memref_slice %arg3[%mul3A_52] : memref<331776xi32, #tpu.memory_space<hbm>> -> memref<48xi32, #tpu.memory_space<hbm>>
      tpu.wait_dma2 semaphore(%run_scoped3A : memref<!tpu.dma_semaphore, #tpu.memory_space<semaphore_mem>>) src(%dma_wait3A_99 : memref<48xi32, #tpu.memory_space<hbm>>) dst(%arg7 : memref<48xi32, #tpu.memory_space<vmem>>)
      tpu.yield
    }) : () -> ()
    %add3A_53 = arith.constant 32 : i32
    %add3A_54 = arith.addi %add3A_53, %add3A : i32
    %mul3A_55 = arith.constant 48 : i32
    %mul3A_56 = arith.muli %add3A_54, %mul3A_55 : i32
    "tpu.region"() ({
      %run_scoped3A = tpu.sem_alloc : memref<!tpu.dma_semaphore, #tpu.memory_space<semaphore_mem>>
      %dma_start3A_96 = tpu.memref_slice %arg2[%mul3A_56] : memref<331776xi32, #tpu.memory_space<hbm>> -> memref<48xi32, #tpu.memory_space<hbm>>
      %dma_start3A_97 = tpu.memref_slice %arg2[%mul3A_56] : memref<331776xi32, #tpu.memory_space<hbm>> -> memref<48xi32, #tpu.memory_space<hbm>>
      tpu.enqueue_dma source(%dma_start3A_97 : memref<48xi32, #tpu.memory_space<hbm>>) target(%arg8 : memref<48xi32, #tpu.memory_space<vmem>>) target_semaphore(%run_scoped3A : memref<!tpu.dma_semaphore, #tpu.memory_space<semaphore_mem>>)
      %dma_wait3A_98 = tpu.memref_slice %arg2[%mul3A_56] : memref<331776xi32, #tpu.memory_space<hbm>> -> memref<48xi32, #tpu.memory_space<hbm>>
      %dma_wait3A_99 = tpu.memref_slice %arg2[%mul3A_56] : memref<331776xi32, #tpu.memory_space<hbm>> -> memref<48xi32, #tpu.memory_space<hbm>>
      tpu.wait_dma2 semaphore(%run_scoped3A : memref<!tpu.dma_semaphore, #tpu.memory_space<semaphore_mem>>) src(%dma_wait3A_99 : memref<48xi32, #tpu.memory_space<hbm>>) dst(%arg8 : memref<48xi32, #tpu.memory_space<vmem>>)
      tpu.yield
    }) : () -> ()
    %add3A_57 = arith.constant 32 : i32
    %add3A_58 = arith.addi %add3A_57, %add3A : i32
    %mul3A_59 = arith.constant 48 : i32
    %mul3A_60 = arith.muli %add3A_58, %mul3A_59 : i32
    "tpu.region"() ({
      %run_scoped3A = tpu.sem_alloc : memref<!tpu.dma_semaphore, #tpu.memory_space<semaphore_mem>>
      %dma_start3A_96 = tpu.memref_slice %arg3[%mul3A_60] : memref<331776xi32, #tpu.memory_space<hbm>> -> memref<48xi32, #tpu.memory_space<hbm>>
      %dma_start3A_97 = tpu.memref_slice %arg3[%mul3A_60] : memref<331776xi32, #tpu.memory_space<hbm>> -> memref<48xi32, #tpu.memory_space<hbm>>
      tpu.enqueue_dma source(%dma_start3A_97 : memref<48xi32, #tpu.memory_space<hbm>>) target(%arg9 : memref<48xi32, #tpu.memory_space<vmem>>) target_semaphore(%run_scoped3A : memref<!tpu.dma_semaphore, #tpu.memory_space<semaphore_mem>>)
      %dma_wait3A_98 = tpu.memref_slice %arg3[%mul3A_60] : memref<331776xi32, #tpu.memory_space<hbm>> -> memref<48xi32, #tpu.memory_space<hbm>>
      %dma_wait3A_99 = tpu.memref_slice %arg3[%mul3A_60] : memref<331776xi32, #tpu.memory_space<hbm>> -> memref<48xi32, #tpu.memory_space<hbm>>
      tpu.wait_dma2 semaphore(%run_scoped3A : memref<!tpu.dma_semaphore, #tpu.memory_space<semaphore_mem>>) src(%dma_wait3A_99 : memref<48xi32, #tpu.memory_space<hbm>>) dst(%arg9 : memref<48xi32, #tpu.memory_space<vmem>>)
      tpu.yield
    }) : () -> ()
    %add3A_61 = arith.constant 64 : i32
    %add3A_62 = arith.addi %add3A_61, %add3A : i32
    %mul3A_63 = arith.constant 48 : i32
    %mul3A_64 = arith.muli %add3A_62, %mul3A_63 : i32
    "tpu.region"() ({
      %run_scoped3A = tpu.sem_alloc : memref<!tpu.dma_semaphore, #tpu.memory_space<semaphore_mem>>
      %dma_start3A_96 = tpu.memref_slice %arg2[%mul3A_64] : memref<331776xi32, #tpu.memory_space<hbm>> -> memref<48xi32, #tpu.memory_space<hbm>>
      %dma_start3A_97 = tpu.memref_slice %arg2[%mul3A_64] : memref<331776xi32, #tpu.memory_space<hbm>> -> memref<48xi32, #tpu.memory_space<hbm>>
      tpu.enqueue_dma source(%dma_start3A_97 : memref<48xi32, #tpu.memory_space<hbm>>) target(%arg10 : memref<48xi32, #tpu.memory_space<vmem>>) target_semaphore(%run_scoped3A : memref<!tpu.dma_semaphore, #tpu.memory_space<semaphore_mem>>)
      %dma_wait3A_98 = tpu.memref_slice %arg2[%mul3A_64] : memref<331776xi32, #tpu.memory_space<hbm>> -> memref<48xi32, #tpu.memory_space<hbm>>
      %dma_wait3A_99 = tpu.memref_slice %arg2[%mul3A_64] : memref<331776xi32, #tpu.memory_space<hbm>> -> memref<48xi32, #tpu.memory_space<hbm>>
      tpu.wait_dma2 semaphore(%run_scoped3A : memref<!tpu.dma_semaphore, #tpu.memory_space<semaphore_mem>>) src(%dma_wait3A_99 : memref<48xi32, #tpu.memory_space<hbm>>) dst(%arg10 : memref<48xi32, #tpu.memory_space<vmem>>)
      tpu.yield
    }) : () -> ()
    %add3A_65 = arith.constant 64 : i32
    %add3A_66 = arith.addi %add3A_65, %add3A : i32
    %mul3A_67 = arith.constant 48 : i32
    %mul3A_68 = arith.muli %add3A_66, %mul3A_67 : i32
    "tpu.region"() ({
      %run_scoped3A = tpu.sem_alloc : memref<!tpu.dma_semaphore, #tpu.memory_space<semaphore_mem>>
      %dma_start3A_96 = tpu.memref_slice %arg3[%mul3A_68] : memref<331776xi32, #tpu.memory_space<hbm>> -> memref<48xi32, #tpu.memory_space<hbm>>
      %dma_start3A_97 = tpu.memref_slice %arg3[%mul3A_68] : memref<331776xi32, #tpu.memory_space<hbm>> -> memref<48xi32, #tpu.memory_space<hbm>>
      tpu.enqueue_dma source(%dma_start3A_97 : memref<48xi32, #tpu.memory_space<hbm>>) target(%arg11 : memref<48xi32, #tpu.memory_space<vmem>>) target_semaphore(%run_scoped3A : memref<!tpu.dma_semaphore, #tpu.memory_space<semaphore_mem>>)
      %dma_wait3A_98 = tpu.memref_slice %arg3[%mul3A_68] : memref<331776xi32, #tpu.memory_space<hbm>> -> memref<48xi32, #tpu.memory_space<hbm>>
      %dma_wait3A_99 = tpu.memref_slice %arg3[%mul3A_68] : memref<331776xi32, #tpu.memory_space<hbm>> -> memref<48xi32, #tpu.memory_space<hbm>>
      tpu.wait_dma2 semaphore(%run_scoped3A : memref<!tpu.dma_semaphore, #tpu.memory_space<semaphore_mem>>) src(%dma_wait3A_99 : memref<48xi32, #tpu.memory_space<hbm>>) dst(%arg11 : memref<48xi32, #tpu.memory_space<vmem>>)
      tpu.yield
    }) : () -> ()
    %dma_start3A = arith.constant 0 : i32
    %dma_start3A_69 = arith.constant 0 : i32
    %dma_start3A_70 = tpu.memref_slice %arg4[%dma_start3A, %dma_start3A_69] : memref<10112x128xf32, #tpu.memory_space<hbm>> -> memref<10112x128xf32, #tpu.memory_space<hbm>>
    tpu.enqueue_indirect_dma source(%dma_start3A_70 : memref<10112x128xf32, #tpu.memory_space<hbm>>) target(%arg15 : memref<48x128xf32, #tpu.memory_space<vmem>>) offsets(%arg6 : memref<48xi32, #tpu.memory_space<vmem>>) semaphore(%arg22 : memref<!tpu.dma_semaphore, #tpu.memory_space<semaphore_mem>>)
    %dma_start3A_71 = arith.constant 0 : i32
    %dma_start3A_72 = arith.constant 0 : i32
    %dma_start3A_73 = tpu.memref_slice %arg4[%dma_start3A_71, %dma_start3A_72] : memref<10112x128xf32, #tpu.memory_space<hbm>> -> memref<10112x128xf32, #tpu.memory_space<hbm>>
    tpu.enqueue_indirect_dma source(%dma_start3A_73 : memref<10112x128xf32, #tpu.memory_space<hbm>>) target(%arg16 : memref<48x128xf32, #tpu.memory_space<vmem>>) offsets(%arg7 : memref<48xi32, #tpu.memory_space<vmem>>) semaphore(%arg22 : memref<!tpu.dma_semaphore, #tpu.memory_space<semaphore_mem>>)
    %dma_start3A_74 = arith.constant 0 : i32
    %dma_start3A_75 = arith.constant 0 : i32
    %dma_start3A_76 = tpu.memref_slice %arg4[%dma_start3A_74, %dma_start3A_75] : memref<10112x128xf32, #tpu.memory_space<hbm>> -> memref<10112x128xf32, #tpu.memory_space<hbm>>
    tpu.enqueue_indirect_dma source(%dma_start3A_76 : memref<10112x128xf32, #tpu.memory_space<hbm>>) target(%arg17 : memref<48x128xf32, #tpu.memory_space<vmem>>) offsets(%arg8 : memref<48xi32, #tpu.memory_space<vmem>>) semaphore(%arg23 : memref<!tpu.dma_semaphore, #tpu.memory_space<semaphore_mem>>)
    %dma_start3A_77 = arith.constant 0 : i32
    %dma_start3A_78 = arith.constant 0 : i32
    %dma_start3A_79 = tpu.memref_slice %arg4[%dma_start3A_77, %dma_start3A_78] : memref<10112x128xf32, #tpu.memory_space<hbm>> -> memref<10112x128xf32, #tpu.memory_space<hbm>>
    tpu.enqueue_indirect_dma source(%dma_start3A_79 : memref<10112x128xf32, #tpu.memory_space<hbm>>) target(%arg18 : memref<48x128xf32, #tpu.memory_space<vmem>>) offsets(%arg9 : memref<48xi32, #tpu.memory_space<vmem>>) semaphore(%arg23 : memref<!tpu.dma_semaphore, #tpu.memory_space<semaphore_mem>>)
    %scan3A_80 = arith.constant 0 : i32
    %scan3A_81 = arith.constant 72 : i32
    %scan3A_82 = arith.addi %scan3A_80, %scan3A_81 : i32
    %scan3A_83 = arith.constant 1 : i32
    scf.for %scan3A_96 = %scan3A_80 to %scan3A_82 step %scan3A_83  : i32 {
      %mul3A_97 = arith.constant 3 : i32
      %mul3A_98 = arith.muli %scan3A_96, %mul3A_97 : i32
      %add3A_99 = arith.constant 0 : i32
      %add3A_100 = arith.addi %add3A_99, %mul3A_98 : i32
      %add3A_101 = arith.constant 0 : i32
      %add3A_102 = arith.addi %add3A_100, %add3A_101 : i32
      %dma_wait3A_103 = arith.constant 0 : i32
      %dma_wait3A_104 = arith.constant 0 : i32
      %dma_wait3A_105 = tpu.memref_slice %arg4[%dma_wait3A_103, %dma_wait3A_104] : memref<10112x128xf32, #tpu.memory_space<hbm>> -> memref<10112x128xf32, #tpu.memory_space<hbm>>
      tpu.wait_indirect_dma semaphore(%arg22 : memref<!tpu.dma_semaphore, #tpu.memory_space<semaphore_mem>>) src(%dma_wait3A_105 : memref<10112x128xf32, #tpu.memory_space<hbm>>) dst(%arg15 : memref<48x128xf32, #tpu.memory_space<vmem>>)
      %dma_wait3A_106 = arith.constant 0 : i32
      %dma_wait3A_107 = arith.constant 0 : i32
      %dma_wait3A_108 = tpu.memref_slice %arg4[%dma_wait3A_106, %dma_wait3A_107] : memref<10112x128xf32, #tpu.memory_space<hbm>> -> memref<10112x128xf32, #tpu.memory_space<hbm>>
      tpu.wait_indirect_dma semaphore(%arg22 : memref<!tpu.dma_semaphore, #tpu.memory_space<semaphore_mem>>) src(%dma_wait3A_108 : memref<10112x128xf32, #tpu.memory_space<hbm>>) dst(%arg16 : memref<48x128xf32, #tpu.memory_space<vmem>>)
      %parallel_loop3A = arith.constant 0 : i32
      %parallel_loop3A_109 = arith.constant 24 : i32
      %parallel_loop3A_110 = arith.constant 1 : i32
      scf.for %parallel_loop3A_216 = %parallel_loop3A to %parallel_loop3A_109 step %parallel_loop3A_110  : i32 {
        %parallel_loop3A_217 = arith.constant 2 : i32
        %parallel_loop3A_218 = arith.muli %parallel_loop3A_217, %parallel_loop3A_216 : i32
        %parallel_loop3A_219 = arith.constant 1 : i32
        %parallel_loop3A_220 = arith.addi %parallel_loop3A_218, %parallel_loop3A_219 : i32
        %parallel_loop3A_221 = arith.index_cast %parallel_loop3A_218 : i32 to index
        %parallel_loop3A_222 = arith.constant 0 : index
        %parallel_loop3A_223 = tpu.vector_load %arg15[%parallel_loop3A_221, %parallel_loop3A_222] {strides = array<i32>} : memref<48x128xf32, #tpu.memory_space<vmem>>, vector<16xf32>,
        %parallel_loop3A_224 = arith.index_cast %parallel_loop3A_218 : i32 to index
        %parallel_loop3A_225 = arith.constant 0 : index
        %parallel_loop3A_226 = tpu.vector_load %arg16[%parallel_loop3A_224, %parallel_loop3A_225] {strides = array<i32>} : memref<48x128xf32, #tpu.memory_space<vmem>>, vector<16xf32>,
        %parallel_loop3A_227 = arith.select %lt3A_2, %parallel_loop3A_223, %parallel_loop3A_226 : vector<16xi1>, vector<16xf32>
        %parallel_loop3A_228 = vector.shape_cast %and3A_7 : vector<16xi32> to vector<16x1xi32>
        %parallel_loop3A_229 = vector.shape_cast %parallel_loop3A_228 : vector<16x1xi32> to vector<16xi32>
        %parallel_loop3A_230 = tpu.dynamic_gather %parallel_loop3A_227[%parallel_loop3A_229] in [0] : vector<16xf32>, vector<16xi32> -> vector<16xf32>
        %parallel_loop3A_231 = arith.addf %parallel_loop3A_227, %parallel_loop3A_230 : vector<16xf32>
        %parallel_loop3A_232 = arith.index_cast %parallel_loop3A_220 : i32 to index
        %parallel_loop3A_233 = arith.constant 0 : index
        %parallel_loop3A_234 = tpu.vector_load %arg15[%parallel_loop3A_232, %parallel_loop3A_233] {strides = array<i32>} : memref<48x128xf32, #tpu.memory_space<vmem>>, vector<16xf32>,
        %parallel_loop3A_235 = arith.index_cast %parallel_loop3A_220 : i32 to index
        %parallel_loop3A_236 = arith.constant 0 : index
        %parallel_loop3A_237 = tpu.vector_load %arg16[%parallel_loop3A_235, %parallel_loop3A_236] {strides = array<i32>} : memref<48x128xf32, #tpu.memory_space<vmem>>, vector<16xf32>,
        %parallel_loop3A_238 = arith.select %lt3A_2, %parallel_loop3A_234, %parallel_loop3A_237 : vector<16xi1>, vector<16xf32>
        %parallel_loop3A_239 = vector.shape_cast %and3A_7 : vector<16xi32> to vector<16x1xi32>
        %parallel_loop3A_240 = vector.shape_cast %parallel_loop3A_239 : vector<16x1xi32> to vector<16xi32>
        %parallel_loop3A_241 = tpu.dynamic_gather %parallel_loop3A_238[%parallel_loop3A_240] in [0] : vector<16xf32>, vector<16xi32> -> vector<16xf32>
        %parallel_loop3A_242 = arith.addf %parallel_loop3A_238, %parallel_loop3A_241 : vector<16xf32>
        %parallel_loop3A_243 = arith.select %lt3A_2, %parallel_loop3A_231, %parallel_loop3A_242 : vector<16xi1>, vector<16xf32>
        %parallel_loop3A_244 = arith.constant 2.000000e-01 : f32
        %parallel_loop3A_245 = vector.broadcast %parallel_loop3A_244 : f32 to vector<16xf32>
        %parallel_loop3A_246 = arith.mulf %parallel_loop3A_245, %parallel_loop3A_243 : vector<16xf32>
        %parallel_loop3A_247 = arith.maximumf %parallel_loop3A_243, %parallel_loop3A_246 : vector<16xf32>
        %parallel_loop3A_248 = math.exp %parallel_loop3A_247 : vector<16xf32>
        %parallel_loop3A_249 = arith.constant 0 : i32
        %parallel_loop3A_250 = vector.broadcast %parallel_loop3A_249 : i32 to vector<16xi32>
        %parallel_loop3A_251 = arith.addi %parallel_loop3A_250, %shift_right_arithmetic3A_9 : vector<16xi32>
        %parallel_loop3A_252 = vector.shape_cast %parallel_loop3A_251 : vector<16xi32> to vector<16x1xi32>
        %parallel_loop3A_253 = vector.shape_cast %parallel_loop3A_252 : vector<16x1xi32> to vector<16xi32>
        %parallel_loop3A_254 = tpu.dynamic_gather %parallel_loop3A_248[%parallel_loop3A_253] in [0] : vector<16xf32>, vector<16xi32> -> vector<16xf32>
        %parallel_loop3A_255 = arith.index_cast %parallel_loop3A_218 : i32 to index
        %parallel_loop3A_256 = arith.constant 16 : index
        %parallel_loop3A_257 = tpu.vector_load %arg15[%parallel_loop3A_255, %parallel_loop3A_256] {strides = array<i32>} : memref<48x128xf32, #tpu.memory_space<vmem>>, vector<16xf32>,
        %parallel_loop3A_258 = arith.mulf %parallel_loop3A_257, %parallel_loop3A_254 : vector<16xf32>
        %parallel_loop3A_259 = arith.index_cast %parallel_loop3A_218 : i32 to index
        %parallel_loop3A_260 = arith.constant 16 : index
        %parallel_loop3A_261 = tpu.vector_load %arg15[%parallel_loop3A_259, %parallel_loop3A_260] {strides = array<i32>} : memref<48x128xf32, #tpu.memory_space<vmem>>, vector<16xf32>,
        tpu.vector_store %arg15[%parallel_loop3A_259, %parallel_loop3A_260], %parallel_loop3A_258 {strides = array<i32>} : memref<48x128xf32, #tpu.memory_space<vmem>>, vector<16xf32>,
        %parallel_loop3A_262 = arith.constant 8 : i32
        %parallel_loop3A_263 = vector.broadcast %parallel_loop3A_262 : i32 to vector<16xi32>
        %parallel_loop3A_264 = arith.addi %parallel_loop3A_263, %shift_right_arithmetic3A_9 : vector<16xi32>
        %parallel_loop3A_265 = vector.shape_cast %parallel_loop3A_264 : vector<16xi32> to vector<16x1xi32>
        %parallel_loop3A_266 = vector.shape_cast %parallel_loop3A_265 : vector<16x1xi32> to vector<16xi32>
        %parallel_loop3A_267 = tpu.dynamic_gather %parallel_loop3A_248[%parallel_loop3A_266] in [0] : vector<16xf32>, vector<16xi32> -> vector<16xf32>
        %parallel_loop3A_268 = arith.index_cast %parallel_loop3A_220 : i32 to index
        %parallel_loop3A_269 = arith.constant 16 : index
        %parallel_loop3A_270 = tpu.vector_load %arg15[%parallel_loop3A_268, %parallel_loop3A_269] {strides = array<i32>} : memref<48x128xf32, #tpu.memory_space<vmem>>, vector<16xf32>,
        %parallel_loop3A_271 = arith.mulf %parallel_loop3A_270, %parallel_loop3A_267 : vector<16xf32>
        %parallel_loop3A_272 = arith.index_cast %parallel_loop3A_220 : i32 to index
        %parallel_loop3A_273 = arith.constant 16 : index
        %parallel_loop3A_274 = tpu.vector_load %arg15[%parallel_loop3A_272, %parallel_loop3A_273] {strides = array<i32>} : memref<48x128xf32, #tpu.memory_space<vmem>>, vector<16xf32>,
        tpu.vector_store %arg15[%parallel_loop3A_272, %parallel_loop3A_273], %parallel_loop3A_271 {strides = array<i32>} : memref<48x128xf32, #tpu.memory_space<vmem>>, vector<16xf32>,
        %parallel_loop3A_275 = arith.constant 2 : i32
        %parallel_loop3A_276 = vector.broadcast %parallel_loop3A_275 : i32 to vector<16xi32>
        %parallel_loop3A_277 = arith.addi %parallel_loop3A_276, %shift_right_arithmetic3A_9 : vector<16xi32>
        %parallel_loop3A_278 = vector.shape_cast %parallel_loop3A_277 : vector<16xi32> to vector<16x1xi32>
        %parallel_loop3A_279 = vector.shape_cast %parallel_loop3A_278 : vector<16x1xi32> to vector<16xi32>
        %parallel_loop3A_280 = tpu.dynamic_gather %parallel_loop3A_248[%parallel_loop3A_279] in [0] : vector<16xf32>, vector<16xi32> -> vector<16xf32>
        %parallel_loop3A_281 = arith.index_cast %parallel_loop3A_218 : i32 to index
        %parallel_loop3A_282 = arith.constant 32 : index
        %parallel_loop3A_283 = tpu.vector_load %arg15[%parallel_loop3A_281, %parallel_loop3A_282] {strides = array<i32>} : memref<48x128xf32, #tpu.memory_space<vmem>>, vector<16xf32>,
        %parallel_loop3A_284 = arith.mulf %parallel_loop3A_283, %parallel_loop3A_280 : vector<16xf32>
        %parallel_loop3A_285 = arith.index_cast %parallel_loop3A_218 : i32 to index
        %parallel_loop3A_286 = arith.constant 32 : index
        %parallel_loop3A_287 = tpu.vector_load %arg15[%parallel_loop3A_285, %parallel_loop3A_286] {strides = array<i32>} : memref<48x128xf32, #tpu.memory_space<vmem>>, vector<16xf32>,
        tpu.vector_store %arg15[%parallel_loop3A_285, %parallel_loop3A_286], %parallel_loop3A_284 {strides = array<i32>} : memref<48x128xf32, #tpu.memory_space<vmem>>, vector<16xf32>,
        %parallel_loop3A_288 = arith.constant 10 : i32
        %parallel_loop3A_289 = vector.broadcast %parallel_loop3A_288 : i32 to vector<16xi32>
        %parallel_loop3A_290 = arith.addi %parallel_loop3A_289, %shift_right_arithmetic3A_9 : vector<16xi32>
        %parallel_loop3A_291 = vector.shape_cast %parallel_loop3A_290 : vector<16xi32> to vector<16x1xi32>
        %parallel_loop3A_292 = vector.shape_cast %parallel_loop3A_291 : vector<16x1xi32> to vector<16xi32>
        %parallel_loop3A_293 = tpu.dynamic_gather %parallel_loop3A_248[%parallel_loop3A_292] in [0] : vector<16xf32>, vector<16xi32> -> vector<16xf32>
        %parallel_loop3A_294 = arith.index_cast %parallel_loop3A_220 : i32 to index
        %parallel_loop3A_295 = arith.constant 32 : index
        %parallel_loop3A_296 = tpu.vector_load %arg15[%parallel_loop3A_294, %parallel_loop3A_295] {strides = array<i32>} : memref<48x128xf32, #tpu.memory_space<vmem>>, vector<16xf32>,
        %parallel_loop3A_297 = arith.mulf %parallel_loop3A_296, %parallel_loop3A_293 : vector<16xf32>
        %parallel_loop3A_298 = arith.index_cast %parallel_loop3A_220 : i32 to index
        %parallel_loop3A_299 = arith.constant 32 : index
        %parallel_loop3A_300 = tpu.vector_load %arg15[%parallel_loop3A_298, %parallel_loop3A_299] {strides = array<i32>} : memref<48x128xf32, #tpu.memory_space<vmem>>, vector<16xf32>,
        tpu.vector_store %arg15[%parallel_loop3A_298, %parallel_loop3A_299], %parallel_loop3A_297 {strides = array<i32>} : memref<48x128xf32, #tpu.memory_space<vmem>>, vector<16xf32>,
        %parallel_loop3A_301 = arith.constant 4 : i32
        %parallel_loop3A_302 = vector.broadcast %parallel_loop3A_301 : i32 to vector<16xi32>
        %parallel_loop3A_303 = arith.addi %parallel_loop3A_302, %shift_right_arithmetic3A_9 : vector<16xi32>
        %parallel_loop3A_304 = vector.shape_cast %parallel_loop3A_303 : vector<16xi32> to vector<16x1xi32>
        %parallel_loop3A_305 = vector.shape_cast %parallel_loop3A_304 : vector<16x1xi32> to vector<16xi32>
        %parallel_loop3A_306 = tpu.dynamic_gather %parallel_loop3A_248[%parallel_loop3A_305] in [0] : vector<16xf32>, vector<16xi32> -> vector<16xf32>
        %parallel_loop3A_307 = arith.index_cast %parallel_loop3A_218 : i32 to index
        %parallel_loop3A_308 = arith.constant 48 : index
        %parallel_loop3A_309 = tpu.vector_load %arg15[%parallel_loop3A_307, %parallel_loop3A_308] {strides = array<i32>} : memref<48x128xf32, #tpu.memory_space<vmem>>, vector<16xf32>,
        %parallel_loop3A_310 = arith.mulf %parallel_loop3A_309, %parallel_loop3A_306 : vector<16xf32>
        %parallel_loop3A_311 = arith.index_cast %parallel_loop3A_218 : i32 to index
        %parallel_loop3A_312 = arith.constant 48 : index
        %parallel_loop3A_313 = tpu.vector_load %arg15[%parallel_loop3A_311, %parallel_loop3A_312] {strides = array<i32>} : memref<48x128xf32, #tpu.memory_space<vmem>>, vector<16xf32>,
        tpu.vector_store %arg15[%parallel_loop3A_311, %parallel_loop3A_312], %parallel_loop3A_310 {strides = array<i32>} : memref<48x128xf32, #tpu.memory_space<vmem>>, vector<16xf32>,
        %parallel_loop3A_314 = arith.constant 12 : i32
        %parallel_loop3A_315 = vector.broadcast %parallel_loop3A_314 : i32 to vector<16xi32>
        %parallel_loop3A_316 = arith.addi %parallel_loop3A_315, %shift_right_arithmetic3A_9 : vector<16xi32>
        %parallel_loop3A_317 = vector.shape_cast %parallel_loop3A_316 : vector<16xi32> to vector<16x1xi32>
        %parallel_loop3A_318 = vector.shape_cast %parallel_loop3A_317 : vector<16x1xi32> to vector<16xi32>
        %parallel_loop3A_319 = tpu.dynamic_gather %parallel_loop3A_248[%parallel_loop3A_318] in [0] : vector<16xf32>, vector<16xi32> -> vector<16xf32>
        %parallel_loop3A_320 = arith.index_cast %parallel_loop3A_220 : i32 to index
        %parallel_loop3A_321 = arith.constant 48 : index
        %parallel_loop3A_322 = tpu.vector_load %arg15[%parallel_loop3A_320, %parallel_loop3A_321] {strides = array<i32>} : memref<48x128xf32, #tpu.memory_space<vmem>>, vector<16xf32>,
        %parallel_loop3A_323 = arith.mulf %parallel_loop3A_322, %parallel_loop3A_319 : vector<16xf32>
        %parallel_loop3A_324 = arith.index_cast %parallel_loop3A_220 : i32 to index
        %parallel_loop3A_325 = arith.constant 48 : index
        %parallel_loop3A_326 = tpu.vector_load %arg15[%parallel_loop3A_324, %parallel_loop3A_325] {strides = array<i32>} : memref<48x128xf32, #tpu.memory_space<vmem>>, vector<16xf32>,
        tpu.vector_store %arg15[%parallel_loop3A_324, %parallel_loop3A_325], %parallel_loop3A_323 {strides = array<i32>} : memref<48x128xf32, #tpu.memory_space<vmem>>, vector<16xf32>,
        %parallel_loop3A_327 = arith.constant 6 : i32
        %parallel_loop3A_328 = vector.broadcast %parallel_loop3A_327 : i32 to vector<16xi32>
        %parallel_loop3A_329 = arith.addi %parallel_loop3A_328, %shift_right_arithmetic3A_9 : vector<16xi32>
        %parallel_loop3A_330 = vector.shape_cast %parallel_loop3A_329 : vector<16xi32> to vector<16x1xi32>
        %parallel_loop3A_331 = vector.shape_cast %parallel_loop3A_330 : vector<16x1xi32> to vector<16xi32>
        %parallel_loop3A_332 = tpu.dynamic_gather %parallel_loop3A_248[%parallel_loop3A_331] in [0] : vector<16xf32>, vector<16xi32> -> vector<16xf32>
        %parallel_loop3A_333 = arith.index_cast %parallel_loop3A_218 : i32 to index
        %parallel_loop3A_334 = arith.constant 64 : index
        %parallel_loop3A_335 = tpu.vector_load %arg15[%parallel_loop3A_333, %parallel_loop3A_334] {strides = array<i32>} : memref<48x128xf32, #tpu.memory_space<vmem>>, vector<16xf32>,
        %parallel_loop3A_336 = arith.mulf %parallel_loop3A_335, %parallel_loop3A_332 : vector<16xf32>
        %parallel_loop3A_337 = arith.index_cast %parallel_loop3A_218 : i32 to index
        %parallel_loop3A_338 = arith.constant 64 : index
        %parallel_loop3A_339 = tpu.vector_load %arg15[%parallel_loop3A_337, %parallel_loop3A_338] {strides = array<i32>} : memref<48x128xf32, #tpu.memory_space<vmem>>, vector<16xf32>,
        tpu.vector_store %arg15[%parallel_loop3A_337, %parallel_loop3A_338], %parallel_loop3A_336 {strides = array<i32>} : memref<48x128xf32, #tpu.memory_space<vmem>>, vector<16xf32>,
        %parallel_loop3A_340 = arith.constant 14 : i32
        %parallel_loop3A_341 = vector.broadcast %parallel_loop3A_340 : i32 to vector<16xi32>
        %parallel_loop3A_342 = arith.addi %parallel_loop3A_341, %shift_right_arithmetic3A_9 : vector<16xi32>
        %parallel_loop3A_343 = vector.shape_cast %parallel_loop3A_342 : vector<16xi32> to vector<16x1xi32>
        %parallel_loop3A_344 = vector.shape_cast %parallel_loop3A_343 : vector<16x1xi32> to vector<16xi32>
        %parallel_loop3A_345 = tpu.dynamic_gather %parallel_loop3A_248[%parallel_loop3A_344] in [0] : vector<16xf32>, vector<16xi32> -> vector<16xf32>
        %parallel_loop3A_346 = arith.index_cast %parallel_loop3A_220 : i32 to index
        %parallel_loop3A_347 = arith.constant 64 : index
        %parallel_loop3A_348 = tpu.vector_load %arg15[%parallel_loop3A_346, %parallel_loop3A_347] {strides = array<i32>} : memref<48x128xf32, #tpu.memory_space<vmem>>, vector<16xf32>,
        %parallel_loop3A_349 = arith.mulf %parallel_loop3A_348, %parallel_loop3A_345 : vector<16xf32>
        %parallel_loop3A_350 = arith.index_cast %parallel_loop3A_220 : i32 to index
        %parallel_loop3A_351 = arith.constant 64 : index
        %parallel_loop3A_352 = tpu.vector_load %arg15[%parallel_loop3A_350, %parallel_loop3A_351] {strides = array<i32>} : memref<48x128xf32, #tpu.memory_space<vmem>>, vector<16xf32>,
        tpu.vector_store %arg15[%parallel_loop3A_350, %parallel_loop3A_351], %parallel_loop3A_349 {strides = array<i32>} : memref<48x128xf32, #tpu.memory_space<vmem>>, vector<16xf32>,
        %parallel_loop3A_353 = arith.index_cast %parallel_loop3A_218 : i32 to index
        %parallel_loop3A_354 = arith.constant 0 : index
        %parallel_loop3A_355 = tpu.vector_load %arg15[%parallel_loop3A_353, %parallel_loop3A_354] {strides = array<i32>} : memref<48x128xf32, #tpu.memory_space<vmem>>, vector<16xf32>,
        tpu.vector_store %arg15[%parallel_loop3A_353, %parallel_loop3A_354], %parallel_loop3A_248 {strides = array<i32>} : memref<48x128xf32, #tpu.memory_space<vmem>>, vector<16xf32>,
        %parallel_loop3A_356 = vector.shape_cast %and3A_7 : vector<16xi32> to vector<16x1xi32>
        %parallel_loop3A_357 = vector.shape_cast %parallel_loop3A_356 : vector<16x1xi32> to vector<16xi32>
        %parallel_loop3A_358 = tpu.dynamic_gather %parallel_loop3A_248[%parallel_loop3A_357] in [0] : vector<16xf32>, vector<16xi32> -> vector<16xf32>
        %parallel_loop3A_359 = arith.index_cast %parallel_loop3A_220 : i32 to index
        %parallel_loop3A_360 = arith.constant 0 : index
        %parallel_loop3A_361 = tpu.vector_load %arg15[%parallel_loop3A_359, %parallel_loop3A_360] {strides = array<i32>} : memref<48x128xf32, #tpu.memory_space<vmem>>, vector<16xf32>,
        tpu.vector_store %arg15[%parallel_loop3A_359, %parallel_loop3A_360], %parallel_loop3A_358 {strides = array<i32>} : memref<48x128xf32, #tpu.memory_space<vmem>>, vector<16xf32>,
      } {sc.loop_unroll_factor = 2 : i64, sc.parallel_access}
      %get3A = arith.constant 0 : index
      %get3A_111 = tpu.vector_load %arg7[%get3A] {strides = array<i32>} : memref<48xi32, #tpu.memory_space<vmem>>, vector<16xi32>,
      %swap3A = arith.constant 0 : index
      %swap3A_112 = tpu.vector_load %arg12[%swap3A] {strides = array<i32>} : memref<48xi32, #tpu.memory_space<vmem>>, vector<16xi32>,
      tpu.vector_store %arg12[%swap3A], %get3A_111 {strides = array<i32>} : memref<48xi32, #tpu.memory_space<vmem>>, vector<16xi32>,
      %get3A_113 = arith.constant 16 : index
      %get3A_114 = tpu.vector_load %arg7[%get3A_113] {strides = array<i32>} : memref<48xi32, #tpu.memory_space<vmem>>, vector<16xi32>,
      %swap3A_115 = arith.constant 16 : index
      %swap3A_116 = tpu.vector_load %arg12[%swap3A_115] {strides = array<i32>} : memref<48xi32, #tpu.memory_space<vmem>>, vector<16xi32>,
      tpu.vector_store %arg12[%swap3A_115], %get3A_114 {strides = array<i32>} : memref<48xi32, #tpu.memory_space<vmem>>, vector<16xi32>,
      %get3A_117 = arith.constant 32 : index
      %get3A_118 = tpu.vector_load %arg7[%get3A_117] {strides = array<i32>} : memref<48xi32, #tpu.memory_space<vmem>>, vector<16xi32>,
      %swap3A_119 = arith.constant 32 : index
      %swap3A_120 = tpu.vector_load %arg12[%swap3A_119] {strides = array<i32>} : memref<48xi32, #tpu.memory_space<vmem>>, vector<16xi32>,
      tpu.vector_store %arg12[%swap3A_119], %get3A_118 {strides = array<i32>} : memref<48xi32, #tpu.memory_space<vmem>>, vector<16xi32>,
      %dma_start3A_121 = arith.constant 0 : i32
      %dma_start3A_122 = arith.constant 0 : i32
      %dma_start3A_123 = tpu.memref_slice %arg21[%dma_start3A_121, %dma_start3A_122] : memref<10112x128xf32, #tpu.memory_space<vmem_shared>> -> memref<10112x128xf32, #tpu.memory_space<vmem_shared>>
      tpu.enqueue_indirect_dma source(%arg15 : memref<48x128xf32, #tpu.memory_space<vmem>>) target(%dma_start3A_123 : memref<10112x128xf32, #tpu.memory_space<vmem_shared>>) offsets(%arg12 : memref<48xi32, #tpu.memory_space<vmem>>) semaphore(%arg28 : memref<!tpu.dma_semaphore, #tpu.memory_space<semaphore_mem>>) {add = true}
      %add3A_124 = arith.constant 3 : i32
      %add3A_125 = arith.addi %add3A_102, %add3A_124 : i32
      %lt3A_126 = arith.constant 216 : i32
      %lt3A_127 = arith.cmpi slt, %add3A_125, %lt3A_126 : i32
      %convert_element_type3A = arith.extui %lt3A_127 : i1 to i32
      %cond3A = arith.constant 0 : i32
      %cond3A_128 = arith.cmpi ne, %convert_element_type3A, %cond3A : i32
      scf.if %cond3A_128 {
        %add3A_216 = arith.constant 3 : i32
        %add3A_217 = arith.addi %add3A_102, %add3A_216 : i32
        %mul3A_218 = arith.constant 32 : i32
        %mul3A_219 = arith.muli %add3A_217, %mul3A_218 : i32
        %add3A_220 = arith.addi %mul3A_219, %add3A : i32
        %mul3A_221 = arith.constant 48 : i32
        %mul3A_222 = arith.muli %add3A_220, %mul3A_221 : i32
        %dma_start3A_223 = tpu.memref_slice %arg2[%mul3A_222] : memref<331776xi32, #tpu.memory_space<hbm>> -> memref<48xi32, #tpu.memory_space<hbm>>
        %dma_start3A_224 = tpu.memref_slice %arg2[%mul3A_222] : memref<331776xi32, #tpu.memory_space<hbm>> -> memref<48xi32, #tpu.memory_space<hbm>>
        tpu.enqueue_dma source(%dma_start3A_224 : memref<48xi32, #tpu.memory_space<hbm>>) target(%arg6 : memref<48xi32, #tpu.memory_space<vmem>>) target_semaphore(%arg25 : memref<!tpu.dma_semaphore, #tpu.memory_space<semaphore_mem>>)
        %add3A_225 = arith.constant 3 : i32
        %add3A_226 = arith.addi %add3A_102, %add3A_225 : i32
        %mul3A_227 = arith.constant 32 : i32
        %mul3A_228 = arith.muli %add3A_226, %mul3A_227 : i32
        %add3A_229 = arith.addi %mul3A_228, %add3A : i32
        %mul3A_230 = arith.constant 48 : i32
        %mul3A_231 = arith.muli %add3A_229, %mul3A_230 : i32
        %dma_start3A_232 = tpu.memref_slice %arg3[%mul3A_231] : memref<331776xi32, #tpu.memory_space<hbm>> -> memref<48xi32, #tpu.memory_space<hbm>>
        %dma_start3A_233 = tpu.memref_slice %arg3[%mul3A_231] : memref<331776xi32, #tpu.memory_space<hbm>> -> memref<48xi32, #tpu.memory_space<hbm>>
        tpu.enqueue_dma source(%dma_start3A_233 : memref<48xi32, #tpu.memory_space<hbm>>) target(%arg7 : memref<48xi32, #tpu.memory_space<vmem>>) target_semaphore(%arg25 : memref<!tpu.dma_semaphore, #tpu.memory_space<semaphore_mem>>)
      } else {
      }
      %add3A_129 = arith.constant 2 : i32
      %add3A_130 = arith.addi %add3A_102, %add3A_129 : i32
      %lt3A_131 = arith.constant 216 : i32
      %lt3A_132 = arith.cmpi slt, %add3A_130, %lt3A_131 : i32
      %convert_element_type3A_133 = arith.extui %lt3A_132 : i1 to i32
      %cond3A_134 = arith.constant 0 : i32
      %cond3A_135 = arith.cmpi ne, %convert_element_type3A_133, %cond3A_134 : i32
      scf.if %cond3A_135 {
        %ge3A = arith.constant 1 : i32
        %ge3A_216 = arith.cmpi sge, %add3A_102, %ge3A : i32
        %convert_element_type3A_217 = arith.extui %ge3A_216 : i1 to i32
        %cond3A_218 = arith.constant 0 : i32
        %cond3A_219 = arith.cmpi ne, %convert_element_type3A_217, %cond3A_218 : i32
        scf.if %cond3A_219 {
          %dma_wait3A_226 = arith.constant 0 : i32
          %dma_wait3A_227 = arith.constant 0 : i32
          %dma_wait3A_228 = tpu.memref_slice %arg21[%dma_wait3A_226, %dma_wait3A_227] : memref<10112x128xf32, #tpu.memory_space<vmem_shared>> -> memref<10112x128xf32, #tpu.memory_space<vmem_shared>>
          tpu.wait_indirect_dma semaphore(%arg30 : memref<!tpu.dma_semaphore, #tpu.memory_space<semaphore_mem>>) src(%arg19 : memref<48x128xf32, #tpu.memory_space<vmem>>) dst(%dma_wait3A_228 : memref<10112x128xf32, #tpu.memory_space<vmem_shared>>)
          %dma_wait3A_229 = arith.constant 0 : i32
          %dma_wait3A_230 = tpu.memref_slice %arg2[%dma_wait3A_229] : memref<331776xi32, #tpu.memory_space<hbm>> -> memref<48xi32, #tpu.memory_space<hbm>>
          %dma_wait3A_231 = arith.constant 0 : i32
          %dma_wait3A_232 = tpu.memref_slice %arg2[%dma_wait3A_231] : memref<331776xi32, #tpu.memory_space<hbm>> -> memref<48xi32, #tpu.memory_space<hbm>>
          tpu.wait_dma2 semaphore(%arg27 : memref<!tpu.dma_semaphore, #tpu.memory_space<semaphore_mem>>) src(%dma_wait3A_232 : memref<48xi32, #tpu.memory_space<hbm>>) dst(%arg10 : memref<48xi32, #tpu.memory_space<vmem>>)
          %dma_wait3A_233 = arith.constant 0 : i32
          %dma_wait3A_234 = tpu.memref_slice %arg3[%dma_wait3A_233] : memref<331776xi32, #tpu.memory_space<hbm>> -> memref<48xi32, #tpu.memory_space<hbm>>
          %dma_wait3A_235 = arith.constant 0 : i32
          %dma_wait3A_236 = tpu.memref_slice %arg3[%dma_wait3A_235] : memref<331776xi32, #tpu.memory_space<hbm>> -> memref<48xi32, #tpu.memory_space<hbm>>
          tpu.wait_dma2 semaphore(%arg27 : memref<!tpu.dma_semaphore, #tpu.memory_space<semaphore_mem>>) src(%dma_wait3A_236 : memref<48xi32, #tpu.memory_space<hbm>>) dst(%arg11 : memref<48xi32, #tpu.memory_space<vmem>>)
        } else {
        }
        %dma_start3A_220 = arith.constant 0 : i32
        %dma_start3A_221 = arith.constant 0 : i32
        %dma_start3A_222 = tpu.memref_slice %arg4[%dma_start3A_220, %dma_start3A_221] : memref<10112x128xf32, #tpu.memory_space<hbm>> -> memref<10112x128xf32, #tpu.memory_space<hbm>>
        tpu.enqueue_indirect_dma source(%dma_start3A_222 : memref<10112x128xf32, #tpu.memory_space<hbm>>) target(%arg19 : memref<48x128xf32, #tpu.memory_space<vmem>>) offsets(%arg10 : memref<48xi32, #tpu.memory_space<vmem>>) semaphore(%arg24 : memref<!tpu.dma_semaphore, #tpu.memory_space<semaphore_mem>>)
        %dma_start3A_223 = arith.constant 0 : i32
        %dma_start3A_224 = arith.constant 0 : i32
        %dma_start3A_225 = tpu.memref_slice %arg4[%dma_start3A_223, %dma_start3A_224] : memref<10112x128xf32, #tpu.memory_space<hbm>> -> memref<10112x128xf32, #tpu.memory_space<hbm>>
        tpu.enqueue_indirect_dma source(%dma_start3A_225 : memref<10112x128xf32, #tpu.memory_space<hbm>>) target(%arg20 : memref<48x128xf32, #tpu.memory_space<vmem>>) offsets(%arg11 : memref<48xi32, #tpu.memory_space<vmem>>) semaphore(%arg24 : memref<!tpu.dma_semaphore, #tpu.memory_space<semaphore_mem>>)
      } else {
      }
      %add3A_136 = arith.constant 1 : i32
      %add3A_137 = arith.addi %add3A_100, %add3A_136 : i32
      %dma_wait3A_138 = arith.constant 0 : i32
      %dma_wait3A_139 = arith.constant 0 : i32
      %dma_wait3A_140 = tpu.memref_slice %arg4[%dma_wait3A_138, %dma_wait3A_139] : memref<10112x128xf32, #tpu.memory_space<hbm>> -> memref<10112x128xf32, #tpu.memory_space<hbm>>
      tpu.wait_indirect_dma semaphore(%arg23 : memref<!tpu.dma_semaphore, #tpu.memory_space<semaphore_mem>>) src(%dma_wait3A_140 : memref<10112x128xf32, #tpu.memory_space<hbm>>) dst(%arg17 : memref<48x128xf32, #tpu.memory_space<vmem>>)
      %dma_wait3A_141 = arith.constant 0 : i32
      %dma_wait3A_142 = arith.constant 0 : i32
      %dma_wait3A_143 = tpu.memref_slice %arg4[%dma_wait3A_141, %dma_wait3A_142] : memref<10112x128xf32, #tpu.memory_space<hbm>> -> memref<10112x128xf32, #tpu.memory_space<hbm>>
      tpu.wait_indirect_dma semaphore(%arg23 : memref<!tpu.dma_semaphore, #tpu.memory_space<semaphore_mem>>) src(%dma_wait3A_143 : memref<10112x128xf32, #tpu.memory_space<hbm>>) dst(%arg18 : memref<48x128xf32, #tpu.memory_space<vmem>>)
      %parallel_loop3A_144 = arith.constant 0 : i32
      %parallel_loop3A_145 = arith.constant 24 : i32
      %parallel_loop3A_146 = arith.constant 1 : i32
      scf.for %parallel_loop3A_216 = %parallel_loop3A_144 to %parallel_loop3A_145 step %parallel_loop3A_146  : i32 {
        %parallel_loop3A_217 = arith.constant 2 : i32
        %parallel_loop3A_218 = arith.muli %parallel_loop3A_217, %parallel_loop3A_216 : i32
        %parallel_loop3A_219 = arith.constant 1 : i32
        %parallel_loop3A_220 = arith.addi %parallel_loop3A_218, %parallel_loop3A_219 : i32
        %parallel_loop3A_221 = arith.index_cast %parallel_loop3A_218 : i32 to index
        %parallel_loop3A_222 = arith.constant 0 : index
        %parallel_loop3A_223 = tpu.vector_load %arg17[%parallel_loop3A_221, %parallel_loop3A_222] {strides = array<i32>} : memref<48x128xf32, #tpu.memory_space<vmem>>, vector<16xf32>,
        %parallel_loop3A_224 = arith.index_cast %parallel_loop3A_218 : i32 to index
        %parallel_loop3A_225 = arith.constant 0 : index
        %parallel_loop3A_226 = tpu.vector_load %arg18[%parallel_loop3A_224, %parallel_loop3A_225] {strides = array<i32>} : memref<48x128xf32, #tpu.memory_space<vmem>>, vector<16xf32>,
        %parallel_loop3A_227 = arith.select %lt3A_2, %parallel_loop3A_223, %parallel_loop3A_226 : vector<16xi1>, vector<16xf32>
        %parallel_loop3A_228 = vector.shape_cast %and3A_7 : vector<16xi32> to vector<16x1xi32>
        %parallel_loop3A_229 = vector.shape_cast %parallel_loop3A_228 : vector<16x1xi32> to vector<16xi32>
        %parallel_loop3A_230 = tpu.dynamic_gather %parallel_loop3A_227[%parallel_loop3A_229] in [0] : vector<16xf32>, vector<16xi32> -> vector<16xf32>
        %parallel_loop3A_231 = arith.addf %parallel_loop3A_227, %parallel_loop3A_230 : vector<16xf32>
        %parallel_loop3A_232 = arith.index_cast %parallel_loop3A_220 : i32 to index
        %parallel_loop3A_233 = arith.constant 0 : index
        %parallel_loop3A_234 = tpu.vector_load %arg17[%parallel_loop3A_232, %parallel_loop3A_233] {strides = array<i32>} : memref<48x128xf32, #tpu.memory_space<vmem>>, vector<16xf32>,
        %parallel_loop3A_235 = arith.index_cast %parallel_loop3A_220 : i32 to index
        %parallel_loop3A_236 = arith.constant 0 : index
        %parallel_loop3A_237 = tpu.vector_load %arg18[%parallel_loop3A_235, %parallel_loop3A_236] {strides = array<i32>} : memref<48x128xf32, #tpu.memory_space<vmem>>, vector<16xf32>,
        %parallel_loop3A_238 = arith.select %lt3A_2, %parallel_loop3A_234, %parallel_loop3A_237 : vector<16xi1>, vector<16xf32>
        %parallel_loop3A_239 = vector.shape_cast %and3A_7 : vector<16xi32> to vector<16x1xi32>
        %parallel_loop3A_240 = vector.shape_cast %parallel_loop3A_239 : vector<16x1xi32> to vector<16xi32>
        %parallel_loop3A_241 = tpu.dynamic_gather %parallel_loop3A_238[%parallel_loop3A_240] in [0] : vector<16xf32>, vector<16xi32> -> vector<16xf32>
        %parallel_loop3A_242 = arith.addf %parallel_loop3A_238, %parallel_loop3A_241 : vector<16xf32>
        %parallel_loop3A_243 = arith.select %lt3A_2, %parallel_loop3A_231, %parallel_loop3A_242 : vector<16xi1>, vector<16xf32>
        %parallel_loop3A_244 = arith.constant 2.000000e-01 : f32
        %parallel_loop3A_245 = vector.broadcast %parallel_loop3A_244 : f32 to vector<16xf32>
        %parallel_loop3A_246 = arith.mulf %parallel_loop3A_245, %parallel_loop3A_243 : vector<16xf32>
        %parallel_loop3A_247 = arith.maximumf %parallel_loop3A_243, %parallel_loop3A_246 : vector<16xf32>
        %parallel_loop3A_248 = math.exp %parallel_loop3A_247 : vector<16xf32>
        %parallel_loop3A_249 = arith.constant 0 : i32
        %parallel_loop3A_250 = vector.broadcast %parallel_loop3A_249 : i32 to vector<16xi32>
        %parallel_loop3A_251 = arith.addi %parallel_loop3A_250, %shift_right_arithmetic3A_9 : vector<16xi32>
        %parallel_loop3A_252 = vector.shape_cast %parallel_loop3A_251 : vector<16xi32> to vector<16x1xi32>
        %parallel_loop3A_253 = vector.shape_cast %parallel_loop3A_252 : vector<16x1xi32> to vector<16xi32>
        %parallel_loop3A_254 = tpu.dynamic_gather %parallel_loop3A_248[%parallel_loop3A_253] in [0] : vector<16xf32>, vector<16xi32> -> vector<16xf32>
        %parallel_loop3A_255 = arith.index_cast %parallel_loop3A_218 : i32 to index
        %parallel_loop3A_256 = arith.constant 16 : index
        %parallel_loop3A_257 = tpu.vector_load %arg17[%parallel_loop3A_255, %parallel_loop3A_256] {strides = array<i32>} : memref<48x128xf32, #tpu.memory_space<vmem>>, vector<16xf32>,
        %parallel_loop3A_258 = arith.mulf %parallel_loop3A_257, %parallel_loop3A_254 : vector<16xf32>
        %parallel_loop3A_259 = arith.index_cast %parallel_loop3A_218 : i32 to index
        %parallel_loop3A_260 = arith.constant 16 : index
        %parallel_loop3A_261 = tpu.vector_load %arg17[%parallel_loop3A_259, %parallel_loop3A_260] {strides = array<i32>} : memref<48x128xf32, #tpu.memory_space<vmem>>, vector<16xf32>,
        tpu.vector_store %arg17[%parallel_loop3A_259, %parallel_loop3A_260], %parallel_loop3A_258 {strides = array<i32>} : memref<48x128xf32, #tpu.memory_space<vmem>>, vector<16xf32>,
        %parallel_loop3A_262 = arith.constant 8 : i32
        %parallel_loop3A_263 = vector.broadcast %parallel_loop3A_262 : i32 to vector<16xi32>
        %parallel_loop3A_264 = arith.addi %parallel_loop3A_263, %shift_right_arithmetic3A_9 : vector<16xi32>
        %parallel_loop3A_265 = vector.shape_cast %parallel_loop3A_264 : vector<16xi32> to vector<16x1xi32>
        %parallel_loop3A_266 = vector.shape_cast %parallel_loop3A_265 : vector<16x1xi32> to vector<16xi32>
        %parallel_loop3A_267 = tpu.dynamic_gather %parallel_loop3A_248[%parallel_loop3A_266] in [0] : vector<16xf32>, vector<16xi32> -> vector<16xf32>
        %parallel_loop3A_268 = arith.index_cast %parallel_loop3A_220 : i32 to index
        %parallel_loop3A_269 = arith.constant 16 : index
        %parallel_loop3A_270 = tpu.vector_load %arg17[%parallel_loop3A_268, %parallel_loop3A_269] {strides = array<i32>} : memref<48x128xf32, #tpu.memory_space<vmem>>, vector<16xf32>,
        %parallel_loop3A_271 = arith.mulf %parallel_loop3A_270, %parallel_loop3A_267 : vector<16xf32>
        %parallel_loop3A_272 = arith.index_cast %parallel_loop3A_220 : i32 to index
        %parallel_loop3A_273 = arith.constant 16 : index
        %parallel_loop3A_274 = tpu.vector_load %arg17[%parallel_loop3A_272, %parallel_loop3A_273] {strides = array<i32>} : memref<48x128xf32, #tpu.memory_space<vmem>>, vector<16xf32>,
        tpu.vector_store %arg17[%parallel_loop3A_272, %parallel_loop3A_273], %parallel_loop3A_271 {strides = array<i32>} : memref<48x128xf32, #tpu.memory_space<vmem>>, vector<16xf32>,
        %parallel_loop3A_275 = arith.constant 2 : i32
        %parallel_loop3A_276 = vector.broadcast %parallel_loop3A_275 : i32 to vector<16xi32>
        %parallel_loop3A_277 = arith.addi %parallel_loop3A_276, %shift_right_arithmetic3A_9 : vector<16xi32>
        %parallel_loop3A_278 = vector.shape_cast %parallel_loop3A_277 : vector<16xi32> to vector<16x1xi32>
        %parallel_loop3A_279 = vector.shape_cast %parallel_loop3A_278 : vector<16x1xi32> to vector<16xi32>
        %parallel_loop3A_280 = tpu.dynamic_gather %parallel_loop3A_248[%parallel_loop3A_279] in [0] : vector<16xf32>, vector<16xi32> -> vector<16xf32>
        %parallel_loop3A_281 = arith.index_cast %parallel_loop3A_218 : i32 to index
        %parallel_loop3A_282 = arith.constant 32 : index
        %parallel_loop3A_283 = tpu.vector_load %arg17[%parallel_loop3A_281, %parallel_loop3A_282] {strides = array<i32>} : memref<48x128xf32, #tpu.memory_space<vmem>>, vector<16xf32>,
        %parallel_loop3A_284 = arith.mulf %parallel_loop3A_283, %parallel_loop3A_280 : vector<16xf32>
        %parallel_loop3A_285 = arith.index_cast %parallel_loop3A_218 : i32 to index
        %parallel_loop3A_286 = arith.constant 32 : index
        %parallel_loop3A_287 = tpu.vector_load %arg17[%parallel_loop3A_285, %parallel_loop3A_286] {strides = array<i32>} : memref<48x128xf32, #tpu.memory_space<vmem>>, vector<16xf32>,
        tpu.vector_store %arg17[%parallel_loop3A_285, %parallel_loop3A_286], %parallel_loop3A_284 {strides = array<i32>} : memref<48x128xf32, #tpu.memory_space<vmem>>, vector<16xf32>,
        %parallel_loop3A_288 = arith.constant 10 : i32
        %parallel_loop3A_289 = vector.broadcast %parallel_loop3A_288 : i32 to vector<16xi32>
        %parallel_loop3A_290 = arith.addi %parallel_loop3A_289, %shift_right_arithmetic3A_9 : vector<16xi32>
        %parallel_loop3A_291 = vector.shape_cast %parallel_loop3A_290 : vector<16xi32> to vector<16x1xi32>
        %parallel_loop3A_292 = vector.shape_cast %parallel_loop3A_291 : vector<16x1xi32> to vector<16xi32>
        %parallel_loop3A_293 = tpu.dynamic_gather %parallel_loop3A_248[%parallel_loop3A_292] in [0] : vector<16xf32>, vector<16xi32> -> vector<16xf32>
        %parallel_loop3A_294 = arith.index_cast %parallel_loop3A_220 : i32 to index
        %parallel_loop3A_295 = arith.constant 32 : index
        %parallel_loop3A_296 = tpu.vector_load %arg17[%parallel_loop3A_294, %parallel_loop3A_295] {strides = array<i32>} : memref<48x128xf32, #tpu.memory_space<vmem>>, vector<16xf32>,
        %parallel_loop3A_297 = arith.mulf %parallel_loop3A_296, %parallel_loop3A_293 : vector<16xf32>
        %parallel_loop3A_298 = arith.index_cast %parallel_loop3A_220 : i32 to index
        %parallel_loop3A_299 = arith.constant 32 : index
        %parallel_loop3A_300 = tpu.vector_load %arg17[%parallel_loop3A_298, %parallel_loop3A_299] {strides = array<i32>} : memref<48x128xf32, #tpu.memory_space<vmem>>, vector<16xf32>,
        tpu.vector_store %arg17[%parallel_loop3A_298, %parallel_loop3A_299], %parallel_loop3A_297 {strides = array<i32>} : memref<48x128xf32, #tpu.memory_space<vmem>>, vector<16xf32>,
        %parallel_loop3A_301 = arith.constant 4 : i32
        %parallel_loop3A_302 = vector.broadcast %parallel_loop3A_301 : i32 to vector<16xi32>
        %parallel_loop3A_303 = arith.addi %parallel_loop3A_302, %shift_right_arithmetic3A_9 : vector<16xi32>
        %parallel_loop3A_304 = vector.shape_cast %parallel_loop3A_303 : vector<16xi32> to vector<16x1xi32>
        %parallel_loop3A_305 = vector.shape_cast %parallel_loop3A_304 : vector<16x1xi32> to vector<16xi32>
        %parallel_loop3A_306 = tpu.dynamic_gather %parallel_loop3A_248[%parallel_loop3A_305] in [0] : vector<16xf32>, vector<16xi32> -> vector<16xf32>
        %parallel_loop3A_307 = arith.index_cast %parallel_loop3A_218 : i32 to index
        %parallel_loop3A_308 = arith.constant 48 : index
        %parallel_loop3A_309 = tpu.vector_load %arg17[%parallel_loop3A_307, %parallel_loop3A_308] {strides = array<i32>} : memref<48x128xf32, #tpu.memory_space<vmem>>, vector<16xf32>,
        %parallel_loop3A_310 = arith.mulf %parallel_loop3A_309, %parallel_loop3A_306 : vector<16xf32>
        %parallel_loop3A_311 = arith.index_cast %parallel_loop3A_218 : i32 to index
        %parallel_loop3A_312 = arith.constant 48 : index
        %parallel_loop3A_313 = tpu.vector_load %arg17[%parallel_loop3A_311, %parallel_loop3A_312] {strides = array<i32>} : memref<48x128xf32, #tpu.memory_space<vmem>>, vector<16xf32>,
        tpu.vector_store %arg17[%parallel_loop3A_311, %parallel_loop3A_312], %parallel_loop3A_310 {strides = array<i32>} : memref<48x128xf32, #tpu.memory_space<vmem>>, vector<16xf32>,
        %parallel_loop3A_314 = arith.constant 12 : i32
        %parallel_loop3A_315 = vector.broadcast %parallel_loop3A_314 : i32 to vector<16xi32>
        %parallel_loop3A_316 = arith.addi %parallel_loop3A_315, %shift_right_arithmetic3A_9 : vector<16xi32>
        %parallel_loop3A_317 = vector.shape_cast %parallel_loop3A_316 : vector<16xi32> to vector<16x1xi32>
        %parallel_loop3A_318 = vector.shape_cast %parallel_loop3A_317 : vector<16x1xi32> to vector<16xi32>
        %parallel_loop3A_319 = tpu.dynamic_gather %parallel_loop3A_248[%parallel_loop3A_318] in [0] : vector<16xf32>, vector<16xi32> -> vector<16xf32>
        %parallel_loop3A_320 = arith.index_cast %parallel_loop3A_220 : i32 to index
        %parallel_loop3A_321 = arith.constant 48 : index
        %parallel_loop3A_322 = tpu.vector_load %arg17[%parallel_loop3A_320, %parallel_loop3A_321] {strides = array<i32>} : memref<48x128xf32, #tpu.memory_space<vmem>>, vector<16xf32>,
        %parallel_loop3A_323 = arith.mulf %parallel_loop3A_322, %parallel_loop3A_319 : vector<16xf32>
        %parallel_loop3A_324 = arith.index_cast %parallel_loop3A_220 : i32 to index
        %parallel_loop3A_325 = arith.constant 48 : index
        %parallel_loop3A_326 = tpu.vector_load %arg17[%parallel_loop3A_324, %parallel_loop3A_325] {strides = array<i32>} : memref<48x128xf32, #tpu.memory_space<vmem>>, vector<16xf32>,
        tpu.vector_store %arg17[%parallel_loop3A_324, %parallel_loop3A_325], %parallel_loop3A_323 {strides = array<i32>} : memref<48x128xf32, #tpu.memory_space<vmem>>, vector<16xf32>,
        %parallel_loop3A_327 = arith.constant 6 : i32
        %parallel_loop3A_328 = vector.broadcast %parallel_loop3A_327 : i32 to vector<16xi32>
        %parallel_loop3A_329 = arith.addi %parallel_loop3A_328, %shift_right_arithmetic3A_9 : vector<16xi32>
        %parallel_loop3A_330 = vector.shape_cast %parallel_loop3A_329 : vector<16xi32> to vector<16x1xi32>
        %parallel_loop3A_331 = vector.shape_cast %parallel_loop3A_330 : vector<16x1xi32> to vector<16xi32>
        %parallel_loop3A_332 = tpu.dynamic_gather %parallel_loop3A_248[%parallel_loop3A_331] in [0] : vector<16xf32>, vector<16xi32> -> vector<16xf32>
        %parallel_loop3A_333 = arith.index_cast %parallel_loop3A_218 : i32 to index
        %parallel_loop3A_334 = arith.constant 64 : index
        %parallel_loop3A_335 = tpu.vector_load %arg17[%parallel_loop3A_333, %parallel_loop3A_334] {strides = array<i32>} : memref<48x128xf32, #tpu.memory_space<vmem>>, vector<16xf32>,
        %parallel_loop3A_336 = arith.mulf %parallel_loop3A_335, %parallel_loop3A_332 : vector<16xf32>
        %parallel_loop3A_337 = arith.index_cast %parallel_loop3A_218 : i32 to index
        %parallel_loop3A_338 = arith.constant 64 : index
        %parallel_loop3A_339 = tpu.vector_load %arg17[%parallel_loop3A_337, %parallel_loop3A_338] {strides = array<i32>} : memref<48x128xf32, #tpu.memory_space<vmem>>, vector<16xf32>,
        tpu.vector_store %arg17[%parallel_loop3A_337, %parallel_loop3A_338], %parallel_loop3A_336 {strides = array<i32>} : memref<48x128xf32, #tpu.memory_space<vmem>>, vector<16xf32>,
        %parallel_loop3A_340 = arith.constant 14 : i32
        %parallel_loop3A_341 = vector.broadcast %parallel_loop3A_340 : i32 to vector<16xi32>
        %parallel_loop3A_342 = arith.addi %parallel_loop3A_341, %shift_right_arithmetic3A_9 : vector<16xi32>
        %parallel_loop3A_343 = vector.shape_cast %parallel_loop3A_342 : vector<16xi32> to vector<16x1xi32>
        %parallel_loop3A_344 = vector.shape_cast %parallel_loop3A_343 : vector<16x1xi32> to vector<16xi32>
        %parallel_loop3A_345 = tpu.dynamic_gather %parallel_loop3A_248[%parallel_loop3A_344] in [0] : vector<16xf32>, vector<16xi32> -> vector<16xf32>
        %parallel_loop3A_346 = arith.index_cast %parallel_loop3A_220 : i32 to index
        %parallel_loop3A_347 = arith.constant 64 : index
        %parallel_loop3A_348 = tpu.vector_load %arg17[%parallel_loop3A_346, %parallel_loop3A_347] {strides = array<i32>} : memref<48x128xf32, #tpu.memory_space<vmem>>, vector<16xf32>,
        %parallel_loop3A_349 = arith.mulf %parallel_loop3A_348, %parallel_loop3A_345 : vector<16xf32>
        %parallel_loop3A_350 = arith.index_cast %parallel_loop3A_220 : i32 to index
        %parallel_loop3A_351 = arith.constant 64 : index
        %parallel_loop3A_352 = tpu.vector_load %arg17[%parallel_loop3A_350, %parallel_loop3A_351] {strides = array<i32>} : memref<48x128xf32, #tpu.memory_space<vmem>>, vector<16xf32>,
        tpu.vector_store %arg17[%parallel_loop3A_350, %parallel_loop3A_351], %parallel_loop3A_349 {strides = array<i32>} : memref<48x128xf32, #tpu.memory_space<vmem>>, vector<16xf32>,
        %parallel_loop3A_353 = arith.index_cast %parallel_loop3A_218 : i32 to index
        %parallel_loop3A_354 = arith.constant 0 : index
        %parallel_loop3A_355 = tpu.vector_load %arg17[%parallel_loop3A_353, %parallel_loop3A_354] {strides = array<i32>} : memref<48x128xf32, #tpu.memory_space<vmem>>, vector<16xf32>,
        tpu.vector_store %arg17[%parallel_loop3A_353, %parallel_loop3A_354], %parallel_loop3A_248 {strides = array<i32>} : memref<48x128xf32, #tpu.memory_space<vmem>>, vector<16xf32>,
        %parallel_loop3A_356 = vector.shape_cast %and3A_7 : vector<16xi32> to vector<16x1xi32>
        %parallel_loop3A_357 = vector.shape_cast %parallel_loop3A_356 : vector<16x1xi32> to vector<16xi32>
        %parallel_loop3A_358 = tpu.dynamic_gather %parallel_loop3A_248[%parallel_loop3A_357] in [0] : vector<16xf32>, vector<16xi32> -> vector<16xf32>
        %parallel_loop3A_359 = arith.index_cast %parallel_loop3A_220 : i32 to index
        %parallel_loop3A_360 = arith.constant 0 : index
        %parallel_loop3A_361 = tpu.vector_load %arg17[%parallel_loop3A_359, %parallel_loop3A_360] {strides = array<i32>} : memref<48x128xf32, #tpu.memory_space<vmem>>, vector<16xf32>,
        tpu.vector_store %arg17[%parallel_loop3A_359, %parallel_loop3A_360], %parallel_loop3A_358 {strides = array<i32>} : memref<48x128xf32, #tpu.memory_space<vmem>>, vector<16xf32>,
      } {sc.loop_unroll_factor = 2 : i64, sc.parallel_access}
      %get3A_147 = arith.constant 0 : index
      %get3A_148 = tpu.vector_load %arg9[%get3A_147] {strides = array<i32>} : memref<48xi32, #tpu.memory_space<vmem>>, vector<16xi32>,
      %swap3A_149 = arith.constant 0 : index
      %swap3A_150 = tpu.vector_load %arg13[%swap3A_149] {strides = array<i32>} : memref<48xi32, #tpu.memory_space<vmem>>, vector<16xi32>,
      tpu.vector_store %arg13[%swap3A_149], %get3A_148 {strides = array<i32>} : memref<48xi32, #tpu.memory_space<vmem>>, vector<16xi32>,
      %get3A_151 = arith.constant 16 : index
      %get3A_152 = tpu.vector_load %arg9[%get3A_151] {strides = array<i32>} : memref<48xi32, #tpu.memory_space<vmem>>, vector<16xi32>,
      %swap3A_153 = arith.constant 16 : index
      %swap3A_154 = tpu.vector_load %arg13[%swap3A_153] {strides = array<i32>} : memref<48xi32, #tpu.memory_space<vmem>>, vector<16xi32>,
      tpu.vector_store %arg13[%swap3A_153], %get3A_152 {strides = array<i32>} : memref<48xi32, #tpu.memory_space<vmem>>, vector<16xi32>,
      %get3A_155 = arith.constant 32 : index
      %get3A_156 = tpu.vector_load %arg9[%get3A_155] {strides = array<i32>} : memref<48xi32, #tpu.memory_space<vmem>>, vector<16xi32>,
      %swap3A_157 = arith.constant 32 : index
      %swap3A_158 = tpu.vector_load %arg13[%swap3A_157] {strides = array<i32>} : memref<48xi32, #tpu.memory_space<vmem>>, vector<16xi32>,
      tpu.vector_store %arg13[%swap3A_157], %get3A_156 {strides = array<i32>} : memref<48xi32, #tpu.memory_space<vmem>>, vector<16xi32>,
      %dma_start3A_159 = arith.constant 0 : i32
      %dma_start3A_160 = arith.constant 0 : i32
      %dma_start3A_161 = tpu.memref_slice %arg21[%dma_start3A_159, %dma_start3A_160] : memref<10112x128xf32, #tpu.memory_space<vmem_shared>> -> memref<10112x128xf32, #tpu.memory_space<vmem_shared>>
      tpu.enqueue_indirect_dma source(%arg17 : memref<48x128xf32, #tpu.memory_space<vmem>>) target(%dma_start3A_161 : memref<10112x128xf32, #tpu.memory_space<vmem_shared>>) offsets(%arg13 : memref<48xi32, #tpu.memory_space<vmem>>) semaphore(%arg29 : memref<!tpu.dma_semaphore, #tpu.memory_space<semaphore_mem>>) {add = true}
      %add3A_162 = arith.constant 3 : i32
      %add3A_163 = arith.addi %add3A_137, %add3A_162 : i32
      %lt3A_164 = arith.constant 216 : i32
      %lt3A_165 = arith.cmpi slt, %add3A_163, %lt3A_164 : i32
      %convert_element_type3A_166 = arith.extui %lt3A_165 : i1 to i32
      %cond3A_167 = arith.constant 0 : i32
      %cond3A_168 = arith.cmpi ne, %convert_element_type3A_166, %cond3A_167 : i32
      scf.if %cond3A_168 {
        %add3A_216 = arith.constant 3 : i32
        %add3A_217 = arith.addi %add3A_137, %add3A_216 : i32
        %mul3A_218 = arith.constant 32 : i32
        %mul3A_219 = arith.muli %add3A_217, %mul3A_218 : i32
        %add3A_220 = arith.addi %mul3A_219, %add3A : i32
        %mul3A_221 = arith.constant 48 : i32
        %mul3A_222 = arith.muli %add3A_220, %mul3A_221 : i32
        %dma_start3A_223 = tpu.memref_slice %arg2[%mul3A_222] : memref<331776xi32, #tpu.memory_space<hbm>> -> memref<48xi32, #tpu.memory_space<hbm>>
        %dma_start3A_224 = tpu.memref_slice %arg2[%mul3A_222] : memref<331776xi32, #tpu.memory_space<hbm>> -> memref<48xi32, #tpu.memory_space<hbm>>
        tpu.enqueue_dma source(%dma_start3A_224 : memref<48xi32, #tpu.memory_space<hbm>>) target(%arg8 : memref<48xi32, #tpu.memory_space<vmem>>) target_semaphore(%arg26 : memref<!tpu.dma_semaphore, #tpu.memory_space<semaphore_mem>>)
        %add3A_225 = arith.constant 3 : i32
        %add3A_226 = arith.addi %add3A_137, %add3A_225 : i32
        %mul3A_227 = arith.constant 32 : i32
        %mul3A_228 = arith.muli %add3A_226, %mul3A_227 : i32
        %add3A_229 = arith.addi %mul3A_228, %add3A : i32
        %mul3A_230 = arith.constant 48 : i32
        %mul3A_231 = arith.muli %add3A_229, %mul3A_230 : i32
        %dma_start3A_232 = tpu.memref_slice %arg3[%mul3A_231] : memref<331776xi32, #tpu.memory_space<hbm>> -> memref<48xi32, #tpu.memory_space<hbm>>
        %dma_start3A_233 = tpu.memref_slice %arg3[%mul3A_231] : memref<331776xi32, #tpu.memory_space<hbm>> -> memref<48xi32, #tpu.memory_space<hbm>>
        tpu.enqueue_dma source(%dma_start3A_233 : memref<48xi32, #tpu.memory_space<hbm>>) target(%arg9 : memref<48xi32, #tpu.memory_space<vmem>>) target_semaphore(%arg26 : memref<!tpu.dma_semaphore, #tpu.memory_space<semaphore_mem>>)
      } else {
      }
      %add3A_169 = arith.constant 2 : i32
      %add3A_170 = arith.addi %add3A_137, %add3A_169 : i32
      %lt3A_171 = arith.constant 216 : i32
      %lt3A_172 = arith.cmpi slt, %add3A_170, %lt3A_171 : i32
      %convert_element_type3A_173 = arith.extui %lt3A_172 : i1 to i32
      %cond3A_174 = arith.constant 0 : i32
      %cond3A_175 = arith.cmpi ne, %convert_element_type3A_173, %cond3A_174 : i32
      scf.if %cond3A_175 {
        %ge3A = arith.constant 1 : i32
        %ge3A_216 = arith.cmpi sge, %add3A_137, %ge3A : i32
        %convert_element_type3A_217 = arith.extui %ge3A_216 : i1 to i32
        %cond3A_218 = arith.constant 0 : i32
        %cond3A_219 = arith.cmpi ne, %convert_element_type3A_217, %cond3A_218 : i32
        scf.if %cond3A_219 {
          %dma_wait3A_226 = arith.constant 0 : i32
          %dma_wait3A_227 = arith.constant 0 : i32
          %dma_wait3A_228 = tpu.memref_slice %arg21[%dma_wait3A_226, %dma_wait3A_227] : memref<10112x128xf32, #tpu.memory_space<vmem_shared>> -> memref<10112x128xf32, #tpu.memory_space<vmem_shared>>
          tpu.wait_indirect_dma semaphore(%arg28 : memref<!tpu.dma_semaphore, #tpu.memory_space<semaphore_mem>>) src(%arg15 : memref<48x128xf32, #tpu.memory_space<vmem>>) dst(%dma_wait3A_228 : memref<10112x128xf32, #tpu.memory_space<vmem_shared>>)
          %dma_wait3A_229 = arith.constant 0 : i32
          %dma_wait3A_230 = tpu.memref_slice %arg2[%dma_wait3A_229] : memref<331776xi32, #tpu.memory_space<hbm>> -> memref<48xi32, #tpu.memory_space<hbm>>
          %dma_wait3A_231 = arith.constant 0 : i32
          %dma_wait3A_232 = tpu.memref_slice %arg2[%dma_wait3A_231] : memref<331776xi32, #tpu.memory_space<hbm>> -> memref<48xi32, #tpu.memory_space<hbm>>
          tpu.wait_dma2 semaphore(%arg25 : memref<!tpu.dma_semaphore, #tpu.memory_space<semaphore_mem>>) src(%dma_wait3A_232 : memref<48xi32, #tpu.memory_space<hbm>>) dst(%arg6 : memref<48xi32, #tpu.memory_space<vmem>>)
          %dma_wait3A_233 = arith.constant 0 : i32
          %dma_wait3A_234 = tpu.memref_slice %arg3[%dma_wait3A_233] : memref<331776xi32, #tpu.memory_space<hbm>> -> memref<48xi32, #tpu.memory_space<hbm>>
          %dma_wait3A_235 = arith.constant 0 : i32
          %dma_wait3A_236 = tpu.memref_slice %arg3[%dma_wait3A_235] : memref<331776xi32, #tpu.memory_space<hbm>> -> memref<48xi32, #tpu.memory_space<hbm>>
          tpu.wait_dma2 semaphore(%arg25 : memref<!tpu.dma_semaphore, #tpu.memory_space<semaphore_mem>>) src(%dma_wait3A_236 : memref<48xi32, #tpu.memory_space<hbm>>) dst(%arg7 : memref<48xi32, #tpu.memory_space<vmem>>)
        } else {
        }
        %dma_start3A_220 = arith.constant 0 : i32
        %dma_start3A_221 = arith.constant 0 : i32
        %dma_start3A_222 = tpu.memref_slice %arg4[%dma_start3A_220, %dma_start3A_221] : memref<10112x128xf32, #tpu.memory_space<hbm>> -> memref<10112x128xf32, #tpu.memory_space<hbm>>
        tpu.enqueue_indirect_dma source(%dma_start3A_222 : memref<10112x128xf32, #tpu.memory_space<hbm>>) target(%arg15 : memref<48x128xf32, #tpu.memory_space<vmem>>) offsets(%arg6 : memref<48xi32, #tpu.memory_space<vmem>>) semaphore(%arg22 : memref<!tpu.dma_semaphore, #tpu.memory_space<semaphore_mem>>)
        %dma_start3A_223 = arith.constant 0 : i32
        %dma_start3A_224 = arith.constant 0 : i32
        %dma_start3A_225 = tpu.memref_slice %arg4[%dma_start3A_223, %dma_start3A_224] : memref<10112x128xf32, #tpu.memory_space<hbm>> -> memref<10112x128xf32, #tpu.memory_space<hbm>>
        tpu.enqueue_indirect_dma source(%dma_start3A_225 : memref<10112x128xf32, #tpu.memory_space<hbm>>) target(%arg16 : memref<48x128xf32, #tpu.memory_space<vmem>>) offsets(%arg7 : memref<48xi32, #tpu.memory_space<vmem>>) semaphore(%arg22 : memref<!tpu.dma_semaphore, #tpu.memory_space<semaphore_mem>>)
      } else {
      }
      %add3A_176 = arith.constant 2 : i32
      %add3A_177 = arith.addi %add3A_100, %add3A_176 : i32
      %dma_wait3A_178 = arith.constant 0 : i32
      %dma_wait3A_179 = arith.constant 0 : i32
      %dma_wait3A_180 = tpu.memref_slice %arg4[%dma_wait3A_178, %dma_wait3A_179] : memref<10112x128xf32, #tpu.memory_space<hbm>> -> memref<10112x128xf32, #tpu.memory_space<hbm>>
      tpu.wait_indirect_dma semaphore(%arg24 : memref<!tpu.dma_semaphore, #tpu.memory_space<semaphore_mem>>) src(%dma_wait3A_180 : memref<10112x128xf32, #tpu.memory_space<hbm>>) dst(%arg19 : memref<48x128xf32, #tpu.memory_space<vmem>>)
      %dma_wait3A_181 = arith.constant 0 : i32
      %dma_wait3A_182 = arith.constant 0 : i32
      %dma_wait3A_183 = tpu.memref_slice %arg4[%dma_wait3A_181, %dma_wait3A_182] : memref<10112x128xf32, #tpu.memory_space<hbm>> -> memref<10112x128xf32, #tpu.memory_space<hbm>>
      tpu.wait_indirect_dma semaphore(%arg24 : memref<!tpu.dma_semaphore, #tpu.memory_space<semaphore_mem>>) src(%dma_wait3A_183 : memref<10112x128xf32, #tpu.memory_space<hbm>>) dst(%arg20 : memref<48x128xf32, #tpu.memory_space<vmem>>)
      %parallel_loop3A_184 = arith.constant 0 : i32
      %parallel_loop3A_185 = arith.constant 24 : i32
      %parallel_loop3A_186 = arith.constant 1 : i32
      scf.for %parallel_loop3A_216 = %parallel_loop3A_184 to %parallel_loop3A_185 step %parallel_loop3A_186  : i32 {
        %parallel_loop3A_217 = arith.constant 2 : i32
        %parallel_loop3A_218 = arith.muli %parallel_loop3A_217, %parallel_loop3A_216 : i32
        %parallel_loop3A_219 = arith.constant 1 : i32
        %parallel_loop3A_220 = arith.addi %parallel_loop3A_218, %parallel_loop3A_219 : i32
        %parallel_loop3A_221 = arith.index_cast %parallel_loop3A_218 : i32 to index
        %parallel_loop3A_222 = arith.constant 0 : index
        %parallel_loop3A_223 = tpu.vector_load %arg19[%parallel_loop3A_221, %parallel_loop3A_222] {strides = array<i32>} : memref<48x128xf32, #tpu.memory_space<vmem>>, vector<16xf32>,
        %parallel_loop3A_224 = arith.index_cast %parallel_loop3A_218 : i32 to index
        %parallel_loop3A_225 = arith.constant 0 : index
        %parallel_loop3A_226 = tpu.vector_load %arg20[%parallel_loop3A_224, %parallel_loop3A_225] {strides = array<i32>} : memref<48x128xf32, #tpu.memory_space<vmem>>, vector<16xf32>,
        %parallel_loop3A_227 = arith.select %lt3A_2, %parallel_loop3A_223, %parallel_loop3A_226 : vector<16xi1>, vector<16xf32>
        %parallel_loop3A_228 = vector.shape_cast %and3A_7 : vector<16xi32> to vector<16x1xi32>
        %parallel_loop3A_229 = vector.shape_cast %parallel_loop3A_228 : vector<16x1xi32> to vector<16xi32>
        %parallel_loop3A_230 = tpu.dynamic_gather %parallel_loop3A_227[%parallel_loop3A_229] in [0] : vector<16xf32>, vector<16xi32> -> vector<16xf32>
        %parallel_loop3A_231 = arith.addf %parallel_loop3A_227, %parallel_loop3A_230 : vector<16xf32>
        %parallel_loop3A_232 = arith.index_cast %parallel_loop3A_220 : i32 to index
        %parallel_loop3A_233 = arith.constant 0 : index
        %parallel_loop3A_234 = tpu.vector_load %arg19[%parallel_loop3A_232, %parallel_loop3A_233] {strides = array<i32>} : memref<48x128xf32, #tpu.memory_space<vmem>>, vector<16xf32>,
        %parallel_loop3A_235 = arith.index_cast %parallel_loop3A_220 : i32 to index
        %parallel_loop3A_236 = arith.constant 0 : index
        %parallel_loop3A_237 = tpu.vector_load %arg20[%parallel_loop3A_235, %parallel_loop3A_236] {strides = array<i32>} : memref<48x128xf32, #tpu.memory_space<vmem>>, vector<16xf32>,
        %parallel_loop3A_238 = arith.select %lt3A_2, %parallel_loop3A_234, %parallel_loop3A_237 : vector<16xi1>, vector<16xf32>
        %parallel_loop3A_239 = vector.shape_cast %and3A_7 : vector<16xi32> to vector<16x1xi32>
        %parallel_loop3A_240 = vector.shape_cast %parallel_loop3A_239 : vector<16x1xi32> to vector<16xi32>
        %parallel_loop3A_241 = tpu.dynamic_gather %parallel_loop3A_238[%parallel_loop3A_240] in [0] : vector<16xf32>, vector<16xi32> -> vector<16xf32>
        %parallel_loop3A_242 = arith.addf %parallel_loop3A_238, %parallel_loop3A_241 : vector<16xf32>
        %parallel_loop3A_243 = arith.select %lt3A_2, %parallel_loop3A_231, %parallel_loop3A_242 : vector<16xi1>, vector<16xf32>
        %parallel_loop3A_244 = arith.constant 2.000000e-01 : f32
        %parallel_loop3A_245 = vector.broadcast %parallel_loop3A_244 : f32 to vector<16xf32>
        %parallel_loop3A_246 = arith.mulf %parallel_loop3A_245, %parallel_loop3A_243 : vector<16xf32>
        %parallel_loop3A_247 = arith.maximumf %parallel_loop3A_243, %parallel_loop3A_246 : vector<16xf32>
        %parallel_loop3A_248 = math.exp %parallel_loop3A_247 : vector<16xf32>
        %parallel_loop3A_249 = arith.constant 0 : i32
        %parallel_loop3A_250 = vector.broadcast %parallel_loop3A_249 : i32 to vector<16xi32>
        %parallel_loop3A_251 = arith.addi %parallel_loop3A_250, %shift_right_arithmetic3A_9 : vector<16xi32>
        %parallel_loop3A_252 = vector.shape_cast %parallel_loop3A_251 : vector<16xi32> to vector<16x1xi32>
        %parallel_loop3A_253 = vector.shape_cast %parallel_loop3A_252 : vector<16x1xi32> to vector<16xi32>
        %parallel_loop3A_254 = tpu.dynamic_gather %parallel_loop3A_248[%parallel_loop3A_253] in [0] : vector<16xf32>, vector<16xi32> -> vector<16xf32>
        %parallel_loop3A_255 = arith.index_cast %parallel_loop3A_218 : i32 to index
        %parallel_loop3A_256 = arith.constant 16 : index
        %parallel_loop3A_257 = tpu.vector_load %arg19[%parallel_loop3A_255, %parallel_loop3A_256] {strides = array<i32>} : memref<48x128xf32, #tpu.memory_space<vmem>>, vector<16xf32>,
        %parallel_loop3A_258 = arith.mulf %parallel_loop3A_257, %parallel_loop3A_254 : vector<16xf32>
        %parallel_loop3A_259 = arith.index_cast %parallel_loop3A_218 : i32 to index
        %parallel_loop3A_260 = arith.constant 16 : index
        %parallel_loop3A_261 = tpu.vector_load %arg19[%parallel_loop3A_259, %parallel_loop3A_260] {strides = array<i32>} : memref<48x128xf32, #tpu.memory_space<vmem>>, vector<16xf32>,
        tpu.vector_store %arg19[%parallel_loop3A_259, %parallel_loop3A_260], %parallel_loop3A_258 {strides = array<i32>} : memref<48x128xf32, #tpu.memory_space<vmem>>, vector<16xf32>,
        %parallel_loop3A_262 = arith.constant 8 : i32
        %parallel_loop3A_263 = vector.broadcast %parallel_loop3A_262 : i32 to vector<16xi32>
        %parallel_loop3A_264 = arith.addi %parallel_loop3A_263, %shift_right_arithmetic3A_9 : vector<16xi32>
        %parallel_loop3A_265 = vector.shape_cast %parallel_loop3A_264 : vector<16xi32> to vector<16x1xi32>
        %parallel_loop3A_266 = vector.shape_cast %parallel_loop3A_265 : vector<16x1xi32> to vector<16xi32>
        %parallel_loop3A_267 = tpu.dynamic_gather %parallel_loop3A_248[%parallel_loop3A_266] in [0] : vector<16xf32>, vector<16xi32> -> vector<16xf32>
        %parallel_loop3A_268 = arith.index_cast %parallel_loop3A_220 : i32 to index
        %parallel_loop3A_269 = arith.constant 16 : index
        %parallel_loop3A_270 = tpu.vector_load %arg19[%parallel_loop3A_268, %parallel_loop3A_269] {strides = array<i32>} : memref<48x128xf32, #tpu.memory_space<vmem>>, vector<16xf32>,
        %parallel_loop3A_271 = arith.mulf %parallel_loop3A_270, %parallel_loop3A_267 : vector<16xf32>
        %parallel_loop3A_272 = arith.index_cast %parallel_loop3A_220 : i32 to index
        %parallel_loop3A_273 = arith.constant 16 : index
        %parallel_loop3A_274 = tpu.vector_load %arg19[%parallel_loop3A_272, %parallel_loop3A_273] {strides = array<i32>} : memref<48x128xf32, #tpu.memory_space<vmem>>, vector<16xf32>,
        tpu.vector_store %arg19[%parallel_loop3A_272, %parallel_loop3A_273], %parallel_loop3A_271 {strides = array<i32>} : memref<48x128xf32, #tpu.memory_space<vmem>>, vector<16xf32>,
        %parallel_loop3A_275 = arith.constant 2 : i32
        %parallel_loop3A_276 = vector.broadcast %parallel_loop3A_275 : i32 to vector<16xi32>
        %parallel_loop3A_277 = arith.addi %parallel_loop3A_276, %shift_right_arithmetic3A_9 : vector<16xi32>
        %parallel_loop3A_278 = vector.shape_cast %parallel_loop3A_277 : vector<16xi32> to vector<16x1xi32>
        %parallel_loop3A_279 = vector.shape_cast %parallel_loop3A_278 : vector<16x1xi32> to vector<16xi32>
        %parallel_loop3A_280 = tpu.dynamic_gather %parallel_loop3A_248[%parallel_loop3A_279] in [0] : vector<16xf32>, vector<16xi32> -> vector<16xf32>
        %parallel_loop3A_281 = arith.index_cast %parallel_loop3A_218 : i32 to index
        %parallel_loop3A_282 = arith.constant 32 : index
        %parallel_loop3A_283 = tpu.vector_load %arg19[%parallel_loop3A_281, %parallel_loop3A_282] {strides = array<i32>} : memref<48x128xf32, #tpu.memory_space<vmem>>, vector<16xf32>,
        %parallel_loop3A_284 = arith.mulf %parallel_loop3A_283, %parallel_loop3A_280 : vector<16xf32>
        %parallel_loop3A_285 = arith.index_cast %parallel_loop3A_218 : i32 to index
        %parallel_loop3A_286 = arith.constant 32 : index
        %parallel_loop3A_287 = tpu.vector_load %arg19[%parallel_loop3A_285, %parallel_loop3A_286] {strides = array<i32>} : memref<48x128xf32, #tpu.memory_space<vmem>>, vector<16xf32>,
        tpu.vector_store %arg19[%parallel_loop3A_285, %parallel_loop3A_286], %parallel_loop3A_284 {strides = array<i32>} : memref<48x128xf32, #tpu.memory_space<vmem>>, vector<16xf32>,
        %parallel_loop3A_288 = arith.constant 10 : i32
        %parallel_loop3A_289 = vector.broadcast %parallel_loop3A_288 : i32 to vector<16xi32>
        %parallel_loop3A_290 = arith.addi %parallel_loop3A_289, %shift_right_arithmetic3A_9 : vector<16xi32>
        %parallel_loop3A_291 = vector.shape_cast %parallel_loop3A_290 : vector<16xi32> to vector<16x1xi32>
        %parallel_loop3A_292 = vector.shape_cast %parallel_loop3A_291 : vector<16x1xi32> to vector<16xi32>
        %parallel_loop3A_293 = tpu.dynamic_gather %parallel_loop3A_248[%parallel_loop3A_292] in [0] : vector<16xf32>, vector<16xi32> -> vector<16xf32>
        %parallel_loop3A_294 = arith.index_cast %parallel_loop3A_220 : i32 to index
        %parallel_loop3A_295 = arith.constant 32 : index
        %parallel_loop3A_296 = tpu.vector_load %arg19[%parallel_loop3A_294, %parallel_loop3A_295] {strides = array<i32>} : memref<48x128xf32, #tpu.memory_space<vmem>>, vector<16xf32>,
        %parallel_loop3A_297 = arith.mulf %parallel_loop3A_296, %parallel_loop3A_293 : vector<16xf32>
        %parallel_loop3A_298 = arith.index_cast %parallel_loop3A_220 : i32 to index
        %parallel_loop3A_299 = arith.constant 32 : index
        %parallel_loop3A_300 = tpu.vector_load %arg19[%parallel_loop3A_298, %parallel_loop3A_299] {strides = array<i32>} : memref<48x128xf32, #tpu.memory_space<vmem>>, vector<16xf32>,
        tpu.vector_store %arg19[%parallel_loop3A_298, %parallel_loop3A_299], %parallel_loop3A_297 {strides = array<i32>} : memref<48x128xf32, #tpu.memory_space<vmem>>, vector<16xf32>,
        %parallel_loop3A_301 = arith.constant 4 : i32
        %parallel_loop3A_302 = vector.broadcast %parallel_loop3A_301 : i32 to vector<16xi32>
        %parallel_loop3A_303 = arith.addi %parallel_loop3A_302, %shift_right_arithmetic3A_9 : vector<16xi32>
        %parallel_loop3A_304 = vector.shape_cast %parallel_loop3A_303 : vector<16xi32> to vector<16x1xi32>
        %parallel_loop3A_305 = vector.shape_cast %parallel_loop3A_304 : vector<16x1xi32> to vector<16xi32>
        %parallel_loop3A_306 = tpu.dynamic_gather %parallel_loop3A_248[%parallel_loop3A_305] in [0] : vector<16xf32>, vector<16xi32> -> vector<16xf32>
        %parallel_loop3A_307 = arith.index_cast %parallel_loop3A_218 : i32 to index
        %parallel_loop3A_308 = arith.constant 48 : index
        %parallel_loop3A_309 = tpu.vector_load %arg19[%parallel_loop3A_307, %parallel_loop3A_308] {strides = array<i32>} : memref<48x128xf32, #tpu.memory_space<vmem>>, vector<16xf32>,
        %parallel_loop3A_310 = arith.mulf %parallel_loop3A_309, %parallel_loop3A_306 : vector<16xf32>
        %parallel_loop3A_311 = arith.index_cast %parallel_loop3A_218 : i32 to index
        %parallel_loop3A_312 = arith.constant 48 : index
        %parallel_loop3A_313 = tpu.vector_load %arg19[%parallel_loop3A_311, %parallel_loop3A_312] {strides = array<i32>} : memref<48x128xf32, #tpu.memory_space<vmem>>, vector<16xf32>,
        tpu.vector_store %arg19[%parallel_loop3A_311, %parallel_loop3A_312], %parallel_loop3A_310 {strides = array<i32>} : memref<48x128xf32, #tpu.memory_space<vmem>>, vector<16xf32>,
        %parallel_loop3A_314 = arith.constant 12 : i32
        %parallel_loop3A_315 = vector.broadcast %parallel_loop3A_314 : i32 to vector<16xi32>
        %parallel_loop3A_316 = arith.addi %parallel_loop3A_315, %shift_right_arithmetic3A_9 : vector<16xi32>
        %parallel_loop3A_317 = vector.shape_cast %parallel_loop3A_316 : vector<16xi32> to vector<16x1xi32>
        %parallel_loop3A_318 = vector.shape_cast %parallel_loop3A_317 : vector<16x1xi32> to vector<16xi32>
        %parallel_loop3A_319 = tpu.dynamic_gather %parallel_loop3A_248[%parallel_loop3A_318] in [0] : vector<16xf32>, vector<16xi32> -> vector<16xf32>
        %parallel_loop3A_320 = arith.index_cast %parallel_loop3A_220 : i32 to index
        %parallel_loop3A_321 = arith.constant 48 : index
        %parallel_loop3A_322 = tpu.vector_load %arg19[%parallel_loop3A_320, %parallel_loop3A_321] {strides = array<i32>} : memref<48x128xf32, #tpu.memory_space<vmem>>, vector<16xf32>,
        %parallel_loop3A_323 = arith.mulf %parallel_loop3A_322, %parallel_loop3A_319 : vector<16xf32>
        %parallel_loop3A_324 = arith.index_cast %parallel_loop3A_220 : i32 to index
        %parallel_loop3A_325 = arith.constant 48 : index
        %parallel_loop3A_326 = tpu.vector_load %arg19[%parallel_loop3A_324, %parallel_loop3A_325] {strides = array<i32>} : memref<48x128xf32, #tpu.memory_space<vmem>>, vector<16xf32>,
        tpu.vector_store %arg19[%parallel_loop3A_324, %parallel_loop3A_325], %parallel_loop3A_323 {strides = array<i32>} : memref<48x128xf32, #tpu.memory_space<vmem>>, vector<16xf32>,
        %parallel_loop3A_327 = arith.constant 6 : i32
        %parallel_loop3A_328 = vector.broadcast %parallel_loop3A_327 : i32 to vector<16xi32>
        %parallel_loop3A_329 = arith.addi %parallel_loop3A_328, %shift_right_arithmetic3A_9 : vector<16xi32>
        %parallel_loop3A_330 = vector.shape_cast %parallel_loop3A_329 : vector<16xi32> to vector<16x1xi32>
        %parallel_loop3A_331 = vector.shape_cast %parallel_loop3A_330 : vector<16x1xi32> to vector<16xi32>
        %parallel_loop3A_332 = tpu.dynamic_gather %parallel_loop3A_248[%parallel_loop3A_331] in [0] : vector<16xf32>, vector<16xi32> -> vector<16xf32>
        %parallel_loop3A_333 = arith.index_cast %parallel_loop3A_218 : i32 to index
        %parallel_loop3A_334 = arith.constant 64 : index
        %parallel_loop3A_335 = tpu.vector_load %arg19[%parallel_loop3A_333, %parallel_loop3A_334] {strides = array<i32>} : memref<48x128xf32, #tpu.memory_space<vmem>>, vector<16xf32>,
        %parallel_loop3A_336 = arith.mulf %parallel_loop3A_335, %parallel_loop3A_332 : vector<16xf32>
        %parallel_loop3A_337 = arith.index_cast %parallel_loop3A_218 : i32 to index
        %parallel_loop3A_338 = arith.constant 64 : index
        %parallel_loop3A_339 = tpu.vector_load %arg19[%parallel_loop3A_337, %parallel_loop3A_338] {strides = array<i32>} : memref<48x128xf32, #tpu.memory_space<vmem>>, vector<16xf32>,
        tpu.vector_store %arg19[%parallel_loop3A_337, %parallel_loop3A_338], %parallel_loop3A_336 {strides = array<i32>} : memref<48x128xf32, #tpu.memory_space<vmem>>, vector<16xf32>,
        %parallel_loop3A_340 = arith.constant 14 : i32
        %parallel_loop3A_341 = vector.broadcast %parallel_loop3A_340 : i32 to vector<16xi32>
        %parallel_loop3A_342 = arith.addi %parallel_loop3A_341, %shift_right_arithmetic3A_9 : vector<16xi32>
        %parallel_loop3A_343 = vector.shape_cast %parallel_loop3A_342 : vector<16xi32> to vector<16x1xi32>
        %parallel_loop3A_344 = vector.shape_cast %parallel_loop3A_343 : vector<16x1xi32> to vector<16xi32>
        %parallel_loop3A_345 = tpu.dynamic_gather %parallel_loop3A_248[%parallel_loop3A_344] in [0] : vector<16xf32>, vector<16xi32> -> vector<16xf32>
        %parallel_loop3A_346 = arith.index_cast %parallel_loop3A_220 : i32 to index
        %parallel_loop3A_347 = arith.constant 64 : index
        %parallel_loop3A_348 = tpu.vector_load %arg19[%parallel_loop3A_346, %parallel_loop3A_347] {strides = array<i32>} : memref<48x128xf32, #tpu.memory_space<vmem>>, vector<16xf32>,
        %parallel_loop3A_349 = arith.mulf %parallel_loop3A_348, %parallel_loop3A_345 : vector<16xf32>
        %parallel_loop3A_350 = arith.index_cast %parallel_loop3A_220 : i32 to index
        %parallel_loop3A_351 = arith.constant 64 : index
        %parallel_loop3A_352 = tpu.vector_load %arg19[%parallel_loop3A_350, %parallel_loop3A_351] {strides = array<i32>} : memref<48x128xf32, #tpu.memory_space<vmem>>, vector<16xf32>,
        tpu.vector_store %arg19[%parallel_loop3A_350, %parallel_loop3A_351], %parallel_loop3A_349 {strides = array<i32>} : memref<48x128xf32, #tpu.memory_space<vmem>>, vector<16xf32>,
        %parallel_loop3A_353 = arith.index_cast %parallel_loop3A_218 : i32 to index
        %parallel_loop3A_354 = arith.constant 0 : index
        %parallel_loop3A_355 = tpu.vector_load %arg19[%parallel_loop3A_353, %parallel_loop3A_354] {strides = array<i32>} : memref<48x128xf32, #tpu.memory_space<vmem>>, vector<16xf32>,
        tpu.vector_store %arg19[%parallel_loop3A_353, %parallel_loop3A_354], %parallel_loop3A_248 {strides = array<i32>} : memref<48x128xf32, #tpu.memory_space<vmem>>, vector<16xf32>,
        %parallel_loop3A_356 = vector.shape_cast %and3A_7 : vector<16xi32> to vector<16x1xi32>
        %parallel_loop3A_357 = vector.shape_cast %parallel_loop3A_356 : vector<16x1xi32> to vector<16xi32>
        %parallel_loop3A_358 = tpu.dynamic_gather %parallel_loop3A_248[%parallel_loop3A_357] in [0] : vector<16xf32>, vector<16xi32> -> vector<16xf32>
        %parallel_loop3A_359 = arith.index_cast %parallel_loop3A_220 : i32 to index
        %parallel_loop3A_360 = arith.constant 0 : index
        %parallel_loop3A_361 = tpu.vector_load %arg19[%parallel_loop3A_359, %parallel_loop3A_360] {strides = array<i32>} : memref<48x128xf32, #tpu.memory_space<vmem>>, vector<16xf32>,
        tpu.vector_store %arg19[%parallel_loop3A_359, %parallel_loop3A_360], %parallel_loop3A_358 {strides = array<i32>} : memref<48x128xf32, #tpu.memory_space<vmem>>, vector<16xf32>,
      } {sc.loop_unroll_factor = 2 : i64, sc.parallel_access}
      %get3A_187 = arith.constant 0 : index
      %get3A_188 = tpu.vector_load %arg11[%get3A_187] {strides = array<i32>} : memref<48xi32, #tpu.memory_space<vmem>>, vector<16xi32>,
      %swap3A_189 = arith.constant 0 : index
      %swap3A_190 = tpu.vector_load %arg14[%swap3A_189] {strides = array<i32>} : memref<48xi32, #tpu.memory_space<vmem>>, vector<16xi32>,
      tpu.vector_store %arg14[%swap3A_189], %get3A_188 {strides = array<i32>} : memref<48xi32, #tpu.memory_space<vmem>>, vector<16xi32>,
      %get3A_191 = arith.constant 16 : index
      %get3A_192 = tpu.vector_load %arg11[%get3A_191] {strides = array<i32>} : memref<48xi32, #tpu.memory_space<vmem>>, vector<16xi32>,
      %swap3A_193 = arith.constant 16 : index
      %swap3A_194 = tpu.vector_load %arg14[%swap3A_193] {strides = array<i32>} : memref<48xi32, #tpu.memory_space<vmem>>, vector<16xi32>,
      tpu.vector_store %arg14[%swap3A_193], %get3A_192 {strides = array<i32>} : memref<48xi32, #tpu.memory_space<vmem>>, vector<16xi32>,
      %get3A_195 = arith.constant 32 : index
      %get3A_196 = tpu.vector_load %arg11[%get3A_195] {strides = array<i32>} : memref<48xi32, #tpu.memory_space<vmem>>, vector<16xi32>,
      %swap3A_197 = arith.constant 32 : index
      %swap3A_198 = tpu.vector_load %arg14[%swap3A_197] {strides = array<i32>} : memref<48xi32, #tpu.memory_space<vmem>>, vector<16xi32>,
      tpu.vector_store %arg14[%swap3A_197], %get3A_196 {strides = array<i32>} : memref<48xi32, #tpu.memory_space<vmem>>, vector<16xi32>,
      %dma_start3A_199 = arith.constant 0 : i32
      %dma_start3A_200 = arith.constant 0 : i32
      %dma_start3A_201 = tpu.memref_slice %arg21[%dma_start3A_199, %dma_start3A_200] : memref<10112x128xf32, #tpu.memory_space<vmem_shared>> -> memref<10112x128xf32, #tpu.memory_space<vmem_shared>>
      tpu.enqueue_indirect_dma source(%arg19 : memref<48x128xf32, #tpu.memory_space<vmem>>) target(%dma_start3A_201 : memref<10112x128xf32, #tpu.memory_space<vmem_shared>>) offsets(%arg14 : memref<48xi32, #tpu.memory_space<vmem>>) semaphore(%arg30 : memref<!tpu.dma_semaphore, #tpu.memory_space<semaphore_mem>>) {add = true}
      %add3A_202 = arith.constant 3 : i32
      %add3A_203 = arith.addi %add3A_177, %add3A_202 : i32
      %lt3A_204 = arith.constant 216 : i32
      %lt3A_205 = arith.cmpi slt, %add3A_203, %lt3A_204 : i32
      %convert_element_type3A_206 = arith.extui %lt3A_205 : i1 to i32
      %cond3A_207 = arith.constant 0 : i32
      %cond3A_208 = arith.cmpi ne, %convert_element_type3A_206, %cond3A_207 : i32
      scf.if %cond3A_208 {
        %add3A_216 = arith.constant 3 : i32
        %add3A_217 = arith.addi %add3A_177, %add3A_216 : i32
        %mul3A_218 = arith.constant 32 : i32
        %mul3A_219 = arith.muli %add3A_217, %mul3A_218 : i32
        %add3A_220 = arith.addi %mul3A_219, %add3A : i32
        %mul3A_221 = arith.constant 48 : i32
        %mul3A_222 = arith.muli %add3A_220, %mul3A_221 : i32
        %dma_start3A_223 = tpu.memref_slice %arg2[%mul3A_222] : memref<331776xi32, #tpu.memory_space<hbm>> -> memref<48xi32, #tpu.memory_space<hbm>>
        %dma_start3A_224 = tpu.memref_slice %arg2[%mul3A_222] : memref<331776xi32, #tpu.memory_space<hbm>> -> memref<48xi32, #tpu.memory_space<hbm>>
        tpu.enqueue_dma source(%dma_start3A_224 : memref<48xi32, #tpu.memory_space<hbm>>) target(%arg10 : memref<48xi32, #tpu.memory_space<vmem>>) target_semaphore(%arg27 : memref<!tpu.dma_semaphore, #tpu.memory_space<semaphore_mem>>)
        %add3A_225 = arith.constant 3 : i32
        %add3A_226 = arith.addi %add3A_177, %add3A_225 : i32
        %mul3A_227 = arith.constant 32 : i32
        %mul3A_228 = arith.muli %add3A_226, %mul3A_227 : i32
        %add3A_229 = arith.addi %mul3A_228, %add3A : i32
        %mul3A_230 = arith.constant 48 : i32
        %mul3A_231 = arith.muli %add3A_229, %mul3A_230 : i32
        %dma_start3A_232 = tpu.memref_slice %arg3[%mul3A_231] : memref<331776xi32, #tpu.memory_space<hbm>> -> memref<48xi32, #tpu.memory_space<hbm>>
        %dma_start3A_233 = tpu.memref_slice %arg3[%mul3A_231] : memref<331776xi32, #tpu.memory_space<hbm>> -> memref<48xi32, #tpu.memory_space<hbm>>
        tpu.enqueue_dma source(%dma_start3A_233 : memref<48xi32, #tpu.memory_space<hbm>>) target(%arg11 : memref<48xi32, #tpu.memory_space<vmem>>) target_semaphore(%arg27 : memref<!tpu.dma_semaphore, #tpu.memory_space<semaphore_mem>>)
      } else {
      }
      %add3A_209 = arith.constant 2 : i32
      %add3A_210 = arith.addi %add3A_177, %add3A_209 : i32
      %lt3A_211 = arith.constant 216 : i32
      %lt3A_212 = arith.cmpi slt, %add3A_210, %lt3A_211 : i32
      %convert_element_type3A_213 = arith.extui %lt3A_212 : i1 to i32
      %cond3A_214 = arith.constant 0 : i32
      %cond3A_215 = arith.cmpi ne, %convert_element_type3A_213, %cond3A_214 : i32
      scf.if %cond3A_215 {
        %ge3A = arith.constant 1 : i32
        %ge3A_216 = arith.cmpi sge, %add3A_177, %ge3A : i32
        %convert_element_type3A_217 = arith.extui %ge3A_216 : i1 to i32
        %cond3A_218 = arith.constant 0 : i32
        %cond3A_219 = arith.cmpi ne, %convert_element_type3A_217, %cond3A_218 : i32
        scf.if %cond3A_219 {
          %dma_wait3A_226 = arith.constant 0 : i32
          %dma_wait3A_227 = arith.constant 0 : i32
          %dma_wait3A_228 = tpu.memref_slice %arg21[%dma_wait3A_226, %dma_wait3A_227] : memref<10112x128xf32, #tpu.memory_space<vmem_shared>> -> memref<10112x128xf32, #tpu.memory_space<vmem_shared>>
          tpu.wait_indirect_dma semaphore(%arg29 : memref<!tpu.dma_semaphore, #tpu.memory_space<semaphore_mem>>) src(%arg17 : memref<48x128xf32, #tpu.memory_space<vmem>>) dst(%dma_wait3A_228 : memref<10112x128xf32, #tpu.memory_space<vmem_shared>>)
          %dma_wait3A_229 = arith.constant 0 : i32
          %dma_wait3A_230 = tpu.memref_slice %arg2[%dma_wait3A_229] : memref<331776xi32, #tpu.memory_space<hbm>> -> memref<48xi32, #tpu.memory_space<hbm>>
          %dma_wait3A_231 = arith.constant 0 : i32
          %dma_wait3A_232 = tpu.memref_slice %arg2[%dma_wait3A_231] : memref<331776xi32, #tpu.memory_space<hbm>> -> memref<48xi32, #tpu.memory_space<hbm>>
          tpu.wait_dma2 semaphore(%arg26 : memref<!tpu.dma_semaphore, #tpu.memory_space<semaphore_mem>>) src(%dma_wait3A_232 : memref<48xi32, #tpu.memory_space<hbm>>) dst(%arg8 : memref<48xi32, #tpu.memory_space<vmem>>)
          %dma_wait3A_233 = arith.constant 0 : i32
          %dma_wait3A_234 = tpu.memref_slice %arg3[%dma_wait3A_233] : memref<331776xi32, #tpu.memory_space<hbm>> -> memref<48xi32, #tpu.memory_space<hbm>>
          %dma_wait3A_235 = arith.constant 0 : i32
          %dma_wait3A_236 = tpu.memref_slice %arg3[%dma_wait3A_235] : memref<331776xi32, #tpu.memory_space<hbm>> -> memref<48xi32, #tpu.memory_space<hbm>>
          tpu.wait_dma2 semaphore(%arg26 : memref<!tpu.dma_semaphore, #tpu.memory_space<semaphore_mem>>) src(%dma_wait3A_236 : memref<48xi32, #tpu.memory_space<hbm>>) dst(%arg9 : memref<48xi32, #tpu.memory_space<vmem>>)
        } else {
        }
        %dma_start3A_220 = arith.constant 0 : i32
        %dma_start3A_221 = arith.constant 0 : i32
        %dma_start3A_222 = tpu.memref_slice %arg4[%dma_start3A_220, %dma_start3A_221] : memref<10112x128xf32, #tpu.memory_space<hbm>> -> memref<10112x128xf32, #tpu.memory_space<hbm>>
        tpu.enqueue_indirect_dma source(%dma_start3A_222 : memref<10112x128xf32, #tpu.memory_space<hbm>>) target(%arg17 : memref<48x128xf32, #tpu.memory_space<vmem>>) offsets(%arg8 : memref<48xi32, #tpu.memory_space<vmem>>) semaphore(%arg23 : memref<!tpu.dma_semaphore, #tpu.memory_space<semaphore_mem>>)
        %dma_start3A_223 = arith.constant 0 : i32
        %dma_start3A_224 = arith.constant 0 : i32
        %dma_start3A_225 = tpu.memref_slice %arg4[%dma_start3A_223, %dma_start3A_224] : memref<10112x128xf32, #tpu.memory_space<hbm>> -> memref<10112x128xf32, #tpu.memory_space<hbm>>
        tpu.enqueue_indirect_dma source(%dma_start3A_225 : memref<10112x128xf32, #tpu.memory_space<hbm>>) target(%arg18 : memref<48x128xf32, #tpu.memory_space<vmem>>) offsets(%arg9 : memref<48xi32, #tpu.memory_space<vmem>>) semaphore(%arg23 : memref<!tpu.dma_semaphore, #tpu.memory_space<semaphore_mem>>)
      } else {
      }
    }
    %scan3A_84 = arith.constant 72 : i32
    %dma_wait3A = arith.constant 0 : i32
    %dma_wait3A_85 = arith.constant 0 : i32
    %dma_wait3A_86 = tpu.memref_slice %arg21[%dma_wait3A, %dma_wait3A_85] : memref<10112x128xf32, #tpu.memory_space<vmem_shared>> -> memref<10112x128xf32, #tpu.memory_space<vmem_shared>>
    tpu.wait_indirect_dma semaphore(%arg28 : memref<!tpu.dma_semaphore, #tpu.memory_space<semaphore_mem>>) src(%arg15 : memref<48x128xf32, #tpu.memory_space<vmem>>) dst(%dma_wait3A_86 : memref<10112x128xf32, #tpu.memory_space<vmem_shared>>)
    %dma_wait3A_87 = arith.constant 0 : i32
    %dma_wait3A_88 = arith.constant 0 : i32
    %dma_wait3A_89 = tpu.memref_slice %arg21[%dma_wait3A_87, %dma_wait3A_88] : memref<10112x128xf32, #tpu.memory_space<vmem_shared>> -> memref<10112x128xf32, #tpu.memory_space<vmem_shared>>
    tpu.wait_indirect_dma semaphore(%arg29 : memref<!tpu.dma_semaphore, #tpu.memory_space<semaphore_mem>>) src(%arg17 : memref<48x128xf32, #tpu.memory_space<vmem>>) dst(%dma_wait3A_89 : memref<10112x128xf32, #tpu.memory_space<vmem_shared>>)
    %dma_wait3A_90 = arith.constant 0 : i32
    %dma_wait3A_91 = arith.constant 0 : i32
    %dma_wait3A_92 = tpu.memref_slice %arg21[%dma_wait3A_90, %dma_wait3A_91] : memref<10112x128xf32, #tpu.memory_space<vmem_shared>> -> memref<10112x128xf32, #tpu.memory_space<vmem_shared>>
    tpu.wait_indirect_dma semaphore(%arg30 : memref<!tpu.dma_semaphore, #tpu.memory_space<semaphore_mem>>) src(%arg19 : memref<48x128xf32, #tpu.memory_space<vmem>>) dst(%dma_wait3A_92 : memref<10112x128xf32, #tpu.memory_space<vmem_shared>>)
    %barrier3A_93 = arith.constant 0 : index
    tpu.barrier barrier_id(%barrier3A_93)
    %mul3A_94 = arith.constant 632 : i32
    %mul3A_95 = arith.muli %arg1, %mul3A_94 : i32
    "tpu.region"() ({
      %run_scoped3A = tpu.sem_alloc : memref<!tpu.dma_semaphore, #tpu.memory_space<semaphore_mem>>
      %dma_start3A_96 = arith.constant 0 : i32
      %dma_start3A_97 = tpu.memref_slice %arg5[%arg0, %mul3A_95, %dma_start3A_96] : memref<2x10112x128xf32, #tpu.memory_space<hbm>> -> memref<1x632x128xf32, #tpu.memory_space<hbm>>
      %dma_start3A_98 = tpu.memref_squeeze %dma_start3A_97 : memref<1x632x128xf32, #tpu.memory_space<hbm>> -> memref<632x128xf32, #tpu.memory_space<hbm>>
      %dma_start3A_99 = arith.constant 0 : i32
      %dma_start3A_100 = tpu.memref_slice %arg21[%mul3A_95, %dma_start3A_99] : memref<10112x128xf32, #tpu.memory_space<vmem_shared>> -> memref<632x128xf32, #tpu.memory_space<vmem_shared>>
      tpu.enqueue_dma source(%dma_start3A_100 : memref<632x128xf32, #tpu.memory_space<vmem_shared>>) target(%dma_start3A_98 : memref<632x128xf32, #tpu.memory_space<hbm>>) target_semaphore(%run_scoped3A : memref<!tpu.dma_semaphore, #tpu.memory_space<semaphore_mem>>)
      %dma_wait3A_101 = arith.constant 0 : i32
      %dma_wait3A_102 = tpu.memref_slice %arg5[%arg0, %mul3A_95, %dma_wait3A_101] : memref<2x10112x128xf32, #tpu.memory_space<hbm>> -> memref<1x632x128xf32, #tpu.memory_space<hbm>>
      %dma_wait3A_103 = tpu.memref_squeeze %dma_wait3A_102 : memref<1x632x128xf32, #tpu.memory_space<hbm>> -> memref<632x128xf32, #tpu.memory_space<hbm>>
      %dma_wait3A_104 = arith.constant 0 : i32
      %dma_wait3A_105 = tpu.memref_slice %arg21[%mul3A_95, %dma_wait3A_104] : memref<10112x128xf32, #tpu.memory_space<vmem_shared>> -> memref<632x128xf32, #tpu.memory_space<vmem_shared>>
      tpu.wait_dma2 semaphore(%run_scoped3A : memref<!tpu.dma_semaphore, #tpu.memory_space<semaphore_mem>>) src(%dma_wait3A_105 : memref<632x128xf32, #tpu.memory_space<vmem_shared>>) dst(%dma_wait3A_103 : memref<632x128xf32, #tpu.memory_space<hbm>>)
      tpu.yield
    }) : () -> ()
    return
  }
}

#map = affine_map<(d0, d1) -> (0)>
#map1 = affine_map<(d0, d1) -> (0, 0)>
#map2 = affine_map<(d0, d1) -> (0, 0, 0)>
module attributes {stable_mosaic.version = 14 : i64} {
  func.func @_sc_layer2_body(%arg0: i32, %arg1: i32, %arg2: memref<331776xi32, #tpu.memory_space<hbm>>, %arg3: memref<331776xi32, #tpu.memory_space<hbm>>, %arg4: memref<20224xf32, #tpu.memory_space<hbm>>, %arg5: memref<10112x128xf32, #tpu.memory_space<hbm>>, %arg6: memref<2x10112x128xf32, #tpu.memory_space<hbm>>, %arg7: memref<32x10112xf32, #tpu.memory_space<hbm>>, %arg8: memref<48xi32, #tpu.memory_space<vmem>>, %arg9: memref<48xi32, #tpu.memory_space<vmem>>, %arg10: memref<48xi32, #tpu.memory_space<vmem>>, %arg11: memref<48xi32, #tpu.memory_space<vmem>>, %arg12: memref<48xi32, #tpu.memory_space<vmem>>, %arg13: memref<48xi32, #tpu.memory_space<vmem>>, %arg14: memref<48xi32, #tpu.memory_space<vmem>>, %arg15: memref<48xi32, #tpu.memory_space<vmem>>, %arg16: memref<48xi32, #tpu.memory_space<vmem>>, %arg17: memref<20224xf32, #tpu.memory_space<vmem>>, %arg18: memref<48x128xf32, #tpu.memory_space<vmem>>, %arg19: memref<48x128xf32, #tpu.memory_space<vmem>>, %arg20: memref<48x128xf32, #tpu.memory_space<vmem>>, %arg21: memref<10112xf32, #tpu.memory_space<vmem>>, %arg22: memref<10112x128xf32, #tpu.memory_space<vmem_shared>>, %arg23: memref<!tpu.dma_semaphore, #tpu.memory_space<semaphore_mem>>, %arg24: memref<!tpu.dma_semaphore, #tpu.memory_space<semaphore_mem>>, %arg25: memref<!tpu.dma_semaphore, #tpu.memory_space<semaphore_mem>>, %arg26: memref<!tpu.dma_semaphore, #tpu.memory_space<semaphore_mem>>, %arg27: memref<!tpu.dma_semaphore, #tpu.memory_space<semaphore_mem>>, %arg28: memref<!tpu.dma_semaphore, #tpu.memory_space<semaphore_mem>>, %arg29: memref<!tpu.dma_semaphore, #tpu.memory_space<semaphore_mem>>, %arg30: memref<!tpu.dma_semaphore, #tpu.memory_space<semaphore_mem>>, %arg31: memref<!tpu.dma_semaphore, #tpu.memory_space<semaphore_mem>>) attributes {dimension_semantics = [#tpu.dimension_semantics<core_parallel>, #tpu.dimension_semantics<subcore_parallel>], iteration_bounds = array<i64: 2, 16>, scalar_prefetch = 0 : i64, scratch_operands = 24 : i64, tpu.core_type = #tpu.core_type<sc_vector_subcore>, window_params = [{transform_indices = #map}, {transform_indices = #map}, {transform_indices = #map}, {transform_indices = #map1}, {transform_indices = #map2}, {transform_indices = #map1}]} {
    %mul3A = arith.constant 16 : i32
    %mul3A_0 = arith.muli %arg0, %mul3A : i32
    %add3A = arith.addi %mul3A_0, %arg1 : i32
    %iota3A = tpu.iota {dimensions = array<i32: 0>} : vector<16xi32>
    %broadcast_in_dim3A = arith.constant 0.000000e+00 : f32
    %broadcast_in_dim3A_1 = vector.broadcast %broadcast_in_dim3A : f32 to vector<16xf32>
    "tpu.region"() ({
      %run_scoped3A = tpu.sem_alloc : memref<!tpu.dma_semaphore, #tpu.memory_space<semaphore_mem>>
      tpu.enqueue_dma source(%arg4 : memref<20224xf32, #tpu.memory_space<hbm>>) target(%arg17 : memref<20224xf32, #tpu.memory_space<vmem>>) target_semaphore(%run_scoped3A : memref<!tpu.dma_semaphore, #tpu.memory_space<semaphore_mem>>)
      tpu.wait_dma2 semaphore(%run_scoped3A : memref<!tpu.dma_semaphore, #tpu.memory_space<semaphore_mem>>) src(%arg4 : memref<20224xf32, #tpu.memory_space<hbm>>) dst(%arg17 : memref<20224xf32, #tpu.memory_space<vmem>>)
      tpu.yield
    }) : () -> ()
    %scan3A = arith.constant 0 : i32
    %scan3A_2 = arith.constant 632 : i32
    %scan3A_3 = arith.addi %scan3A, %scan3A_2 : i32
    %scan3A_4 = arith.constant 1 : i32
    scf.for %scan3A_88 = %scan3A to %scan3A_3 step %scan3A_4  : i32 {
      %mul3A_89 = arith.constant 16 : i32
      %mul3A_90 = arith.muli %scan3A_88, %mul3A_89 : i32
      %add3A_91 = arith.constant 0 : i32
      %add3A_92 = arith.addi %add3A_91, %mul3A_90 : i32
      %swap3A = arith.index_cast %add3A_92 : i32 to index
      %swap3A_93 = tpu.vector_load %arg21[%swap3A] {strides = array<i32>} : memref<10112xf32, #tpu.memory_space<vmem>>, vector<16xf32>,
      tpu.vector_store %arg21[%swap3A], %broadcast_in_dim3A_1 {strides = array<i32>} : memref<10112xf32, #tpu.memory_space<vmem>>, vector<16xf32>,
    }
    %scan3A_5 = arith.constant 632 : i32
    %broadcast_in_dim3A_6 = arith.constant 0.000000e+00 : f32
    %broadcast_in_dim3A_7 = vector.broadcast %broadcast_in_dim3A_6 : f32 to vector<16xf32>
    %scan3A_8 = arith.constant 0 : i32
    %scan3A_9 = arith.constant 48 : i32
    %scan3A_10 = arith.addi %scan3A_8, %scan3A_9 : i32
    %scan3A_11 = arith.constant 1 : i32
    scf.for %scan3A_88 = %scan3A_8 to %scan3A_10 step %scan3A_11  : i32 {
      %mul3A_89 = arith.constant 1 : i32
      %mul3A_90 = arith.muli %scan3A_88, %mul3A_89 : i32
      %add3A_91 = arith.constant 0 : i32
      %add3A_92 = arith.addi %add3A_91, %mul3A_90 : i32
      %swap3A = arith.index_cast %add3A_92 : i32 to index
      %swap3A_93 = arith.constant 0 : index
      %swap3A_94 = tpu.vector_load %arg18[%swap3A, %swap3A_93] {strides = array<i32>} : memref<48x128xf32, #tpu.memory_space<vmem>>, vector<16xf32>,
      tpu.vector_store %arg18[%swap3A, %swap3A_93], %broadcast_in_dim3A_7 {strides = array<i32>} : memref<48x128xf32, #tpu.memory_space<vmem>>, vector<16xf32>,
      %swap3A_95 = arith.index_cast %add3A_92 : i32 to index
      %swap3A_96 = arith.constant 16 : index
      %swap3A_97 = tpu.vector_load %arg18[%swap3A_95, %swap3A_96] {strides = array<i32>} : memref<48x128xf32, #tpu.memory_space<vmem>>, vector<16xf32>,
      tpu.vector_store %arg18[%swap3A_95, %swap3A_96], %broadcast_in_dim3A_7 {strides = array<i32>} : memref<48x128xf32, #tpu.memory_space<vmem>>, vector<16xf32>,
      %swap3A_98 = arith.index_cast %add3A_92 : i32 to index
      %swap3A_99 = arith.constant 32 : index
      %swap3A_100 = tpu.vector_load %arg18[%swap3A_98, %swap3A_99] {strides = array<i32>} : memref<48x128xf32, #tpu.memory_space<vmem>>, vector<16xf32>,
      tpu.vector_store %arg18[%swap3A_98, %swap3A_99], %broadcast_in_dim3A_7 {strides = array<i32>} : memref<48x128xf32, #tpu.memory_space<vmem>>, vector<16xf32>,
      %swap3A_101 = arith.index_cast %add3A_92 : i32 to index
      %swap3A_102 = arith.constant 48 : index
      %swap3A_103 = tpu.vector_load %arg18[%swap3A_101, %swap3A_102] {strides = array<i32>} : memref<48x128xf32, #tpu.memory_space<vmem>>, vector<16xf32>,
      tpu.vector_store %arg18[%swap3A_101, %swap3A_102], %broadcast_in_dim3A_7 {strides = array<i32>} : memref<48x128xf32, #tpu.memory_space<vmem>>, vector<16xf32>,
      %swap3A_104 = arith.index_cast %add3A_92 : i32 to index
      %swap3A_105 = arith.constant 64 : index
      %swap3A_106 = tpu.vector_load %arg18[%swap3A_104, %swap3A_105] {strides = array<i32>} : memref<48x128xf32, #tpu.memory_space<vmem>>, vector<16xf32>,
      tpu.vector_store %arg18[%swap3A_104, %swap3A_105], %broadcast_in_dim3A_7 {strides = array<i32>} : memref<48x128xf32, #tpu.memory_space<vmem>>, vector<16xf32>,
      %swap3A_107 = arith.index_cast %add3A_92 : i32 to index
      %swap3A_108 = arith.constant 80 : index
      %swap3A_109 = tpu.vector_load %arg18[%swap3A_107, %swap3A_108] {strides = array<i32>} : memref<48x128xf32, #tpu.memory_space<vmem>>, vector<16xf32>,
      tpu.vector_store %arg18[%swap3A_107, %swap3A_108], %broadcast_in_dim3A_7 {strides = array<i32>} : memref<48x128xf32, #tpu.memory_space<vmem>>, vector<16xf32>,
      %swap3A_110 = arith.index_cast %add3A_92 : i32 to index
      %swap3A_111 = arith.constant 96 : index
      %swap3A_112 = tpu.vector_load %arg18[%swap3A_110, %swap3A_111] {strides = array<i32>} : memref<48x128xf32, #tpu.memory_space<vmem>>, vector<16xf32>,
      tpu.vector_store %arg18[%swap3A_110, %swap3A_111], %broadcast_in_dim3A_7 {strides = array<i32>} : memref<48x128xf32, #tpu.memory_space<vmem>>, vector<16xf32>,
      %swap3A_113 = arith.index_cast %add3A_92 : i32 to index
      %swap3A_114 = arith.constant 112 : index
      %swap3A_115 = tpu.vector_load %arg18[%swap3A_113, %swap3A_114] {strides = array<i32>} : memref<48x128xf32, #tpu.memory_space<vmem>>, vector<16xf32>,
      tpu.vector_store %arg18[%swap3A_113, %swap3A_114], %broadcast_in_dim3A_7 {strides = array<i32>} : memref<48x128xf32, #tpu.memory_space<vmem>>, vector<16xf32>,
    }
    %scan3A_12 = arith.constant 48 : i32
    %mul3A_13 = arith.constant 632 : i32
    %mul3A_14 = arith.muli %arg1, %mul3A_13 : i32
    %add3A_15 = arith.constant 0 : i32
    %add3A_16 = arith.addi %mul3A_14, %add3A_15 : i32
    "tpu.region"() ({
      %run_scoped3A = tpu.sem_alloc : memref<!tpu.dma_semaphore, #tpu.memory_space<semaphore_mem>>
      %dma_start3A_88 = arith.constant 0 : i32
      %dma_start3A_89 = tpu.memref_slice %arg22[%add3A_16, %dma_start3A_88] : memref<10112x128xf32, #tpu.memory_space<vmem_shared>> -> memref<48x128xf32, #tpu.memory_space<vmem_shared>>
      %dma_start3A_90 = arith.constant 0 : i32
      %dma_start3A_91 = tpu.memref_slice %arg22[%add3A_16, %dma_start3A_90] : memref<10112x128xf32, #tpu.memory_space<vmem_shared>> -> memref<48x128xf32, #tpu.memory_space<vmem_shared>>
      tpu.enqueue_dma source(%arg18 : memref<48x128xf32, #tpu.memory_space<vmem>>) target(%dma_start3A_91 : memref<48x128xf32, #tpu.memory_space<vmem_shared>>) target_semaphore(%run_scoped3A : memref<!tpu.dma_semaphore, #tpu.memory_space<semaphore_mem>>)
      %dma_wait3A_92 = arith.constant 0 : i32
      %dma_wait3A_93 = tpu.memref_slice %arg22[%add3A_16, %dma_wait3A_92] : memref<10112x128xf32, #tpu.memory_space<vmem_shared>> -> memref<48x128xf32, #tpu.memory_space<vmem_shared>>
      %dma_wait3A_94 = arith.constant 0 : i32
      %dma_wait3A_95 = tpu.memref_slice %arg22[%add3A_16, %dma_wait3A_94] : memref<10112x128xf32, #tpu.memory_space<vmem_shared>> -> memref<48x128xf32, #tpu.memory_space<vmem_shared>>
      tpu.wait_dma2 semaphore(%run_scoped3A : memref<!tpu.dma_semaphore, #tpu.memory_space<semaphore_mem>>) src(%arg18 : memref<48x128xf32, #tpu.memory_space<vmem>>) dst(%dma_wait3A_95 : memref<48x128xf32, #tpu.memory_space<vmem_shared>>)
      tpu.yield
    }) : () -> ()
    %add3A_17 = arith.constant 48 : i32
    %add3A_18 = arith.addi %mul3A_14, %add3A_17 : i32
    "tpu.region"() ({
      %run_scoped3A = tpu.sem_alloc : memref<!tpu.dma_semaphore, #tpu.memory_space<semaphore_mem>>
      %dma_start3A_88 = arith.constant 0 : i32
      %dma_start3A_89 = tpu.memref_slice %arg22[%add3A_18, %dma_start3A_88] : memref<10112x128xf32, #tpu.memory_space<vmem_shared>> -> memref<48x128xf32, #tpu.memory_space<vmem_shared>>
      %dma_start3A_90 = arith.constant 0 : i32
      %dma_start3A_91 = tpu.memref_slice %arg22[%add3A_18, %dma_start3A_90] : memref<10112x128xf32, #tpu.memory_space<vmem_shared>> -> memref<48x128xf32, #tpu.memory_space<vmem_shared>>
      tpu.enqueue_dma source(%arg18 : memref<48x128xf32, #tpu.memory_space<vmem>>) target(%dma_start3A_91 : memref<48x128xf32, #tpu.memory_space<vmem_shared>>) target_semaphore(%run_scoped3A : memref<!tpu.dma_semaphore, #tpu.memory_space<semaphore_mem>>)
      %dma_wait3A_92 = arith.constant 0 : i32
      %dma_wait3A_93 = tpu.memref_slice %arg22[%add3A_18, %dma_wait3A_92] : memref<10112x128xf32, #tpu.memory_space<vmem_shared>> -> memref<48x128xf32, #tpu.memory_space<vmem_shared>>
      %dma_wait3A_94 = arith.constant 0 : i32
      %dma_wait3A_95 = tpu.memref_slice %arg22[%add3A_18, %dma_wait3A_94] : memref<10112x128xf32, #tpu.memory_space<vmem_shared>> -> memref<48x128xf32, #tpu.memory_space<vmem_shared>>
      tpu.wait_dma2 semaphore(%run_scoped3A : memref<!tpu.dma_semaphore, #tpu.memory_space<semaphore_mem>>) src(%arg18 : memref<48x128xf32, #tpu.memory_space<vmem>>) dst(%dma_wait3A_95 : memref<48x128xf32, #tpu.memory_space<vmem_shared>>)
      tpu.yield
    }) : () -> ()
    %add3A_19 = arith.constant 96 : i32
    %add3A_20 = arith.addi %mul3A_14, %add3A_19 : i32
    "tpu.region"() ({
      %run_scoped3A = tpu.sem_alloc : memref<!tpu.dma_semaphore, #tpu.memory_space<semaphore_mem>>
      %dma_start3A_88 = arith.constant 0 : i32
      %dma_start3A_89 = tpu.memref_slice %arg22[%add3A_20, %dma_start3A_88] : memref<10112x128xf32, #tpu.memory_space<vmem_shared>> -> memref<48x128xf32, #tpu.memory_space<vmem_shared>>
      %dma_start3A_90 = arith.constant 0 : i32
      %dma_start3A_91 = tpu.memref_slice %arg22[%add3A_20, %dma_start3A_90] : memref<10112x128xf32, #tpu.memory_space<vmem_shared>> -> memref<48x128xf32, #tpu.memory_space<vmem_shared>>
      tpu.enqueue_dma source(%arg18 : memref<48x128xf32, #tpu.memory_space<vmem>>) target(%dma_start3A_91 : memref<48x128xf32, #tpu.memory_space<vmem_shared>>) target_semaphore(%run_scoped3A : memref<!tpu.dma_semaphore, #tpu.memory_space<semaphore_mem>>)
      %dma_wait3A_92 = arith.constant 0 : i32
      %dma_wait3A_93 = tpu.memref_slice %arg22[%add3A_20, %dma_wait3A_92] : memref<10112x128xf32, #tpu.memory_space<vmem_shared>> -> memref<48x128xf32, #tpu.memory_space<vmem_shared>>
      %dma_wait3A_94 = arith.constant 0 : i32
      %dma_wait3A_95 = tpu.memref_slice %arg22[%add3A_20, %dma_wait3A_94] : memref<10112x128xf32, #tpu.memory_space<vmem_shared>> -> memref<48x128xf32, #tpu.memory_space<vmem_shared>>
      tpu.wait_dma2 semaphore(%run_scoped3A : memref<!tpu.dma_semaphore, #tpu.memory_space<semaphore_mem>>) src(%arg18 : memref<48x128xf32, #tpu.memory_space<vmem>>) dst(%dma_wait3A_95 : memref<48x128xf32, #tpu.memory_space<vmem_shared>>)
      tpu.yield
    }) : () -> ()
    %add3A_21 = arith.constant 144 : i32
    %add3A_22 = arith.addi %mul3A_14, %add3A_21 : i32
    "tpu.region"() ({
      %run_scoped3A = tpu.sem_alloc : memref<!tpu.dma_semaphore, #tpu.memory_space<semaphore_mem>>
      %dma_start3A_88 = arith.constant 0 : i32
      %dma_start3A_89 = tpu.memref_slice %arg22[%add3A_22, %dma_start3A_88] : memref<10112x128xf32, #tpu.memory_space<vmem_shared>> -> memref<48x128xf32, #tpu.memory_space<vmem_shared>>
      %dma_start3A_90 = arith.constant 0 : i32
      %dma_start3A_91 = tpu.memref_slice %arg22[%add3A_22, %dma_start3A_90] : memref<10112x128xf32, #tpu.memory_space<vmem_shared>> -> memref<48x128xf32, #tpu.memory_space<vmem_shared>>
      tpu.enqueue_dma source(%arg18 : memref<48x128xf32, #tpu.memory_space<vmem>>) target(%dma_start3A_91 : memref<48x128xf32, #tpu.memory_space<vmem_shared>>) target_semaphore(%run_scoped3A : memref<!tpu.dma_semaphore, #tpu.memory_space<semaphore_mem>>)
      %dma_wait3A_92 = arith.constant 0 : i32
      %dma_wait3A_93 = tpu.memref_slice %arg22[%add3A_22, %dma_wait3A_92] : memref<10112x128xf32, #tpu.memory_space<vmem_shared>> -> memref<48x128xf32, #tpu.memory_space<vmem_shared>>
      %dma_wait3A_94 = arith.constant 0 : i32
      %dma_wait3A_95 = tpu.memref_slice %arg22[%add3A_22, %dma_wait3A_94] : memref<10112x128xf32, #tpu.memory_space<vmem_shared>> -> memref<48x128xf32, #tpu.memory_space<vmem_shared>>
      tpu.wait_dma2 semaphore(%run_scoped3A : memref<!tpu.dma_semaphore, #tpu.memory_space<semaphore_mem>>) src(%arg18 : memref<48x128xf32, #tpu.memory_space<vmem>>) dst(%dma_wait3A_95 : memref<48x128xf32, #tpu.memory_space<vmem_shared>>)
      tpu.yield
    }) : () -> ()
    %add3A_23 = arith.constant 192 : i32
    %add3A_24 = arith.addi %mul3A_14, %add3A_23 : i32
    "tpu.region"() ({
      %run_scoped3A = tpu.sem_alloc : memref<!tpu.dma_semaphore, #tpu.memory_space<semaphore_mem>>
      %dma_start3A_88 = arith.constant 0 : i32
      %dma_start3A_89 = tpu.memref_slice %arg22[%add3A_24, %dma_start3A_88] : memref<10112x128xf32, #tpu.memory_space<vmem_shared>> -> memref<48x128xf32, #tpu.memory_space<vmem_shared>>
      %dma_start3A_90 = arith.constant 0 : i32
      %dma_start3A_91 = tpu.memref_slice %arg22[%add3A_24, %dma_start3A_90] : memref<10112x128xf32, #tpu.memory_space<vmem_shared>> -> memref<48x128xf32, #tpu.memory_space<vmem_shared>>
      tpu.enqueue_dma source(%arg18 : memref<48x128xf32, #tpu.memory_space<vmem>>) target(%dma_start3A_91 : memref<48x128xf32, #tpu.memory_space<vmem_shared>>) target_semaphore(%run_scoped3A : memref<!tpu.dma_semaphore, #tpu.memory_space<semaphore_mem>>)
      %dma_wait3A_92 = arith.constant 0 : i32
      %dma_wait3A_93 = tpu.memref_slice %arg22[%add3A_24, %dma_wait3A_92] : memref<10112x128xf32, #tpu.memory_space<vmem_shared>> -> memref<48x128xf32, #tpu.memory_space<vmem_shared>>
      %dma_wait3A_94 = arith.constant 0 : i32
      %dma_wait3A_95 = tpu.memref_slice %arg22[%add3A_24, %dma_wait3A_94] : memref<10112x128xf32, #tpu.memory_space<vmem_shared>> -> memref<48x128xf32, #tpu.memory_space<vmem_shared>>
      tpu.wait_dma2 semaphore(%run_scoped3A : memref<!tpu.dma_semaphore, #tpu.memory_space<semaphore_mem>>) src(%arg18 : memref<48x128xf32, #tpu.memory_space<vmem>>) dst(%dma_wait3A_95 : memref<48x128xf32, #tpu.memory_space<vmem_shared>>)
      tpu.yield
    }) : () -> ()
    %add3A_25 = arith.constant 240 : i32
    %add3A_26 = arith.addi %mul3A_14, %add3A_25 : i32
    "tpu.region"() ({
      %run_scoped3A = tpu.sem_alloc : memref<!tpu.dma_semaphore, #tpu.memory_space<semaphore_mem>>
      %dma_start3A_88 = arith.constant 0 : i32
      %dma_start3A_89 = tpu.memref_slice %arg22[%add3A_26, %dma_start3A_88] : memref<10112x128xf32, #tpu.memory_space<vmem_shared>> -> memref<48x128xf32, #tpu.memory_space<vmem_shared>>
      %dma_start3A_90 = arith.constant 0 : i32
      %dma_start3A_91 = tpu.memref_slice %arg22[%add3A_26, %dma_start3A_90] : memref<10112x128xf32, #tpu.memory_space<vmem_shared>> -> memref<48x128xf32, #tpu.memory_space<vmem_shared>>
      tpu.enqueue_dma source(%arg18 : memref<48x128xf32, #tpu.memory_space<vmem>>) target(%dma_start3A_91 : memref<48x128xf32, #tpu.memory_space<vmem_shared>>) target_semaphore(%run_scoped3A : memref<!tpu.dma_semaphore, #tpu.memory_space<semaphore_mem>>)
      %dma_wait3A_92 = arith.constant 0 : i32
      %dma_wait3A_93 = tpu.memref_slice %arg22[%add3A_26, %dma_wait3A_92] : memref<10112x128xf32, #tpu.memory_space<vmem_shared>> -> memref<48x128xf32, #tpu.memory_space<vmem_shared>>
      %dma_wait3A_94 = arith.constant 0 : i32
      %dma_wait3A_95 = tpu.memref_slice %arg22[%add3A_26, %dma_wait3A_94] : memref<10112x128xf32, #tpu.memory_space<vmem_shared>> -> memref<48x128xf32, #tpu.memory_space<vmem_shared>>
      tpu.wait_dma2 semaphore(%run_scoped3A : memref<!tpu.dma_semaphore, #tpu.memory_space<semaphore_mem>>) src(%arg18 : memref<48x128xf32, #tpu.memory_space<vmem>>) dst(%dma_wait3A_95 : memref<48x128xf32, #tpu.memory_space<vmem_shared>>)
      tpu.yield
    }) : () -> ()
    %add3A_27 = arith.constant 288 : i32
    %add3A_28 = arith.addi %mul3A_14, %add3A_27 : i32
    "tpu.region"() ({
      %run_scoped3A = tpu.sem_alloc : memref<!tpu.dma_semaphore, #tpu.memory_space<semaphore_mem>>
      %dma_start3A_88 = arith.constant 0 : i32
      %dma_start3A_89 = tpu.memref_slice %arg22[%add3A_28, %dma_start3A_88] : memref<10112x128xf32, #tpu.memory_space<vmem_shared>> -> memref<48x128xf32, #tpu.memory_space<vmem_shared>>
      %dma_start3A_90 = arith.constant 0 : i32
      %dma_start3A_91 = tpu.memref_slice %arg22[%add3A_28, %dma_start3A_90] : memref<10112x128xf32, #tpu.memory_space<vmem_shared>> -> memref<48x128xf32, #tpu.memory_space<vmem_shared>>
      tpu.enqueue_dma source(%arg18 : memref<48x128xf32, #tpu.memory_space<vmem>>) target(%dma_start3A_91 : memref<48x128xf32, #tpu.memory_space<vmem_shared>>) target_semaphore(%run_scoped3A : memref<!tpu.dma_semaphore, #tpu.memory_space<semaphore_mem>>)
      %dma_wait3A_92 = arith.constant 0 : i32
      %dma_wait3A_93 = tpu.memref_slice %arg22[%add3A_28, %dma_wait3A_92] : memref<10112x128xf32, #tpu.memory_space<vmem_shared>> -> memref<48x128xf32, #tpu.memory_space<vmem_shared>>
      %dma_wait3A_94 = arith.constant 0 : i32
      %dma_wait3A_95 = tpu.memref_slice %arg22[%add3A_28, %dma_wait3A_94] : memref<10112x128xf32, #tpu.memory_space<vmem_shared>> -> memref<48x128xf32, #tpu.memory_space<vmem_shared>>
      tpu.wait_dma2 semaphore(%run_scoped3A : memref<!tpu.dma_semaphore, #tpu.memory_space<semaphore_mem>>) src(%arg18 : memref<48x128xf32, #tpu.memory_space<vmem>>) dst(%dma_wait3A_95 : memref<48x128xf32, #tpu.memory_space<vmem_shared>>)
      tpu.yield
    }) : () -> ()
    %add3A_29 = arith.constant 336 : i32
    %add3A_30 = arith.addi %mul3A_14, %add3A_29 : i32
    "tpu.region"() ({
      %run_scoped3A = tpu.sem_alloc : memref<!tpu.dma_semaphore, #tpu.memory_space<semaphore_mem>>
      %dma_start3A_88 = arith.constant 0 : i32
      %dma_start3A_89 = tpu.memref_slice %arg22[%add3A_30, %dma_start3A_88] : memref<10112x128xf32, #tpu.memory_space<vmem_shared>> -> memref<48x128xf32, #tpu.memory_space<vmem_shared>>
      %dma_start3A_90 = arith.constant 0 : i32
      %dma_start3A_91 = tpu.memref_slice %arg22[%add3A_30, %dma_start3A_90] : memref<10112x128xf32, #tpu.memory_space<vmem_shared>> -> memref<48x128xf32, #tpu.memory_space<vmem_shared>>
      tpu.enqueue_dma source(%arg18 : memref<48x128xf32, #tpu.memory_space<vmem>>) target(%dma_start3A_91 : memref<48x128xf32, #tpu.memory_space<vmem_shared>>) target_semaphore(%run_scoped3A : memref<!tpu.dma_semaphore, #tpu.memory_space<semaphore_mem>>)
      %dma_wait3A_92 = arith.constant 0 : i32
      %dma_wait3A_93 = tpu.memref_slice %arg22[%add3A_30, %dma_wait3A_92] : memref<10112x128xf32, #tpu.memory_space<vmem_shared>> -> memref<48x128xf32, #tpu.memory_space<vmem_shared>>
      %dma_wait3A_94 = arith.constant 0 : i32
      %dma_wait3A_95 = tpu.memref_slice %arg22[%add3A_30, %dma_wait3A_94] : memref<10112x128xf32, #tpu.memory_space<vmem_shared>> -> memref<48x128xf32, #tpu.memory_space<vmem_shared>>
      tpu.wait_dma2 semaphore(%run_scoped3A : memref<!tpu.dma_semaphore, #tpu.memory_space<semaphore_mem>>) src(%arg18 : memref<48x128xf32, #tpu.memory_space<vmem>>) dst(%dma_wait3A_95 : memref<48x128xf32, #tpu.memory_space<vmem_shared>>)
      tpu.yield
    }) : () -> ()
    %add3A_31 = arith.constant 384 : i32
    %add3A_32 = arith.addi %mul3A_14, %add3A_31 : i32
    "tpu.region"() ({
      %run_scoped3A = tpu.sem_alloc : memref<!tpu.dma_semaphore, #tpu.memory_space<semaphore_mem>>
      %dma_start3A_88 = arith.constant 0 : i32
      %dma_start3A_89 = tpu.memref_slice %arg22[%add3A_32, %dma_start3A_88] : memref<10112x128xf32, #tpu.memory_space<vmem_shared>> -> memref<48x128xf32, #tpu.memory_space<vmem_shared>>
      %dma_start3A_90 = arith.constant 0 : i32
      %dma_start3A_91 = tpu.memref_slice %arg22[%add3A_32, %dma_start3A_90] : memref<10112x128xf32, #tpu.memory_space<vmem_shared>> -> memref<48x128xf32, #tpu.memory_space<vmem_shared>>
      tpu.enqueue_dma source(%arg18 : memref<48x128xf32, #tpu.memory_space<vmem>>) target(%dma_start3A_91 : memref<48x128xf32, #tpu.memory_space<vmem_shared>>) target_semaphore(%run_scoped3A : memref<!tpu.dma_semaphore, #tpu.memory_space<semaphore_mem>>)
      %dma_wait3A_92 = arith.constant 0 : i32
      %dma_wait3A_93 = tpu.memref_slice %arg22[%add3A_32, %dma_wait3A_92] : memref<10112x128xf32, #tpu.memory_space<vmem_shared>> -> memref<48x128xf32, #tpu.memory_space<vmem_shared>>
      %dma_wait3A_94 = arith.constant 0 : i32
      %dma_wait3A_95 = tpu.memref_slice %arg22[%add3A_32, %dma_wait3A_94] : memref<10112x128xf32, #tpu.memory_space<vmem_shared>> -> memref<48x128xf32, #tpu.memory_space<vmem_shared>>
      tpu.wait_dma2 semaphore(%run_scoped3A : memref<!tpu.dma_semaphore, #tpu.memory_space<semaphore_mem>>) src(%arg18 : memref<48x128xf32, #tpu.memory_space<vmem>>) dst(%dma_wait3A_95 : memref<48x128xf32, #tpu.memory_space<vmem_shared>>)
      tpu.yield
    }) : () -> ()
    %add3A_33 = arith.constant 432 : i32
    %add3A_34 = arith.addi %mul3A_14, %add3A_33 : i32
    "tpu.region"() ({
      %run_scoped3A = tpu.sem_alloc : memref<!tpu.dma_semaphore, #tpu.memory_space<semaphore_mem>>
      %dma_start3A_88 = arith.constant 0 : i32
      %dma_start3A_89 = tpu.memref_slice %arg22[%add3A_34, %dma_start3A_88] : memref<10112x128xf32, #tpu.memory_space<vmem_shared>> -> memref<48x128xf32, #tpu.memory_space<vmem_shared>>
      %dma_start3A_90 = arith.constant 0 : i32
      %dma_start3A_91 = tpu.memref_slice %arg22[%add3A_34, %dma_start3A_90] : memref<10112x128xf32, #tpu.memory_space<vmem_shared>> -> memref<48x128xf32, #tpu.memory_space<vmem_shared>>
      tpu.enqueue_dma source(%arg18 : memref<48x128xf32, #tpu.memory_space<vmem>>) target(%dma_start3A_91 : memref<48x128xf32, #tpu.memory_space<vmem_shared>>) target_semaphore(%run_scoped3A : memref<!tpu.dma_semaphore, #tpu.memory_space<semaphore_mem>>)
      %dma_wait3A_92 = arith.constant 0 : i32
      %dma_wait3A_93 = tpu.memref_slice %arg22[%add3A_34, %dma_wait3A_92] : memref<10112x128xf32, #tpu.memory_space<vmem_shared>> -> memref<48x128xf32, #tpu.memory_space<vmem_shared>>
      %dma_wait3A_94 = arith.constant 0 : i32
      %dma_wait3A_95 = tpu.memref_slice %arg22[%add3A_34, %dma_wait3A_94] : memref<10112x128xf32, #tpu.memory_space<vmem_shared>> -> memref<48x128xf32, #tpu.memory_space<vmem_shared>>
      tpu.wait_dma2 semaphore(%run_scoped3A : memref<!tpu.dma_semaphore, #tpu.memory_space<semaphore_mem>>) src(%arg18 : memref<48x128xf32, #tpu.memory_space<vmem>>) dst(%dma_wait3A_95 : memref<48x128xf32, #tpu.memory_space<vmem_shared>>)
      tpu.yield
    }) : () -> ()
    %add3A_35 = arith.constant 480 : i32
    %add3A_36 = arith.addi %mul3A_14, %add3A_35 : i32
    "tpu.region"() ({
      %run_scoped3A = tpu.sem_alloc : memref<!tpu.dma_semaphore, #tpu.memory_space<semaphore_mem>>
      %dma_start3A_88 = arith.constant 0 : i32
      %dma_start3A_89 = tpu.memref_slice %arg22[%add3A_36, %dma_start3A_88] : memref<10112x128xf32, #tpu.memory_space<vmem_shared>> -> memref<48x128xf32, #tpu.memory_space<vmem_shared>>
      %dma_start3A_90 = arith.constant 0 : i32
      %dma_start3A_91 = tpu.memref_slice %arg22[%add3A_36, %dma_start3A_90] : memref<10112x128xf32, #tpu.memory_space<vmem_shared>> -> memref<48x128xf32, #tpu.memory_space<vmem_shared>>
      tpu.enqueue_dma source(%arg18 : memref<48x128xf32, #tpu.memory_space<vmem>>) target(%dma_start3A_91 : memref<48x128xf32, #tpu.memory_space<vmem_shared>>) target_semaphore(%run_scoped3A : memref<!tpu.dma_semaphore, #tpu.memory_space<semaphore_mem>>)
      %dma_wait3A_92 = arith.constant 0 : i32
      %dma_wait3A_93 = tpu.memref_slice %arg22[%add3A_36, %dma_wait3A_92] : memref<10112x128xf32, #tpu.memory_space<vmem_shared>> -> memref<48x128xf32, #tpu.memory_space<vmem_shared>>
      %dma_wait3A_94 = arith.constant 0 : i32
      %dma_wait3A_95 = tpu.memref_slice %arg22[%add3A_36, %dma_wait3A_94] : memref<10112x128xf32, #tpu.memory_space<vmem_shared>> -> memref<48x128xf32, #tpu.memory_space<vmem_shared>>
      tpu.wait_dma2 semaphore(%run_scoped3A : memref<!tpu.dma_semaphore, #tpu.memory_space<semaphore_mem>>) src(%arg18 : memref<48x128xf32, #tpu.memory_space<vmem>>) dst(%dma_wait3A_95 : memref<48x128xf32, #tpu.memory_space<vmem_shared>>)
      tpu.yield
    }) : () -> ()
    %add3A_37 = arith.constant 528 : i32
    %add3A_38 = arith.addi %mul3A_14, %add3A_37 : i32
    "tpu.region"() ({
      %run_scoped3A = tpu.sem_alloc : memref<!tpu.dma_semaphore, #tpu.memory_space<semaphore_mem>>
      %dma_start3A_88 = arith.constant 0 : i32
      %dma_start3A_89 = tpu.memref_slice %arg22[%add3A_38, %dma_start3A_88] : memref<10112x128xf32, #tpu.memory_space<vmem_shared>> -> memref<48x128xf32, #tpu.memory_space<vmem_shared>>
      %dma_start3A_90 = arith.constant 0 : i32
      %dma_start3A_91 = tpu.memref_slice %arg22[%add3A_38, %dma_start3A_90] : memref<10112x128xf32, #tpu.memory_space<vmem_shared>> -> memref<48x128xf32, #tpu.memory_space<vmem_shared>>
      tpu.enqueue_dma source(%arg18 : memref<48x128xf32, #tpu.memory_space<vmem>>) target(%dma_start3A_91 : memref<48x128xf32, #tpu.memory_space<vmem_shared>>) target_semaphore(%run_scoped3A : memref<!tpu.dma_semaphore, #tpu.memory_space<semaphore_mem>>)
      %dma_wait3A_92 = arith.constant 0 : i32
      %dma_wait3A_93 = tpu.memref_slice %arg22[%add3A_38, %dma_wait3A_92] : memref<10112x128xf32, #tpu.memory_space<vmem_shared>> -> memref<48x128xf32, #tpu.memory_space<vmem_shared>>
      %dma_wait3A_94 = arith.constant 0 : i32
      %dma_wait3A_95 = tpu.memref_slice %arg22[%add3A_38, %dma_wait3A_94] : memref<10112x128xf32, #tpu.memory_space<vmem_shared>> -> memref<48x128xf32, #tpu.memory_space<vmem_shared>>
      tpu.wait_dma2 semaphore(%run_scoped3A : memref<!tpu.dma_semaphore, #tpu.memory_space<semaphore_mem>>) src(%arg18 : memref<48x128xf32, #tpu.memory_space<vmem>>) dst(%dma_wait3A_95 : memref<48x128xf32, #tpu.memory_space<vmem_shared>>)
      tpu.yield
    }) : () -> ()
    %add3A_39 = arith.constant 576 : i32
    %add3A_40 = arith.addi %mul3A_14, %add3A_39 : i32
    "tpu.region"() ({
      %run_scoped3A = tpu.sem_alloc : memref<!tpu.dma_semaphore, #tpu.memory_space<semaphore_mem>>
      %dma_start3A_88 = arith.constant 0 : i32
      %dma_start3A_89 = tpu.memref_slice %arg22[%add3A_40, %dma_start3A_88] : memref<10112x128xf32, #tpu.memory_space<vmem_shared>> -> memref<48x128xf32, #tpu.memory_space<vmem_shared>>
      %dma_start3A_90 = arith.constant 0 : i32
      %dma_start3A_91 = tpu.memref_slice %arg22[%add3A_40, %dma_start3A_90] : memref<10112x128xf32, #tpu.memory_space<vmem_shared>> -> memref<48x128xf32, #tpu.memory_space<vmem_shared>>
      tpu.enqueue_dma source(%arg18 : memref<48x128xf32, #tpu.memory_space<vmem>>) target(%dma_start3A_91 : memref<48x128xf32, #tpu.memory_space<vmem_shared>>) target_semaphore(%run_scoped3A : memref<!tpu.dma_semaphore, #tpu.memory_space<semaphore_mem>>)
      %dma_wait3A_92 = arith.constant 0 : i32
      %dma_wait3A_93 = tpu.memref_slice %arg22[%add3A_40, %dma_wait3A_92] : memref<10112x128xf32, #tpu.memory_space<vmem_shared>> -> memref<48x128xf32, #tpu.memory_space<vmem_shared>>
      %dma_wait3A_94 = arith.constant 0 : i32
      %dma_wait3A_95 = tpu.memref_slice %arg22[%add3A_40, %dma_wait3A_94] : memref<10112x128xf32, #tpu.memory_space<vmem_shared>> -> memref<48x128xf32, #tpu.memory_space<vmem_shared>>
      tpu.wait_dma2 semaphore(%run_scoped3A : memref<!tpu.dma_semaphore, #tpu.memory_space<semaphore_mem>>) src(%arg18 : memref<48x128xf32, #tpu.memory_space<vmem>>) dst(%dma_wait3A_95 : memref<48x128xf32, #tpu.memory_space<vmem_shared>>)
      tpu.yield
    }) : () -> ()
    %add3A_41 = arith.constant 624 : i32
    %add3A_42 = arith.addi %mul3A_14, %add3A_41 : i32
    "tpu.region"() ({
      %run_scoped3A = tpu.sem_alloc : memref<!tpu.dma_semaphore, #tpu.memory_space<semaphore_mem>>
      %dma_start3A_88 = arith.constant 0 : i32
      %dma_start3A_89 = arith.constant 0 : i32
      %dma_start3A_90 = tpu.memref_slice %arg18[%dma_start3A_88, %dma_start3A_89] : memref<48x128xf32, #tpu.memory_space<vmem>> -> memref<8x128xf32, #tpu.memory_space<vmem>>
      %dma_start3A_91 = arith.constant 0 : i32
      %dma_start3A_92 = tpu.memref_slice %arg22[%add3A_42, %dma_start3A_91] : memref<10112x128xf32, #tpu.memory_space<vmem_shared>> -> memref<8x128xf32, #tpu.memory_space<vmem_shared>>
      %dma_start3A_93 = arith.constant 0 : i32
      %dma_start3A_94 = tpu.memref_slice %arg22[%add3A_42, %dma_start3A_93] : memref<10112x128xf32, #tpu.memory_space<vmem_shared>> -> memref<8x128xf32, #tpu.memory_space<vmem_shared>>
      %dma_start3A_95 = arith.constant 0 : i32
      %dma_start3A_96 = arith.constant 0 : i32
      %dma_start3A_97 = tpu.memref_slice %arg18[%dma_start3A_95, %dma_start3A_96] : memref<48x128xf32, #tpu.memory_space<vmem>> -> memref<8x128xf32, #tpu.memory_space<vmem>>
      tpu.enqueue_dma source(%dma_start3A_97 : memref<8x128xf32, #tpu.memory_space<vmem>>) target(%dma_start3A_94 : memref<8x128xf32, #tpu.memory_space<vmem_shared>>) target_semaphore(%run_scoped3A : memref<!tpu.dma_semaphore, #tpu.memory_space<semaphore_mem>>)
      %dma_wait3A_98 = arith.constant 0 : i32
      %dma_wait3A_99 = arith.constant 0 : i32
      %dma_wait3A_100 = tpu.memref_slice %arg18[%dma_wait3A_98, %dma_wait3A_99] : memref<48x128xf32, #tpu.memory_space<vmem>> -> memref<8x128xf32, #tpu.memory_space<vmem>>
      %dma_wait3A_101 = arith.constant 0 : i32
      %dma_wait3A_102 = tpu.memref_slice %arg22[%add3A_42, %dma_wait3A_101] : memref<10112x128xf32, #tpu.memory_space<vmem_shared>> -> memref<8x128xf32, #tpu.memory_space<vmem_shared>>
      %dma_wait3A_103 = arith.constant 0 : i32
      %dma_wait3A_104 = tpu.memref_slice %arg22[%add3A_42, %dma_wait3A_103] : memref<10112x128xf32, #tpu.memory_space<vmem_shared>> -> memref<8x128xf32, #tpu.memory_space<vmem_shared>>
      %dma_wait3A_105 = arith.constant 0 : i32
      %dma_wait3A_106 = arith.constant 0 : i32
      %dma_wait3A_107 = tpu.memref_slice %arg18[%dma_wait3A_105, %dma_wait3A_106] : memref<48x128xf32, #tpu.memory_space<vmem>> -> memref<8x128xf32, #tpu.memory_space<vmem>>
      tpu.wait_dma2 semaphore(%run_scoped3A : memref<!tpu.dma_semaphore, #tpu.memory_space<semaphore_mem>>) src(%dma_wait3A_107 : memref<8x128xf32, #tpu.memory_space<vmem>>) dst(%dma_wait3A_104 : memref<8x128xf32, #tpu.memory_space<vmem_shared>>)
      tpu.yield
    }) : () -> ()
    %barrier3A = arith.constant 0 : index
    tpu.barrier barrier_id(%barrier3A)
    %add3A_43 = arith.constant 0 : i32
    %add3A_44 = arith.addi %add3A_43, %add3A : i32
    %mul3A_45 = arith.constant 48 : i32
    %mul3A_46 = arith.muli %add3A_44, %mul3A_45 : i32
    "tpu.region"() ({
      %run_scoped3A = tpu.sem_alloc : memref<!tpu.dma_semaphore, #tpu.memory_space<semaphore_mem>>
      %dma_start3A_88 = tpu.memref_slice %arg2[%mul3A_46] : memref<331776xi32, #tpu.memory_space<hbm>> -> memref<48xi32, #tpu.memory_space<hbm>>
      %dma_start3A_89 = tpu.memref_slice %arg2[%mul3A_46] : memref<331776xi32, #tpu.memory_space<hbm>> -> memref<48xi32, #tpu.memory_space<hbm>>
      tpu.enqueue_dma source(%dma_start3A_89 : memref<48xi32, #tpu.memory_space<hbm>>) target(%arg8 : memref<48xi32, #tpu.memory_space<vmem>>) target_semaphore(%run_scoped3A : memref<!tpu.dma_semaphore, #tpu.memory_space<semaphore_mem>>)
      %dma_wait3A_90 = tpu.memref_slice %arg2[%mul3A_46] : memref<331776xi32, #tpu.memory_space<hbm>> -> memref<48xi32, #tpu.memory_space<hbm>>
      %dma_wait3A_91 = tpu.memref_slice %arg2[%mul3A_46] : memref<331776xi32, #tpu.memory_space<hbm>> -> memref<48xi32, #tpu.memory_space<hbm>>
      tpu.wait_dma2 semaphore(%run_scoped3A : memref<!tpu.dma_semaphore, #tpu.memory_space<semaphore_mem>>) src(%dma_wait3A_91 : memref<48xi32, #tpu.memory_space<hbm>>) dst(%arg8 : memref<48xi32, #tpu.memory_space<vmem>>)
      tpu.yield
    }) : () -> ()
    %add3A_47 = arith.constant 0 : i32
    %add3A_48 = arith.addi %add3A_47, %add3A : i32
    %mul3A_49 = arith.constant 48 : i32
    %mul3A_50 = arith.muli %add3A_48, %mul3A_49 : i32
    "tpu.region"() ({
      %run_scoped3A = tpu.sem_alloc : memref<!tpu.dma_semaphore, #tpu.memory_space<semaphore_mem>>
      %dma_start3A_88 = tpu.memref_slice %arg3[%mul3A_50] : memref<331776xi32, #tpu.memory_space<hbm>> -> memref<48xi32, #tpu.memory_space<hbm>>
      %dma_start3A_89 = tpu.memref_slice %arg3[%mul3A_50] : memref<331776xi32, #tpu.memory_space<hbm>> -> memref<48xi32, #tpu.memory_space<hbm>>
      tpu.enqueue_dma source(%dma_start3A_89 : memref<48xi32, #tpu.memory_space<hbm>>) target(%arg9 : memref<48xi32, #tpu.memory_space<vmem>>) target_semaphore(%run_scoped3A : memref<!tpu.dma_semaphore, #tpu.memory_space<semaphore_mem>>)
      %dma_wait3A_90 = tpu.memref_slice %arg3[%mul3A_50] : memref<331776xi32, #tpu.memory_space<hbm>> -> memref<48xi32, #tpu.memory_space<hbm>>
      %dma_wait3A_91 = tpu.memref_slice %arg3[%mul3A_50] : memref<331776xi32, #tpu.memory_space<hbm>> -> memref<48xi32, #tpu.memory_space<hbm>>
      tpu.wait_dma2 semaphore(%run_scoped3A : memref<!tpu.dma_semaphore, #tpu.memory_space<semaphore_mem>>) src(%dma_wait3A_91 : memref<48xi32, #tpu.memory_space<hbm>>) dst(%arg9 : memref<48xi32, #tpu.memory_space<vmem>>)
      tpu.yield
    }) : () -> ()
    %add3A_51 = arith.constant 32 : i32
    %add3A_52 = arith.addi %add3A_51, %add3A : i32
    %mul3A_53 = arith.constant 48 : i32
    %mul3A_54 = arith.muli %add3A_52, %mul3A_53 : i32
    "tpu.region"() ({
      %run_scoped3A = tpu.sem_alloc : memref<!tpu.dma_semaphore, #tpu.memory_space<semaphore_mem>>
      %dma_start3A_88 = tpu.memref_slice %arg2[%mul3A_54] : memref<331776xi32, #tpu.memory_space<hbm>> -> memref<48xi32, #tpu.memory_space<hbm>>
      %dma_start3A_89 = tpu.memref_slice %arg2[%mul3A_54] : memref<331776xi32, #tpu.memory_space<hbm>> -> memref<48xi32, #tpu.memory_space<hbm>>
      tpu.enqueue_dma source(%dma_start3A_89 : memref<48xi32, #tpu.memory_space<hbm>>) target(%arg10 : memref<48xi32, #tpu.memory_space<vmem>>) target_semaphore(%run_scoped3A : memref<!tpu.dma_semaphore, #tpu.memory_space<semaphore_mem>>)
      %dma_wait3A_90 = tpu.memref_slice %arg2[%mul3A_54] : memref<331776xi32, #tpu.memory_space<hbm>> -> memref<48xi32, #tpu.memory_space<hbm>>
      %dma_wait3A_91 = tpu.memref_slice %arg2[%mul3A_54] : memref<331776xi32, #tpu.memory_space<hbm>> -> memref<48xi32, #tpu.memory_space<hbm>>
      tpu.wait_dma2 semaphore(%run_scoped3A : memref<!tpu.dma_semaphore, #tpu.memory_space<semaphore_mem>>) src(%dma_wait3A_91 : memref<48xi32, #tpu.memory_space<hbm>>) dst(%arg10 : memref<48xi32, #tpu.memory_space<vmem>>)
      tpu.yield
    }) : () -> ()
    %add3A_55 = arith.constant 32 : i32
    %add3A_56 = arith.addi %add3A_55, %add3A : i32
    %mul3A_57 = arith.constant 48 : i32
    %mul3A_58 = arith.muli %add3A_56, %mul3A_57 : i32
    "tpu.region"() ({
      %run_scoped3A = tpu.sem_alloc : memref<!tpu.dma_semaphore, #tpu.memory_space<semaphore_mem>>
      %dma_start3A_88 = tpu.memref_slice %arg3[%mul3A_58] : memref<331776xi32, #tpu.memory_space<hbm>> -> memref<48xi32, #tpu.memory_space<hbm>>
      %dma_start3A_89 = tpu.memref_slice %arg3[%mul3A_58] : memref<331776xi32, #tpu.memory_space<hbm>> -> memref<48xi32, #tpu.memory_space<hbm>>
      tpu.enqueue_dma source(%dma_start3A_89 : memref<48xi32, #tpu.memory_space<hbm>>) target(%arg11 : memref<48xi32, #tpu.memory_space<vmem>>) target_semaphore(%run_scoped3A : memref<!tpu.dma_semaphore, #tpu.memory_space<semaphore_mem>>)
      %dma_wait3A_90 = tpu.memref_slice %arg3[%mul3A_58] : memref<331776xi32, #tpu.memory_space<hbm>> -> memref<48xi32, #tpu.memory_space<hbm>>
      %dma_wait3A_91 = tpu.memref_slice %arg3[%mul3A_58] : memref<331776xi32, #tpu.memory_space<hbm>> -> memref<48xi32, #tpu.memory_space<hbm>>
      tpu.wait_dma2 semaphore(%run_scoped3A : memref<!tpu.dma_semaphore, #tpu.memory_space<semaphore_mem>>) src(%dma_wait3A_91 : memref<48xi32, #tpu.memory_space<hbm>>) dst(%arg11 : memref<48xi32, #tpu.memory_space<vmem>>)
      tpu.yield
    }) : () -> ()
    %add3A_59 = arith.constant 64 : i32
    %add3A_60 = arith.addi %add3A_59, %add3A : i32
    %mul3A_61 = arith.constant 48 : i32
    %mul3A_62 = arith.muli %add3A_60, %mul3A_61 : i32
    "tpu.region"() ({
      %run_scoped3A = tpu.sem_alloc : memref<!tpu.dma_semaphore, #tpu.memory_space<semaphore_mem>>
      %dma_start3A_88 = tpu.memref_slice %arg2[%mul3A_62] : memref<331776xi32, #tpu.memory_space<hbm>> -> memref<48xi32, #tpu.memory_space<hbm>>
      %dma_start3A_89 = tpu.memref_slice %arg2[%mul3A_62] : memref<331776xi32, #tpu.memory_space<hbm>> -> memref<48xi32, #tpu.memory_space<hbm>>
      tpu.enqueue_dma source(%dma_start3A_89 : memref<48xi32, #tpu.memory_space<hbm>>) target(%arg12 : memref<48xi32, #tpu.memory_space<vmem>>) target_semaphore(%run_scoped3A : memref<!tpu.dma_semaphore, #tpu.memory_space<semaphore_mem>>)
      %dma_wait3A_90 = tpu.memref_slice %arg2[%mul3A_62] : memref<331776xi32, #tpu.memory_space<hbm>> -> memref<48xi32, #tpu.memory_space<hbm>>
      %dma_wait3A_91 = tpu.memref_slice %arg2[%mul3A_62] : memref<331776xi32, #tpu.memory_space<hbm>> -> memref<48xi32, #tpu.memory_space<hbm>>
      tpu.wait_dma2 semaphore(%run_scoped3A : memref<!tpu.dma_semaphore, #tpu.memory_space<semaphore_mem>>) src(%dma_wait3A_91 : memref<48xi32, #tpu.memory_space<hbm>>) dst(%arg12 : memref<48xi32, #tpu.memory_space<vmem>>)
      tpu.yield
    }) : () -> ()
    %add3A_63 = arith.constant 64 : i32
    %add3A_64 = arith.addi %add3A_63, %add3A : i32
    %mul3A_65 = arith.constant 48 : i32
    %mul3A_66 = arith.muli %add3A_64, %mul3A_65 : i32
    "tpu.region"() ({
      %run_scoped3A = tpu.sem_alloc : memref<!tpu.dma_semaphore, #tpu.memory_space<semaphore_mem>>
      %dma_start3A_88 = tpu.memref_slice %arg3[%mul3A_66] : memref<331776xi32, #tpu.memory_space<hbm>> -> memref<48xi32, #tpu.memory_space<hbm>>
      %dma_start3A_89 = tpu.memref_slice %arg3[%mul3A_66] : memref<331776xi32, #tpu.memory_space<hbm>> -> memref<48xi32, #tpu.memory_space<hbm>>
      tpu.enqueue_dma source(%dma_start3A_89 : memref<48xi32, #tpu.memory_space<hbm>>) target(%arg13 : memref<48xi32, #tpu.memory_space<vmem>>) target_semaphore(%run_scoped3A : memref<!tpu.dma_semaphore, #tpu.memory_space<semaphore_mem>>)
      %dma_wait3A_90 = tpu.memref_slice %arg3[%mul3A_66] : memref<331776xi32, #tpu.memory_space<hbm>> -> memref<48xi32, #tpu.memory_space<hbm>>
      %dma_wait3A_91 = tpu.memref_slice %arg3[%mul3A_66] : memref<331776xi32, #tpu.memory_space<hbm>> -> memref<48xi32, #tpu.memory_space<hbm>>
      tpu.wait_dma2 semaphore(%run_scoped3A : memref<!tpu.dma_semaphore, #tpu.memory_space<semaphore_mem>>) src(%dma_wait3A_91 : memref<48xi32, #tpu.memory_space<hbm>>) dst(%arg13 : memref<48xi32, #tpu.memory_space<vmem>>)
      tpu.yield
    }) : () -> ()
    %dma_start3A = arith.constant 0 : i32
    %dma_start3A_67 = arith.constant 0 : i32
    %dma_start3A_68 = tpu.memref_slice %arg5[%dma_start3A, %dma_start3A_67] : memref<10112x128xf32, #tpu.memory_space<hbm>> -> memref<10112x128xf32, #tpu.memory_space<hbm>>
    tpu.enqueue_indirect_dma source(%dma_start3A_68 : memref<10112x128xf32, #tpu.memory_space<hbm>>) target(%arg18 : memref<48x128xf32, #tpu.memory_space<vmem>>) offsets(%arg8 : memref<48xi32, #tpu.memory_space<vmem>>) semaphore(%arg23 : memref<!tpu.dma_semaphore, #tpu.memory_space<semaphore_mem>>)
    %dma_start3A_69 = arith.constant 0 : i32
    %dma_start3A_70 = arith.constant 0 : i32
    %dma_start3A_71 = tpu.memref_slice %arg5[%dma_start3A_69, %dma_start3A_70] : memref<10112x128xf32, #tpu.memory_space<hbm>> -> memref<10112x128xf32, #tpu.memory_space<hbm>>
    tpu.enqueue_indirect_dma source(%dma_start3A_71 : memref<10112x128xf32, #tpu.memory_space<hbm>>) target(%arg19 : memref<48x128xf32, #tpu.memory_space<vmem>>) offsets(%arg10 : memref<48xi32, #tpu.memory_space<vmem>>) semaphore(%arg24 : memref<!tpu.dma_semaphore, #tpu.memory_space<semaphore_mem>>)
    %scan3A_72 = arith.constant 0 : i32
    %scan3A_73 = arith.constant 72 : i32
    %scan3A_74 = arith.addi %scan3A_72, %scan3A_73 : i32
    %scan3A_75 = arith.constant 1 : i32
    scf.for %scan3A_88 = %scan3A_72 to %scan3A_74 step %scan3A_75  : i32 {
      %mul3A_89 = arith.constant 3 : i32
      %mul3A_90 = arith.muli %scan3A_88, %mul3A_89 : i32
      %add3A_91 = arith.constant 0 : i32
      %add3A_92 = arith.addi %add3A_91, %mul3A_90 : i32
      %add3A_93 = arith.constant 0 : i32
      %add3A_94 = arith.addi %add3A_92, %add3A_93 : i32
      %dma_wait3A_95 = arith.constant 0 : i32
      %dma_wait3A_96 = arith.constant 0 : i32
      %dma_wait3A_97 = tpu.memref_slice %arg5[%dma_wait3A_95, %dma_wait3A_96] : memref<10112x128xf32, #tpu.memory_space<hbm>> -> memref<10112x128xf32, #tpu.memory_space<hbm>>
      tpu.wait_indirect_dma semaphore(%arg23 : memref<!tpu.dma_semaphore, #tpu.memory_space<semaphore_mem>>) src(%dma_wait3A_97 : memref<10112x128xf32, #tpu.memory_space<hbm>>) dst(%arg18 : memref<48x128xf32, #tpu.memory_space<vmem>>)
      %scan3A_98 = arith.constant 0 : i32
      %scan3A_99 = arith.constant 3 : i32
      %scan3A_100 = arith.addi %scan3A_98, %scan3A_99 : i32
      %scan3A_101 = arith.constant 1 : i32
      scf.for %scan3A_205 = %scan3A_98 to %scan3A_100 step %scan3A_101  : i32 {
        %mul3A_206 = arith.constant 1 : i32
        %mul3A_207 = arith.muli %scan3A_205, %mul3A_206 : i32
        %add3A_208 = arith.constant 0 : i32
        %add3A_209 = arith.addi %add3A_208, %mul3A_207 : i32
        %mul3A_210 = arith.constant 16 : i32
        %mul3A_211 = arith.muli %add3A_209, %mul3A_210 : i32
        %get3A_212 = arith.index_cast %mul3A_211 : i32 to index
        %get3A_213 = tpu.vector_load %arg8[%get3A_212] {strides = array<i32>} : memref<48xi32, #tpu.memory_space<vmem>>, vector<16xi32>,
        %mul3A_214 = arith.constant 16 : i32
        %mul3A_215 = arith.muli %add3A_209, %mul3A_214 : i32
        %get3A_216 = arith.index_cast %mul3A_215 : i32 to index
        %get3A_217 = tpu.vector_load %arg9[%get3A_216] {strides = array<i32>} : memref<48xi32, #tpu.memory_space<vmem>>, vector<16xi32>,
        %mul3A_218 = arith.constant 2 : i32
        %mul3A_219 = vector.broadcast %mul3A_218 : i32 to vector<16xi32>
        %mul3A_220 = arith.muli %get3A_213, %mul3A_219 : vector<16xi32>
        %gather3A = tpu.vector_load_idx %arg17[%mul3A_220] : memref<20224xf32, #tpu.memory_space<vmem>>[vector<16xi32>], vector<16xf32>,
        %mul3A_221 = arith.constant 2 : i32
        %mul3A_222 = vector.broadcast %mul3A_221 : i32 to vector<16xi32>
        %mul3A_223 = arith.muli %get3A_217, %mul3A_222 : vector<16xi32>
        %add3A_224 = arith.constant 1 : i32
        %add3A_225 = vector.broadcast %add3A_224 : i32 to vector<16xi32>
        %add3A_226 = arith.addi %mul3A_223, %add3A_225 : vector<16xi32>
        %gather3A_227 = tpu.vector_load_idx %arg17[%add3A_226] : memref<20224xf32, #tpu.memory_space<vmem>>[vector<16xi32>], vector<16xf32>,
        %add3A_228 = arith.addf %gather3A, %gather3A_227 : vector<16xf32>
        %mul3A_229 = arith.constant 2.000000e-01 : f32
        %mul3A_230 = vector.broadcast %mul3A_229 : f32 to vector<16xf32>
        %mul3A_231 = arith.mulf %mul3A_230, %add3A_228 : vector<16xf32>
        %max3A = arith.maximumf %add3A_228, %mul3A_231 : vector<16xf32>
        %exp3A = math.exp %max3A : vector<16xf32>
        %scan3A_232 = arith.constant 0 : i32
        %scan3A_233 = arith.constant 16 : i32
        %scan3A_234 = arith.addi %scan3A_232, %scan3A_233 : i32
        %scan3A_235 = arith.constant 1 : i32
        scf.for %scan3A_239 = %scan3A_232 to %scan3A_234 step %scan3A_235  : i32 {
          %mul3A_240 = arith.constant 1 : i32
          %mul3A_241 = arith.muli %scan3A_239, %mul3A_240 : i32
          %add3A_242 = arith.constant 0 : i32
          %add3A_243 = arith.addi %add3A_242, %mul3A_241 : i32
          %eq3A = vector.broadcast %add3A_243 : i32 to vector<16xi32>
          %eq3A_244 = arith.cmpi eq, %iota3A, %eq3A : vector<16xi32>
          tpu.vector_store_idx %arg21[%get3A_217], %exp3A masked %eq3A_244 {add = true} : memref<10112xf32, #tpu.memory_space<vmem>>[vector<16xi32>], vector<16xf32>, vector<16xi1>
        }
        %scan3A_236 = arith.constant 16 : i32
        %parallel_loop3A = arith.constant 0 : i32
        %parallel_loop3A_237 = arith.constant 16 : i32
        %parallel_loop3A_238 = arith.constant 1 : i32
        scf.for %parallel_loop3A_239 = %parallel_loop3A to %parallel_loop3A_237 step %parallel_loop3A_238  : i32 {
          %parallel_loop3A_240 = arith.constant 16 : i32
          %parallel_loop3A_241 = arith.muli %add3A_209, %parallel_loop3A_240 : i32
          %parallel_loop3A_242 = arith.addi %parallel_loop3A_241, %parallel_loop3A_239 : i32
          %parallel_loop3A_243 = vector.broadcast %parallel_loop3A_239 : i32 to vector<16xi32>
          %parallel_loop3A_244 = vector.shape_cast %parallel_loop3A_243 : vector<16xi32> to vector<16x1xi32>
          %parallel_loop3A_245 = vector.shape_cast %parallel_loop3A_244 : vector<16x1xi32> to vector<16xi32>
          %parallel_loop3A_246 = tpu.dynamic_gather %exp3A[%parallel_loop3A_245] in [0] : vector<16xf32>, vector<16xi32> -> vector<16xf32>
          %parallel_loop3A_247 = arith.index_cast %parallel_loop3A_242 : i32 to index
          %parallel_loop3A_248 = arith.constant 0 : index
          %parallel_loop3A_249 = tpu.vector_load %arg18[%parallel_loop3A_247, %parallel_loop3A_248] {strides = array<i32>} : memref<48x128xf32, #tpu.memory_space<vmem>>, vector<16xf32>,
          %parallel_loop3A_250 = arith.mulf %parallel_loop3A_249, %parallel_loop3A_246 : vector<16xf32>
          %parallel_loop3A_251 = arith.index_cast %parallel_loop3A_242 : i32 to index
          %parallel_loop3A_252 = arith.constant 0 : index
          %parallel_loop3A_253 = tpu.vector_load %arg18[%parallel_loop3A_251, %parallel_loop3A_252] {strides = array<i32>} : memref<48x128xf32, #tpu.memory_space<vmem>>, vector<16xf32>,
          tpu.vector_store %arg18[%parallel_loop3A_251, %parallel_loop3A_252], %parallel_loop3A_250 {strides = array<i32>} : memref<48x128xf32, #tpu.memory_space<vmem>>, vector<16xf32>,
          %parallel_loop3A_254 = arith.index_cast %parallel_loop3A_242 : i32 to index
          %parallel_loop3A_255 = arith.constant 16 : index
          %parallel_loop3A_256 = tpu.vector_load %arg18[%parallel_loop3A_254, %parallel_loop3A_255] {strides = array<i32>} : memref<48x128xf32, #tpu.memory_space<vmem>>, vector<16xf32>,
          %parallel_loop3A_257 = arith.mulf %parallel_loop3A_256, %parallel_loop3A_246 : vector<16xf32>
          %parallel_loop3A_258 = arith.index_cast %parallel_loop3A_242 : i32 to index
          %parallel_loop3A_259 = arith.constant 16 : index
          %parallel_loop3A_260 = tpu.vector_load %arg18[%parallel_loop3A_258, %parallel_loop3A_259] {strides = array<i32>} : memref<48x128xf32, #tpu.memory_space<vmem>>, vector<16xf32>,
          tpu.vector_store %arg18[%parallel_loop3A_258, %parallel_loop3A_259], %parallel_loop3A_257 {strides = array<i32>} : memref<48x128xf32, #tpu.memory_space<vmem>>, vector<16xf32>,
          %parallel_loop3A_261 = arith.index_cast %parallel_loop3A_242 : i32 to index
          %parallel_loop3A_262 = arith.constant 32 : index
          %parallel_loop3A_263 = tpu.vector_load %arg18[%parallel_loop3A_261, %parallel_loop3A_262] {strides = array<i32>} : memref<48x128xf32, #tpu.memory_space<vmem>>, vector<16xf32>,
          %parallel_loop3A_264 = arith.mulf %parallel_loop3A_263, %parallel_loop3A_246 : vector<16xf32>
          %parallel_loop3A_265 = arith.index_cast %parallel_loop3A_242 : i32 to index
          %parallel_loop3A_266 = arith.constant 32 : index
          %parallel_loop3A_267 = tpu.vector_load %arg18[%parallel_loop3A_265, %parallel_loop3A_266] {strides = array<i32>} : memref<48x128xf32, #tpu.memory_space<vmem>>, vector<16xf32>,
          tpu.vector_store %arg18[%parallel_loop3A_265, %parallel_loop3A_266], %parallel_loop3A_264 {strides = array<i32>} : memref<48x128xf32, #tpu.memory_space<vmem>>, vector<16xf32>,
          %parallel_loop3A_268 = arith.index_cast %parallel_loop3A_242 : i32 to index
          %parallel_loop3A_269 = arith.constant 48 : index
          %parallel_loop3A_270 = tpu.vector_load %arg18[%parallel_loop3A_268, %parallel_loop3A_269] {strides = array<i32>} : memref<48x128xf32, #tpu.memory_space<vmem>>, vector<16xf32>,
          %parallel_loop3A_271 = arith.mulf %parallel_loop3A_270, %parallel_loop3A_246 : vector<16xf32>
          %parallel_loop3A_272 = arith.index_cast %parallel_loop3A_242 : i32 to index
          %parallel_loop3A_273 = arith.constant 48 : index
          %parallel_loop3A_274 = tpu.vector_load %arg18[%parallel_loop3A_272, %parallel_loop3A_273] {strides = array<i32>} : memref<48x128xf32, #tpu.memory_space<vmem>>, vector<16xf32>,
          tpu.vector_store %arg18[%parallel_loop3A_272, %parallel_loop3A_273], %parallel_loop3A_271 {strides = array<i32>} : memref<48x128xf32, #tpu.memory_space<vmem>>, vector<16xf32>,
          %parallel_loop3A_275 = arith.index_cast %parallel_loop3A_242 : i32 to index
          %parallel_loop3A_276 = arith.constant 64 : index
          %parallel_loop3A_277 = tpu.vector_load %arg18[%parallel_loop3A_275, %parallel_loop3A_276] {strides = array<i32>} : memref<48x128xf32, #tpu.memory_space<vmem>>, vector<16xf32>,
          %parallel_loop3A_278 = arith.mulf %parallel_loop3A_277, %parallel_loop3A_246 : vector<16xf32>
          %parallel_loop3A_279 = arith.index_cast %parallel_loop3A_242 : i32 to index
          %parallel_loop3A_280 = arith.constant 64 : index
          %parallel_loop3A_281 = tpu.vector_load %arg18[%parallel_loop3A_279, %parallel_loop3A_280] {strides = array<i32>} : memref<48x128xf32, #tpu.memory_space<vmem>>, vector<16xf32>,
          tpu.vector_store %arg18[%parallel_loop3A_279, %parallel_loop3A_280], %parallel_loop3A_278 {strides = array<i32>} : memref<48x128xf32, #tpu.memory_space<vmem>>, vector<16xf32>,
          %parallel_loop3A_282 = arith.index_cast %parallel_loop3A_242 : i32 to index
          %parallel_loop3A_283 = arith.constant 80 : index
          %parallel_loop3A_284 = tpu.vector_load %arg18[%parallel_loop3A_282, %parallel_loop3A_283] {strides = array<i32>} : memref<48x128xf32, #tpu.memory_space<vmem>>, vector<16xf32>,
          %parallel_loop3A_285 = arith.mulf %parallel_loop3A_284, %parallel_loop3A_246 : vector<16xf32>
          %parallel_loop3A_286 = arith.index_cast %parallel_loop3A_242 : i32 to index
          %parallel_loop3A_287 = arith.constant 80 : index
          %parallel_loop3A_288 = tpu.vector_load %arg18[%parallel_loop3A_286, %parallel_loop3A_287] {strides = array<i32>} : memref<48x128xf32, #tpu.memory_space<vmem>>, vector<16xf32>,
          tpu.vector_store %arg18[%parallel_loop3A_286, %parallel_loop3A_287], %parallel_loop3A_285 {strides = array<i32>} : memref<48x128xf32, #tpu.memory_space<vmem>>, vector<16xf32>,
          %parallel_loop3A_289 = arith.index_cast %parallel_loop3A_242 : i32 to index
          %parallel_loop3A_290 = arith.constant 96 : index
          %parallel_loop3A_291 = tpu.vector_load %arg18[%parallel_loop3A_289, %parallel_loop3A_290] {strides = array<i32>} : memref<48x128xf32, #tpu.memory_space<vmem>>, vector<16xf32>,
          %parallel_loop3A_292 = arith.mulf %parallel_loop3A_291, %parallel_loop3A_246 : vector<16xf32>
          %parallel_loop3A_293 = arith.index_cast %parallel_loop3A_242 : i32 to index
          %parallel_loop3A_294 = arith.constant 96 : index
          %parallel_loop3A_295 = tpu.vector_load %arg18[%parallel_loop3A_293, %parallel_loop3A_294] {strides = array<i32>} : memref<48x128xf32, #tpu.memory_space<vmem>>, vector<16xf32>,
          tpu.vector_store %arg18[%parallel_loop3A_293, %parallel_loop3A_294], %parallel_loop3A_292 {strides = array<i32>} : memref<48x128xf32, #tpu.memory_space<vmem>>, vector<16xf32>,
          %parallel_loop3A_296 = arith.index_cast %parallel_loop3A_242 : i32 to index
          %parallel_loop3A_297 = arith.constant 112 : index
          %parallel_loop3A_298 = tpu.vector_load %arg18[%parallel_loop3A_296, %parallel_loop3A_297] {strides = array<i32>} : memref<48x128xf32, #tpu.memory_space<vmem>>, vector<16xf32>,
          %parallel_loop3A_299 = arith.mulf %parallel_loop3A_298, %parallel_loop3A_246 : vector<16xf32>
          %parallel_loop3A_300 = arith.index_cast %parallel_loop3A_242 : i32 to index
          %parallel_loop3A_301 = arith.constant 112 : index
          %parallel_loop3A_302 = tpu.vector_load %arg18[%parallel_loop3A_300, %parallel_loop3A_301] {strides = array<i32>} : memref<48x128xf32, #tpu.memory_space<vmem>>, vector<16xf32>,
          tpu.vector_store %arg18[%parallel_loop3A_300, %parallel_loop3A_301], %parallel_loop3A_299 {strides = array<i32>} : memref<48x128xf32, #tpu.memory_space<vmem>>, vector<16xf32>,
        } {sc.loop_unroll_factor = 2 : i64, sc.parallel_access}
      }
      %scan3A_102 = arith.constant 3 : i32
      %get3A = arith.constant 0 : index
      %get3A_103 = tpu.vector_load %arg9[%get3A] {strides = array<i32>} : memref<48xi32, #tpu.memory_space<vmem>>, vector<16xi32>,
      %swap3A = arith.constant 0 : index
      %swap3A_104 = tpu.vector_load %arg14[%swap3A] {strides = array<i32>} : memref<48xi32, #tpu.memory_space<vmem>>, vector<16xi32>,
      tpu.vector_store %arg14[%swap3A], %get3A_103 {strides = array<i32>} : memref<48xi32, #tpu.memory_space<vmem>>, vector<16xi32>,
      %get3A_105 = arith.constant 16 : index
      %get3A_106 = tpu.vector_load %arg9[%get3A_105] {strides = array<i32>} : memref<48xi32, #tpu.memory_space<vmem>>, vector<16xi32>,
      %swap3A_107 = arith.constant 16 : index
      %swap3A_108 = tpu.vector_load %arg14[%swap3A_107] {strides = array<i32>} : memref<48xi32, #tpu.memory_space<vmem>>, vector<16xi32>,
      tpu.vector_store %arg14[%swap3A_107], %get3A_106 {strides = array<i32>} : memref<48xi32, #tpu.memory_space<vmem>>, vector<16xi32>,
      %get3A_109 = arith.constant 32 : index
      %get3A_110 = tpu.vector_load %arg9[%get3A_109] {strides = array<i32>} : memref<48xi32, #tpu.memory_space<vmem>>, vector<16xi32>,
      %swap3A_111 = arith.constant 32 : index
      %swap3A_112 = tpu.vector_load %arg14[%swap3A_111] {strides = array<i32>} : memref<48xi32, #tpu.memory_space<vmem>>, vector<16xi32>,
      tpu.vector_store %arg14[%swap3A_111], %get3A_110 {strides = array<i32>} : memref<48xi32, #tpu.memory_space<vmem>>, vector<16xi32>,
      %dma_start3A_113 = arith.constant 0 : i32
      %dma_start3A_114 = arith.constant 0 : i32
      %dma_start3A_115 = tpu.memref_slice %arg22[%dma_start3A_113, %dma_start3A_114] : memref<10112x128xf32, #tpu.memory_space<vmem_shared>> -> memref<10112x128xf32, #tpu.memory_space<vmem_shared>>
      tpu.enqueue_indirect_dma source(%arg18 : memref<48x128xf32, #tpu.memory_space<vmem>>) target(%dma_start3A_115 : memref<10112x128xf32, #tpu.memory_space<vmem_shared>>) offsets(%arg14 : memref<48xi32, #tpu.memory_space<vmem>>) semaphore(%arg29 : memref<!tpu.dma_semaphore, #tpu.memory_space<semaphore_mem>>) {add = true}
      %add3A_116 = arith.constant 3 : i32
      %add3A_117 = arith.addi %add3A_94, %add3A_116 : i32
      %lt3A = arith.constant 216 : i32
      %lt3A_118 = arith.cmpi slt, %add3A_117, %lt3A : i32
      %convert_element_type3A = arith.extui %lt3A_118 : i1 to i32
      %cond3A = arith.constant 0 : i32
      %cond3A_119 = arith.cmpi ne, %convert_element_type3A, %cond3A : i32
      scf.if %cond3A_119 {
        %add3A_205 = arith.constant 3 : i32
        %add3A_206 = arith.addi %add3A_94, %add3A_205 : i32
        %mul3A_207 = arith.constant 32 : i32
        %mul3A_208 = arith.muli %add3A_206, %mul3A_207 : i32
        %add3A_209 = arith.addi %mul3A_208, %add3A : i32
        %mul3A_210 = arith.constant 48 : i32
        %mul3A_211 = arith.muli %add3A_209, %mul3A_210 : i32
        %dma_start3A_212 = tpu.memref_slice %arg2[%mul3A_211] : memref<331776xi32, #tpu.memory_space<hbm>> -> memref<48xi32, #tpu.memory_space<hbm>>
        %dma_start3A_213 = tpu.memref_slice %arg2[%mul3A_211] : memref<331776xi32, #tpu.memory_space<hbm>> -> memref<48xi32, #tpu.memory_space<hbm>>
        tpu.enqueue_dma source(%dma_start3A_213 : memref<48xi32, #tpu.memory_space<hbm>>) target(%arg8 : memref<48xi32, #tpu.memory_space<vmem>>) target_semaphore(%arg26 : memref<!tpu.dma_semaphore, #tpu.memory_space<semaphore_mem>>)
        %add3A_214 = arith.constant 3 : i32
        %add3A_215 = arith.addi %add3A_94, %add3A_214 : i32
        %mul3A_216 = arith.constant 32 : i32
        %mul3A_217 = arith.muli %add3A_215, %mul3A_216 : i32
        %add3A_218 = arith.addi %mul3A_217, %add3A : i32
        %mul3A_219 = arith.constant 48 : i32
        %mul3A_220 = arith.muli %add3A_218, %mul3A_219 : i32
        %dma_start3A_221 = tpu.memref_slice %arg3[%mul3A_220] : memref<331776xi32, #tpu.memory_space<hbm>> -> memref<48xi32, #tpu.memory_space<hbm>>
        %dma_start3A_222 = tpu.memref_slice %arg3[%mul3A_220] : memref<331776xi32, #tpu.memory_space<hbm>> -> memref<48xi32, #tpu.memory_space<hbm>>
        tpu.enqueue_dma source(%dma_start3A_222 : memref<48xi32, #tpu.memory_space<hbm>>) target(%arg9 : memref<48xi32, #tpu.memory_space<vmem>>) target_semaphore(%arg26 : memref<!tpu.dma_semaphore, #tpu.memory_space<semaphore_mem>>)
      } else {
      }
      %add3A_120 = arith.constant 2 : i32
      %add3A_121 = arith.addi %add3A_94, %add3A_120 : i32
      %lt3A_122 = arith.constant 216 : i32
      %lt3A_123 = arith.cmpi slt, %add3A_121, %lt3A_122 : i32
      %convert_element_type3A_124 = arith.extui %lt3A_123 : i1 to i32
      %cond3A_125 = arith.constant 0 : i32
      %cond3A_126 = arith.cmpi ne, %convert_element_type3A_124, %cond3A_125 : i32
      scf.if %cond3A_126 {
        %ge3A = arith.constant 1 : i32
        %ge3A_205 = arith.cmpi sge, %add3A_94, %ge3A : i32
        %convert_element_type3A_206 = arith.extui %ge3A_205 : i1 to i32
        %cond3A_207 = arith.constant 0 : i32
        %cond3A_208 = arith.cmpi ne, %convert_element_type3A_206, %cond3A_207 : i32
        scf.if %cond3A_208 {
          %dma_wait3A_212 = arith.constant 0 : i32
          %dma_wait3A_213 = arith.constant 0 : i32
          %dma_wait3A_214 = tpu.memref_slice %arg22[%dma_wait3A_212, %dma_wait3A_213] : memref<10112x128xf32, #tpu.memory_space<vmem_shared>> -> memref<10112x128xf32, #tpu.memory_space<vmem_shared>>
          tpu.wait_indirect_dma semaphore(%arg31 : memref<!tpu.dma_semaphore, #tpu.memory_space<semaphore_mem>>) src(%arg20 : memref<48x128xf32, #tpu.memory_space<vmem>>) dst(%dma_wait3A_214 : memref<10112x128xf32, #tpu.memory_space<vmem_shared>>)
          %dma_wait3A_215 = arith.constant 0 : i32
          %dma_wait3A_216 = tpu.memref_slice %arg2[%dma_wait3A_215] : memref<331776xi32, #tpu.memory_space<hbm>> -> memref<48xi32, #tpu.memory_space<hbm>>
          %dma_wait3A_217 = arith.constant 0 : i32
          %dma_wait3A_218 = tpu.memref_slice %arg2[%dma_wait3A_217] : memref<331776xi32, #tpu.memory_space<hbm>> -> memref<48xi32, #tpu.memory_space<hbm>>
          tpu.wait_dma2 semaphore(%arg28 : memref<!tpu.dma_semaphore, #tpu.memory_space<semaphore_mem>>) src(%dma_wait3A_218 : memref<48xi32, #tpu.memory_space<hbm>>) dst(%arg12 : memref<48xi32, #tpu.memory_space<vmem>>)
          %dma_wait3A_219 = arith.constant 0 : i32
          %dma_wait3A_220 = tpu.memref_slice %arg3[%dma_wait3A_219] : memref<331776xi32, #tpu.memory_space<hbm>> -> memref<48xi32, #tpu.memory_space<hbm>>
          %dma_wait3A_221 = arith.constant 0 : i32
          %dma_wait3A_222 = tpu.memref_slice %arg3[%dma_wait3A_221] : memref<331776xi32, #tpu.memory_space<hbm>> -> memref<48xi32, #tpu.memory_space<hbm>>
          tpu.wait_dma2 semaphore(%arg28 : memref<!tpu.dma_semaphore, #tpu.memory_space<semaphore_mem>>) src(%dma_wait3A_222 : memref<48xi32, #tpu.memory_space<hbm>>) dst(%arg13 : memref<48xi32, #tpu.memory_space<vmem>>)
        } else {
        }
        %dma_start3A_209 = arith.constant 0 : i32
        %dma_start3A_210 = arith.constant 0 : i32
        %dma_start3A_211 = tpu.memref_slice %arg5[%dma_start3A_209, %dma_start3A_210] : memref<10112x128xf32, #tpu.memory_space<hbm>> -> memref<10112x128xf32, #tpu.memory_space<hbm>>
        tpu.enqueue_indirect_dma source(%dma_start3A_211 : memref<10112x128xf32, #tpu.memory_space<hbm>>) target(%arg20 : memref<48x128xf32, #tpu.memory_space<vmem>>) offsets(%arg12 : memref<48xi32, #tpu.memory_space<vmem>>) semaphore(%arg25 : memref<!tpu.dma_semaphore, #tpu.memory_space<semaphore_mem>>)
      } else {
      }
      %add3A_127 = arith.constant 1 : i32
      %add3A_128 = arith.addi %add3A_92, %add3A_127 : i32
      %dma_wait3A_129 = arith.constant 0 : i32
      %dma_wait3A_130 = arith.constant 0 : i32
      %dma_wait3A_131 = tpu.memref_slice %arg5[%dma_wait3A_129, %dma_wait3A_130] : memref<10112x128xf32, #tpu.memory_space<hbm>> -> memref<10112x128xf32, #tpu.memory_space<hbm>>
      tpu.wait_indirect_dma semaphore(%arg24 : memref<!tpu.dma_semaphore, #tpu.memory_space<semaphore_mem>>) src(%dma_wait3A_131 : memref<10112x128xf32, #tpu.memory_space<hbm>>) dst(%arg19 : memref<48x128xf32, #tpu.memory_space<vmem>>)
      %scan3A_132 = arith.constant 0 : i32
      %scan3A_133 = arith.constant 3 : i32
      %scan3A_134 = arith.addi %scan3A_132, %scan3A_133 : i32
      %scan3A_135 = arith.constant 1 : i32
      scf.for %scan3A_205 = %scan3A_132 to %scan3A_134 step %scan3A_135  : i32 {
        %mul3A_206 = arith.constant 1 : i32
        %mul3A_207 = arith.muli %scan3A_205, %mul3A_206 : i32
        %add3A_208 = arith.constant 0 : i32
        %add3A_209 = arith.addi %add3A_208, %mul3A_207 : i32
        %mul3A_210 = arith.constant 16 : i32
        %mul3A_211 = arith.muli %add3A_209, %mul3A_210 : i32
        %get3A_212 = arith.index_cast %mul3A_211 : i32 to index
        %get3A_213 = tpu.vector_load %arg10[%get3A_212] {strides = array<i32>} : memref<48xi32, #tpu.memory_space<vmem>>, vector<16xi32>,
        %mul3A_214 = arith.constant 16 : i32
        %mul3A_215 = arith.muli %add3A_209, %mul3A_214 : i32
        %get3A_216 = arith.index_cast %mul3A_215 : i32 to index
        %get3A_217 = tpu.vector_load %arg11[%get3A_216] {strides = array<i32>} : memref<48xi32, #tpu.memory_space<vmem>>, vector<16xi32>,
        %mul3A_218 = arith.constant 2 : i32
        %mul3A_219 = vector.broadcast %mul3A_218 : i32 to vector<16xi32>
        %mul3A_220 = arith.muli %get3A_213, %mul3A_219 : vector<16xi32>
        %gather3A = tpu.vector_load_idx %arg17[%mul3A_220] : memref<20224xf32, #tpu.memory_space<vmem>>[vector<16xi32>], vector<16xf32>,
        %mul3A_221 = arith.constant 2 : i32
        %mul3A_222 = vector.broadcast %mul3A_221 : i32 to vector<16xi32>
        %mul3A_223 = arith.muli %get3A_217, %mul3A_222 : vector<16xi32>
        %add3A_224 = arith.constant 1 : i32
        %add3A_225 = vector.broadcast %add3A_224 : i32 to vector<16xi32>
        %add3A_226 = arith.addi %mul3A_223, %add3A_225 : vector<16xi32>
        %gather3A_227 = tpu.vector_load_idx %arg17[%add3A_226] : memref<20224xf32, #tpu.memory_space<vmem>>[vector<16xi32>], vector<16xf32>,
        %add3A_228 = arith.addf %gather3A, %gather3A_227 : vector<16xf32>
        %mul3A_229 = arith.constant 2.000000e-01 : f32
        %mul3A_230 = vector.broadcast %mul3A_229 : f32 to vector<16xf32>
        %mul3A_231 = arith.mulf %mul3A_230, %add3A_228 : vector<16xf32>
        %max3A = arith.maximumf %add3A_228, %mul3A_231 : vector<16xf32>
        %exp3A = math.exp %max3A : vector<16xf32>
        %scan3A_232 = arith.constant 0 : i32
        %scan3A_233 = arith.constant 16 : i32
        %scan3A_234 = arith.addi %scan3A_232, %scan3A_233 : i32
        %scan3A_235 = arith.constant 1 : i32
        scf.for %scan3A_239 = %scan3A_232 to %scan3A_234 step %scan3A_235  : i32 {
          %mul3A_240 = arith.constant 1 : i32
          %mul3A_241 = arith.muli %scan3A_239, %mul3A_240 : i32
          %add3A_242 = arith.constant 0 : i32
          %add3A_243 = arith.addi %add3A_242, %mul3A_241 : i32
          %eq3A = vector.broadcast %add3A_243 : i32 to vector<16xi32>
          %eq3A_244 = arith.cmpi eq, %iota3A, %eq3A : vector<16xi32>
          tpu.vector_store_idx %arg21[%get3A_217], %exp3A masked %eq3A_244 {add = true} : memref<10112xf32, #tpu.memory_space<vmem>>[vector<16xi32>], vector<16xf32>, vector<16xi1>
        }
        %scan3A_236 = arith.constant 16 : i32
        %parallel_loop3A = arith.constant 0 : i32
        %parallel_loop3A_237 = arith.constant 16 : i32
        %parallel_loop3A_238 = arith.constant 1 : i32
        scf.for %parallel_loop3A_239 = %parallel_loop3A to %parallel_loop3A_237 step %parallel_loop3A_238  : i32 {
          %parallel_loop3A_240 = arith.constant 16 : i32
          %parallel_loop3A_241 = arith.muli %add3A_209, %parallel_loop3A_240 : i32
          %parallel_loop3A_242 = arith.addi %parallel_loop3A_241, %parallel_loop3A_239 : i32
          %parallel_loop3A_243 = vector.broadcast %parallel_loop3A_239 : i32 to vector<16xi32>
          %parallel_loop3A_244 = vector.shape_cast %parallel_loop3A_243 : vector<16xi32> to vector<16x1xi32>
          %parallel_loop3A_245 = vector.shape_cast %parallel_loop3A_244 : vector<16x1xi32> to vector<16xi32>
          %parallel_loop3A_246 = tpu.dynamic_gather %exp3A[%parallel_loop3A_245] in [0] : vector<16xf32>, vector<16xi32> -> vector<16xf32>
          %parallel_loop3A_247 = arith.index_cast %parallel_loop3A_242 : i32 to index
          %parallel_loop3A_248 = arith.constant 0 : index
          %parallel_loop3A_249 = tpu.vector_load %arg19[%parallel_loop3A_247, %parallel_loop3A_248] {strides = array<i32>} : memref<48x128xf32, #tpu.memory_space<vmem>>, vector<16xf32>,
          %parallel_loop3A_250 = arith.mulf %parallel_loop3A_249, %parallel_loop3A_246 : vector<16xf32>
          %parallel_loop3A_251 = arith.index_cast %parallel_loop3A_242 : i32 to index
          %parallel_loop3A_252 = arith.constant 0 : index
          %parallel_loop3A_253 = tpu.vector_load %arg19[%parallel_loop3A_251, %parallel_loop3A_252] {strides = array<i32>} : memref<48x128xf32, #tpu.memory_space<vmem>>, vector<16xf32>,
          tpu.vector_store %arg19[%parallel_loop3A_251, %parallel_loop3A_252], %parallel_loop3A_250 {strides = array<i32>} : memref<48x128xf32, #tpu.memory_space<vmem>>, vector<16xf32>,
          %parallel_loop3A_254 = arith.index_cast %parallel_loop3A_242 : i32 to index
          %parallel_loop3A_255 = arith.constant 16 : index
          %parallel_loop3A_256 = tpu.vector_load %arg19[%parallel_loop3A_254, %parallel_loop3A_255] {strides = array<i32>} : memref<48x128xf32, #tpu.memory_space<vmem>>, vector<16xf32>,
          %parallel_loop3A_257 = arith.mulf %parallel_loop3A_256, %parallel_loop3A_246 : vector<16xf32>
          %parallel_loop3A_258 = arith.index_cast %parallel_loop3A_242 : i32 to index
          %parallel_loop3A_259 = arith.constant 16 : index
          %parallel_loop3A_260 = tpu.vector_load %arg19[%parallel_loop3A_258, %parallel_loop3A_259] {strides = array<i32>} : memref<48x128xf32, #tpu.memory_space<vmem>>, vector<16xf32>,
          tpu.vector_store %arg19[%parallel_loop3A_258, %parallel_loop3A_259], %parallel_loop3A_257 {strides = array<i32>} : memref<48x128xf32, #tpu.memory_space<vmem>>, vector<16xf32>,
          %parallel_loop3A_261 = arith.index_cast %parallel_loop3A_242 : i32 to index
          %parallel_loop3A_262 = arith.constant 32 : index
          %parallel_loop3A_263 = tpu.vector_load %arg19[%parallel_loop3A_261, %parallel_loop3A_262] {strides = array<i32>} : memref<48x128xf32, #tpu.memory_space<vmem>>, vector<16xf32>,
          %parallel_loop3A_264 = arith.mulf %parallel_loop3A_263, %parallel_loop3A_246 : vector<16xf32>
          %parallel_loop3A_265 = arith.index_cast %parallel_loop3A_242 : i32 to index
          %parallel_loop3A_266 = arith.constant 32 : index
          %parallel_loop3A_267 = tpu.vector_load %arg19[%parallel_loop3A_265, %parallel_loop3A_266] {strides = array<i32>} : memref<48x128xf32, #tpu.memory_space<vmem>>, vector<16xf32>,
          tpu.vector_store %arg19[%parallel_loop3A_265, %parallel_loop3A_266], %parallel_loop3A_264 {strides = array<i32>} : memref<48x128xf32, #tpu.memory_space<vmem>>, vector<16xf32>,
          %parallel_loop3A_268 = arith.index_cast %parallel_loop3A_242 : i32 to index
          %parallel_loop3A_269 = arith.constant 48 : index
          %parallel_loop3A_270 = tpu.vector_load %arg19[%parallel_loop3A_268, %parallel_loop3A_269] {strides = array<i32>} : memref<48x128xf32, #tpu.memory_space<vmem>>, vector<16xf32>,
          %parallel_loop3A_271 = arith.mulf %parallel_loop3A_270, %parallel_loop3A_246 : vector<16xf32>
          %parallel_loop3A_272 = arith.index_cast %parallel_loop3A_242 : i32 to index
          %parallel_loop3A_273 = arith.constant 48 : index
          %parallel_loop3A_274 = tpu.vector_load %arg19[%parallel_loop3A_272, %parallel_loop3A_273] {strides = array<i32>} : memref<48x128xf32, #tpu.memory_space<vmem>>, vector<16xf32>,
          tpu.vector_store %arg19[%parallel_loop3A_272, %parallel_loop3A_273], %parallel_loop3A_271 {strides = array<i32>} : memref<48x128xf32, #tpu.memory_space<vmem>>, vector<16xf32>,
          %parallel_loop3A_275 = arith.index_cast %parallel_loop3A_242 : i32 to index
          %parallel_loop3A_276 = arith.constant 64 : index
          %parallel_loop3A_277 = tpu.vector_load %arg19[%parallel_loop3A_275, %parallel_loop3A_276] {strides = array<i32>} : memref<48x128xf32, #tpu.memory_space<vmem>>, vector<16xf32>,
          %parallel_loop3A_278 = arith.mulf %parallel_loop3A_277, %parallel_loop3A_246 : vector<16xf32>
          %parallel_loop3A_279 = arith.index_cast %parallel_loop3A_242 : i32 to index
          %parallel_loop3A_280 = arith.constant 64 : index
          %parallel_loop3A_281 = tpu.vector_load %arg19[%parallel_loop3A_279, %parallel_loop3A_280] {strides = array<i32>} : memref<48x128xf32, #tpu.memory_space<vmem>>, vector<16xf32>,
          tpu.vector_store %arg19[%parallel_loop3A_279, %parallel_loop3A_280], %parallel_loop3A_278 {strides = array<i32>} : memref<48x128xf32, #tpu.memory_space<vmem>>, vector<16xf32>,
          %parallel_loop3A_282 = arith.index_cast %parallel_loop3A_242 : i32 to index
          %parallel_loop3A_283 = arith.constant 80 : index
          %parallel_loop3A_284 = tpu.vector_load %arg19[%parallel_loop3A_282, %parallel_loop3A_283] {strides = array<i32>} : memref<48x128xf32, #tpu.memory_space<vmem>>, vector<16xf32>,
          %parallel_loop3A_285 = arith.mulf %parallel_loop3A_284, %parallel_loop3A_246 : vector<16xf32>
          %parallel_loop3A_286 = arith.index_cast %parallel_loop3A_242 : i32 to index
          %parallel_loop3A_287 = arith.constant 80 : index
          %parallel_loop3A_288 = tpu.vector_load %arg19[%parallel_loop3A_286, %parallel_loop3A_287] {strides = array<i32>} : memref<48x128xf32, #tpu.memory_space<vmem>>, vector<16xf32>,
          tpu.vector_store %arg19[%parallel_loop3A_286, %parallel_loop3A_287], %parallel_loop3A_285 {strides = array<i32>} : memref<48x128xf32, #tpu.memory_space<vmem>>, vector<16xf32>,
          %parallel_loop3A_289 = arith.index_cast %parallel_loop3A_242 : i32 to index
          %parallel_loop3A_290 = arith.constant 96 : index
          %parallel_loop3A_291 = tpu.vector_load %arg19[%parallel_loop3A_289, %parallel_loop3A_290] {strides = array<i32>} : memref<48x128xf32, #tpu.memory_space<vmem>>, vector<16xf32>,
          %parallel_loop3A_292 = arith.mulf %parallel_loop3A_291, %parallel_loop3A_246 : vector<16xf32>
          %parallel_loop3A_293 = arith.index_cast %parallel_loop3A_242 : i32 to index
          %parallel_loop3A_294 = arith.constant 96 : index
          %parallel_loop3A_295 = tpu.vector_load %arg19[%parallel_loop3A_293, %parallel_loop3A_294] {strides = array<i32>} : memref<48x128xf32, #tpu.memory_space<vmem>>, vector<16xf32>,
          tpu.vector_store %arg19[%parallel_loop3A_293, %parallel_loop3A_294], %parallel_loop3A_292 {strides = array<i32>} : memref<48x128xf32, #tpu.memory_space<vmem>>, vector<16xf32>,
          %parallel_loop3A_296 = arith.index_cast %parallel_loop3A_242 : i32 to index
          %parallel_loop3A_297 = arith.constant 112 : index
          %parallel_loop3A_298 = tpu.vector_load %arg19[%parallel_loop3A_296, %parallel_loop3A_297] {strides = array<i32>} : memref<48x128xf32, #tpu.memory_space<vmem>>, vector<16xf32>,
          %parallel_loop3A_299 = arith.mulf %parallel_loop3A_298, %parallel_loop3A_246 : vector<16xf32>
          %parallel_loop3A_300 = arith.index_cast %parallel_loop3A_242 : i32 to index
          %parallel_loop3A_301 = arith.constant 112 : index
          %parallel_loop3A_302 = tpu.vector_load %arg19[%parallel_loop3A_300, %parallel_loop3A_301] {strides = array<i32>} : memref<48x128xf32, #tpu.memory_space<vmem>>, vector<16xf32>,
          tpu.vector_store %arg19[%parallel_loop3A_300, %parallel_loop3A_301], %parallel_loop3A_299 {strides = array<i32>} : memref<48x128xf32, #tpu.memory_space<vmem>>, vector<16xf32>,
        } {sc.loop_unroll_factor = 2 : i64, sc.parallel_access}
      }
      %scan3A_136 = arith.constant 3 : i32
      %get3A_137 = arith.constant 0 : index
      %get3A_138 = tpu.vector_load %arg11[%get3A_137] {strides = array<i32>} : memref<48xi32, #tpu.memory_space<vmem>>, vector<16xi32>,
      %swap3A_139 = arith.constant 0 : index
      %swap3A_140 = tpu.vector_load %arg15[%swap3A_139] {strides = array<i32>} : memref<48xi32, #tpu.memory_space<vmem>>, vector<16xi32>,
      tpu.vector_store %arg15[%swap3A_139], %get3A_138 {strides = array<i32>} : memref<48xi32, #tpu.memory_space<vmem>>, vector<16xi32>,
      %get3A_141 = arith.constant 16 : index
      %get3A_142 = tpu.vector_load %arg11[%get3A_141] {strides = array<i32>} : memref<48xi32, #tpu.memory_space<vmem>>, vector<16xi32>,
      %swap3A_143 = arith.constant 16 : index
      %swap3A_144 = tpu.vector_load %arg15[%swap3A_143] {strides = array<i32>} : memref<48xi32, #tpu.memory_space<vmem>>, vector<16xi32>,
      tpu.vector_store %arg15[%swap3A_143], %get3A_142 {strides = array<i32>} : memref<48xi32, #tpu.memory_space<vmem>>, vector<16xi32>,
      %get3A_145 = arith.constant 32 : index
      %get3A_146 = tpu.vector_load %arg11[%get3A_145] {strides = array<i32>} : memref<48xi32, #tpu.memory_space<vmem>>, vector<16xi32>,
      %swap3A_147 = arith.constant 32 : index
      %swap3A_148 = tpu.vector_load %arg15[%swap3A_147] {strides = array<i32>} : memref<48xi32, #tpu.memory_space<vmem>>, vector<16xi32>,
      tpu.vector_store %arg15[%swap3A_147], %get3A_146 {strides = array<i32>} : memref<48xi32, #tpu.memory_space<vmem>>, vector<16xi32>,
      %dma_start3A_149 = arith.constant 0 : i32
      %dma_start3A_150 = arith.constant 0 : i32
      %dma_start3A_151 = tpu.memref_slice %arg22[%dma_start3A_149, %dma_start3A_150] : memref<10112x128xf32, #tpu.memory_space<vmem_shared>> -> memref<10112x128xf32, #tpu.memory_space<vmem_shared>>
      tpu.enqueue_indirect_dma source(%arg19 : memref<48x128xf32, #tpu.memory_space<vmem>>) target(%dma_start3A_151 : memref<10112x128xf32, #tpu.memory_space<vmem_shared>>) offsets(%arg15 : memref<48xi32, #tpu.memory_space<vmem>>) semaphore(%arg30 : memref<!tpu.dma_semaphore, #tpu.memory_space<semaphore_mem>>) {add = true}
      %add3A_152 = arith.constant 3 : i32
      %add3A_153 = arith.addi %add3A_128, %add3A_152 : i32
      %lt3A_154 = arith.constant 216 : i32
      %lt3A_155 = arith.cmpi slt, %add3A_153, %lt3A_154 : i32
      %convert_element_type3A_156 = arith.extui %lt3A_155 : i1 to i32
      %cond3A_157 = arith.constant 0 : i32
      %cond3A_158 = arith.cmpi ne, %convert_element_type3A_156, %cond3A_157 : i32
      scf.if %cond3A_158 {
        %add3A_205 = arith.constant 3 : i32
        %add3A_206 = arith.addi %add3A_128, %add3A_205 : i32
        %mul3A_207 = arith.constant 32 : i32
        %mul3A_208 = arith.muli %add3A_206, %mul3A_207 : i32
        %add3A_209 = arith.addi %mul3A_208, %add3A : i32
        %mul3A_210 = arith.constant 48 : i32
        %mul3A_211 = arith.muli %add3A_209, %mul3A_210 : i32
        %dma_start3A_212 = tpu.memref_slice %arg2[%mul3A_211] : memref<331776xi32, #tpu.memory_space<hbm>> -> memref<48xi32, #tpu.memory_space<hbm>>
        %dma_start3A_213 = tpu.memref_slice %arg2[%mul3A_211] : memref<331776xi32, #tpu.memory_space<hbm>> -> memref<48xi32, #tpu.memory_space<hbm>>
        tpu.enqueue_dma source(%dma_start3A_213 : memref<48xi32, #tpu.memory_space<hbm>>) target(%arg10 : memref<48xi32, #tpu.memory_space<vmem>>) target_semaphore(%arg27 : memref<!tpu.dma_semaphore, #tpu.memory_space<semaphore_mem>>)
        %add3A_214 = arith.constant 3 : i32
        %add3A_215 = arith.addi %add3A_128, %add3A_214 : i32
        %mul3A_216 = arith.constant 32 : i32
        %mul3A_217 = arith.muli %add3A_215, %mul3A_216 : i32
        %add3A_218 = arith.addi %mul3A_217, %add3A : i32
        %mul3A_219 = arith.constant 48 : i32
        %mul3A_220 = arith.muli %add3A_218, %mul3A_219 : i32
        %dma_start3A_221 = tpu.memref_slice %arg3[%mul3A_220] : memref<331776xi32, #tpu.memory_space<hbm>> -> memref<48xi32, #tpu.memory_space<hbm>>
        %dma_start3A_222 = tpu.memref_slice %arg3[%mul3A_220] : memref<331776xi32, #tpu.memory_space<hbm>> -> memref<48xi32, #tpu.memory_space<hbm>>
        tpu.enqueue_dma source(%dma_start3A_222 : memref<48xi32, #tpu.memory_space<hbm>>) target(%arg11 : memref<48xi32, #tpu.memory_space<vmem>>) target_semaphore(%arg27 : memref<!tpu.dma_semaphore, #tpu.memory_space<semaphore_mem>>)
      } else {
      }
      %add3A_159 = arith.constant 2 : i32
      %add3A_160 = arith.addi %add3A_128, %add3A_159 : i32
      %lt3A_161 = arith.constant 216 : i32
      %lt3A_162 = arith.cmpi slt, %add3A_160, %lt3A_161 : i32
      %convert_element_type3A_163 = arith.extui %lt3A_162 : i1 to i32
      %cond3A_164 = arith.constant 0 : i32
      %cond3A_165 = arith.cmpi ne, %convert_element_type3A_163, %cond3A_164 : i32
      scf.if %cond3A_165 {
        %ge3A = arith.constant 1 : i32
        %ge3A_205 = arith.cmpi sge, %add3A_128, %ge3A : i32
        %convert_element_type3A_206 = arith.extui %ge3A_205 : i1 to i32
        %cond3A_207 = arith.constant 0 : i32
        %cond3A_208 = arith.cmpi ne, %convert_element_type3A_206, %cond3A_207 : i32
        scf.if %cond3A_208 {
          %dma_wait3A_212 = arith.constant 0 : i32
          %dma_wait3A_213 = arith.constant 0 : i32
          %dma_wait3A_214 = tpu.memref_slice %arg22[%dma_wait3A_212, %dma_wait3A_213] : memref<10112x128xf32, #tpu.memory_space<vmem_shared>> -> memref<10112x128xf32, #tpu.memory_space<vmem_shared>>
          tpu.wait_indirect_dma semaphore(%arg29 : memref<!tpu.dma_semaphore, #tpu.memory_space<semaphore_mem>>) src(%arg18 : memref<48x128xf32, #tpu.memory_space<vmem>>) dst(%dma_wait3A_214 : memref<10112x128xf32, #tpu.memory_space<vmem_shared>>)
          %dma_wait3A_215 = arith.constant 0 : i32
          %dma_wait3A_216 = tpu.memref_slice %arg2[%dma_wait3A_215] : memref<331776xi32, #tpu.memory_space<hbm>> -> memref<48xi32, #tpu.memory_space<hbm>>
          %dma_wait3A_217 = arith.constant 0 : i32
          %dma_wait3A_218 = tpu.memref_slice %arg2[%dma_wait3A_217] : memref<331776xi32, #tpu.memory_space<hbm>> -> memref<48xi32, #tpu.memory_space<hbm>>
          tpu.wait_dma2 semaphore(%arg26 : memref<!tpu.dma_semaphore, #tpu.memory_space<semaphore_mem>>) src(%dma_wait3A_218 : memref<48xi32, #tpu.memory_space<hbm>>) dst(%arg8 : memref<48xi32, #tpu.memory_space<vmem>>)
          %dma_wait3A_219 = arith.constant 0 : i32
          %dma_wait3A_220 = tpu.memref_slice %arg3[%dma_wait3A_219] : memref<331776xi32, #tpu.memory_space<hbm>> -> memref<48xi32, #tpu.memory_space<hbm>>
          %dma_wait3A_221 = arith.constant 0 : i32
          %dma_wait3A_222 = tpu.memref_slice %arg3[%dma_wait3A_221] : memref<331776xi32, #tpu.memory_space<hbm>> -> memref<48xi32, #tpu.memory_space<hbm>>
          tpu.wait_dma2 semaphore(%arg26 : memref<!tpu.dma_semaphore, #tpu.memory_space<semaphore_mem>>) src(%dma_wait3A_222 : memref<48xi32, #tpu.memory_space<hbm>>) dst(%arg9 : memref<48xi32, #tpu.memory_space<vmem>>)
        } else {
        }
        %dma_start3A_209 = arith.constant 0 : i32
        %dma_start3A_210 = arith.constant 0 : i32
        %dma_start3A_211 = tpu.memref_slice %arg5[%dma_start3A_209, %dma_start3A_210] : memref<10112x128xf32, #tpu.memory_space<hbm>> -> memref<10112x128xf32, #tpu.memory_space<hbm>>
        tpu.enqueue_indirect_dma source(%dma_start3A_211 : memref<10112x128xf32, #tpu.memory_space<hbm>>) target(%arg18 : memref<48x128xf32, #tpu.memory_space<vmem>>) offsets(%arg8 : memref<48xi32, #tpu.memory_space<vmem>>) semaphore(%arg23 : memref<!tpu.dma_semaphore, #tpu.memory_space<semaphore_mem>>)
      } else {
      }
      %add3A_166 = arith.constant 2 : i32
      %add3A_167 = arith.addi %add3A_92, %add3A_166 : i32
      %dma_wait3A_168 = arith.constant 0 : i32
      %dma_wait3A_169 = arith.constant 0 : i32
      %dma_wait3A_170 = tpu.memref_slice %arg5[%dma_wait3A_168, %dma_wait3A_169] : memref<10112x128xf32, #tpu.memory_space<hbm>> -> memref<10112x128xf32, #tpu.memory_space<hbm>>
      tpu.wait_indirect_dma semaphore(%arg25 : memref<!tpu.dma_semaphore, #tpu.memory_space<semaphore_mem>>) src(%dma_wait3A_170 : memref<10112x128xf32, #tpu.memory_space<hbm>>) dst(%arg20 : memref<48x128xf32, #tpu.memory_space<vmem>>)
      %scan3A_171 = arith.constant 0 : i32
      %scan3A_172 = arith.constant 3 : i32
      %scan3A_173 = arith.addi %scan3A_171, %scan3A_172 : i32
      %scan3A_174 = arith.constant 1 : i32
      scf.for %scan3A_205 = %scan3A_171 to %scan3A_173 step %scan3A_174  : i32 {
        %mul3A_206 = arith.constant 1 : i32
        %mul3A_207 = arith.muli %scan3A_205, %mul3A_206 : i32
        %add3A_208 = arith.constant 0 : i32
        %add3A_209 = arith.addi %add3A_208, %mul3A_207 : i32
        %mul3A_210 = arith.constant 16 : i32
        %mul3A_211 = arith.muli %add3A_209, %mul3A_210 : i32
        %get3A_212 = arith.index_cast %mul3A_211 : i32 to index
        %get3A_213 = tpu.vector_load %arg12[%get3A_212] {strides = array<i32>} : memref<48xi32, #tpu.memory_space<vmem>>, vector<16xi32>,
        %mul3A_214 = arith.constant 16 : i32
        %mul3A_215 = arith.muli %add3A_209, %mul3A_214 : i32
        %get3A_216 = arith.index_cast %mul3A_215 : i32 to index
        %get3A_217 = tpu.vector_load %arg13[%get3A_216] {strides = array<i32>} : memref<48xi32, #tpu.memory_space<vmem>>, vector<16xi32>,
        %mul3A_218 = arith.constant 2 : i32
        %mul3A_219 = vector.broadcast %mul3A_218 : i32 to vector<16xi32>
        %mul3A_220 = arith.muli %get3A_213, %mul3A_219 : vector<16xi32>
        %gather3A = tpu.vector_load_idx %arg17[%mul3A_220] : memref<20224xf32, #tpu.memory_space<vmem>>[vector<16xi32>], vector<16xf32>,
        %mul3A_221 = arith.constant 2 : i32
        %mul3A_222 = vector.broadcast %mul3A_221 : i32 to vector<16xi32>
        %mul3A_223 = arith.muli %get3A_217, %mul3A_222 : vector<16xi32>
        %add3A_224 = arith.constant 1 : i32
        %add3A_225 = vector.broadcast %add3A_224 : i32 to vector<16xi32>
        %add3A_226 = arith.addi %mul3A_223, %add3A_225 : vector<16xi32>
        %gather3A_227 = tpu.vector_load_idx %arg17[%add3A_226] : memref<20224xf32, #tpu.memory_space<vmem>>[vector<16xi32>], vector<16xf32>,
        %add3A_228 = arith.addf %gather3A, %gather3A_227 : vector<16xf32>
        %mul3A_229 = arith.constant 2.000000e-01 : f32
        %mul3A_230 = vector.broadcast %mul3A_229 : f32 to vector<16xf32>
        %mul3A_231 = arith.mulf %mul3A_230, %add3A_228 : vector<16xf32>
        %max3A = arith.maximumf %add3A_228, %mul3A_231 : vector<16xf32>
        %exp3A = math.exp %max3A : vector<16xf32>
        %scan3A_232 = arith.constant 0 : i32
        %scan3A_233 = arith.constant 16 : i32
        %scan3A_234 = arith.addi %scan3A_232, %scan3A_233 : i32
        %scan3A_235 = arith.constant 1 : i32
        scf.for %scan3A_239 = %scan3A_232 to %scan3A_234 step %scan3A_235  : i32 {
          %mul3A_240 = arith.constant 1 : i32
          %mul3A_241 = arith.muli %scan3A_239, %mul3A_240 : i32
          %add3A_242 = arith.constant 0 : i32
          %add3A_243 = arith.addi %add3A_242, %mul3A_241 : i32
          %eq3A = vector.broadcast %add3A_243 : i32 to vector<16xi32>
          %eq3A_244 = arith.cmpi eq, %iota3A, %eq3A : vector<16xi32>
          tpu.vector_store_idx %arg21[%get3A_217], %exp3A masked %eq3A_244 {add = true} : memref<10112xf32, #tpu.memory_space<vmem>>[vector<16xi32>], vector<16xf32>, vector<16xi1>
        }
        %scan3A_236 = arith.constant 16 : i32
        %parallel_loop3A = arith.constant 0 : i32
        %parallel_loop3A_237 = arith.constant 16 : i32
        %parallel_loop3A_238 = arith.constant 1 : i32
        scf.for %parallel_loop3A_239 = %parallel_loop3A to %parallel_loop3A_237 step %parallel_loop3A_238  : i32 {
          %parallel_loop3A_240 = arith.constant 16 : i32
          %parallel_loop3A_241 = arith.muli %add3A_209, %parallel_loop3A_240 : i32
          %parallel_loop3A_242 = arith.addi %parallel_loop3A_241, %parallel_loop3A_239 : i32
          %parallel_loop3A_243 = vector.broadcast %parallel_loop3A_239 : i32 to vector<16xi32>
          %parallel_loop3A_244 = vector.shape_cast %parallel_loop3A_243 : vector<16xi32> to vector<16x1xi32>
          %parallel_loop3A_245 = vector.shape_cast %parallel_loop3A_244 : vector<16x1xi32> to vector<16xi32>
          %parallel_loop3A_246 = tpu.dynamic_gather %exp3A[%parallel_loop3A_245] in [0] : vector<16xf32>, vector<16xi32> -> vector<16xf32>
          %parallel_loop3A_247 = arith.index_cast %parallel_loop3A_242 : i32 to index
          %parallel_loop3A_248 = arith.constant 0 : index
          %parallel_loop3A_249 = tpu.vector_load %arg20[%parallel_loop3A_247, %parallel_loop3A_248] {strides = array<i32>} : memref<48x128xf32, #tpu.memory_space<vmem>>, vector<16xf32>,
          %parallel_loop3A_250 = arith.mulf %parallel_loop3A_249, %parallel_loop3A_246 : vector<16xf32>
          %parallel_loop3A_251 = arith.index_cast %parallel_loop3A_242 : i32 to index
          %parallel_loop3A_252 = arith.constant 0 : index
          %parallel_loop3A_253 = tpu.vector_load %arg20[%parallel_loop3A_251, %parallel_loop3A_252] {strides = array<i32>} : memref<48x128xf32, #tpu.memory_space<vmem>>, vector<16xf32>,
          tpu.vector_store %arg20[%parallel_loop3A_251, %parallel_loop3A_252], %parallel_loop3A_250 {strides = array<i32>} : memref<48x128xf32, #tpu.memory_space<vmem>>, vector<16xf32>,
          %parallel_loop3A_254 = arith.index_cast %parallel_loop3A_242 : i32 to index
          %parallel_loop3A_255 = arith.constant 16 : index
          %parallel_loop3A_256 = tpu.vector_load %arg20[%parallel_loop3A_254, %parallel_loop3A_255] {strides = array<i32>} : memref<48x128xf32, #tpu.memory_space<vmem>>, vector<16xf32>,
          %parallel_loop3A_257 = arith.mulf %parallel_loop3A_256, %parallel_loop3A_246 : vector<16xf32>
          %parallel_loop3A_258 = arith.index_cast %parallel_loop3A_242 : i32 to index
          %parallel_loop3A_259 = arith.constant 16 : index
          %parallel_loop3A_260 = tpu.vector_load %arg20[%parallel_loop3A_258, %parallel_loop3A_259] {strides = array<i32>} : memref<48x128xf32, #tpu.memory_space<vmem>>, vector<16xf32>,
          tpu.vector_store %arg20[%parallel_loop3A_258, %parallel_loop3A_259], %parallel_loop3A_257 {strides = array<i32>} : memref<48x128xf32, #tpu.memory_space<vmem>>, vector<16xf32>,
          %parallel_loop3A_261 = arith.index_cast %parallel_loop3A_242 : i32 to index
          %parallel_loop3A_262 = arith.constant 32 : index
          %parallel_loop3A_263 = tpu.vector_load %arg20[%parallel_loop3A_261, %parallel_loop3A_262] {strides = array<i32>} : memref<48x128xf32, #tpu.memory_space<vmem>>, vector<16xf32>,
          %parallel_loop3A_264 = arith.mulf %parallel_loop3A_263, %parallel_loop3A_246 : vector<16xf32>
          %parallel_loop3A_265 = arith.index_cast %parallel_loop3A_242 : i32 to index
          %parallel_loop3A_266 = arith.constant 32 : index
          %parallel_loop3A_267 = tpu.vector_load %arg20[%parallel_loop3A_265, %parallel_loop3A_266] {strides = array<i32>} : memref<48x128xf32, #tpu.memory_space<vmem>>, vector<16xf32>,
          tpu.vector_store %arg20[%parallel_loop3A_265, %parallel_loop3A_266], %parallel_loop3A_264 {strides = array<i32>} : memref<48x128xf32, #tpu.memory_space<vmem>>, vector<16xf32>,
          %parallel_loop3A_268 = arith.index_cast %parallel_loop3A_242 : i32 to index
          %parallel_loop3A_269 = arith.constant 48 : index
          %parallel_loop3A_270 = tpu.vector_load %arg20[%parallel_loop3A_268, %parallel_loop3A_269] {strides = array<i32>} : memref<48x128xf32, #tpu.memory_space<vmem>>, vector<16xf32>,
          %parallel_loop3A_271 = arith.mulf %parallel_loop3A_270, %parallel_loop3A_246 : vector<16xf32>
          %parallel_loop3A_272 = arith.index_cast %parallel_loop3A_242 : i32 to index
          %parallel_loop3A_273 = arith.constant 48 : index
          %parallel_loop3A_274 = tpu.vector_load %arg20[%parallel_loop3A_272, %parallel_loop3A_273] {strides = array<i32>} : memref<48x128xf32, #tpu.memory_space<vmem>>, vector<16xf32>,
          tpu.vector_store %arg20[%parallel_loop3A_272, %parallel_loop3A_273], %parallel_loop3A_271 {strides = array<i32>} : memref<48x128xf32, #tpu.memory_space<vmem>>, vector<16xf32>,
          %parallel_loop3A_275 = arith.index_cast %parallel_loop3A_242 : i32 to index
          %parallel_loop3A_276 = arith.constant 64 : index
          %parallel_loop3A_277 = tpu.vector_load %arg20[%parallel_loop3A_275, %parallel_loop3A_276] {strides = array<i32>} : memref<48x128xf32, #tpu.memory_space<vmem>>, vector<16xf32>,
          %parallel_loop3A_278 = arith.mulf %parallel_loop3A_277, %parallel_loop3A_246 : vector<16xf32>
          %parallel_loop3A_279 = arith.index_cast %parallel_loop3A_242 : i32 to index
          %parallel_loop3A_280 = arith.constant 64 : index
          %parallel_loop3A_281 = tpu.vector_load %arg20[%parallel_loop3A_279, %parallel_loop3A_280] {strides = array<i32>} : memref<48x128xf32, #tpu.memory_space<vmem>>, vector<16xf32>,
          tpu.vector_store %arg20[%parallel_loop3A_279, %parallel_loop3A_280], %parallel_loop3A_278 {strides = array<i32>} : memref<48x128xf32, #tpu.memory_space<vmem>>, vector<16xf32>,
          %parallel_loop3A_282 = arith.index_cast %parallel_loop3A_242 : i32 to index
          %parallel_loop3A_283 = arith.constant 80 : index
          %parallel_loop3A_284 = tpu.vector_load %arg20[%parallel_loop3A_282, %parallel_loop3A_283] {strides = array<i32>} : memref<48x128xf32, #tpu.memory_space<vmem>>, vector<16xf32>,
          %parallel_loop3A_285 = arith.mulf %parallel_loop3A_284, %parallel_loop3A_246 : vector<16xf32>
          %parallel_loop3A_286 = arith.index_cast %parallel_loop3A_242 : i32 to index
          %parallel_loop3A_287 = arith.constant 80 : index
          %parallel_loop3A_288 = tpu.vector_load %arg20[%parallel_loop3A_286, %parallel_loop3A_287] {strides = array<i32>} : memref<48x128xf32, #tpu.memory_space<vmem>>, vector<16xf32>,
          tpu.vector_store %arg20[%parallel_loop3A_286, %parallel_loop3A_287], %parallel_loop3A_285 {strides = array<i32>} : memref<48x128xf32, #tpu.memory_space<vmem>>, vector<16xf32>,
          %parallel_loop3A_289 = arith.index_cast %parallel_loop3A_242 : i32 to index
          %parallel_loop3A_290 = arith.constant 96 : index
          %parallel_loop3A_291 = tpu.vector_load %arg20[%parallel_loop3A_289, %parallel_loop3A_290] {strides = array<i32>} : memref<48x128xf32, #tpu.memory_space<vmem>>, vector<16xf32>,
          %parallel_loop3A_292 = arith.mulf %parallel_loop3A_291, %parallel_loop3A_246 : vector<16xf32>
          %parallel_loop3A_293 = arith.index_cast %parallel_loop3A_242 : i32 to index
          %parallel_loop3A_294 = arith.constant 96 : index
          %parallel_loop3A_295 = tpu.vector_load %arg20[%parallel_loop3A_293, %parallel_loop3A_294] {strides = array<i32>} : memref<48x128xf32, #tpu.memory_space<vmem>>, vector<16xf32>,
          tpu.vector_store %arg20[%parallel_loop3A_293, %parallel_loop3A_294], %parallel_loop3A_292 {strides = array<i32>} : memref<48x128xf32, #tpu.memory_space<vmem>>, vector<16xf32>,
          %parallel_loop3A_296 = arith.index_cast %parallel_loop3A_242 : i32 to index
          %parallel_loop3A_297 = arith.constant 112 : index
          %parallel_loop3A_298 = tpu.vector_load %arg20[%parallel_loop3A_296, %parallel_loop3A_297] {strides = array<i32>} : memref<48x128xf32, #tpu.memory_space<vmem>>, vector<16xf32>,
          %parallel_loop3A_299 = arith.mulf %parallel_loop3A_298, %parallel_loop3A_246 : vector<16xf32>
          %parallel_loop3A_300 = arith.index_cast %parallel_loop3A_242 : i32 to index
          %parallel_loop3A_301 = arith.constant 112 : index
          %parallel_loop3A_302 = tpu.vector_load %arg20[%parallel_loop3A_300, %parallel_loop3A_301] {strides = array<i32>} : memref<48x128xf32, #tpu.memory_space<vmem>>, vector<16xf32>,
          tpu.vector_store %arg20[%parallel_loop3A_300, %parallel_loop3A_301], %parallel_loop3A_299 {strides = array<i32>} : memref<48x128xf32, #tpu.memory_space<vmem>>, vector<16xf32>,
        } {sc.loop_unroll_factor = 2 : i64, sc.parallel_access}
      }
      %scan3A_175 = arith.constant 3 : i32
      %get3A_176 = arith.constant 0 : index
      %get3A_177 = tpu.vector_load %arg13[%get3A_176] {strides = array<i32>} : memref<48xi32, #tpu.memory_space<vmem>>, vector<16xi32>,
      %swap3A_178 = arith.constant 0 : index
      %swap3A_179 = tpu.vector_load %arg16[%swap3A_178] {strides = array<i32>} : memref<48xi32, #tpu.memory_space<vmem>>, vector<16xi32>,
      tpu.vector_store %arg16[%swap3A_178], %get3A_177 {strides = array<i32>} : memref<48xi32, #tpu.memory_space<vmem>>, vector<16xi32>,
      %get3A_180 = arith.constant 16 : index
      %get3A_181 = tpu.vector_load %arg13[%get3A_180] {strides = array<i32>} : memref<48xi32, #tpu.memory_space<vmem>>, vector<16xi32>,
      %swap3A_182 = arith.constant 16 : index
      %swap3A_183 = tpu.vector_load %arg16[%swap3A_182] {strides = array<i32>} : memref<48xi32, #tpu.memory_space<vmem>>, vector<16xi32>,
      tpu.vector_store %arg16[%swap3A_182], %get3A_181 {strides = array<i32>} : memref<48xi32, #tpu.memory_space<vmem>>, vector<16xi32>,
      %get3A_184 = arith.constant 32 : index
      %get3A_185 = tpu.vector_load %arg13[%get3A_184] {strides = array<i32>} : memref<48xi32, #tpu.memory_space<vmem>>, vector<16xi32>,
      %swap3A_186 = arith.constant 32 : index
      %swap3A_187 = tpu.vector_load %arg16[%swap3A_186] {strides = array<i32>} : memref<48xi32, #tpu.memory_space<vmem>>, vector<16xi32>,
      tpu.vector_store %arg16[%swap3A_186], %get3A_185 {strides = array<i32>} : memref<48xi32, #tpu.memory_space<vmem>>, vector<16xi32>,
      %dma_start3A_188 = arith.constant 0 : i32
      %dma_start3A_189 = arith.constant 0 : i32
      %dma_start3A_190 = tpu.memref_slice %arg22[%dma_start3A_188, %dma_start3A_189] : memref<10112x128xf32, #tpu.memory_space<vmem_shared>> -> memref<10112x128xf32, #tpu.memory_space<vmem_shared>>
      tpu.enqueue_indirect_dma source(%arg20 : memref<48x128xf32, #tpu.memory_space<vmem>>) target(%dma_start3A_190 : memref<10112x128xf32, #tpu.memory_space<vmem_shared>>) offsets(%arg16 : memref<48xi32, #tpu.memory_space<vmem>>) semaphore(%arg31 : memref<!tpu.dma_semaphore, #tpu.memory_space<semaphore_mem>>) {add = true}
      %add3A_191 = arith.constant 3 : i32
      %add3A_192 = arith.addi %add3A_167, %add3A_191 : i32
      %lt3A_193 = arith.constant 216 : i32
      %lt3A_194 = arith.cmpi slt, %add3A_192, %lt3A_193 : i32
      %convert_element_type3A_195 = arith.extui %lt3A_194 : i1 to i32
      %cond3A_196 = arith.constant 0 : i32
      %cond3A_197 = arith.cmpi ne, %convert_element_type3A_195, %cond3A_196 : i32
      scf.if %cond3A_197 {
        %add3A_205 = arith.constant 3 : i32
        %add3A_206 = arith.addi %add3A_167, %add3A_205 : i32
        %mul3A_207 = arith.constant 32 : i32
        %mul3A_208 = arith.muli %add3A_206, %mul3A_207 : i32
        %add3A_209 = arith.addi %mul3A_208, %add3A : i32
        %mul3A_210 = arith.constant 48 : i32
        %mul3A_211 = arith.muli %add3A_209, %mul3A_210 : i32
        %dma_start3A_212 = tpu.memref_slice %arg2[%mul3A_211] : memref<331776xi32, #tpu.memory_space<hbm>> -> memref<48xi32, #tpu.memory_space<hbm>>
        %dma_start3A_213 = tpu.memref_slice %arg2[%mul3A_211] : memref<331776xi32, #tpu.memory_space<hbm>> -> memref<48xi32, #tpu.memory_space<hbm>>
        tpu.enqueue_dma source(%dma_start3A_213 : memref<48xi32, #tpu.memory_space<hbm>>) target(%arg12 : memref<48xi32, #tpu.memory_space<vmem>>) target_semaphore(%arg28 : memref<!tpu.dma_semaphore, #tpu.memory_space<semaphore_mem>>)
        %add3A_214 = arith.constant 3 : i32
        %add3A_215 = arith.addi %add3A_167, %add3A_214 : i32
        %mul3A_216 = arith.constant 32 : i32
        %mul3A_217 = arith.muli %add3A_215, %mul3A_216 : i32
        %add3A_218 = arith.addi %mul3A_217, %add3A : i32
        %mul3A_219 = arith.constant 48 : i32
        %mul3A_220 = arith.muli %add3A_218, %mul3A_219 : i32
        %dma_start3A_221 = tpu.memref_slice %arg3[%mul3A_220] : memref<331776xi32, #tpu.memory_space<hbm>> -> memref<48xi32, #tpu.memory_space<hbm>>
        %dma_start3A_222 = tpu.memref_slice %arg3[%mul3A_220] : memref<331776xi32, #tpu.memory_space<hbm>> -> memref<48xi32, #tpu.memory_space<hbm>>
        tpu.enqueue_dma source(%dma_start3A_222 : memref<48xi32, #tpu.memory_space<hbm>>) target(%arg13 : memref<48xi32, #tpu.memory_space<vmem>>) target_semaphore(%arg28 : memref<!tpu.dma_semaphore, #tpu.memory_space<semaphore_mem>>)
      } else {
      }
      %add3A_198 = arith.constant 2 : i32
      %add3A_199 = arith.addi %add3A_167, %add3A_198 : i32
      %lt3A_200 = arith.constant 216 : i32
      %lt3A_201 = arith.cmpi slt, %add3A_199, %lt3A_200 : i32
      %convert_element_type3A_202 = arith.extui %lt3A_201 : i1 to i32
      %cond3A_203 = arith.constant 0 : i32
      %cond3A_204 = arith.cmpi ne, %convert_element_type3A_202, %cond3A_203 : i32
      scf.if %cond3A_204 {
        %ge3A = arith.constant 1 : i32
        %ge3A_205 = arith.cmpi sge, %add3A_167, %ge3A : i32
        %convert_element_type3A_206 = arith.extui %ge3A_205 : i1 to i32
        %cond3A_207 = arith.constant 0 : i32
        %cond3A_208 = arith.cmpi ne, %convert_element_type3A_206, %cond3A_207 : i32
        scf.if %cond3A_208 {
          %dma_wait3A_212 = arith.constant 0 : i32
          %dma_wait3A_213 = arith.constant 0 : i32
          %dma_wait3A_214 = tpu.memref_slice %arg22[%dma_wait3A_212, %dma_wait3A_213] : memref<10112x128xf32, #tpu.memory_space<vmem_shared>> -> memref<10112x128xf32, #tpu.memory_space<vmem_shared>>
          tpu.wait_indirect_dma semaphore(%arg30 : memref<!tpu.dma_semaphore, #tpu.memory_space<semaphore_mem>>) src(%arg19 : memref<48x128xf32, #tpu.memory_space<vmem>>) dst(%dma_wait3A_214 : memref<10112x128xf32, #tpu.memory_space<vmem_shared>>)
          %dma_wait3A_215 = arith.constant 0 : i32
          %dma_wait3A_216 = tpu.memref_slice %arg2[%dma_wait3A_215] : memref<331776xi32, #tpu.memory_space<hbm>> -> memref<48xi32, #tpu.memory_space<hbm>>
          %dma_wait3A_217 = arith.constant 0 : i32
          %dma_wait3A_218 = tpu.memref_slice %arg2[%dma_wait3A_217] : memref<331776xi32, #tpu.memory_space<hbm>> -> memref<48xi32, #tpu.memory_space<hbm>>
          tpu.wait_dma2 semaphore(%arg27 : memref<!tpu.dma_semaphore, #tpu.memory_space<semaphore_mem>>) src(%dma_wait3A_218 : memref<48xi32, #tpu.memory_space<hbm>>) dst(%arg10 : memref<48xi32, #tpu.memory_space<vmem>>)
          %dma_wait3A_219 = arith.constant 0 : i32
          %dma_wait3A_220 = tpu.memref_slice %arg3[%dma_wait3A_219] : memref<331776xi32, #tpu.memory_space<hbm>> -> memref<48xi32, #tpu.memory_space<hbm>>
          %dma_wait3A_221 = arith.constant 0 : i32
          %dma_wait3A_222 = tpu.memref_slice %arg3[%dma_wait3A_221] : memref<331776xi32, #tpu.memory_space<hbm>> -> memref<48xi32, #tpu.memory_space<hbm>>
          tpu.wait_dma2 semaphore(%arg27 : memref<!tpu.dma_semaphore, #tpu.memory_space<semaphore_mem>>) src(%dma_wait3A_222 : memref<48xi32, #tpu.memory_space<hbm>>) dst(%arg11 : memref<48xi32, #tpu.memory_space<vmem>>)
        } else {
        }
        %dma_start3A_209 = arith.constant 0 : i32
        %dma_start3A_210 = arith.constant 0 : i32
        %dma_start3A_211 = tpu.memref_slice %arg5[%dma_start3A_209, %dma_start3A_210] : memref<10112x128xf32, #tpu.memory_space<hbm>> -> memref<10112x128xf32, #tpu.memory_space<hbm>>
        tpu.enqueue_indirect_dma source(%dma_start3A_211 : memref<10112x128xf32, #tpu.memory_space<hbm>>) target(%arg19 : memref<48x128xf32, #tpu.memory_space<vmem>>) offsets(%arg10 : memref<48xi32, #tpu.memory_space<vmem>>) semaphore(%arg24 : memref<!tpu.dma_semaphore, #tpu.memory_space<semaphore_mem>>)
      } else {
      }
    }
    %scan3A_76 = arith.constant 72 : i32
    %dma_wait3A = arith.constant 0 : i32
    %dma_wait3A_77 = arith.constant 0 : i32
    %dma_wait3A_78 = tpu.memref_slice %arg22[%dma_wait3A, %dma_wait3A_77] : memref<10112x128xf32, #tpu.memory_space<vmem_shared>> -> memref<10112x128xf32, #tpu.memory_space<vmem_shared>>
    tpu.wait_indirect_dma semaphore(%arg29 : memref<!tpu.dma_semaphore, #tpu.memory_space<semaphore_mem>>) src(%arg18 : memref<48x128xf32, #tpu.memory_space<vmem>>) dst(%dma_wait3A_78 : memref<10112x128xf32, #tpu.memory_space<vmem_shared>>)
    %dma_wait3A_79 = arith.constant 0 : i32
    %dma_wait3A_80 = arith.constant 0 : i32
    %dma_wait3A_81 = tpu.memref_slice %arg22[%dma_wait3A_79, %dma_wait3A_80] : memref<10112x128xf32, #tpu.memory_space<vmem_shared>> -> memref<10112x128xf32, #tpu.memory_space<vmem_shared>>
    tpu.wait_indirect_dma semaphore(%arg30 : memref<!tpu.dma_semaphore, #tpu.memory_space<semaphore_mem>>) src(%arg19 : memref<48x128xf32, #tpu.memory_space<vmem>>) dst(%dma_wait3A_81 : memref<10112x128xf32, #tpu.memory_space<vmem_shared>>)
    %dma_wait3A_82 = arith.constant 0 : i32
    %dma_wait3A_83 = arith.constant 0 : i32
    %dma_wait3A_84 = tpu.memref_slice %arg22[%dma_wait3A_82, %dma_wait3A_83] : memref<10112x128xf32, #tpu.memory_space<vmem_shared>> -> memref<10112x128xf32, #tpu.memory_space<vmem_shared>>
    tpu.wait_indirect_dma semaphore(%arg31 : memref<!tpu.dma_semaphore, #tpu.memory_space<semaphore_mem>>) src(%arg20 : memref<48x128xf32, #tpu.memory_space<vmem>>) dst(%dma_wait3A_84 : memref<10112x128xf32, #tpu.memory_space<vmem_shared>>)
    %barrier3A_85 = arith.constant 0 : index
    tpu.barrier barrier_id(%barrier3A_85)
    "tpu.region"() ({
      %run_scoped3A = tpu.sem_alloc : memref<!tpu.dma_semaphore, #tpu.memory_space<semaphore_mem>>
      %dma_start3A_88 = arith.constant 0 : i32
      %dma_start3A_89 = tpu.memref_slice %arg7[%add3A, %dma_start3A_88] : memref<32x10112xf32, #tpu.memory_space<hbm>> -> memref<1x10112xf32, #tpu.memory_space<hbm>>
      %dma_start3A_90 = tpu.memref_squeeze %dma_start3A_89 : memref<1x10112xf32, #tpu.memory_space<hbm>> -> memref<10112xf32, #tpu.memory_space<hbm>>
      %dma_start3A_91 = arith.constant 0 : i32
      %dma_start3A_92 = tpu.memref_slice %arg7[%add3A, %dma_start3A_91] : memref<32x10112xf32, #tpu.memory_space<hbm>> -> memref<1x10112xf32, #tpu.memory_space<hbm>>
      %dma_start3A_93 = tpu.memref_squeeze %dma_start3A_92 : memref<1x10112xf32, #tpu.memory_space<hbm>> -> memref<10112xf32, #tpu.memory_space<hbm>>
      tpu.enqueue_dma source(%arg21 : memref<10112xf32, #tpu.memory_space<vmem>>) target(%dma_start3A_93 : memref<10112xf32, #tpu.memory_space<hbm>>) target_semaphore(%run_scoped3A : memref<!tpu.dma_semaphore, #tpu.memory_space<semaphore_mem>>)
      %dma_wait3A_94 = arith.constant 0 : i32
      %dma_wait3A_95 = tpu.memref_slice %arg7[%add3A, %dma_wait3A_94] : memref<32x10112xf32, #tpu.memory_space<hbm>> -> memref<1x10112xf32, #tpu.memory_space<hbm>>
      %dma_wait3A_96 = tpu.memref_squeeze %dma_wait3A_95 : memref<1x10112xf32, #tpu.memory_space<hbm>> -> memref<10112xf32, #tpu.memory_space<hbm>>
      %dma_wait3A_97 = arith.constant 0 : i32
      %dma_wait3A_98 = tpu.memref_slice %arg7[%add3A, %dma_wait3A_97] : memref<32x10112xf32, #tpu.memory_space<hbm>> -> memref<1x10112xf32, #tpu.memory_space<hbm>>
      %dma_wait3A_99 = tpu.memref_squeeze %dma_wait3A_98 : memref<1x10112xf32, #tpu.memory_space<hbm>> -> memref<10112xf32, #tpu.memory_space<hbm>>
      tpu.wait_dma2 semaphore(%run_scoped3A : memref<!tpu.dma_semaphore, #tpu.memory_space<semaphore_mem>>) src(%arg21 : memref<10112xf32, #tpu.memory_space<vmem>>) dst(%dma_wait3A_99 : memref<10112xf32, #tpu.memory_space<hbm>>)
      tpu.yield
    }) : () -> ()
    %mul3A_86 = arith.constant 632 : i32
    %mul3A_87 = arith.muli %arg1, %mul3A_86 : i32
    "tpu.region"() ({
      %run_scoped3A = tpu.sem_alloc : memref<!tpu.dma_semaphore, #tpu.memory_space<semaphore_mem>>
      %dma_start3A_88 = arith.constant 0 : i32
      %dma_start3A_89 = tpu.memref_slice %arg6[%arg0, %mul3A_87, %dma_start3A_88] : memref<2x10112x128xf32, #tpu.memory_space<hbm>> -> memref<1x632x128xf32, #tpu.memory_space<hbm>>
      %dma_start3A_90 = tpu.memref_squeeze %dma_start3A_89 : memref<1x632x128xf32, #tpu.memory_space<hbm>> -> memref<632x128xf32, #tpu.memory_space<hbm>>
      %dma_start3A_91 = arith.constant 0 : i32
      %dma_start3A_92 = tpu.memref_slice %arg22[%mul3A_87, %dma_start3A_91] : memref<10112x128xf32, #tpu.memory_space<vmem_shared>> -> memref<632x128xf32, #tpu.memory_space<vmem_shared>>
      tpu.enqueue_dma source(%dma_start3A_92 : memref<632x128xf32, #tpu.memory_space<vmem_shared>>) target(%dma_start3A_90 : memref<632x128xf32, #tpu.memory_space<hbm>>) target_semaphore(%run_scoped3A : memref<!tpu.dma_semaphore, #tpu.memory_space<semaphore_mem>>)
      %dma_wait3A_93 = arith.constant 0 : i32
      %dma_wait3A_94 = tpu.memref_slice %arg6[%arg0, %mul3A_87, %dma_wait3A_93] : memref<2x10112x128xf32, #tpu.memory_space<hbm>> -> memref<1x632x128xf32, #tpu.memory_space<hbm>>
      %dma_wait3A_95 = tpu.memref_squeeze %dma_wait3A_94 : memref<1x632x128xf32, #tpu.memory_space<hbm>> -> memref<632x128xf32, #tpu.memory_space<hbm>>
      %dma_wait3A_96 = arith.constant 0 : i32
      %dma_wait3A_97 = tpu.memref_slice %arg22[%mul3A_87, %dma_wait3A_96] : memref<10112x128xf32, #tpu.memory_space<vmem_shared>> -> memref<632x128xf32, #tpu.memory_space<vmem_shared>>
      tpu.wait_dma2 semaphore(%run_scoped3A : memref<!tpu.dma_semaphore, #tpu.memory_space<semaphore_mem>>) src(%dma_wait3A_97 : memref<632x128xf32, #tpu.memory_space<vmem_shared>>) dst(%dma_wait3A_95 : memref<632x128xf32, #tpu.memory_space<hbm>>)
      tpu.yield
    }) : () -> ()
    return
  }
}

module attributes {stable_mosaic.version = 14 : i64} {
  func.func @_tc_a_body(%arg0: i32, %arg1: memref<128x128xf32, #tpu.memory_space<vmem>>, %arg2: memref<128x64xf32, #tpu.memory_space<vmem>>, %arg3: memref<64x128xf32, #tpu.memory_space<vmem>>, %arg4: memref<128x128xf32, #tpu.memory_space<vmem>>) attributes {dimension_semantics = [#tpu.dimension_semantics<arbitrary>], iteration_bounds = array<i64: 79>, scalar_prefetch = 0 : i64, scratch_operands = 0 : i64, tpu.core_type = #tpu.core_type<tc>, window_params = [{transform_indices = @transform_0, window_bounds = array<i64: 128, 128>}, {pipeline_mode = #tpu.pipeline_mode<synchronous>, transform_indices = @transform_1, window_bounds = array<i64: 128, 64>}, {pipeline_mode = #tpu.pipeline_mode<synchronous>, transform_indices = @transform_2, window_bounds = array<i64: 64, 128>}, {transform_indices = @transform_3, window_bounds = array<i64: 128, 128>}]} {
    %get3A = arith.constant 0 : index
    %get3A_0 = arith.constant 0 : index
    %get3A_1 = vector.load %arg1[%get3A, %get3A_0] : memref<128x128xf32, #tpu.memory_space<vmem>>, vector<128x128xf32>
    %get3A_2 = arith.constant 0 : index
    %get3A_3 = arith.constant 0 : index
    %get3A_4 = vector.load %arg2[%get3A_2, %get3A_3] : memref<128x64xf32, #tpu.memory_space<vmem>>, vector<128x64xf32>
    %dot_general3A = arith.constant dense<0.000000e+00> : vector<128x64xf32>
    %dot_general3A_5 = tpu.matmul %get3A_1, %get3A_4, %dot_general3A {dimension_numbers = #tpu.dot_dimension_numbers<[1], [0], [0], [1], [0, 0, 1, 1], [], []>, transpose_lhs_hint = false} : vector<128x128xf32>, vector<128x64xf32>, vector<128x64xf32> -> vector<128x64xf32>
    %get3A_6 = arith.constant 0 : index
    %get3A_7 = arith.constant 0 : index
    %get3A_8 = vector.load %arg3[%get3A_6, %get3A_7] : memref<64x128xf32, #tpu.memory_space<vmem>>, vector<64x128xf32>
    %dot_general3A_9 = arith.constant dense<0.000000e+00> : vector<128x128xf32>
    %dot_general3A_10 = tpu.matmul %dot_general3A_5, %get3A_8, %dot_general3A_9 {dimension_numbers = #tpu.dot_dimension_numbers<[1], [0], [0], [1], [0, 0, 1, 1], [], []>, transpose_lhs_hint = false} : vector<128x64xf32>, vector<64x128xf32>, vector<128x128xf32> -> vector<128x128xf32>
    %swap3A = arith.constant 0 : index
    %swap3A_11 = arith.constant 0 : index
    %swap3A_12 = vector.load %arg4[%swap3A, %swap3A_11] : memref<128x128xf32, #tpu.memory_space<vmem>>, vector<128x128xf32>
    tpu.vector_store %arg4[%swap3A, %swap3A_11], %dot_general3A_10 {strides = array<i32>} : memref<128x128xf32, #tpu.memory_space<vmem>>, vector<128x128xf32>,
    return
  }
  func.func @transform_0(%arg0: i32) -> (i32, i32) {
    %c0_i32 = arith.constant 0 : i32
    %c0_i32_0 = arith.constant 0 : i32
    return %arg0, %c0_i32 : i32, i32
  }
  func.func @transform_1(%arg0: i32) -> (i32, i32) {
    %c0_i32 = arith.constant 0 : i32
    %c0_i32_0 = arith.constant 0 : i32
    %c0_i32_1 = arith.constant 0 : i32
    return %c0_i32, %c0_i32_0 : i32, i32
  }
  func.func @transform_2(%arg0: i32) -> (i32, i32) {
    %c0_i32 = arith.constant 0 : i32
    %c0_i32_0 = arith.constant 0 : i32
    %c0_i32_1 = arith.constant 0 : i32
    return %c0_i32, %c0_i32_0 : i32, i32
  }
  func.func @transform_3(%arg0: i32) -> (i32, i32) {
    %c0_i32 = arith.constant 0 : i32
    %c0_i32_0 = arith.constant 0 : i32
    return %arg0, %c0_i32 : i32, i32
  }
}

module attributes {stable_mosaic.version = 14 : i64} {
  func.func @_tc_b_body(%arg0: i32, %arg1: memref<2x128x128xf32, #tpu.memory_space<vmem>>, %arg2: memref<128x64xf32, #tpu.memory_space<vmem>>, %arg3: memref<128x64xf32, #tpu.memory_space<vmem>>, %arg4: memref<1x64xf32, #tpu.memory_space<vmem>>, %arg5: memref<64x128xf32, #tpu.memory_space<vmem>>, %arg6: memref<128x2xf32, #tpu.memory_space<vmem>>, %arg7: memref<128x128xf32, #tpu.memory_space<vmem>>, %arg8: memref<128x2xf32, #tpu.memory_space<vmem>>) attributes {dimension_semantics = [#tpu.dimension_semantics<arbitrary>], iteration_bounds = array<i64: 79>, scalar_prefetch = 0 : i64, scratch_operands = 0 : i64, tpu.core_type = #tpu.core_type<tc>, window_params = [{transform_indices = @transform_0, window_bounds = array<i64: 2, 128, 128>}, {pipeline_mode = #tpu.pipeline_mode<synchronous>, transform_indices = @transform_1, window_bounds = array<i64: 128, 64>}, {pipeline_mode = #tpu.pipeline_mode<synchronous>, transform_indices = @transform_2, window_bounds = array<i64: 128, 64>}, {pipeline_mode = #tpu.pipeline_mode<synchronous>, transform_indices = @transform_3, window_bounds = array<i64: 1, 64>}, {pipeline_mode = #tpu.pipeline_mode<synchronous>, transform_indices = @transform_4, window_bounds = array<i64: 64, 128>}, {pipeline_mode = #tpu.pipeline_mode<synchronous>, transform_indices = @transform_5, window_bounds = array<i64: 128, 2>}, {transform_indices = @transform_6, window_bounds = array<i64: 128, 128>}, {transform_indices = @transform_7, window_bounds = array<i64: 128, 2>}]} {
    %get3A = arith.constant 0 : index
    %get3A_0 = arith.constant 0 : index
    %get3A_1 = arith.constant 0 : index
    %get3A_2 = vector.load %arg1[%get3A, %get3A_0, %get3A_1] : memref<2x128x128xf32, #tpu.memory_space<vmem>>, vector<1x128x128xf32>
    %get3A_3 = vector.shape_cast %get3A_2 : vector<1x128x128xf32> to vector<128x128xf32>
    %get3A_4 = arith.constant 1 : index
    %get3A_5 = arith.constant 0 : index
    %get3A_6 = arith.constant 0 : index
    %get3A_7 = vector.load %arg1[%get3A_4, %get3A_5, %get3A_6] : memref<2x128x128xf32, #tpu.memory_space<vmem>>, vector<1x128x128xf32>
    %get3A_8 = vector.shape_cast %get3A_7 : vector<1x128x128xf32> to vector<128x128xf32>
    %add3A = arith.addf %get3A_3, %get3A_8 : vector<128x128xf32>
    %get3A_9 = arith.constant 0 : index
    %get3A_10 = arith.constant 0 : index
    %get3A_11 = vector.load %arg2[%get3A_9, %get3A_10] : memref<128x64xf32, #tpu.memory_space<vmem>>, vector<128x64xf32>
    %dot_general3A = arith.constant dense<0.000000e+00> : vector<128x64xf32>
    %dot_general3A_12 = tpu.matmul %add3A, %get3A_11, %dot_general3A {dimension_numbers = #tpu.dot_dimension_numbers<[1], [0], [0], [1], [0, 0, 1, 1], [], []>, transpose_lhs_hint = false} : vector<128x128xf32>, vector<128x64xf32>, vector<128x64xf32> -> vector<128x64xf32>
    %get3A_13 = arith.constant 0 : index
    %get3A_14 = arith.constant 0 : index
    %get3A_15 = vector.load %arg3[%get3A_13, %get3A_14] : memref<128x64xf32, #tpu.memory_space<vmem>>, vector<128x64xf32>
    %dot_general3A_16 = arith.constant dense<0.000000e+00> : vector<128x64xf32>
    %dot_general3A_17 = tpu.matmul %add3A, %get3A_15, %dot_general3A_16 {dimension_numbers = #tpu.dot_dimension_numbers<[1], [0], [0], [1], [0, 0, 1, 1], [], []>, transpose_lhs_hint = false} : vector<128x128xf32>, vector<128x64xf32>, vector<128x64xf32> -> vector<128x64xf32>
    %add3A_18 = arith.constant 1.000000e-16 : f32
    %add3A_19 = vector.broadcast %add3A_18 : f32 to vector<128x64xf32>
    %add3A_20 = arith.addf %dot_general3A_12, %add3A_19 : vector<128x64xf32>
    %div3A = arith.divf %dot_general3A_17, %add3A_20 : vector<128x64xf32>
    %get3A_21 = arith.constant 0 : index
    %get3A_22 = arith.constant 0 : index
    %get3A_23 = vector.load %arg4[%get3A_21, %get3A_22] : memref<1x64xf32, #tpu.memory_space<vmem>>, vector<1x64xf32>
    %get3A_24 = vector.shape_cast %get3A_23 : vector<1x64xf32> to vector<64xf32>
    %broadcast_in_dim3A = vector.shape_cast %get3A_24 : vector<64xf32> to vector<1x64xf32>
    %add3A_25 = vector.broadcast %broadcast_in_dim3A : vector<1x64xf32> to vector<128x64xf32>
    %add3A_26 = arith.addf %div3A, %add3A_25 : vector<128x64xf32>
    %gt3A = arith.constant 0.000000e+00 : f32
    %gt3A_27 = vector.broadcast %gt3A : f32 to vector<128x64xf32>
    %gt3A_28 = arith.cmpf ogt, %add3A_26, %gt3A_27 : vector<128x64xf32>
    %min3A = arith.constant 0.000000e+00 : f32
    %min3A_29 = vector.broadcast %min3A : f32 to vector<128x64xf32>
    %min3A_30 = arith.minimumf %add3A_26, %min3A_29 : vector<128x64xf32>
    %exp3A = math.exp %min3A_30 : vector<128x64xf32>
    %sub3A = arith.constant 1.000000e+00 : f32
    %sub3A_31 = vector.broadcast %sub3A : f32 to vector<128x64xf32>
    %sub3A_32 = arith.subf %exp3A, %sub3A_31 : vector<128x64xf32>
    %select_n3A = arith.select %gt3A_28, %add3A_26, %sub3A_32 : vector<128x64xi1>, vector<128x64xf32>
    %get3A_33 = arith.constant 0 : index
    %get3A_34 = arith.constant 0 : index
    %get3A_35 = vector.load %arg5[%get3A_33, %get3A_34] : memref<64x128xf32, #tpu.memory_space<vmem>>, vector<64x128xf32>
    %dot_general3A_36 = arith.constant dense<0.000000e+00> : vector<128x128xf32>
    %dot_general3A_37 = tpu.matmul %select_n3A, %get3A_35, %dot_general3A_36 {dimension_numbers = #tpu.dot_dimension_numbers<[1], [0], [0], [1], [0, 0, 1, 1], [], []>, transpose_lhs_hint = false} : vector<128x64xf32>, vector<64x128xf32>, vector<128x128xf32> -> vector<128x128xf32>
    %swap3A = arith.constant 0 : index
    %swap3A_38 = arith.constant 0 : index
    %swap3A_39 = vector.load %arg7[%swap3A, %swap3A_38] : memref<128x128xf32, #tpu.memory_space<vmem>>, vector<128x128xf32>
    tpu.vector_store %arg7[%swap3A, %swap3A_38], %dot_general3A_37 {strides = array<i32>} : memref<128x128xf32, #tpu.memory_space<vmem>>, vector<128x128xf32>,
    %get3A_40 = arith.constant 0 : index
    %get3A_41 = arith.constant 0 : index
    %get3A_42 = vector.load %arg6[%get3A_40, %get3A_41] : memref<128x2xf32, #tpu.memory_space<vmem>>, vector<128x2xf32>
    %dot_general3A_43 = arith.constant dense<0.000000e+00> : vector<128x2xf32>
    %dot_general3A_44 = tpu.matmul %dot_general3A_37, %get3A_42, %dot_general3A_43 {dimension_numbers = #tpu.dot_dimension_numbers<[1], [0], [0], [1], [0, 0, 1, 1], [], []>, transpose_lhs_hint = false} : vector<128x128xf32>, vector<128x2xf32>, vector<128x2xf32> -> vector<128x2xf32>
    %swap3A_45 = arith.constant 0 : index
    %swap3A_46 = arith.constant 0 : index
    %swap3A_47 = vector.load %arg8[%swap3A_45, %swap3A_46] : memref<128x2xf32, #tpu.memory_space<vmem>>, vector<128x2xf32>
    tpu.vector_store %arg8[%swap3A_45, %swap3A_46], %dot_general3A_44 {strides = array<i32>} : memref<128x2xf32, #tpu.memory_space<vmem>>, vector<128x2xf32>,
    return
  }
  func.func @transform_0(%arg0: i32) -> (i32, i32, i32) {
    %c0_i32 = arith.constant 0 : i32
    %c0_i32_0 = arith.constant 0 : i32
    %c0_i32_1 = arith.constant 0 : i32
    return %c0_i32, %arg0, %c0_i32_0 : i32, i32, i32
  }
  func.func @transform_1(%arg0: i32) -> (i32, i32) {
    %c0_i32 = arith.constant 0 : i32
    %c0_i32_0 = arith.constant 0 : i32
    %c0_i32_1 = arith.constant 0 : i32
    return %c0_i32, %c0_i32_0 : i32, i32
  }
  func.func @transform_2(%arg0: i32) -> (i32, i32) {
    %c0_i32 = arith.constant 0 : i32
    %c0_i32_0 = arith.constant 0 : i32
    %c0_i32_1 = arith.constant 0 : i32
    return %c0_i32, %c0_i32_0 : i32, i32
  }
  func.func @transform_3(%arg0: i32) -> (i32, i32) {
    %c0_i32 = arith.constant 0 : i32
    %c0_i32_0 = arith.constant 0 : i32
    %c0_i32_1 = arith.constant 0 : i32
    return %c0_i32, %c0_i32_0 : i32, i32
  }
  func.func @transform_4(%arg0: i32) -> (i32, i32) {
    %c0_i32 = arith.constant 0 : i32
    %c0_i32_0 = arith.constant 0 : i32
    %c0_i32_1 = arith.constant 0 : i32
    return %c0_i32, %c0_i32_0 : i32, i32
  }
  func.func @transform_5(%arg0: i32) -> (i32, i32) {
    %c0_i32 = arith.constant 0 : i32
    %c0_i32_0 = arith.constant 0 : i32
    %c0_i32_1 = arith.constant 0 : i32
    return %c0_i32, %c0_i32_0 : i32, i32
  }
  func.func @transform_6(%arg0: i32) -> (i32, i32) {
    %c0_i32 = arith.constant 0 : i32
    %c0_i32_0 = arith.constant 0 : i32
    return %arg0, %c0_i32 : i32, i32
  }
  func.func @transform_7(%arg0: i32) -> (i32, i32) {
    %c0_i32 = arith.constant 0 : i32
    %c0_i32_0 = arith.constant 0 : i32
    return %arg0, %c0_i32 : i32, i32
  }
}

module attributes {stable_mosaic.version = 14 : i64} {
  func.func @_tc_c_body(%arg0: i32, %arg1: memref<2x128x128xf32, #tpu.memory_space<vmem>>, %arg2: memref<32x128xf32, #tpu.memory_space<vmem>>, %arg3: memref<32x1xf32, #tpu.memory_space<vmem>>, %arg4: memref<1x128xf32, #tpu.memory_space<vmem>>, %arg5: memref<128x128xf32, #tpu.memory_space<vmem>>) attributes {dimension_semantics = [#tpu.dimension_semantics<arbitrary>], iteration_bounds = array<i64: 79>, scalar_prefetch = 0 : i64, scratch_operands = 0 : i64, tpu.core_type = #tpu.core_type<tc>, window_params = [{transform_indices = @transform_0, window_bounds = array<i64: 2, 128, 128>}, {transform_indices = @transform_1, window_bounds = array<i64: 32, 128>}, {pipeline_mode = #tpu.pipeline_mode<synchronous>, transform_indices = @transform_2, window_bounds = array<i64: 32, 1>}, {pipeline_mode = #tpu.pipeline_mode<synchronous>, transform_indices = @transform_3, window_bounds = array<i64: 1, 128>}, {transform_indices = @transform_4, window_bounds = array<i64: 128, 128>}]} {
    %get3A = arith.constant 0 : index
    %get3A_0 = arith.constant 0 : index
    %get3A_1 = arith.constant 0 : index
    %get3A_2 = vector.load %arg1[%get3A, %get3A_0, %get3A_1] : memref<2x128x128xf32, #tpu.memory_space<vmem>>, vector<1x128x128xf32>
    %get3A_3 = vector.shape_cast %get3A_2 : vector<1x128x128xf32> to vector<128x128xf32>
    %get3A_4 = arith.constant 1 : index
    %get3A_5 = arith.constant 0 : index
    %get3A_6 = arith.constant 0 : index
    %get3A_7 = vector.load %arg1[%get3A_4, %get3A_5, %get3A_6] : memref<2x128x128xf32, #tpu.memory_space<vmem>>, vector<1x128x128xf32>
    %get3A_8 = vector.shape_cast %get3A_7 : vector<1x128x128xf32> to vector<128x128xf32>
    %add3A = arith.addf %get3A_3, %get3A_8 : vector<128x128xf32>
    %get3A_9 = arith.constant 0 : index
    %get3A_10 = arith.constant 0 : index
    %get3A_11 = vector.load %arg2[%get3A_9, %get3A_10] : memref<32x128xf32, #tpu.memory_space<vmem>>, vector<32x128xf32>
    %get3A_12 = arith.constant 0 : index
    %get3A_13 = arith.constant 0 : index
    %get3A_14 = vector.load %arg3[%get3A_12, %get3A_13] : memref<32x1xf32, #tpu.memory_space<vmem>>, vector<32x1xf32>
    %dot_general3A = arith.constant dense<0.000000e+00> : vector<128x1xf32>
    %dot_general3A_15 = tpu.matmul %get3A_11, %get3A_14, %dot_general3A {dimension_numbers = #tpu.dot_dimension_numbers<[0], [0], [1], [1], [0, 1, 1, 1], [], []>, transpose_lhs_hint = false} : vector<32x128xf32>, vector<32x1xf32>, vector<128x1xf32> -> vector<128x1xf32>
    %add3A_16 = arith.constant 1.000000e-16 : f32
    %add3A_17 = vector.broadcast %add3A_16 : f32 to vector<128x1xf32>
    %add3A_18 = arith.addf %dot_general3A_15, %add3A_17 : vector<128x1xf32>
    %div3A = vector.broadcast %add3A_18 : vector<128x1xf32> to vector<128x128xf32>
    %div3A_19 = arith.divf %add3A, %div3A : vector<128x128xf32>
    %get3A_20 = arith.constant 0 : index
    %get3A_21 = arith.constant 0 : index
    %get3A_22 = vector.load %arg4[%get3A_20, %get3A_21] : memref<1x128xf32, #tpu.memory_space<vmem>>, vector<1x128xf32>
    %get3A_23 = vector.shape_cast %get3A_22 : vector<1x128xf32> to vector<128xf32>
    %broadcast_in_dim3A = vector.shape_cast %get3A_23 : vector<128xf32> to vector<1x128xf32>
    %add3A_24 = vector.broadcast %broadcast_in_dim3A : vector<1x128xf32> to vector<128x128xf32>
    %add3A_25 = arith.addf %div3A_19, %add3A_24 : vector<128x128xf32>
    %reduce_max3A = arith.constant dense<0xFF800000> : vector<128xf32>
    %reduce_max3A_26 = vector.multi_reduction <maximumf>, %add3A_25, %reduce_max3A [1] : vector<128x128xf32> to vector<128xf32>
    %broadcast_in_dim3A_27 = vector.shape_cast %reduce_max3A_26 : vector<128xf32> to vector<128x1xf32>
    %sub3A = vector.broadcast %broadcast_in_dim3A_27 : vector<128x1xf32> to vector<128x128xf32>
    %sub3A_28 = arith.subf %add3A_25, %sub3A : vector<128x128xf32>
    %exp3A = math.exp %sub3A_28 : vector<128x128xf32>
    %reduce_sum3A = arith.constant dense<0.000000e+00> : vector<128xf32>
    %reduce_sum3A_29 = vector.multi_reduction <add>, %exp3A, %reduce_sum3A [1] : vector<128x128xf32> to vector<128xf32>
    %broadcast_in_dim3A_30 = vector.shape_cast %reduce_sum3A_29 : vector<128xf32> to vector<128x1xf32>
    %sub3A_31 = vector.broadcast %broadcast_in_dim3A_27 : vector<128x1xf32> to vector<128x128xf32>
    %sub3A_32 = arith.subf %add3A_25, %sub3A_31 : vector<128x128xf32>
    %log3A = math.log %broadcast_in_dim3A_30 : vector<128x1xf32>
    %sub3A_33 = vector.broadcast %log3A : vector<128x1xf32> to vector<128x128xf32>
    %sub3A_34 = arith.subf %sub3A_32, %sub3A_33 : vector<128x128xf32>
    %swap3A = arith.constant 0 : index
    %swap3A_35 = arith.constant 0 : index
    %swap3A_36 = vector.load %arg5[%swap3A, %swap3A_35] : memref<128x128xf32, #tpu.memory_space<vmem>>, vector<128x128xf32>
    tpu.vector_store %arg5[%swap3A, %swap3A_35], %sub3A_34 {strides = array<i32>} : memref<128x128xf32, #tpu.memory_space<vmem>>, vector<128x128xf32>,
    return
  }
  func.func @transform_0(%arg0: i32) -> (i32, i32, i32) {
    %c0_i32 = arith.constant 0 : i32
    %c0_i32_0 = arith.constant 0 : i32
    %c0_i32_1 = arith.constant 0 : i32
    return %c0_i32, %arg0, %c0_i32_0 : i32, i32, i32
  }
  func.func @transform_1(%arg0: i32) -> (i32, i32) {
    %c0_i32 = arith.constant 0 : i32
    %c0_i32_0 = arith.constant 0 : i32
    return %c0_i32, %arg0 : i32, i32
  }
  func.func @transform_2(%arg0: i32) -> (i32, i32) {
    %c0_i32 = arith.constant 0 : i32
    %c0_i32_0 = arith.constant 0 : i32
    %c0_i32_1 = arith.constant 0 : i32
    return %c0_i32, %c0_i32_0 : i32, i32
  }
  func.func @transform_3(%arg0: i32) -> (i32, i32) {
    %c0_i32 = arith.constant 0 : i32
    %c0_i32_0 = arith.constant 0 : i32
    %c0_i32_1 = arith.constant 0 : i32
    return %c0_i32, %c0_i32_0 : i32, i32
  }
  func.func @transform_4(%arg0: i32) -> (i32, i32) {
    %c0_i32 = arith.constant 0 : i32
    %c0_i32_0 = arith.constant 0 : i32
    return %arg0, %c0_i32 : i32, i32
  }
}

</mosaic_0001>

<sc_bundles>
// kernel: kernel.10.cloned.1.call-start
scs
__scs_entry_jumppad:
0x0: {  	(pc) =	sbr.rel $0x88, $3  }
0x1: {  	(tag) =	ssettag $0x0;
	lr =	simm.s32 $0x1  }
0x2: {  	[smem:$0x3F97] =	sst lr;
	_ =	strace $0xD0000000  }
0x3: {  	_ = 	snop  }
0x4: {  	_ = 	snop  }
0x5: {  	_ = 	snop  }
0x6: {  	_ = 	snop  }
0x7: {  	_ = 	snop  }
__scs_overlays_trampoline_lowered:
0x8: {  	[smem:$0x3FA6] =	sst s0  }
0x9: {  	[smem:$0x3FA7] =	sst s1  }
0xa: {  	[smem:$0x3FA8] =	sst s2  }
0xb: {  	[smem:$0x3FA9] =	sst s3  }
0xc: {  	[smem:$0x3FAA] =	sst s4  }
0xd: {  	[smem:$0x3FAB] =	sst s5  }
0xe: {  	[smem:$0x3FAC] =	sst s6  }
0xf: {  	[smem:$0x3FAD] =	sst s7  }
0x10: {  	[smem:$0x3FAE] =	sst s8  }
0x11: {  	[smem:$0x3FAF] =	sst s9;
	s0 =	simm.s32 @!p0 $0x0  }
0x12: {  	s1 =	sld [smem:$0x3F95];
	s0 =	simm.s32 @p0 $0x1  }
0x13: {  	[smem:$0x3FB0] =	sst s0;
	s0 =	simm.s32 @!p1 $0x0  }
0x14: {  	s2 =	sld [smem:$0x3F94];
	s0 =	simm.s32 @p1 $0x1  }
0x15: {  	[smem:$0x3FB1] =	sst s0;
	s0 =	simm.s32 @!p2 $0x0  }
0x16: {  	s3 =	sld [smem:$0x3FDB];
	s0 =	simm.s32 @p2 $0x1  }
0x17: {  	s4 =	simm.s32 $0x1BF5;
	[smem:$0x3FB3] =	sst s0  }
0x18: {  	s0 =	sld [smem:$0x3F96];
	_ =	swait.ge [sflag:s4], $0x0  }
0x19: {  	s7 =	sld [smem:$0x3F97]  }
0x1a: {  	s8 =	sadd.s32 $0xFFFFE003, lr  }
0x1b: {  	s9 =	sadd.s32 $0xFFFFFEF7, lr;
	s5 =	simm.s32 $0xFFFFFFFF;
	p2 =	slt.u32 s8, $0xFFFFF086  }
0x1c: {  	p1 =	slt.u32 s9, $0xF7A;
	s5 =	simm.s32 @!p2 $0x0  }
0x1d: {  	s5 =	simm.s32 @p1 $0x1;
	p0 =	seq.s32 s7, s2  }
0x1e: {  	s7 =	smul.u32 @!p0 $0xF7A, s2;
	p2 =	seq.s32 @!p0 s5, $0x0  }
0x1f: {  	s9 =	smul.u32 $0xF7A, s1;
	s8 =	simm.s32 @!p0 $0x1BF5;
	p2 =	por !p2, p0  }
0x20: {  	[sflag:s8] =	ssyncset.s32 @!p0 $0xFFFFF086;
	s6 =	sadd.s32 @!p0 s3, s7;
	s7 =	simm.s32 @!p0 $0x108  }
0x21: {  	s3 =	sadd.s32 s3, s9;
	s6 =	sadd.s32 @!p0 $0x88, s6;
	s7 =	simm.s32 @p2 $0x1082  }
0x22: {  	[simem:s7], [sflag:s8] =	dma.local @!p0 [hbm:s6], $0xF7A  }
0x23: {  	s9 =	sor.u32 $0xD0000000, s2;
	s6 =	simm.s32 $0x108;
	_ =	swait.ge @!p0 [sflag:s8], $0x0  }
0x24: {  	s3 =	sadd.s32 $0x88, s3;
	s6 =	simm.s32 @!p1 $0x1082;
	[sflag:s4] =	ssyncset.s32 $0xFFFFF086  }
0x25: {  	[simem:s6], [sflag:s4] =	dma.local [hbm:s3], $0xF7A  }
0x26: {  	[smem:$0x3F97] =	sst s1;
	(tag) =	ssettag s2;
	_ =	strace s9  }
0x27: {  	s1 =	sld [smem:$0x3FA7]  }
0x28: {  	s2 =	sld [smem:$0x3FA8]  }
0x29: {  	s4 =	sld [smem:$0x3FAA]  }
0x2a: {  	p0 =	seq.s32 s5, $0x0;
	s5 =	sld [smem:$0x3FAB]  }
0x2b: {  	s6 =	sld [smem:$0x3FAC]  }
0x2c: {  	s7 =	sld [smem:$0x3FAD]  }
0x2d: {  	s3 =	simm.s32 $0x108;
	s8 =	sld [smem:$0x3FAE]  }
0x2e: {  	s3 =	simm.s32 @!p0 $0x1082;
	s9 =	sld [smem:$0x3FAF]  }
0x2f: {  	lr =	sadd.s32 s0, s3;
	s0 =	sld [smem:$0x3FA6]  }
0x30: {  	s3 =	sld [smem:$0x3FA9]  }
0x31: {  	[smem:$0x3FB2] =	sst s10  }
0x32: {  	s10 =	sld [smem:$0x3FB0];
	_ =	sdelay $0x3  }
0x33: {  	p0 =	seq.s32 s10, $0x1;
	s10 =	sld [smem:$0x3FB2];
	_ =	sdelay $0x3  }
0x34: {  	[smem:$0x3FB2] =	sst s10  }
0x35: {  	s10 =	sld [smem:$0x3FB1];
	_ =	sdelay $0x3  }
0x36: {  	p1 =	seq.s32 s10, $0x1;
	s10 =	sld [smem:$0x3FB2];
	_ =	sdelay $0x3  }
0x37: {  	[smem:$0x3FB2] =	sst s10  }
0x38: {  	s10 =	sld [smem:$0x3FB3]  }
0x39: {  	_ = 	snop;
	(pc) =	sbr.ind lr, $3  }
0x3a: {  	_ = 	snop  }
0x3b: {  	_ = 	snop  }
0x3c: {  	p2 =	seq.s32 s10, $0x1;
	s10 =	sld [smem:$0x3FB2]  }
0x3d: {  	_ =	shalt  }
0x3e: {  	_ =	shalt  }
0x3f: {  	_ =	shalt  }
0x40: {  	_ =	shalt  }
0x41: {  	_ =	shalt  }
0x42: {  	_ =	shalt  }
0x43: {  	_ =	shalt  }
0x44: {  	_ =	shalt  }
0x45: {  	_ =	shalt  }
0x46: {  	_ =	shalt  }
0x47: {  	_ =	shalt  }
0x48: {  	_ =	shalt  }
0x49: {  	_ =	shalt  }
0x4a: {  	_ =	shalt  }
0x4b: {  	_ =	shalt  }
0x4c: {  	_ =	shalt  }
0x4d: {  	_ =	shalt  }
0x4e: {  	_ =	shalt  }
0x4f: {  	_ =	shalt  }
0x50: {  	_ =	shalt  }
0x51: {  	_ =	shalt  }
0x52: {  	_ =	shalt  }
0x53: {  	_ =	shalt  }
0x54: {  	_ =	shalt  }
0x55: {  	_ =	shalt  }
0x56: {  	_ =	shalt  }
0x57: {  	_ =	shalt  }
0x58: {  	_ =	shalt  }
0x59: {  	_ =	shalt  }
0x5a: {  	_ =	shalt  }
0x5b: {  	_ =	shalt  }
0x5c: {  	_ =	shalt  }
0x5d: {  	_ =	shalt  }
0x5e: {  	_ =	shalt  }
0x5f: {  	_ =	shalt  }
0x60: {  	_ =	shalt  }
0x61: {  	_ =	shalt  }
0x62: {  	_ =	shalt  }
0x63: {  	_ =	shalt  }
0x64: {  	_ =	shalt  }
0x65: {  	_ =	shalt  }
0x66: {  	_ =	shalt  }
0x67: {  	_ =	shalt  }
0x68: {  	_ =	shalt  }
0x69: {  	_ =	shalt  }
0x6a: {  	_ =	shalt  }
0x6b: {  	_ =	shalt  }
0x6c: {  	_ =	shalt  }
0x6d: {  	_ =	shalt  }
0x6e: {  	_ =	shalt  }
0x6f: {  	_ =	shalt  }
0x70: {  	_ =	shalt  }
0x71: {  	_ =	shalt  }
0x72: {  	_ =	shalt  }
0x73: {  	_ =	shalt  }
0x74: {  	_ =	shalt  }
0x75: {  	_ =	shalt  }
0x76: {  	_ =	shalt  }
0x77: {  	_ =	shalt  }
0x78: {  	_ =	shalt  }
0x79: {  	_ =	shalt  }
0x7a: {  	_ =	shalt  }
0x7b: {  	_ =	shalt  }
0x7c: {  	_ =	shalt  }
0x7d: {  	_ =	shalt  }
0x7e: {  	_ =	shalt  }
0x7f: {  	_ =	shalt  }
0x80: {  	_ =	shalt  }
0x81: {  	_ =	shalt  }
0x82: {  	_ =	shalt  }
0x83: {  	_ =	shalt  }
0x84: {  	_ =	shalt  }
0x85: {  	_ =	shalt  }
0x86: {  	_ =	shalt  }
0x87: {  	_ =	shalt  }
.Lfunc_end0:
.L_simem_size_0:
called_computation.1_lowered:
.L_overlay_start_0:
0x88: {  	s2 =	sld [smem:$0x3FD9]  }
0x89: {  	s3 =	sld [smem:$0x3FFE];
	_ =	sdelay $0x1  }
0x8a: {  	s1 =	srdreg.scid  }
0x8b: {  	s0 =	sand.u32 $0x1, s1  }
0x8c: {  	s17 =	sshll.u32 s0, $0xA;
	s2 =	sadd.s32 s3, s2  }
0x8d: {  	s2 =	sadd.s32 s2, s17  }
0x8e: {  	[smem:$0x3FBE] =	sst s2  }
0x8f: {  	_ = 	snop  }
0x90: {  	s2 =	sld [smem:$0x3FD0];
	(tm) =	ssettm $0x1  }
0x91: {  	s18 =	sld [smem:$0x3FFB];
	_ =	sdelay $0x3  }
0x92: {  	_ =	strace s18  }
0x93: {  	s3 =	sld [smem:$0x3FFC];
	_ =	sdelay $0x3  }
0x94: {  	_ =	strace s3  }
0x95: {  	s3 =	sld [smem:$0x3FFD];
	_ =	sdelay $0x3  }
0x96: {  	_ =	strace s3  }
0x97: {  	_ =	strace $0x8FFFFFFF  }
0x98: {  	s19 =	sld [smem:$0x3FDB];
	_ =	sdelay $0x1  }
0x99: {  	s4 =	simm.s32 $_scs_section_size  }
0x9a: {  	s5 =	simm.s32 $_size__tile_overlayer_lowered;
	s6 =	simm.s32 $_tile_overlayer_lowered  }
0x9b: {  	s22 =	simm.s32 $0x1BFF;
	s21 =	sshll.u32 s6, $0x1;
	s3 =	sadd.s32 s4, s19  }
0x9c: {  	s7 =	simm.s32 $0x0;
	s20 =	sshll.u32 s5, $0x1;
	s5 =	sadd.s32 s21, s3  }
0x9d: {  	[timem:s7], [sflag:s22] =	dma.local [hbm:s5], s20  }
0x9e: {  	_ =	swait.ge [sflag:s22], s20  }
0x9f: {  	s4 =	ssub.s32 $0x0, s20;
	[sflag:s22] =	ssyncset.done $0x0  }
0xa0: {  	[sflag:s22] =	ssyncadd.s32 s4;
	_ =	sdelay $0x1  }
0xa1: {  	s23 =	simm.s32 $0x1B8B  }
0xa2: {  	_ =	swait.ge [sflag:s23], $0x1  }
0xa3: {  	[sflag:s23] =	ssyncset.done $0x0  }
0xa4: {  	s25 =	simm.s32 $0x1B8E;
	s24 =	sld [smem:$0x3FFE];
	[sflag:s23] =	ssyncadd.s32 $0xFFFFFFFF  }
0xa5: {  	s26 =	simm.s32 $execute0_lowered;
	[smem:$0x3FD2] =	sst s25  }
0xa6: {  	s5 =	sshll.u32 s26, $0x1;
	_ =	strace $0x80000049;
	[dreg:$0x1] =	wrdreg $0xFFFFFFFF  }
0xa7: {  	s28 =	simm.s32 $_size_execute0_lowered;
	s3 =	sadd.s32 s3, s5;
	[dreg:$0x0] =	wrdreg $0x0  }
0xa8: {  	s5 =	sshll.u32 s28, $0x1;
	[dreg:$0x2] =	wrdreg s3  }
0xa9: {  	[dreg:$0x3] =	wrdreg s5  }
0xaa: {  	[dreg:$0x4] =	wrdreg $0xC0  }
0xab: {  	_ =	task [dreg:s7], $0x5FFFF  }
0xac: {  	[dreg:$0x1] =	wrdreg $0xFFFFFFFF  }
0xad: {  	[dreg:$0x0] =	wrdreg $0x60  }
0xae: {  	[dreg:$0x2] =	wrdreg s2  }
0xaf: {  	[dreg:$0x3] =	wrdreg s24  }
0xb0: {  	[dreg:$0x4] =	wrdreg $0xC3000  }
0xb1: {  	[dreg:$0x5] =	wrdreg $0x9  }
0xb2: {  	_ =	task.clear_ibuf [dreg:s7], $0x6FFFF;
	_ =	strace $0x90000049  }
0xb3: {  	s29 =	simm.s32 $0x9;
	_ =	strace $0x8000004B  }
0xb4: {  	_ =	swait.ge [sflag:s29], $0x1  }
0xb5: {  	[sflag:s29] =	ssyncadd.s32 $0xFFFFFFFF  }
0xb6: {  	_ =	strace $0x9000004B  }
0xb7: {  	_ =	sfence  }
0xb8: {  	s30 =	sld [smem:$0x0];
	_ =	sdelay $0x2  }
0xb9: {  	s31 =	sshll.u32 s1, $0xD;
	s1 =	sshrl.u32 s1, $0x2  }
0xba: {  	s3 =	sand.u32 $0x4000, s31;
	s1 =	sadd.s32 s1, s30  }
0xbb: {  	s0 =	sor.u32 s3, s0;
	s1 =	sshll.u32 s1, $0x11  }
0xbc: {  	s0 =	sor.u32 s1, s0  }
0xbd: {  	s0 =	sadd.s32 $0x8F2B, s0  }
0xbe: {  	[sflag:s0] =	ssyncadd.remote.s32 $0x1  }
0xbf: {  	_ =	sfence.sel $0xFFFF  }
0xc0: {  	[dreg:$0x0] =	wrdreg $0xFFFFFFFF;
	(pc) =	sbr.abs _section_cstart, $3  }
0xc1: {  	[dreg:$0x1] =	wrdreg $0xFFFFFFFF  }
0xc2: {  	_ =	task.clear_ibuf [dreg:s7], $0x2FFFF;
	_ =	strace $0x9FFFFFFF  }
0xc3: {  	(tm) =	ssettm $0x7FFFFFFF  }
tec
execute0_lowered:
.L_overlay_start_1:
0x0: {  	(tag) =	ssettag $0x1  }
0x1: {  	s1 =	rddreg [dreg:$0x0]  }
0x2: {  	s0 =	rddreg [dreg:$0x1]  }
0x3: {  	s2 =	rddreg [dreg:$0x2];
	s3 =	srdreg.scid  }
0x4: {  	s4 =	simm.s32 $0x0;
	s11 =	stileid.u32;
	s30 =	simm.s32 $0x8  }
0x5: {  	s31 =	simm.s32 $0x9;
	s3 =	sand.u32 $0x1, s3;
	s7 =	smul.u32 $0x13C00, s11  }
0x6: {  	[smem:$0x7FF] =	sst s4;
	s10 =	sshll.u32 s11, $0x7;
	s17 =	smul.u32 $0x4F000, s11  }
0x7: {  	s12 =	sadd.s32 $0x33800, s0;
	s5 =	sshll.u32 s3, $0x4;
	s6 =	smul.u32 $0x13C000, s3  }
0x8: {  	_ =	strace $0x8000004A;
	[dreg:$0x4] =	wrdreg s12;
	s16 =	sand.u32 $0x380, s10  }
0x9: {  	s3 =	ssub.s32 $0x2, s3;
	s8 =	sor.u32 s11, s5;
	s5 =	sadd.s32 $0x1E00, s0  }
0xa: {  	s18 =	sshrl.u32 s17, $0x2;
	s19 =	sshrl.u32 s3, $0x1;
	s9 =	sshrl.u32 s8, $0x3  }
0xb: {  	s6 =	sadd.s32 s7, s6;
	s7 =	sadd.s32 $0xC000, s0;
	s20 =	smul.u32 $0x6, s8  }
0xc: {  	s11 =	sadd.s32 s18, s2;
	s3 =	ssub.s32 s3, s19;
	s22 =	smul.u32 $0x30, s8  }
0xd: {  	s9 =	smul.u32 $0x13C00, s9;
	s21 =	sadd.s32 $0x1800, s11;
	[dreg:$0x5] =	wrdreg s11  }
0xe: {  	s6 =	sshrl.u32 s6, $0x3;
	s23 =	sadd.s32 $0x3000, s11;
	[dreg:$0x6] =	wrdreg s21  }
0xf: {  	s24 =	sadd.s32 $0x4800, s11;
	s25 =	sadd.s32 $0x6000, s11;
	[dreg:$0x7] =	wrdreg s23  }
0x10: {  	s26 =	sadd.s32 $0x7800, s11;
	s17 =	smax.u32 s3, $0x1;
	[dreg:$0x8] =	wrdreg s24  }
0x11: {  	s18 =	sadd.s32 $0x9000, s11;
	s19 =	sadd.s32 $0xA800, s11;
	[dreg:$0x9] =	wrdreg s25  }
0x12: {  	s3 =	simm.s32 $0x6;
	s6 =	sadd.s32 s6, s0;
	[dreg:$0xa] =	wrdreg s26  }
0x13: {  	s28 =	sadd.s32 s1, s20;
	s10 =	sshrl.u32 s22, $0x3;
	[dreg:$0x13] =	wrdreg s17  }
0x14: {  	s21 =	sor.u32 $0x80, s8;
	s22 =	sor.u32 $0xA0, s8;
	[dreg:$0x14] =	wrdreg s18  }
0x15: {  	[dreg:$0x15] =	wrdreg s19;
	s23 =	sadd.s32 $0xC000, s11;
	s24 =	sadd.s32 $0xD800, s11  }
0x16: {  	s25 =	sadd.s32 $0xF000, s11;
	s26 =	sadd.s32 $0x10800, s11;
	[dreg:$0xb] =	wrdreg s28  }
0x17: {  	s17 =	simm.s32 $0x6B80;
	s18 =	simm.s32 $0x1;
	[dreg:$0x16] =	wrdreg s23  }
0x18: {  	s19 =	simm.s32 $0x9B80;
	s9 =	sor.u32 s16, s9;
	[dreg:$0x17] =	wrdreg s24  }
0x19: {  	s29 =	sadd.s32 $0xC0, s10;
	s10 =	sadd.s32 $0x180, s10;
	[dreg:$0x18] =	wrdreg s25  }
0x1a: {  	s16 =	sadd.s32 $0x34200, s6;
	[dreg:$0x19] =	wrdreg s26;
	s28 =	sadd.s32 $0x12000, s11  }
0x1b: {  	s23 =	simm.s32 $0x8380;
	s24 =	simm.s32 $0x2;
	s26 =	simm.s32 $0x3  }
0x1c: {  	s9 =	sshrl.u32 s9, $0x3;
	s13 =	sadd.s32 s1, s29;
	[dreg:$0x12] =	wrdreg s16  }
0x1d: {  	s14 =	sadd.s32 s1, s10;
	s15 =	sadd.s32 s5, s10;
	[dreg:$0x1a] =	wrdreg s28  }
0x1e: {  	s10 =	simm.s32 $0xA;
	s16 =	simm.s32 $0x30;
	[dreg:$0xd] =	wrdreg s13  }
0x1f: {  	s0 =	sadd.s32 s9, s0;
	s9 =	sadd.s32 s5, s20;
	[dreg:$0xf] =	wrdreg s14  }
.Ltmp0:
0x20: {  	[dreg:$0x10] =	wrdreg s15;
	s20 =	sor.u32 $0x60, s8;
	(pc) =	sbr.rel .LBB2_1-.Ltmp0, $4  }
0x21: {  	s13 =	simm.s32 $0x80;
	[dreg:$0xc] =	wrdreg s9;
	s9 =	sadd.s32 s5, s29  }
0x22: {  	s14 =	simm.s32 $0x200;
	s0 =	sadd.s32 $0x83200, s0;
	[dreg:$0xe] =	wrdreg s9  }
0x23: {  	s8 =	simm.s32 $0x0;
	s29 =	sadd.s32 $0x13800, s11;
	[dreg:$0x11] =	wrdreg s0  }
0x24: {  	v0 =	vimm.f32 $0.0e+00;
	v1 =	vlaneseq.u32;
	[dreg:$0x1b] =	wrdreg s29;
	s9 =	simm.s32 $0x480;
	s0 =	simm.s32 $0x5  }
.LBB2_26:
0x25: {  	s6 =	simm.s32 $0x7  }
0x26: {  	_ =	swait.ge [sflag:s6], $0x1800  }
0x27: {  	[sflag:s6] =	ssyncset.done $0x0  }
0x28: {  	[sflag:s6] =	ssyncadd.s32 $0xFFFFE800  }
0x29: {  	_ =	swait.ge [sflag:s30], $0x1800  }
0x2a: {  	[sflag:s30] =	ssyncset.done $0x0  }
0x2b: {  	[sflag:s30] =	ssyncadd.s32 $0xFFFFE800  }
0x2c: {  	_ =	swait.ge [sflag:s31], $0x1800  }
0x2d: {  	[sflag:s31] =	ssyncset.done $0x0  }
0x2e: {  	[sflag:s31] =	ssyncadd.s32 $0xFFFFE800  }
0x2f: {  	s13 =	simm.s32 $0x80;
	[bflag:$0x0] =	sbarrier.arrive $0xFFFF  }
0x30: {  	s8 =	simm.s32 $0x400;
	s15 =	stileid.u32;
	s12 =	rddreg [dreg:$0x11]  }
0x31: {  	[hbm4b:s12+s13] =	stream.strided.scatter [tilespmem:s19], [sflag:$0xA], $0x2780, s8, s13, $0x38;
	[tilespmem:$0x1FF00] =	vst v63  }
0x32: {  	s6 =	sshll.u32 s15, $0x6;
	_ =	swait.ge [sflag:s10], $0x2780  }
0x33: {  	s6 =	sor.u32 $0x1C0A, s6;
	[sflag:s10] =	ssyncset.done $0x0;
	s11 =	rddreg [dreg:$0x5]  }
0x34: {  	s12 =	rddreg [dreg:$0x12];
	[sflag:s10] =	ssyncadd.s32 $0xFFFFD880;
	s25 =	sshrl.u32 s11, $0x3  }
0x35: {  	[hbm:s12], [sflag:s6] =	dma.local [spmem:s25], $0x2780  }
0x36: {  	_ =	swait.ge [sflag:s10], $0x2780  }
0x37: {  	s28 =	rddreg [dreg:$0x1c]  }
0x38: {  	s29 =	rddreg [dreg:$0x13];
	s8 =	sadd.s32 $0x1, s28  }
0x39: {  	p0 =	sne.s32 s8, s29  }
.Ltmp1:
0x3a: {  	_ = 	snop;
	(pc) =	sbr.rel @!p0 .LBB2_27-.Ltmp1, $3  }
0x3b: {  	_ =	sdelay $0x1  }
0x3c: {  	[sflag:s10] =	ssyncset.done $0x0  }
0x3d: {  	[sflag:s10] =	ssyncadd.s32 $0xFFFFD880  }
.LBB2_1:
0x3e: {  	[dreg:$0x1c] =	wrdreg s8  }
0x3f: {  	s6 =	rddreg [dreg:$0x4]  }
0x40: {  	[tilespmem:s9], [sflag:$0xA] =	stream.linear.gather [hbm4b:s6+s4], $0x4F00, $0x38;
	[tilespmem:$0x1FF00] =	vst v63  }
0x41: {  	_ =	swait.ge [sflag:s10], $0x4F00  }
0x42: {  	[sflag:s10] =	ssyncset.done $0x0  }
0x43: {  	s6 =	simm.s32 $0x0;
	[sflag:s10] =	ssyncadd.s32 $0xFFFFB100  }
.LBB2_2:
0x44: {  	p0 =	sne.s32 s6, $0x9DC0  }
.Ltmp2:
0x45: {  	_ = 	snop;
	(pc) =	sbr.rel @p0 .LBB2_2-.Ltmp2, $3  }
0x46: {  	_ =	sdelay $0x1  }
0x47: {  	s8 =	sshra.s32 s6, $0x2  }
0x48: {  	s6 =	sadd.s32 $0x40, s6;
	[tilespmem:s8+$0x9B80] =	vst v0  }
0x49: {  	s6 =	simm.s32 $0x0;
	s8 =	simm.s32 $0x200  }
.LBB2_4:
0x4a: {  	p0 =	sne.s32 s8, $0x5E00;
	[tilespmem:s6+$0x53F0] =	vst v0  }
0x4b: {  	[tilespmem:s6+$0x5380] =	vst v0  }
0x4c: {  	[tilespmem:s6+$0x5390] =	vst v0  }
.Ltmp3:
0x4d: {  	[tilespmem:s6+$0x53A0] =	vst v0;
	(pc) =	sbr.rel @p0 .LBB2_4-.Ltmp3, $4  }
0x4e: {  	[tilespmem:s6+$0x53B0] =	vst v0  }
0x4f: {  	[tilespmem:s6+$0x53C0] =	vst v0  }
0x50: {  	[tilespmem:s6+$0x53D0] =	vst v0  }
0x51: {  	[tilespmem:s6+$0x53E0] =	vst v0;
	s6 =	sshra.s32 s8, $0x2;
	s8 =	sadd.s32 $0x200, s8  }
0x52: {  	[tilespmem:s6+$0x53F0] =	vst v0  }
0x53: {  	[tilespmem:s6+$0x5380] =	vst v0  }
0x54: {  	[tilespmem:s6+$0x5390] =	vst v0  }
0x55: {  	[tilespmem:s6+$0x53A0] =	vst v0  }
0x56: {  	[tilespmem:s6+$0x53B0] =	vst v0  }
0x57: {  	[tilespmem:s6+$0x53C0] =	vst v0  }
0x58: {  	[tilespmem:s6+$0x53D0] =	vst v0  }
0x59: {  	[tilespmem:s6+$0x53E0] =	vst v0;
	s8 =	simm.s32 $0x5380  }
0x5a: {  	[spmem:s11] =	stream.linear.scatter [tilespmem:s8], [sflag:$0xA], $0x1800, $0x38;
	[tilespmem:$0x1FF00] =	vst v63  }
0x5b: {  	_ =	swait.ge [sflag:s10], $0x1800  }
0x5c: {  	[sflag:s10] =	ssyncset.done $0x0  }
0x5d: {  	s12 =	rddreg [dreg:$0x6];
	[sflag:s10] =	ssyncadd.s32 $0xFFFFE800  }
0x5e: {  	[spmem:s12] =	stream.linear.scatter [tilespmem:s8], [sflag:$0xA], $0x1800, $0x38;
	[tilespmem:$0x1FF00] =	vst v63  }
0x5f: {  	_ =	swait.ge [sflag:s10], $0x1800  }
0x60: {  	[sflag:s10] =	ssyncset.done $0x0  }
0x61: {  	s15 =	rddreg [dreg:$0x7];
	[sflag:s10] =	ssyncadd.s32 $0xFFFFE800  }
0x62: {  	[spmem:s15] =	stream.linear.scatter [tilespmem:s8], [sflag:$0xA], $0x1800, $0x38;
	[tilespmem:$0x1FF00] =	vst v63  }
0x63: {  	_ =	swait.ge [sflag:s10], $0x1800  }
0x64: {  	[sflag:s10] =	ssyncset.done $0x0  }
0x65: {  	s25 =	rddreg [dreg:$0x8];
	[sflag:s10] =	ssyncadd.s32 $0xFFFFE800  }
0x66: {  	[spmem:s25] =	stream.linear.scatter [tilespmem:s8], [sflag:$0xA], $0x1800, $0x38;
	[tilespmem:$0x1FF00] =	vst v63  }
0x67: {  	_ =	swait.ge [sflag:s10], $0x1800  }
0x68: {  	[sflag:s10] =	ssyncset.done $0x0  }
0x69: {  	s28 =	rddreg [dreg:$0x9];
	[sflag:s10] =	ssyncadd.s32 $0xFFFFE800  }
0x6a: {  	[spmem:s28] =	stream.linear.scatter [tilespmem:s8], [sflag:$0xA], $0x1800, $0x38;
	[tilespmem:$0x1FF00] =	vst v63  }
0x6b: {  	_ =	swait.ge [sflag:s10], $0x1800  }
0x6c: {  	[sflag:s10] =	ssyncset.done $0x0  }
0x6d: {  	s11 =	rddreg [dreg:$0xa];
	[sflag:s10] =	ssyncadd.s32 $0xFFFFE800  }
0x6e: {  	[spmem:s11] =	stream.linear.scatter [tilespmem:s8], [sflag:$0xA], $0x1800, $0x38;
	[tilespmem:$0x1FF00] =	vst v63  }
0x6f: {  	_ =	swait.ge [sflag:s10], $0x1800  }
0x70: {  	[sflag:s10] =	ssyncset.done $0x0  }
0x71: {  	s12 =	rddreg [dreg:$0x14];
	[sflag:s10] =	ssyncadd.s32 $0xFFFFE800  }
0x72: {  	[spmem:s12] =	stream.linear.scatter [tilespmem:s8], [sflag:$0xA], $0x1800, $0x38;
	[tilespmem:$0x1FF00] =	vst v63  }
0x73: {  	_ =	swait.ge [sflag:s10], $0x1800  }
0x74: {  	[sflag:s10] =	ssyncset.done $0x0  }
0x75: {  	s15 =	rddreg [dreg:$0x15];
	[sflag:s10] =	ssyncadd.s32 $0xFFFFE800  }
0x76: {  	[spmem:s15] =	stream.linear.scatter [tilespmem:s8], [sflag:$0xA], $0x1800, $0x38;
	[tilespmem:$0x1FF00] =	vst v63  }
0x77: {  	_ =	swait.ge [sflag:s10], $0x1800  }
0x78: {  	[sflag:s10] =	ssyncset.done $0x0  }
0x79: {  	s25 =	rddreg [dreg:$0x16];
	[sflag:s10] =	ssyncadd.s32 $0xFFFFE800  }
0x7a: {  	[spmem:s25] =	stream.linear.scatter [tilespmem:s8], [sflag:$0xA], $0x1800, $0x38;
	[tilespmem:$0x1FF00] =	vst v63  }
0x7b: {  	_ =	swait.ge [sflag:s10], $0x1800  }
0x7c: {  	[sflag:s10] =	ssyncset.done $0x0  }
0x7d: {  	s28 =	rddreg [dreg:$0x17];
	[sflag:s10] =	ssyncadd.s32 $0xFFFFE800  }
0x7e: {  	[spmem:s28] =	stream.linear.scatter [tilespmem:s8], [sflag:$0xA], $0x1800, $0x38;
	[tilespmem:$0x1FF00] =	vst v63  }
0x7f: {  	_ =	swait.ge [sflag:s10], $0x1800  }
0x80: {  	[sflag:s10] =	ssyncset.done $0x0  }
0x81: {  	s11 =	rddreg [dreg:$0x18];
	[sflag:s10] =	ssyncadd.s32 $0xFFFFE800  }
0x82: {  	[spmem:s11] =	stream.linear.scatter [tilespmem:s8], [sflag:$0xA], $0x1800, $0x38;
	[tilespmem:$0x1FF00] =	vst v63  }
0x83: {  	_ =	swait.ge [sflag:s10], $0x1800  }
0x84: {  	[sflag:s10] =	ssyncset.done $0x0  }
0x85: {  	s12 =	rddreg [dreg:$0x19];
	[sflag:s10] =	ssyncadd.s32 $0xFFFFE800  }
0x86: {  	[spmem:s12] =	stream.linear.scatter [tilespmem:s8], [sflag:$0xA], $0x1800, $0x38;
	[tilespmem:$0x1FF00] =	vst v63  }
0x87: {  	_ =	swait.ge [sflag:s10], $0x1800  }
0x88: {  	[sflag:s10] =	ssyncset.done $0x0  }
0x89: {  	s15 =	rddreg [dreg:$0x1a];
	[sflag:s10] =	ssyncadd.s32 $0xFFFFE800  }
0x8a: {  	[spmem:s15] =	stream.linear.scatter [tilespmem:s8], [sflag:$0xA], $0x1800, $0x38;
	[tilespmem:$0x1FF00] =	vst v63  }
0x8b: {  	_ =	swait.ge [sflag:s10], $0x1800  }
0x8c: {  	[sflag:s10] =	ssyncset.done $0x0  }
0x8d: {  	s25 =	rddreg [dreg:$0x1b];
	[sflag:s10] =	ssyncadd.s32 $0xFFFFE800  }
0x8e: {  	[spmem:s25] =	stream.linear.scatter [tilespmem:s8], [sflag:$0xA], $0x400, $0x38;
	[tilespmem:$0x1FF00] =	vst v63  }
0x8f: {  	_ =	swait.ge [sflag:s10], $0x400  }
0x90: {  	[sflag:s10] =	ssyncset.done $0x0  }
0x91: {  	[sflag:s10] =	ssyncadd.s32 $0xFFFFFC00  }
0x92: {  	[bflag:$0x0] =	sbarrier.arrive $0xFFFF  }
0x93: {  	s29 =	simm.s32 $0x0;
	s28 =	rddreg [dreg:$0xb]  }
0x94: {  	[tilespmem:s29], [sflag:$0xA] =	stream.linear.gather [hbm4b:s28+s29], $0x30, $0x38;
	[tilespmem:$0x1FF00] =	vst v63  }
0x95: {  	_ =	swait.ge [sflag:s10], $0x30  }
0x96: {  	[sflag:s10] =	ssyncset.done $0x0  }
0x97: {  	s11 =	rddreg [dreg:$0xc];
	[sflag:s10] =	ssyncadd.s32 $0xFFFFFFD0  }
0x98: {  	[tilespmem:s13], [sflag:$0xA] =	stream.linear.gather [hbm4b:s11+s29], $0x30, $0x38;
	[tilespmem:$0x1FF00] =	vst v63  }
0x99: {  	_ =	swait.ge [sflag:s10], $0x30  }
0x9a: {  	[sflag:s10] =	ssyncset.done $0x0  }
0x9b: {  	s11 =	simm.s32 $0x100;
	s12 =	rddreg [dreg:$0xd];
	[sflag:s10] =	ssyncadd.s32 $0xFFFFFFD0  }
0x9c: {  	[tilespmem:s11], [sflag:$0xA] =	stream.linear.gather [hbm4b:s12+s29], $0x30, $0x38;
	[tilespmem:$0x1FF00] =	vst v63  }
0x9d: {  	_ =	swait.ge [sflag:s10], $0x30  }
0x9e: {  	[sflag:s10] =	ssyncset.done $0x0  }
0x9f: {  	s12 =	simm.s32 $0x180;
	s13 =	rddreg [dreg:$0xe];
	[sflag:s10] =	ssyncadd.s32 $0xFFFFFFD0  }
0xa0: {  	[tilespmem:s12], [sflag:$0xA] =	stream.linear.gather [hbm4b:s13+s29], $0x30, $0x38;
	[tilespmem:$0x1FF00] =	vst v63  }
0xa1: {  	_ =	swait.ge [sflag:s10], $0x30  }
0xa2: {  	[sflag:s10] =	ssyncset.done $0x0  }
0xa3: {  	s15 =	rddreg [dreg:$0xf];
	[sflag:s10] =	ssyncadd.s32 $0xFFFFFFD0  }
0xa4: {  	[tilespmem:s14], [sflag:$0xA] =	stream.linear.gather [hbm4b:s15+s29], $0x30, $0x38;
	[tilespmem:$0x1FF00] =	vst v63  }
0xa5: {  	_ =	swait.ge [sflag:s10], $0x30  }
0xa6: {  	[sflag:s10] =	ssyncset.done $0x0  }
0xa7: {  	s28 =	simm.s32 $0x280;
	s25 =	rddreg [dreg:$0x10];
	[sflag:s10] =	ssyncadd.s32 $0xFFFFFFD0  }
0xa8: {  	[tilespmem:s28], [sflag:$0xA] =	stream.linear.gather [hbm4b:s25+s29], $0x30, $0x38;
	[tilespmem:$0x1FF00] =	vst v63  }
0xa9: {  	_ =	swait.ge [sflag:s10], $0x30  }
0xaa: {  	[sflag:s10] =	ssyncset.done $0x0  }
0xab: {  	[sflag:s10] =	ssyncadd.s32 $0xFFFFFFD0  }
0xac: {  	[tilespmem:s8], [sflag:$0x1] =	stream.indirect.gather [hbm4b:s7+s16], $0x80, s29, s16, $0xb8;
	[tilespmem:$0x1FF00] =	vst v63  }
0xad: {  	_ = 	snop  }
0xae: {  	[tilespmem:s17], [sflag:$0x2] =	stream.indirect.gather [hbm4b:s7+s16], $0x80, s11, s16, $0xb8;
	[tilespmem:$0x1FF00] =	vst v63  }
.LBB2_6:
0xaf: {  	_ =	swait.ge [sflag:s18], $0x1800  }
0xb0: {  	[sflag:s18] =	ssyncset.done $0x0  }
0xb1: {  	s8 =	simm.s32 $0x5400;
	s6 =	simm.s32 $0x0;
	[sflag:s18] =	ssyncadd.s32 $0xFFFFE800  }
.LBB2_7:
0xb2: {  	s12 =	sshll.u32 s6, $0x4  }
0xb3: {  	v2 =	vld [tilespmem:s12+$0x0]  }
0xb4: {  	v3 =	vld [tilespmem:s12+$0x80];
	_ =	sdelay $0x4  }
0xb5: {  	v2 =	vshll.u32 v2, $0x1;
	v4 =	vshll.u32 v3, $0x1  }
0xb6: {  	v4 =	vor.u32 $0x1, v4;
	_ =	sdelay $0x3  }
0xb7: {  	v2 =	vld.idx.msk [tilespmem:v2+s9+$0x0], $0xffff  }
0xb8: {  	v4 =	vld.idx.msk [tilespmem:v4+s9+$0x0], $0xffff;
	_ =	sdelay $0x4  }
0xb9: {  	v2 =	vadd.f32 v4, v2;
	_ =	sdelay $0x1  }
0xba: {  	v4 =	vmul.f32 $2.000000030e-01, v2;
	_ =	sdelay $0x1  }
0xbb: {  	v2 =	vmax.f32 v2, v4  }
0xbc: {  	v2 =	vmul.f32 $1.442695020e+00, v2;
	_ =	sdelay $0x1  }
0xbd: {  	(erf) = vpow2.f32 v2;
	_ =	sdelay $0x6  }
0xbe: {  	s12 =	simm.s32 $0x0  }
0xbf: {  	v4 =	vmov s12  }
0xc0: {  	s13 =	simm.s32 $0x1;
	vm0 =	veq.s32 v4, v1;
	v2 =	vpop (erf)  }
.LBB2_8:
0xc1: {  	p0 =	sne.s32 s13, $0xF  }
.Ltmp4:
0xc2: {  	_ = 	snop;
	(pc) =	sbr.rel @p0 .LBB2_8-.Ltmp4, $3  }
0xc3: {  	_ =	sdelay $0x1  }
0xc4: {  	v4 =	vmov s13;
	s13 =	sadd.s32 $0x1, s13  }
0xc5: {  	[tilespmem:v3+s19+$0x0] =	vst.idx.add.f32.msk vm0, v2;
	vm0 =	veq.s32 v4, v1  }
0xc6: {  	_ =	sdelay $0x4  }
0xc7: {  	[tilespmem:v3+s19+$0x0] =	vst.idx.add.f32.msk vm0, v2  }
0xc8: {  	v5 =	vld [tilespmem:s8+$0xFFFFFF80]  }
0xc9: {  	v4 =	vld [tilespmem:s8+$0x70]  }
0xca: {  	s13 =	simm.s32 $0x1;
	v3 =	vmov s12;
	v6 =	vld [tilespmem:s8+$0xFFFFFF90]  }
0xcb: {  	v7 =	vld [tilespmem:s8+$0xFFFFFFA0];
	v8 =	vmov s13;
	v9 =	vperm.xlane v2, v3  }
0xcc: {  	v10 =	vld [tilespmem:s8+$0xFFFFFFB0];
	v3 =	vperm.xlane v2, v8  }
0xcd: {  	v8 =	vld [tilespmem:s8+$0xFFFFFFC0];
	v5 =	vmul.f32 v5, v9  }
0xce: {  	v11 =	vld [tilespmem:s8+$0xFFFFFFD0];
	v4 =	vmul.f32 v4, v3  }
0xcf: {  	v12 =	vld [tilespmem:s8+$0xFFFFFFE0];
	v6 =	vmul.f32 v6, v9;
	[tilespmem:s8+$0xFFFFFF80] =	vst v5  }
0xd0: {  	[tilespmem:s8+$0x70] =	vst v4;
	v4 =	vmul.f32 v7, v9;
	v5 =	vld [tilespmem:s8+$0xFFFFFFF0]  }
0xd1: {  	[tilespmem:s8+$0xFFFFFF90] =	vst v6;
	v6 =	vmul.f32 v10, v9;
	v10 =	vld [tilespmem:s8+$0x0]  }
0xd2: {  	v13 =	vld [tilespmem:s8+$0x10];
	[tilespmem:s8+$0xFFFFFFA0] =	vst v4;
	v4 =	vmul.f32 v8, v9  }
0xd3: {  	[tilespmem:s8+$0xFFFFFFB0] =	vst v6;
	v6 =	vmul.f32 v11, v9;
	v11 =	vld [tilespmem:s8+$0x20]  }
0xd4: {  	v8 =	vld [tilespmem:s8+$0x30];
	[tilespmem:s8+$0xFFFFFFC0] =	vst v4;
	v4 =	vmul.f32 v12, v9  }
0xd5: {  	v7 =	vld [tilespmem:s8+$0x40];
	[tilespmem:s8+$0xFFFFFFD0] =	vst v6;
	v5 =	vmul.f32 v5, v9  }
0xd6: {  	v6 =	vld [tilespmem:s8+$0x50];
	v10 =	vmul.f32 v10, v3;
	[tilespmem:s8+$0xFFFFFFE0] =	vst v4  }
0xd7: {  	s15 =	sadd.s32 $0x100, s8;
	v9 =	vmul.f32 v13, v3;
	[tilespmem:s8+$0xFFFFFFF0] =	vst v5;
	v5 =	vld [tilespmem:s8+$0x60]  }
0xd8: {  	s25 =	simm.s32 $0x2;
	s12 =	smov.u32 s8;
	s13 =	simm.s32 $0x4;
	v4 =	vld [tilespmem:s15+$0x70];
	[tilespmem:s8+$0x0] =	vst v10;
	v10 =	vmul.f32 v11, v3  }
.LBB2_10:
0xd9: {  	p0 =	slt.u32 s13, $0xE;
	v11 =	vld [tilespmem:s15+$0xFFFFFF80];
	s28 =	sadd.s32 $0x1, s25;
	[tilespmem:s12+$0x10] =	vst v9;
	v8 =	vmul.f32 v8, v3  }
0xda: {  	v9 =	vld [tilespmem:s15+$0xFFFFFF90];
	v12 =	vmov s28;
	[tilespmem:s12+$0x20] =	vst v10;
	v7 =	vmul.f32 v7, v3  }
0xdb: {  	v10 =	vmov s25;
	s25 =	smov.u32 s13;
	v13 =	vld [tilespmem:s15+$0xFFFFFFA0];
	v12 =	vperm.xlane v2, v12;
	[tilespmem:s12+$0x30] =	vst v8;
	v6 =	vmul.f32 v6, v3  }
0xdc: {  	v10 =	vperm.xlane v2, v10;
	v8 =	vld [tilespmem:s15+$0xFFFFFFB0];
	[tilespmem:s12+$0x40] =	vst v7;
	v5 =	vmul.f32 v5, v3  }
0xdd: {  	v7 =	vld [tilespmem:s15+$0xFFFFFFC0];
	v4 =	vmul.f32 v4, v12;
	[tilespmem:s12+$0x50] =	vst v6;
	v3 =	vmov v12  }
0xde: {  	v6 =	vmul.f32 v11, v10;
	v11 =	vld [tilespmem:s15+$0xFFFFFFD0];
	[tilespmem:s12+$0x60] =	vst v5;
	s12 =	smov.u32 s15  }
0xdf: {  	v5 =	vmul.f32 v9, v10;
	v9 =	vld [tilespmem:s15+$0xFFFFFFE0];
	[tilespmem:s15+$0x70] =	vst v4  }
0xe0: {  	[tilespmem:s15+$0xFFFFFF80] =	vst v6;
	v4 =	vmul.f32 v13, v10;
	v6 =	vld [tilespmem:s15+$0xFFFFFFF0]  }
0xe1: {  	[tilespmem:s15+$0xFFFFFF90] =	vst v5;
	v5 =	vmul.f32 v8, v10;
	v12 =	vld [tilespmem:s15+$0x0]  }
0xe2: {  	[tilespmem:s15+$0xFFFFFFA0] =	vst v4;
	v4 =	vmul.f32 v7, v10;
	v13 =	vld [tilespmem:s15+$0x10]  }
0xe3: {  	[tilespmem:s15+$0xFFFFFFB0] =	vst v5;
	v5 =	vmul.f32 v11, v10;
	v11 =	vld [tilespmem:s15+$0x20]  }
.Ltmp5:
0xe4: {  	[tilespmem:s15+$0xFFFFFFC0] =	vst v4;
	v4 =	vmul.f32 v9, v10;
	v8 =	vld [tilespmem:s15+$0x30];
	(pc) =	sbr.rel @p0 .LBB2_10-.Ltmp5, $4  }
0xe5: {  	[tilespmem:s15+$0xFFFFFFD0] =	vst v5;
	v5 =	vmul.f32 v6, v10;
	v7 =	vld [tilespmem:s15+$0x40]  }
0xe6: {  	[tilespmem:s15+$0xFFFFFFE0] =	vst v4;
	v10 =	vmul.f32 v12, v3;
	v6 =	vld [tilespmem:s15+$0x50]  }
0xe7: {  	s15 =	sadd.s32 $0x100, s15;
	[tilespmem:s12+$0xFFFFFFF0] =	vst v5;
	v9 =	vmul.f32 v13, v3;
	v5 =	vld [tilespmem:s12+$0x60]  }
0xe8: {  	s13 =	sadd.s32 $0x2, s13;
	v4 =	vld [tilespmem:s15+$0x70];
	[tilespmem:s12+$0x0] =	vst v10;
	v10 =	vmul.f32 v11, v3  }
0xe9: {  	v11 =	vld [tilespmem:s15+$0xFFFFFF80];
	[tilespmem:s12+$0x10] =	vst v9;
	v8 =	vmul.f32 v8, v3;
	s13 =	sadd.s32 $0x1, s25;
	v46 =	vmov s25  }
0xea: {  	v45 =	vld [tilespmem:s15+$0xFFFFFF90];
	[tilespmem:s12+$0x20] =	vst v10;
	v7 =	vmul.f32 v7, v3;
	v13 =	vmov s13;
	v47 =	vperm.xlane v2, v46  }
0xeb: {  	v12 =	vld [tilespmem:s15+$0xFFFFFFA0];
	[tilespmem:s12+$0x30] =	vst v8;
	v6 =	vmul.f32 v6, v3;
	v2 =	vperm.xlane v2, v13  }
0xec: {  	v48 =	vld [tilespmem:s15+$0xFFFFFFB0];
	[tilespmem:s12+$0x40] =	vst v7;
	v3 =	vmul.f32 v5, v3  }
0xed: {  	v49 =	vld [tilespmem:s15+$0xFFFFFFC0];
	[tilespmem:s12+$0x50] =	vst v6;
	v4 =	vmul.f32 v4, v2  }
0xee: {  	v51 =	vld [tilespmem:s15+$0xFFFFFFD0];
	v50 =	vmul.f32 v11, v47;
	[tilespmem:s12+$0x60] =	vst v3  }
0xef: {  	v53 =	vld [tilespmem:s15+$0xFFFFFFF0];
	v9 =	vmul.f32 v45, v47;
	[tilespmem:s15+$0x70] =	vst v4  }
0xf0: {  	v3 =	vld [tilespmem:s15+$0xFFFFFFE0];
	v52 =	vmul.f32 v12, v47;
	[tilespmem:s15+$0xFFFFFF80] =	vst v50  }
0xf1: {  	v57 =	vld [tilespmem:s15+$0x10];
	v54 =	vmul.f32 v48, v47;
	[tilespmem:s15+$0xFFFFFF90] =	vst v9  }
0xf2: {  	v55 =	vld [tilespmem:s15+$0x0];
	v56 =	vmul.f32 v49, v47;
	[tilespmem:s15+$0xFFFFFFA0] =	vst v52  }
0xf3: {  	v61 =	vld [tilespmem:s15+$0x50];
	v7 =	vmul.f32 v51, v47;
	[tilespmem:s15+$0xFFFFFFB0] =	vst v54  }
0xf4: {  	v58 =	vld [tilespmem:s15+$0x20];
	v6 =	vmul.f32 v53, v47;
	[tilespmem:s15+$0xFFFFFFC0] =	vst v56  }
0xf5: {  	v59 =	vld [tilespmem:s15+$0x30];
	[tilespmem:s15+$0xFFFFFFD0] =	vst v7;
	v3 =	vmul.f32 v3, v47  }
0xf6: {  	v60 =	vld [tilespmem:s15+$0x40];
	v5 =	vmul.f32 v57, v2;
	[tilespmem:s15+$0xFFFFFFF0] =	vst v6  }
0xf7: {  	v62 =	vld [tilespmem:s15+$0x60];
	[tilespmem:s15+$0xFFFFFFE0] =	vst v3;
	v3 =	vmul.f32 v55, v2  }
0xf8: {  	s6 =	sadd.s32 $0x1, s6;
	v63 =	vmul.f32 v61, v2;
	[tilespmem:s15+$0x10] =	vst v5  }
0xf9: {  	p0 =	sne.s32 s6, $0x3;
	[tilespmem:s15+$0x0] =	vst v3;
	v3 =	vmul.f32 v58, v2  }
.Ltmp6:
0xfa: {  	v4 =	vmul.f32 v59, v2;
	[tilespmem:s15+$0x50] =	vst v63;
	(pc) =	sbr.rel @p0 .LBB2_7-.Ltmp6, $4  }
0xfb: {  	[tilespmem:s15+$0x20] =	vst v3;
	v3 =	vmul.f32 v60, v2  }
0xfc: {  	[tilespmem:s15+$0x30] =	vst v4;
	v2 =	vmul.f32 v62, v2  }
0xfd: {  	[tilespmem:s15+$0x40] =	vst v3  }
0xfe: {  	s8 =	sadd.s32 $0x800, s8;
	[tilespmem:s15+$0x60] =	vst v2  }
0xff: {  	v2 =	vld [tilespmem:$0x80]  }
0x100: {  	v3 =	vld [tilespmem:$0x90]  }
0x101: {  	v4 =	vld [tilespmem:$0xA0]  }
0x102: {  	p0 =	seq.s32 s29, $0x47  }
0x103: {  	s8 =	smul.u32 @!p0 $0x60, s29  }
0x104: {  	[tilespmem:$0x300] =	vst v2  }
0x105: {  	s6 =	sadd.s32 @!p0 s20, s8;
	[tilespmem:$0x310] =	vst v3  }
0x106: {  	s11 =	simm.s32 $0x5380;
	s12 =	simm.s32 $0x300;
	s6 =	smul.u32 @!p0 $0x6, s6;
	[tilespmem:$0x320] =	vst v4  }
0x107: {  	[spmem:s2] =	stream.indirect.scatter.add.f32 [tilespmem:s11], [sflag:$0x7], $0x80, s12, s16, $0xb8;
	[tilespmem:$0x1FF00] =	vst v63  }
0x108: {  	s13 =	simm.s32 @!p0 $0x0;
	p1 =	seq.s32 @!p0 s29, $0x0;
	s12 =	sadd.s32 @!p0 s1, s6  }
0x109: {  	[tilespmem:s13], [sflag:$0x4] =	stream.linear.gather @!p0 [hbm4b:s12+s13], $0x30, $0x38;
	[tilespmem:$0x1FF00] =	vst v63  }
0x10a: {  	p1 =	por p0, !p1;
	s6 =	sadd.s32 @!p0 s5, s6;
	s12 =	simm.s32 @!p0 $0x80  }
0x10b: {  	[tilespmem:s12], [sflag:$0x4] =	stream.linear.gather @!p0 [hbm4b:s6+s13], $0x30, $0x38;
	[tilespmem:$0x1FF00] =	vst v63  }
0x10c: {  	_ =	swait.ge @p1 [sflag:s31], $0x1800  }
0x10d: {  	[sflag:s31] =	ssyncset.done @p1 $0x0  }
0x10e: {  	[sflag:s31] =	ssyncadd.s32 @p1 $0xFFFFE800  }
0x10f: {  	_ =	swait.ge @p1 [sflag:s3], $0x30  }
0x110: {  	[sflag:s3] =	ssyncset.done @p1 $0x0  }
0x111: {  	[sflag:s3] =	ssyncadd.s32 @p1 $0xFFFFFFD0  }
0x112: {  	_ =	swait.ge @p1 [sflag:s3], $0x30  }
0x113: {  	[sflag:s3] =	ssyncset.done @p1 $0x0  }
0x114: {  	[sflag:s3] =	ssyncadd.s32 @p1 $0xFFFFFFD0  }
0x115: {  	[tilespmem:s23], [sflag:$0x3] =	stream.indirect.gather [hbm4b:s7+s16], $0x80, s14, s16, $0xb8;
	[tilespmem:$0x1FF00] =	vst v63  }
0x116: {  	_ =	swait.ge [sflag:s24], $0x1800  }
0x117: {  	[sflag:s24] =	ssyncset.done $0x0  }
0x118: {  	s25 =	simm.s32 $0x6C00;
	s6 =	simm.s32 $0x0;
	[sflag:s24] =	ssyncadd.s32 $0xFFFFE800  }
.LBB2_13:
0x119: {  	s12 =	sshll.u32 s6, $0x4  }
0x11a: {  	v2 =	vld [tilespmem:s12+$0x100]  }
0x11b: {  	v3 =	vld [tilespmem:s12+$0x180];
	_ =	sdelay $0x4  }
0x11c: {  	v2 =	vshll.u32 v2, $0x1;
	v4 =	vshll.u32 v3, $0x1  }
0x11d: {  	v4 =	vor.u32 $0x1, v4;
	_ =	sdelay $0x3  }
0x11e: {  	v2 =	vld.idx.msk [tilespmem:v2+s9+$0x0], $0xffff  }
0x11f: {  	v4 =	vld.idx.msk [tilespmem:v4+s9+$0x0], $0xffff;
	_ =	sdelay $0x4  }
0x120: {  	v2 =	vadd.f32 v4, v2;
	_ =	sdelay $0x1  }
0x121: {  	v4 =	vmul.f32 $2.000000030e-01, v2;
	_ =	sdelay $0x1  }
0x122: {  	v2 =	vmax.f32 v2, v4  }
0x123: {  	v2 =	vmul.f32 $1.442695020e+00, v2;
	_ =	sdelay $0x1  }
0x124: {  	(erf) = vpow2.f32 v2;
	_ =	sdelay $0x8  }
0x125: {  	s12 =	simm.s32 $0x0;
	v2 =	vpop (erf)  }
.LBB2_14:
0x126: {  	v4 =	vmov s12  }
0x127: {  	vm0 =	veq.s32 v4, v1  }
0x128: {  	p1 =	sne.s32 s12, $0xF  }
.Ltmp7:
0x129: {  	_ = 	snop;
	(pc) =	sbr.rel @p1 .LBB2_14-.Ltmp7, $2  }
0x12a: {  	_ =	sdelay $0x2  }
0x12b: {  	s12 =	sadd.s32 $0x1, s12;
	[tilespmem:v3+s19+$0x0] =	vst.idx.add.f32.msk vm0, v2  }
0x12c: {  	v5 =	vld [tilespmem:s25+$0xFFFFFF80]  }
0x12d: {  	v4 =	vld [tilespmem:s25+$0x70];
	s12 =	simm.s32 $0x0  }
0x12e: {  	v6 =	vld [tilespmem:s25+$0xFFFFFF90];
	s13 =	simm.s32 $0x1;
	v3 =	vmov s12  }
0x12f: {  	v7 =	vld [tilespmem:s25+$0xFFFFFFA0];
	v8 =	vmov s13;
	v9 =	vperm.xlane v2, v3  }
0x130: {  	v10 =	vld [tilespmem:s25+$0xFFFFFFB0];
	v3 =	vperm.xlane v2, v8  }
0x131: {  	v8 =	vld [tilespmem:s25+$0xFFFFFFC0];
	v5 =	vmul.f32 v5, v9  }
0x132: {  	v11 =	vld [tilespmem:s25+$0xFFFFFFD0];
	v4 =	vmul.f32 v4, v3  }
0x133: {  	v12 =	vld [tilespmem:s25+$0xFFFFFFE0];
	v6 =	vmul.f32 v6, v9;
	[tilespmem:s25+$0xFFFFFF80] =	vst v5  }
0x134: {  	[tilespmem:s25+$0x70] =	vst v4;
	v4 =	vmul.f32 v7, v9;
	v5 =	vld [tilespmem:s25+$0xFFFFFFF0]  }
0x135: {  	[tilespmem:s25+$0xFFFFFF90] =	vst v6;
	v6 =	vmul.f32 v10, v9;
	v10 =	vld [tilespmem:s25+$0x0]  }
0x136: {  	v13 =	vld [tilespmem:s25+$0x10];
	[tilespmem:s25+$0xFFFFFFA0] =	vst v4;
	v4 =	vmul.f32 v8, v9  }
0x137: {  	[tilespmem:s25+$0xFFFFFFB0] =	vst v6;
	v6 =	vmul.f32 v11, v9;
	v11 =	vld [tilespmem:s25+$0x20]  }
0x138: {  	v8 =	vld [tilespmem:s25+$0x30];
	[tilespmem:s25+$0xFFFFFFC0] =	vst v4;
	v4 =	vmul.f32 v12, v9  }
0x139: {  	v7 =	vld [tilespmem:s25+$0x40];
	[tilespmem:s25+$0xFFFFFFD0] =	vst v6;
	v5 =	vmul.f32 v5, v9  }
0x13a: {  	v6 =	vld [tilespmem:s25+$0x50];
	v10 =	vmul.f32 v10, v3;
	[tilespmem:s25+$0xFFFFFFE0] =	vst v4  }
0x13b: {  	s12 =	sadd.s32 $0x100, s25;
	v9 =	vmul.f32 v13, v3;
	[tilespmem:s25+$0xFFFFFFF0] =	vst v5;
	v5 =	vld [tilespmem:s25+$0x60]  }
0x13c: {  	s28 =	simm.s32 $0x4;
	s15 =	smov.u32 s25;
	s13 =	simm.s32 $0x2;
	v4 =	vld [tilespmem:s12+$0x70];
	[tilespmem:s25+$0x0] =	vst v10;
	v10 =	vmul.f32 v11, v3  }
.LBB2_16:
0x13d: {  	p1 =	slt.u32 s28, $0xE;
	v11 =	vld [tilespmem:s12+$0xFFFFFF80];
	s11 =	sadd.s32 $0x1, s13;
	[tilespmem:s15+$0x10] =	vst v9;
	v8 =	vmul.f32 v8, v3  }
0x13e: {  	v9 =	vld [tilespmem:s12+$0xFFFFFF90];
	v12 =	vmov s11;
	[tilespmem:s15+$0x20] =	vst v10;
	v7 =	vmul.f32 v7, v3  }
0x13f: {  	v10 =	vmov s13;
	s13 =	smov.u32 s28;
	v13 =	vld [tilespmem:s12+$0xFFFFFFA0];
	v12 =	vperm.xlane v2, v12;
	[tilespmem:s15+$0x30] =	vst v8;
	v6 =	vmul.f32 v6, v3  }
0x140: {  	v10 =	vperm.xlane v2, v10;
	v8 =	vld [tilespmem:s12+$0xFFFFFFB0];
	[tilespmem:s15+$0x40] =	vst v7;
	v5 =	vmul.f32 v5, v3  }
0x141: {  	v7 =	vld [tilespmem:s12+$0xFFFFFFC0];
	v4 =	vmul.f32 v4, v12;
	[tilespmem:s15+$0x50] =	vst v6;
	v3 =	vmov v12  }
0x142: {  	v6 =	vmul.f32 v11, v10;
	v11 =	vld [tilespmem:s12+$0xFFFFFFD0];
	[tilespmem:s15+$0x60] =	vst v5;
	s15 =	smov.u32 s12  }
0x143: {  	v5 =	vmul.f32 v9, v10;
	v9 =	vld [tilespmem:s12+$0xFFFFFFE0];
	[tilespmem:s12+$0x70] =	vst v4  }
0x144: {  	[tilespmem:s12+$0xFFFFFF80] =	vst v6;
	v4 =	vmul.f32 v13, v10;
	v6 =	vld [tilespmem:s12+$0xFFFFFFF0]  }
0x145: {  	[tilespmem:s12+$0xFFFFFF90] =	vst v5;
	v5 =	vmul.f32 v8, v10;
	v12 =	vld [tilespmem:s12+$0x0]  }
0x146: {  	[tilespmem:s12+$0xFFFFFFA0] =	vst v4;
	v4 =	vmul.f32 v7, v10;
	v13 =	vld [tilespmem:s12+$0x10]  }
0x147: {  	[tilespmem:s12+$0xFFFFFFB0] =	vst v5;
	v5 =	vmul.f32 v11, v10;
	v11 =	vld [tilespmem:s12+$0x20]  }
.Ltmp8:
0x148: {  	[tilespmem:s12+$0xFFFFFFC0] =	vst v4;
	v4 =	vmul.f32 v9, v10;
	v8 =	vld [tilespmem:s12+$0x30];
	(pc) =	sbr.rel @p1 .LBB2_16-.Ltmp8, $4  }
0x149: {  	[tilespmem:s12+$0xFFFFFFD0] =	vst v5;
	v5 =	vmul.f32 v6, v10;
	v7 =	vld [tilespmem:s12+$0x40]  }
0x14a: {  	[tilespmem:s12+$0xFFFFFFE0] =	vst v4;
	v10 =	vmul.f32 v12, v3;
	v6 =	vld [tilespmem:s12+$0x50]  }
0x14b: {  	s12 =	sadd.s32 $0x100, s12;
	[tilespmem:s15+$0xFFFFFFF0] =	vst v5;
	v9 =	vmul.f32 v13, v3;
	v5 =	vld [tilespmem:s15+$0x60]  }
0x14c: {  	s28 =	sadd.s32 $0x2, s28;
	v4 =	vld [tilespmem:s12+$0x70];
	[tilespmem:s15+$0x0] =	vst v10;
	v10 =	vmul.f32 v11, v3  }
0x14d: {  	v11 =	vld [tilespmem:s12+$0xFFFFFF80];
	[tilespmem:s15+$0x10] =	vst v9;
	v8 =	vmul.f32 v8, v3;
	s11 =	sadd.s32 $0x1, s13;
	v46 =	vmov s13  }
0x14e: {  	v45 =	vld [tilespmem:s12+$0xFFFFFF90];
	[tilespmem:s15+$0x20] =	vst v10;
	v7 =	vmul.f32 v7, v3;
	v13 =	vmov s11;
	v47 =	vperm.xlane v2, v46  }
0x14f: {  	v12 =	vld [tilespmem:s12+$0xFFFFFFA0];
	[tilespmem:s15+$0x30] =	vst v8;
	v6 =	vmul.f32 v6, v3;
	v2 =	vperm.xlane v2, v13  }
0x150: {  	v48 =	vld [tilespmem:s12+$0xFFFFFFB0];
	[tilespmem:s15+$0x40] =	vst v7;
	v3 =	vmul.f32 v5, v3  }
0x151: {  	v49 =	vld [tilespmem:s12+$0xFFFFFFC0];
	[tilespmem:s15+$0x50] =	vst v6;
	v4 =	vmul.f32 v4, v2  }
0x152: {  	v51 =	vld [tilespmem:s12+$0xFFFFFFD0];
	v50 =	vmul.f32 v11, v47;
	[tilespmem:s15+$0x60] =	vst v3  }
0x153: {  	v53 =	vld [tilespmem:s12+$0xFFFFFFF0];
	v9 =	vmul.f32 v45, v47;
	[tilespmem:s12+$0x70] =	vst v4  }
0x154: {  	v3 =	vld [tilespmem:s12+$0xFFFFFFE0];
	v52 =	vmul.f32 v12, v47;
	[tilespmem:s12+$0xFFFFFF80] =	vst v50  }
0x155: {  	v57 =	vld [tilespmem:s12+$0x10];
	v54 =	vmul.f32 v48, v47;
	[tilespmem:s12+$0xFFFFFF90] =	vst v9  }
0x156: {  	v55 =	vld [tilespmem:s12+$0x0];
	v56 =	vmul.f32 v49, v47;
	[tilespmem:s12+$0xFFFFFFA0] =	vst v52  }
0x157: {  	v61 =	vld [tilespmem:s12+$0x50];
	v7 =	vmul.f32 v51, v47;
	[tilespmem:s12+$0xFFFFFFB0] =	vst v54  }
0x158: {  	v58 =	vld [tilespmem:s12+$0x20];
	v6 =	vmul.f32 v53, v47;
	[tilespmem:s12+$0xFFFFFFC0] =	vst v56  }
0x159: {  	v59 =	vld [tilespmem:s12+$0x30];
	[tilespmem:s12+$0xFFFFFFD0] =	vst v7;
	v3 =	vmul.f32 v3, v47  }
0x15a: {  	v60 =	vld [tilespmem:s12+$0x40];
	v5 =	vmul.f32 v57, v2;
	[tilespmem:s12+$0xFFFFFFF0] =	vst v6  }
0x15b: {  	v62 =	vld [tilespmem:s12+$0x60];
	[tilespmem:s12+$0xFFFFFFE0] =	vst v3;
	v3 =	vmul.f32 v55, v2  }
0x15c: {  	s6 =	sadd.s32 $0x1, s6;
	v63 =	vmul.f32 v61, v2;
	[tilespmem:s12+$0x10] =	vst v5  }
0x15d: {  	p1 =	sne.s32 s6, $0x3;
	[tilespmem:s12+$0x0] =	vst v3;
	v3 =	vmul.f32 v58, v2  }
.Ltmp9:
0x15e: {  	v4 =	vmul.f32 v59, v2;
	[tilespmem:s12+$0x50] =	vst v63;
	(pc) =	sbr.rel @p1 .LBB2_13-.Ltmp9, $4  }
0x15f: {  	[tilespmem:s12+$0x20] =	vst v3;
	v3 =	vmul.f32 v60, v2  }
0x160: {  	[tilespmem:s12+$0x30] =	vst v4;
	v2 =	vmul.f32 v62, v2  }
0x161: {  	[tilespmem:s12+$0x40] =	vst v3  }
0x162: {  	s25 =	sadd.s32 $0x800, s25;
	[tilespmem:s12+$0x60] =	vst v2  }
0x163: {  	v2 =	vld [tilespmem:$0x180]  }
0x164: {  	v3 =	vld [tilespmem:$0x190]  }
0x165: {  	v4 =	vld [tilespmem:$0x1A0];
	_ =	sdelay $0x2  }
0x166: {  	[tilespmem:$0x380] =	vst v2  }
0x167: {  	s6 =	sadd.s32 @!p0 s21, s8;
	[tilespmem:$0x390] =	vst v3  }
0x168: {  	s28 =	simm.s32 $0x380;
	s6 =	smul.u32 @!p0 $0x6, s6;
	[tilespmem:$0x3A0] =	vst v4  }
0x169: {  	[spmem:s2] =	stream.indirect.scatter.add.f32 [tilespmem:s17], [sflag:$0x8], $0x80, s28, s16, $0xb8;
	[tilespmem:$0x1FF00] =	vst v63  }
0x16a: {  	s11 =	simm.s32 @!p0 $0x0;
	s12 =	simm.s32 @!p0 $0x100;
	s8 =	sadd.s32 @!p0 s1, s6  }
0x16b: {  	[tilespmem:s12], [sflag:$0x5] =	stream.linear.gather @!p0 [hbm4b:s8+s11], $0x30, $0x38;
	[tilespmem:$0x1FF00] =	vst v63  }
0x16c: {  	s6 =	sadd.s32 @!p0 s5, s6;
	s8 =	simm.s32 @!p0 $0x180  }
0x16d: {  	[tilespmem:s8], [sflag:$0x5] =	stream.linear.gather @!p0 [hbm4b:s6+s11], $0x30, $0x38;
	[tilespmem:$0x1FF00] =	vst v63  }
0x16e: {  	s6 =	simm.s32 @!p0 $0x7  }
0x16f: {  	_ =	swait.ge @!p0 [sflag:s6], $0x1800  }
0x170: {  	[sflag:s6] =	ssyncset.done @!p0 $0x0  }
0x171: {  	[sflag:s6] =	ssyncadd.s32 @!p0 $0xFFFFE800;
	s6 =	simm.s32 @!p0 $0x4  }
0x172: {  	_ =	swait.ge @!p0 [sflag:s6], $0x30  }
0x173: {  	[sflag:s6] =	ssyncset.done @!p0 $0x0  }
0x174: {  	[sflag:s6] =	ssyncadd.s32 @!p0 $0xFFFFFFD0  }
0x175: {  	_ =	swait.ge @!p0 [sflag:s6], $0x30  }
0x176: {  	[sflag:s6] =	ssyncset.done @!p0 $0x0  }
0x177: {  	s8 =	simm.s32 @!p0 $0x5380;
	[sflag:s6] =	ssyncadd.s32 @!p0 $0xFFFFFFD0;
	s6 =	simm.s32 @!p0 $0x30  }
0x178: {  	[tilespmem:s8], [sflag:$0x1] =	stream.indirect.gather @!p0 [hbm4b:s7+s6], $0x80, s11, s6, $0xb8;
	[tilespmem:$0x1FF00] =	vst v63  }
0x179: {  	_ =	swait.ge [sflag:s26], $0x1800  }
0x17a: {  	[sflag:s26] =	ssyncset.done $0x0  }
0x17b: {  	s6 =	simm.s32 $0x0;
	s8 =	simm.s32 $0x8400;
	[sflag:s26] =	ssyncadd.s32 $0xFFFFE800  }
.LBB2_19:
0x17c: {  	s11 =	sshll.u32 s6, $0x4  }
0x17d: {  	v2 =	vld [tilespmem:s11+$0x200]  }
0x17e: {  	v3 =	vld [tilespmem:s11+$0x280];
	_ =	sdelay $0x4  }
0x17f: {  	v2 =	vshll.u32 v2, $0x1;
	v4 =	vshll.u32 v3, $0x1  }
0x180: {  	v4 =	vor.u32 $0x1, v4;
	_ =	sdelay $0x3  }
0x181: {  	v2 =	vld.idx.msk [tilespmem:v2+s9+$0x0], $0xffff  }
0x182: {  	v4 =	vld.idx.msk [tilespmem:v4+s9+$0x0], $0xffff;
	_ =	sdelay $0x4  }
0x183: {  	v2 =	vadd.f32 v4, v2;
	_ =	sdelay $0x1  }
0x184: {  	v4 =	vmul.f32 $2.000000030e-01, v2;
	_ =	sdelay $0x1  }
0x185: {  	v2 =	vmax.f32 v2, v4  }
0x186: {  	v2 =	vmul.f32 $1.442695020e+00, v2;
	_ =	sdelay $0x1  }
0x187: {  	(erf) = vpow2.f32 v2;
	_ =	sdelay $0x8  }
0x188: {  	s12 =	simm.s32 $0x0;
	v2 =	vpop (erf)  }
.LBB2_20:
0x189: {  	v4 =	vmov s12  }
0x18a: {  	vm0 =	veq.s32 v4, v1  }
0x18b: {  	p1 =	sne.s32 s12, $0xF  }
.Ltmp10:
0x18c: {  	_ = 	snop;
	(pc) =	sbr.rel @p1 .LBB2_20-.Ltmp10, $2  }
0x18d: {  	_ =	sdelay $0x2  }
0x18e: {  	s12 =	sadd.s32 $0x1, s12;
	[tilespmem:v3+s19+$0x0] =	vst.idx.add.f32.msk vm0, v2  }
0x18f: {  	v5 =	vld [tilespmem:s8+$0xFFFFFF80]  }
0x190: {  	v4 =	vld [tilespmem:s8+$0x70];
	s11 =	simm.s32 $0x0  }
0x191: {  	v6 =	vld [tilespmem:s8+$0xFFFFFF90];
	s12 =	simm.s32 $0x1;
	v3 =	vmov s11  }
0x192: {  	v7 =	vld [tilespmem:s8+$0xFFFFFFA0];
	v8 =	vmov s12;
	v9 =	vperm.xlane v2, v3  }
0x193: {  	v10 =	vld [tilespmem:s8+$0xFFFFFFB0];
	v3 =	vperm.xlane v2, v8  }
0x194: {  	v8 =	vld [tilespmem:s8+$0xFFFFFFC0];
	v5 =	vmul.f32 v5, v9  }
0x195: {  	v11 =	vld [tilespmem:s8+$0xFFFFFFD0];
	v4 =	vmul.f32 v4, v3  }
0x196: {  	v12 =	vld [tilespmem:s8+$0xFFFFFFE0];
	v6 =	vmul.f32 v6, v9;
	[tilespmem:s8+$0xFFFFFF80] =	vst v5  }
0x197: {  	[tilespmem:s8+$0x70] =	vst v4;
	v4 =	vmul.f32 v7, v9;
	v5 =	vld [tilespmem:s8+$0xFFFFFFF0]  }
0x198: {  	[tilespmem:s8+$0xFFFFFF90] =	vst v6;
	v6 =	vmul.f32 v10, v9;
	v10 =	vld [tilespmem:s8+$0x0]  }
0x199: {  	v13 =	vld [tilespmem:s8+$0x10];
	[tilespmem:s8+$0xFFFFFFA0] =	vst v4;
	v4 =	vmul.f32 v8, v9  }
0x19a: {  	[tilespmem:s8+$0xFFFFFFB0] =	vst v6;
	v6 =	vmul.f32 v11, v9;
	v11 =	vld [tilespmem:s8+$0x20]  }
0x19b: {  	v8 =	vld [tilespmem:s8+$0x30];
	[tilespmem:s8+$0xFFFFFFC0] =	vst v4;
	v4 =	vmul.f32 v12, v9  }
0x19c: {  	v7 =	vld [tilespmem:s8+$0x40];
	[tilespmem:s8+$0xFFFFFFD0] =	vst v6;
	v5 =	vmul.f32 v5, v9  }
0x19d: {  	v6 =	vld [tilespmem:s8+$0x50];
	v10 =	vmul.f32 v10, v3;
	[tilespmem:s8+$0xFFFFFFE0] =	vst v4  }
0x19e: {  	s12 =	sadd.s32 $0x100, s8;
	v9 =	vmul.f32 v13, v3;
	[tilespmem:s8+$0xFFFFFFF0] =	vst v5;
	v5 =	vld [tilespmem:s8+$0x60]  }
0x19f: {  	s13 =	simm.s32 $0x2;
	s25 =	simm.s32 $0x4;
	s15 =	smov.u32 s8;
	v4 =	vld [tilespmem:s12+$0x70];
	[tilespmem:s8+$0x0] =	vst v10;
	v10 =	vmul.f32 v11, v3  }
.LBB2_22:
0x1a0: {  	p1 =	slt.u32 s25, $0xE;
	v11 =	vld [tilespmem:s12+$0xFFFFFF80];
	s11 =	sadd.s32 $0x1, s13;
	[tilespmem:s15+$0x10] =	vst v9;
	v8 =	vmul.f32 v8, v3  }
0x1a1: {  	v9 =	vld [tilespmem:s12+$0xFFFFFF90];
	v12 =	vmov s11;
	[tilespmem:s15+$0x20] =	vst v10;
	v7 =	vmul.f32 v7, v3  }
0x1a2: {  	v10 =	vmov s13;
	s13 =	smov.u32 s25;
	v13 =	vld [tilespmem:s12+$0xFFFFFFA0];
	v12 =	vperm.xlane v2, v12;
	[tilespmem:s15+$0x30] =	vst v8;
	v6 =	vmul.f32 v6, v3  }
0x1a3: {  	v10 =	vperm.xlane v2, v10;
	v8 =	vld [tilespmem:s12+$0xFFFFFFB0];
	[tilespmem:s15+$0x40] =	vst v7;
	v5 =	vmul.f32 v5, v3  }
0x1a4: {  	v7 =	vld [tilespmem:s12+$0xFFFFFFC0];
	v4 =	vmul.f32 v4, v12;
	[tilespmem:s15+$0x50] =	vst v6;
	v3 =	vmov v12  }
0x1a5: {  	v6 =	vmul.f32 v11, v10;
	v11 =	vld [tilespmem:s12+$0xFFFFFFD0];
	[tilespmem:s15+$0x60] =	vst v5;
	s15 =	smov.u32 s12  }
0x1a6: {  	v5 =	vmul.f32 v9, v10;
	v9 =	vld [tilespmem:s12+$0xFFFFFFE0];
	[tilespmem:s12+$0x70] =	vst v4  }
0x1a7: {  	[tilespmem:s12+$0xFFFFFF80] =	vst v6;
	v4 =	vmul.f32 v13, v10;
	v6 =	vld [tilespmem:s12+$0xFFFFFFF0]  }
0x1a8: {  	[tilespmem:s12+$0xFFFFFF90] =	vst v5;
	v5 =	vmul.f32 v8, v10;
	v12 =	vld [tilespmem:s12+$0x0]  }
0x1a9: {  	[tilespmem:s12+$0xFFFFFFA0] =	vst v4;
	v4 =	vmul.f32 v7, v10;
	v13 =	vld [tilespmem:s12+$0x10]  }
0x1aa: {  	[tilespmem:s12+$0xFFFFFFB0] =	vst v5;
	v5 =	vmul.f32 v11, v10;
	v11 =	vld [tilespmem:s12+$0x20]  }
.Ltmp11:
0x1ab: {  	[tilespmem:s12+$0xFFFFFFC0] =	vst v4;
	v4 =	vmul.f32 v9, v10;
	v8 =	vld [tilespmem:s12+$0x30];
	(pc) =	sbr.rel @p1 .LBB2_22-.Ltmp11, $4  }
0x1ac: {  	[tilespmem:s12+$0xFFFFFFD0] =	vst v5;
	v5 =	vmul.f32 v6, v10;
	v7 =	vld [tilespmem:s12+$0x40]  }
0x1ad: {  	[tilespmem:s12+$0xFFFFFFE0] =	vst v4;
	v10 =	vmul.f32 v12, v3;
	v6 =	vld [tilespmem:s12+$0x50]  }
0x1ae: {  	s12 =	sadd.s32 $0x100, s12;
	[tilespmem:s15+$0xFFFFFFF0] =	vst v5;
	v9 =	vmul.f32 v13, v3;
	v5 =	vld [tilespmem:s15+$0x60]  }
0x1af: {  	s25 =	sadd.s32 $0x2, s25;
	v4 =	vld [tilespmem:s12+$0x70];
	[tilespmem:s15+$0x0] =	vst v10;
	v10 =	vmul.f32 v11, v3  }
0x1b0: {  	v11 =	vld [tilespmem:s12+$0xFFFFFF80];
	[tilespmem:s15+$0x10] =	vst v9;
	v8 =	vmul.f32 v8, v3;
	s11 =	sadd.s32 $0x1, s13;
	v46 =	vmov s13  }
0x1b1: {  	v45 =	vld [tilespmem:s12+$0xFFFFFF90];
	[tilespmem:s15+$0x20] =	vst v10;
	v7 =	vmul.f32 v7, v3;
	v13 =	vmov s11;
	v47 =	vperm.xlane v2, v46  }
0x1b2: {  	v12 =	vld [tilespmem:s12+$0xFFFFFFA0];
	[tilespmem:s15+$0x30] =	vst v8;
	v6 =	vmul.f32 v6, v3;
	v2 =	vperm.xlane v2, v13  }
0x1b3: {  	v48 =	vld [tilespmem:s12+$0xFFFFFFB0];
	[tilespmem:s15+$0x40] =	vst v7;
	v3 =	vmul.f32 v5, v3  }
0x1b4: {  	v49 =	vld [tilespmem:s12+$0xFFFFFFC0];
	[tilespmem:s15+$0x50] =	vst v6;
	v4 =	vmul.f32 v4, v2  }
0x1b5: {  	v51 =	vld [tilespmem:s12+$0xFFFFFFD0];
	v50 =	vmul.f32 v11, v47;
	[tilespmem:s15+$0x60] =	vst v3  }
0x1b6: {  	v53 =	vld [tilespmem:s12+$0xFFFFFFF0];
	v9 =	vmul.f32 v45, v47;
	[tilespmem:s12+$0x70] =	vst v4  }
0x1b7: {  	v3 =	vld [tilespmem:s12+$0xFFFFFFE0];
	v52 =	vmul.f32 v12, v47;
	[tilespmem:s12+$0xFFFFFF80] =	vst v50  }
0x1b8: {  	v57 =	vld [tilespmem:s12+$0x10];
	v54 =	vmul.f32 v48, v47;
	[tilespmem:s12+$0xFFFFFF90] =	vst v9  }
0x1b9: {  	v55 =	vld [tilespmem:s12+$0x0];
	v56 =	vmul.f32 v49, v47;
	[tilespmem:s12+$0xFFFFFFA0] =	vst v52  }
0x1ba: {  	v61 =	vld [tilespmem:s12+$0x50];
	v7 =	vmul.f32 v51, v47;
	[tilespmem:s12+$0xFFFFFFB0] =	vst v54  }
0x1bb: {  	v58 =	vld [tilespmem:s12+$0x20];
	v6 =	vmul.f32 v53, v47;
	[tilespmem:s12+$0xFFFFFFC0] =	vst v56  }
0x1bc: {  	v59 =	vld [tilespmem:s12+$0x30];
	[tilespmem:s12+$0xFFFFFFD0] =	vst v7;
	v3 =	vmul.f32 v3, v47  }
0x1bd: {  	v60 =	vld [tilespmem:s12+$0x40];
	v5 =	vmul.f32 v57, v2;
	[tilespmem:s12+$0xFFFFFFF0] =	vst v6  }
0x1be: {  	v62 =	vld [tilespmem:s12+$0x60];
	[tilespmem:s12+$0xFFFFFFE0] =	vst v3;
	v3 =	vmul.f32 v55, v2  }
0x1bf: {  	s6 =	sadd.s32 $0x1, s6;
	v63 =	vmul.f32 v61, v2;
	[tilespmem:s12+$0x10] =	vst v5  }
0x1c0: {  	p1 =	sne.s32 s6, $0x3;
	[tilespmem:s12+$0x0] =	vst v3;
	v3 =	vmul.f32 v58, v2  }
.Ltmp12:
0x1c1: {  	v4 =	vmul.f32 v59, v2;
	[tilespmem:s12+$0x50] =	vst v63;
	(pc) =	sbr.rel @p1 .LBB2_19-.Ltmp12, $4  }
0x1c2: {  	[tilespmem:s12+$0x20] =	vst v3;
	v3 =	vmul.f32 v60, v2  }
0x1c3: {  	[tilespmem:s12+$0x30] =	vst v4;
	v2 =	vmul.f32 v62, v2  }
0x1c4: {  	[tilespmem:s12+$0x40] =	vst v3  }
0x1c5: {  	s8 =	sadd.s32 $0x800, s8;
	[tilespmem:s12+$0x60] =	vst v2  }
0x1c6: {  	v2 =	vld [tilespmem:$0x280]  }
0x1c7: {  	v3 =	vld [tilespmem:$0x290]  }
0x1c8: {  	v4 =	vld [tilespmem:$0x2A0];
	_ =	sdelay $0x1  }
.Ltmp13:
0x1c9: {  	_ = 	snop;
	(pc) =	sbr.rel @p0 .LBB2_26-.Ltmp13, $4  }
0x1ca: {  	[tilespmem:$0x400] =	vst v2  }
0x1cb: {  	[tilespmem:$0x410] =	vst v3  }
0x1cc: {  	s6 =	simm.s32 $0x400;
	[tilespmem:$0x420] =	vst v4  }
0x1cd: {  	[spmem:s2] =	stream.indirect.scatter.add.f32 [tilespmem:s23], [sflag:$0x9], $0x80, s6, s16, $0xb8;
	[tilespmem:$0x1FF00] =	vst v63  }
0x1ce: {  	s6 =	smul.u32 $0x60, s29;
	_ =	sdelay $0x1  }
0x1cf: {  	s6 =	sadd.s32 s22, s6  }
0x1d0: {  	s6 =	smul.u32 $0x6, s6;
	_ =	sdelay $0x1  }
0x1d1: {  	s8 =	sadd.s32 s1, s6  }
0x1d2: {  	[tilespmem:s14], [sflag:$0x6] =	stream.linear.gather [hbm4b:s8+s4], $0x30, $0x38;
	[tilespmem:$0x1FF00] =	vst v63  }
0x1d3: {  	s25 =	simm.s32 $0x280;
	s6 =	sadd.s32 s5, s6  }
0x1d4: {  	[tilespmem:s25], [sflag:$0x6] =	stream.linear.gather [hbm4b:s6+s4], $0x30, $0x38;
	[tilespmem:$0x1FF00] =	vst v63  }
0x1d5: {  	_ =	swait.ge [sflag:s30], $0x1800  }
0x1d6: {  	[sflag:s30] =	ssyncset.done $0x0  }
0x1d7: {  	[sflag:s30] =	ssyncadd.s32 $0xFFFFE800  }
0x1d8: {  	_ =	swait.ge [sflag:s0], $0x30  }
0x1d9: {  	[sflag:s0] =	ssyncset.done $0x0  }
.Ltmp14:
0x1da: {  	[sflag:s0] =	ssyncadd.s32 $0xFFFFFFD0;
	(pc) =	sbr.rel .LBB2_6-.Ltmp14, $4  }
0x1db: {  	_ =	swait.ge [sflag:s0], $0x30  }
0x1dc: {  	[sflag:s0] =	ssyncset.done $0x0  }
0x1dd: {  	s28 =	simm.s32 $0x100;
	s29 =	sadd.s32 $0x1, s29;
	[sflag:s0] =	ssyncadd.s32 $0xFFFFFFD0  }
0x1de: {  	[tilespmem:s17], [sflag:$0x2] =	stream.indirect.gather [hbm4b:s7+s16], $0x80, s28, s16, $0xb8;
	[tilespmem:$0x1FF00] =	vst v63  }
.LBB2_27:
0x1df: {  	_ =	sfence.sel $0x180000  }
0x1e0: {  	[bflag:$0x0] =	sbarrier.arrive $0xFFFF  }
0x1e1: {  	_ =	strace $0x9000004A  }
0x1e2: {  	s0 =	stileid.u32;
	[bflag:$0x2] =	sbarrier.arrive $0xFFFF  }
0x1e3: {  	p0 =	sne.s32 s0, $0x0;
	s0 =	rddreg [dreg:$0x3]  }
0x1e4: {  	s0 =	sadd.s32 @!p0 $0x100000, s0  }
0x1e5: {  	[sflag:s0] =	ssyncadd.tile.s32 @!p0 $0x1;
	_ =	shalt  }
.Lfunc_end2:
_tile_overlayer_lowered:
.L_overlay_start_2:
0x1e6: {  	(tag) =	ssettag $0x2  }
0x1e7: {  	s0 =	rddreg [dreg:$0x0];
	s2 =	stileid.u32  }
0x1e8: {  	s1 =	rddreg [dreg:$0x1];
	p0 =	sne.s32 s2, $0x0  }
0x1e9: {  	s3 =	rddreg [dreg:$0x2];
	[bflag:$0x3] =	sbarrier.arrive $0xFFFF;
	s2 =	simm.s32 @!p0 $0x1C0A  }
0x1ea: {  	[timem:s3], [sflag:s2] =	dma.local @!p0 [hbm:s0], s1  }
0x1eb: {  	s0 =	simm.s32 @!p0 $0xA  }
0x1ec: {  	_ =	swait.ge @!p0 [sflag:s0], s1  }
0x1ed: {  	s1 =	ssub.s32 @!p0 $0x0, s1;
	[sflag:s0] =	ssyncset.done @!p0 $0x0  }
0x1ee: {  	[sflag:s0] =	ssyncadd.s32 @!p0 s1  }
0x1ef: {  	[bflag:$0x3] =	sbarrier.arrive $0xFFFF  }
0x1f0: {  	_ =	shalt  }

// kernel: kernel.7.cloned.1.call-start
scs
__scs_entry_jumppad:
0x0: {  	(pc) =	sbr.rel $0x88, $3  }
0x1: {  	(tag) =	ssettag $0x0;
	lr =	simm.s32 $0x1  }
0x2: {  	[smem:$0x3F97] =	sst lr;
	_ =	strace $0xD0000000  }
0x3: {  	_ = 	snop  }
0x4: {  	_ = 	snop  }
0x5: {  	_ = 	snop  }
0x6: {  	_ = 	snop  }
0x7: {  	_ = 	snop  }
__scs_overlays_trampoline_lowered:
0x8: {  	[smem:$0x3FA6] =	sst s0  }
0x9: {  	[smem:$0x3FA7] =	sst s1  }
0xa: {  	[smem:$0x3FA8] =	sst s2  }
0xb: {  	[smem:$0x3FA9] =	sst s3  }
0xc: {  	[smem:$0x3FAA] =	sst s4  }
0xd: {  	[smem:$0x3FAB] =	sst s5  }
0xe: {  	[smem:$0x3FAC] =	sst s6  }
0xf: {  	[smem:$0x3FAD] =	sst s7  }
0x10: {  	[smem:$0x3FAE] =	sst s8  }
0x11: {  	[smem:$0x3FAF] =	sst s9;
	s0 =	simm.s32 @!p0 $0x0  }
0x12: {  	s1 =	sld [smem:$0x3F95];
	s0 =	simm.s32 @p0 $0x1  }
0x13: {  	[smem:$0x3FB0] =	sst s0;
	s0 =	simm.s32 @!p1 $0x0  }
0x14: {  	s2 =	sld [smem:$0x3F94];
	s0 =	simm.s32 @p1 $0x1  }
0x15: {  	[smem:$0x3FB1] =	sst s0;
	s0 =	simm.s32 @!p2 $0x0  }
0x16: {  	s3 =	sld [smem:$0x3FDB];
	s0 =	simm.s32 @p2 $0x1  }
0x17: {  	s4 =	simm.s32 $0x1BF5;
	[smem:$0x3FB3] =	sst s0  }
0x18: {  	s0 =	sld [smem:$0x3F96];
	_ =	swait.ge [sflag:s4], $0x0  }
0x19: {  	s7 =	sld [smem:$0x3F97]  }
0x1a: {  	s8 =	sadd.s32 $0xFFFFE003, lr  }
0x1b: {  	s9 =	sadd.s32 $0xFFFFFEF7, lr;
	s5 =	simm.s32 $0xFFFFFFFF;
	p2 =	slt.u32 s8, $0xFFFFF086  }
0x1c: {  	p1 =	slt.u32 s9, $0xF7A;
	s5 =	simm.s32 @!p2 $0x0  }
0x1d: {  	s5 =	simm.s32 @p1 $0x1;
	p0 =	seq.s32 s7, s2  }
0x1e: {  	s7 =	smul.u32 @!p0 $0xF7A, s2;
	p2 =	seq.s32 @!p0 s5, $0x0  }
0x1f: {  	s9 =	smul.u32 $0xF7A, s1;
	s8 =	simm.s32 @!p0 $0x1BF5;
	p2 =	por !p2, p0  }
0x20: {  	[sflag:s8] =	ssyncset.s32 @!p0 $0xFFFFF086;
	s6 =	sadd.s32 @!p0 s3, s7;
	s7 =	simm.s32 @!p0 $0x108  }
0x21: {  	s3 =	sadd.s32 s3, s9;
	s6 =	sadd.s32 @!p0 $0x88, s6;
	s7 =	simm.s32 @p2 $0x1082  }
0x22: {  	[simem:s7], [sflag:s8] =	dma.local @!p0 [hbm:s6], $0xF7A  }
0x23: {  	s9 =	sor.u32 $0xD0000000, s2;
	s6 =	simm.s32 $0x108;
	_ =	swait.ge @!p0 [sflag:s8], $0x0  }
0x24: {  	s3 =	sadd.s32 $0x88, s3;
	s6 =	simm.s32 @!p1 $0x1082;
	[sflag:s4] =	ssyncset.s32 $0xFFFFF086  }
0x25: {  	[simem:s6], [sflag:s4] =	dma.local [hbm:s3], $0xF7A  }
0x26: {  	[smem:$0x3F97] =	sst s1;
	(tag) =	ssettag s2;
	_ =	strace s9  }
0x27: {  	s1 =	sld [smem:$0x3FA7]  }
0x28: {  	s2 =	sld [smem:$0x3FA8]  }
0x29: {  	s4 =	sld [smem:$0x3FAA]  }
0x2a: {  	p0 =	seq.s32 s5, $0x0;
	s5 =	sld [smem:$0x3FAB]  }
0x2b: {  	s6 =	sld [smem:$0x3FAC]  }
0x2c: {  	s7 =	sld [smem:$0x3FAD]  }
0x2d: {  	s3 =	simm.s32 $0x108;
	s8 =	sld [smem:$0x3FAE]  }
0x2e: {  	s3 =	simm.s32 @!p0 $0x1082;
	s9 =	sld [smem:$0x3FAF]  }
0x2f: {  	lr =	sadd.s32 s0, s3;
	s0 =	sld [smem:$0x3FA6]  }
0x30: {  	s3 =	sld [smem:$0x3FA9]  }
0x31: {  	[smem:$0x3FB2] =	sst s10  }
0x32: {  	s10 =	sld [smem:$0x3FB0];
	_ =	sdelay $0x3  }
0x33: {  	p0 =	seq.s32 s10, $0x1;
	s10 =	sld [smem:$0x3FB2];
	_ =	sdelay $0x3  }
0x34: {  	[smem:$0x3FB2] =	sst s10  }
0x35: {  	s10 =	sld [smem:$0x3FB1];
	_ =	sdelay $0x3  }
0x36: {  	p1 =	seq.s32 s10, $0x1;
	s10 =	sld [smem:$0x3FB2];
	_ =	sdelay $0x3  }
0x37: {  	[smem:$0x3FB2] =	sst s10  }
0x38: {  	s10 =	sld [smem:$0x3FB3]  }
0x39: {  	_ = 	snop;
	(pc) =	sbr.ind lr, $3  }
0x3a: {  	_ = 	snop  }
0x3b: {  	_ = 	snop  }
0x3c: {  	p2 =	seq.s32 s10, $0x1;
	s10 =	sld [smem:$0x3FB2]  }
0x3d: {  	_ =	shalt  }
0x3e: {  	_ =	shalt  }
0x3f: {  	_ =	shalt  }
0x40: {  	_ =	shalt  }
0x41: {  	_ =	shalt  }
0x42: {  	_ =	shalt  }
0x43: {  	_ =	shalt  }
0x44: {  	_ =	shalt  }
0x45: {  	_ =	shalt  }
0x46: {  	_ =	shalt  }
0x47: {  	_ =	shalt  }
0x48: {  	_ =	shalt  }
0x49: {  	_ =	shalt  }
0x4a: {  	_ =	shalt  }
0x4b: {  	_ =	shalt  }
0x4c: {  	_ =	shalt  }
0x4d: {  	_ =	shalt  }
0x4e: {  	_ =	shalt  }
0x4f: {  	_ =	shalt  }
0x50: {  	_ =	shalt  }
0x51: {  	_ =	shalt  }
0x52: {  	_ =	shalt  }
0x53: {  	_ =	shalt  }
0x54: {  	_ =	shalt  }
0x55: {  	_ =	shalt  }
0x56: {  	_ =	shalt  }
0x57: {  	_ =	shalt  }
0x58: {  	_ =	shalt  }
0x59: {  	_ =	shalt  }
0x5a: {  	_ =	shalt  }
0x5b: {  	_ =	shalt  }
0x5c: {  	_ =	shalt  }
0x5d: {  	_ =	shalt  }
0x5e: {  	_ =	shalt  }
0x5f: {  	_ =	shalt  }
0x60: {  	_ =	shalt  }
0x61: {  	_ =	shalt  }
0x62: {  	_ =	shalt  }
0x63: {  	_ =	shalt  }
0x64: {  	_ =	shalt  }
0x65: {  	_ =	shalt  }
0x66: {  	_ =	shalt  }
0x67: {  	_ =	shalt  }
0x68: {  	_ =	shalt  }
0x69: {  	_ =	shalt  }
0x6a: {  	_ =	shalt  }
0x6b: {  	_ =	shalt  }
0x6c: {  	_ =	shalt  }
0x6d: {  	_ =	shalt  }
0x6e: {  	_ =	shalt  }
0x6f: {  	_ =	shalt  }
0x70: {  	_ =	shalt  }
0x71: {  	_ =	shalt  }
0x72: {  	_ =	shalt  }
0x73: {  	_ =	shalt  }
0x74: {  	_ =	shalt  }
0x75: {  	_ =	shalt  }
0x76: {  	_ =	shalt  }
0x77: {  	_ =	shalt  }
0x78: {  	_ =	shalt  }
0x79: {  	_ =	shalt  }
0x7a: {  	_ =	shalt  }
0x7b: {  	_ =	shalt  }
0x7c: {  	_ =	shalt  }
0x7d: {  	_ =	shalt  }
0x7e: {  	_ =	shalt  }
0x7f: {  	_ =	shalt  }
0x80: {  	_ =	shalt  }
0x81: {  	_ =	shalt  }
0x82: {  	_ =	shalt  }
0x83: {  	_ =	shalt  }
0x84: {  	_ =	shalt  }
0x85: {  	_ =	shalt  }
0x86: {  	_ =	shalt  }
0x87: {  	_ =	shalt  }
.Lfunc_end0:
.L_simem_size_0:
called_computation_lowered:
.L_overlay_start_0:
0x88: {  	s2 =	sld [smem:$0x3FD9]  }
0x89: {  	s3 =	sld [smem:$0x3FFE];
	_ =	sdelay $0x1  }
0x8a: {  	s1 =	srdreg.scid  }
0x8b: {  	s0 =	sand.u32 $0x1, s1  }
0x8c: {  	s17 =	sshll.u32 s0, $0xA;
	s2 =	sadd.s32 s3, s2  }
0x8d: {  	s2 =	sadd.s32 s2, s17  }
0x8e: {  	[smem:$0x3FBE] =	sst s2  }
0x8f: {  	_ = 	snop  }
0x90: {  	s2 =	sld [smem:$0x3FD0];
	(tm) =	ssettm $0x1  }
0x91: {  	s18 =	sld [smem:$0x3FFB];
	_ =	sdelay $0x3  }
0x92: {  	_ =	strace s18  }
0x93: {  	s3 =	sld [smem:$0x3FFC];
	_ =	sdelay $0x3  }
0x94: {  	_ =	strace s3  }
0x95: {  	s3 =	sld [smem:$0x3FFD];
	_ =	sdelay $0x3  }
0x96: {  	_ =	strace s3  }
0x97: {  	_ =	strace $0x8FFFFFFF  }
0x98: {  	s19 =	sld [smem:$0x3FDB];
	_ =	sdelay $0x1  }
0x99: {  	s4 =	simm.s32 $_scs_section_size  }
0x9a: {  	s5 =	simm.s32 $_size__tile_overlayer_lowered;
	s6 =	simm.s32 $_tile_overlayer_lowered  }
0x9b: {  	s22 =	simm.s32 $0x1BFF;
	s21 =	sshll.u32 s6, $0x1;
	s3 =	sadd.s32 s4, s19  }
0x9c: {  	s7 =	simm.s32 $0x0;
	s20 =	sshll.u32 s5, $0x1;
	s5 =	sadd.s32 s21, s3  }
0x9d: {  	[timem:s7], [sflag:s22] =	dma.local [hbm:s5], s20  }
0x9e: {  	_ =	swait.ge [sflag:s22], s20  }
0x9f: {  	s4 =	ssub.s32 $0x0, s20;
	[sflag:s22] =	ssyncset.done $0x0  }
0xa0: {  	[sflag:s22] =	ssyncadd.s32 s4;
	_ =	sdelay $0x1  }
0xa1: {  	s23 =	simm.s32 $0x1B8B  }
0xa2: {  	_ =	swait.ge [sflag:s23], $0x1  }
0xa3: {  	[sflag:s23] =	ssyncset.done $0x0  }
0xa4: {  	s25 =	simm.s32 $0x1B8E;
	s24 =	sld [smem:$0x3FFE];
	[sflag:s23] =	ssyncadd.s32 $0xFFFFFFFF  }
0xa5: {  	s26 =	simm.s32 $execute0_lowered;
	[smem:$0x3FD2] =	sst s25  }
0xa6: {  	s5 =	sshll.u32 s26, $0x1;
	_ =	strace $0x80000046;
	[dreg:$0x1] =	wrdreg $0xFFFFFFFF  }
0xa7: {  	s28 =	simm.s32 $_size_execute0_lowered;
	s3 =	sadd.s32 s3, s5;
	[dreg:$0x0] =	wrdreg $0x0  }
0xa8: {  	s5 =	sshll.u32 s28, $0x1;
	[dreg:$0x2] =	wrdreg s3  }
0xa9: {  	[dreg:$0x3] =	wrdreg s5  }
0xaa: {  	[dreg:$0x4] =	wrdreg $0xC0  }
0xab: {  	_ =	task [dreg:s7], $0x5FFFF  }
0xac: {  	[dreg:$0x1] =	wrdreg $0xFFFFFFFF  }
0xad: {  	[dreg:$0x0] =	wrdreg $0x60  }
0xae: {  	[dreg:$0x2] =	wrdreg s2  }
0xaf: {  	[dreg:$0x3] =	wrdreg s24  }
0xb0: {  	[dreg:$0x4] =	wrdreg $0x94800  }
0xb1: {  	[dreg:$0x5] =	wrdreg $0x9  }
0xb2: {  	_ =	task.clear_ibuf [dreg:s7], $0x6FFFF;
	_ =	strace $0x90000046  }
0xb3: {  	s29 =	simm.s32 $0x9;
	_ =	strace $0x80000048  }
0xb4: {  	_ =	swait.ge [sflag:s29], $0x1  }
0xb5: {  	[sflag:s29] =	ssyncadd.s32 $0xFFFFFFFF  }
0xb6: {  	_ =	strace $0x90000048  }
0xb7: {  	_ =	sfence  }
0xb8: {  	s30 =	sld [smem:$0x0];
	_ =	sdelay $0x2  }
0xb9: {  	s31 =	sshll.u32 s1, $0xD;
	s1 =	sshrl.u32 s1, $0x2  }
0xba: {  	s3 =	sand.u32 $0x4000, s31;
	s1 =	sadd.s32 s1, s30  }
0xbb: {  	s0 =	sor.u32 s3, s0;
	s1 =	sshll.u32 s1, $0x11  }
0xbc: {  	s0 =	sor.u32 s1, s0  }
0xbd: {  	s0 =	sadd.s32 $0x8F2B, s0  }
0xbe: {  	[sflag:s0] =	ssyncadd.remote.s32 $0x1  }
0xbf: {  	_ =	sfence.sel $0xFFFF  }
0xc0: {  	[dreg:$0x0] =	wrdreg $0xFFFFFFFF;
	(pc) =	sbr.abs _section_cstart, $3  }
0xc1: {  	[dreg:$0x1] =	wrdreg $0xFFFFFFFF  }
0xc2: {  	_ =	task.clear_ibuf [dreg:s7], $0x2FFFF;
	_ =	strace $0x9FFFFFFF  }
0xc3: {  	(tm) =	ssettm $0x7FFFFFFF  }
tec
execute0_lowered:
.L_overlay_start_1:
0x0: {  	(tag) =	ssettag $0x1  }
0x1: {  	s0 =	rddreg [dreg:$0x0]  }
0x2: {  	s1 =	rddreg [dreg:$0x1];
	s2 =	srdreg.scid  }
0x3: {  	s3 =	rddreg [dreg:$0x2];
	s10 =	stileid.u32;
	s4 =	simm.s32 $0x0  }
0x4: {  	s29 =	simm.s32 $0x8;
	s30 =	simm.s32 $0x9;
	s6 =	smul.u32 $0x13C00, s10  }
0x5: {  	s31 =	simm.s32 $0x5;
	s2 =	sand.u32 $0x1, s2;
	s8 =	smul.u32 $0x4F000, s10  }
0x6: {  	[smem:$0x7FF] =	sst s4;
	s5 =	smul.u32 $0x13C000, s2;
	s20 =	ssub.s32 $0x2, s2  }
0x7: {  	_ =	strace $0x80000047;
	s2 =	sshll.u32 s2, $0x4;
	s9 =	sshrl.u32 s20, $0x1  }
0x8: {  	s8 =	sshrl.u32 s8, $0x2;
	s2 =	sor.u32 s10, s2;
	s10 =	simm.s32 $0x100  }
0x9: {  	s6 =	sadd.s32 s6, s5;
	s5 =	sadd.s32 $0x1E00, s1;
	s17 =	sadd.s32 s8, s3  }
0xa: {  	s22 =	smul.u32 $0x30, s2;
	s8 =	sadd.s32 $0x1800, s17;
	[dreg:$0x4] =	wrdreg s17  }
0xb: {  	s25 =	smul.u32 $0x6, s2;
	s21 =	sadd.s32 $0x3000, s17;
	[dreg:$0x5] =	wrdreg s8  }
0xc: {  	s7 =	sshrl.u32 s6, $0x3;
	s23 =	sadd.s32 $0x4800, s17;
	[dreg:$0x6] =	wrdreg s21  }
0xd: {  	s6 =	sadd.s32 $0xC000, s1;
	s24 =	sadd.s32 $0x6000, s17;
	[dreg:$0x7] =	wrdreg s23  }
0xe: {  	s26 =	sadd.s32 $0x7800, s17;
	s28 =	sadd.s32 $0x9000, s17;
	[dreg:$0x8] =	wrdreg s24  }
0xf: {  	s11 =	sadd.s32 $0xA800, s17;
	s19 =	sadd.s32 $0xC000, s17;
	[dreg:$0x9] =	wrdreg s26  }
0x10: {  	s1 =	sadd.s32 s7, s1;
	s7 =	ssub.s32 s20, s9;
	[dreg:$0xa] =	wrdreg s28  }
0x11: {  	s8 =	sshrl.u32 s22, $0x3;
	[dreg:$0xb] =	wrdreg s11;
	s12 =	sadd.s32 s0, s25  }
0x12: {  	s9 =	sadd.s32 s5, s25;
	s21 =	sor.u32 $0x60, s2;
	[dreg:$0x14] =	wrdreg s19  }
0x13: {  	s22 =	sor.u32 $0x80, s2;
	s23 =	sor.u32 $0xA0, s2;
	[dreg:$0xc] =	wrdreg s12  }
0x14: {  	s20 =	sadd.s32 $0xD800, s17;
	s24 =	sadd.s32 $0xF000, s17;
	[dreg:$0xd] =	wrdreg s9  }
0x15: {  	s25 =	sadd.s32 $0x10800, s17;
	s26 =	sadd.s32 $0x12000, s17;
	[dreg:$0x15] =	wrdreg s20  }
0x16: {  	s28 =	sadd.s32 $0x13800, s17;
	s2 =	simm.s32 $0x480;
	[dreg:$0x16] =	wrdreg s24  }
0x17: {  	s11 =	simm.s32 $0x180;
	s13 =	sadd.s32 $0xC0, s8;
	[dreg:$0x17] =	wrdreg s25  }
0x18: {  	s8 =	sadd.s32 $0x180, s8;
	s1 =	sadd.s32 $0x33800, s1;
	[dreg:$0x18] =	wrdreg s26  }
0x19: {  	v0 =	vimm.s32 $0xFEDCBA98;
	v1 =	vimm.s32 $0x76543210;
	s18 =	smax.u32 s7, $0x1;
	[dreg:$0x19] =	wrdreg s28;
	s12 =	simm.s32 $0x200  }
0x1a: {  	v0 =	vunpack.c.l.s4.s8 v0;
	v1 =	vunpack.c.l.s4.s8 v1;
	s9 =	simm.s32 $0x1;
	s20 =	simm.s32 $0x2;
	[dreg:$0x12] =	wrdreg s1  }
0x1b: {  	s25 =	simm.s32 $0x3;
	s14 =	sadd.s32 s0, s13;
	[dreg:$0x13] =	wrdreg s18  }
.Ltmp0:
0x1c: {  	v2 =	vunpack.c.0.s8.s32 v0;
	v3 =	vunpack.c.0.s8.s32 v1;
	v1 =	vlaneseq.u32;
	s15 =	sadd.s32 s5, s13;
	[dreg:$0xe] =	wrdreg s14;
	(pc) =	sbr.rel .LBB2_1-.Ltmp0, $4  }
0x1d: {  	vm0 =	vmmov $0xff;
	v0 =	vimm.f32 $0.0e+00;
	v1 =	vshrl.u32 v1, $0x3;
	s16 =	sadd.s32 s0, s8;
	s8 =	sadd.s32 s5, s8;
	[dreg:$0xf] =	wrdreg s15  }
0x1e: {  	v2 =	vand.u32 $0xF, v2;
	v4 =	vor.u32 $0x2, v1;
	v5 =	vor.u32 $0xA, v1;
	s13 =	simm.s32 $0x280;
	s18 =	simm.s32 $0x6480;
	[dreg:$0x10] =	wrdreg s16  }
0x1f: {  	v6 =	vor.u32 $0x4, v1;
	v7 =	vor.u32 $0xC, v1;
	v8 =	vor.u32 $0x6, v1;
	s1 =	simm.s32 $0x6;
	[dreg:$0x11] =	wrdreg s8;
	s8 =	simm.s32 $0xA  }
0x20: {  	v9 =	vor.u32 $0xE, v1;
	v2 =	vcombine.low v2, v3;
	v3 =	vor.u32 $0x8, v1;
	s14 =	simm.s32 $0x30;
	s15 =	simm.s32 $0x3480;
	s16 =	simm.s32 $0x0  }
.LBB2_12:
0x21: {  	s7 =	simm.s32 $0x7  }
0x22: {  	_ =	swait.ge [sflag:s7], $0x1800  }
0x23: {  	[sflag:s7] =	ssyncset.done $0x0  }
0x24: {  	[sflag:s7] =	ssyncadd.s32 $0xFFFFE800  }
0x25: {  	_ =	swait.ge [sflag:s29], $0x1800  }
0x26: {  	[sflag:s29] =	ssyncset.done $0x0  }
0x27: {  	[sflag:s29] =	ssyncadd.s32 $0xFFFFE800  }
0x28: {  	_ =	swait.ge [sflag:s30], $0x1800  }
0x29: {  	[sflag:s30] =	ssyncset.done $0x0  }
0x2a: {  	[sflag:s30] =	ssyncadd.s32 $0xFFFFE800  }
0x2b: {  	s24 =	stileid.u32;
	[bflag:$0x0] =	sbarrier.arrive $0xFFFF  }
0x2c: {  	s7 =	sshll.u32 s24, $0x6;
	s17 =	rddreg [dreg:$0x4]  }
0x2d: {  	s7 =	sor.u32 $0x1C0A, s7;
	s19 =	rddreg [dreg:$0x12];
	s16 =	sshrl.u32 s17, $0x3  }
0x2e: {  	[hbm:s19], [sflag:s7] =	dma.local [spmem:s16], $0x2780  }
0x2f: {  	_ =	swait.ge [sflag:s8], $0x2780  }
0x30: {  	s26 =	rddreg [dreg:$0x1a]  }
0x31: {  	s28 =	rddreg [dreg:$0x13];
	s16 =	sadd.s32 $0x1, s26  }
0x32: {  	p0 =	sne.s32 s16, s28  }
.Ltmp1:
0x33: {  	_ = 	snop;
	(pc) =	sbr.rel @!p0 .LBB2_13-.Ltmp1, $3  }
0x34: {  	_ =	sdelay $0x1  }
0x35: {  	[sflag:s8] =	ssyncset.done $0x0  }
0x36: {  	[sflag:s8] =	ssyncadd.s32 $0xFFFFD880  }
.LBB2_1:
0x37: {  	[dreg:$0x1a] =	wrdreg s16;
	s7 =	simm.s32 $0x0;
	s16 =	simm.s32 $0x200  }
.LBB2_2:
0x38: {  	p0 =	sne.s32 s16, $0x5E00;
	[tilespmem:s7+$0x4F0] =	vst v0  }
0x39: {  	[tilespmem:s7+$0x480] =	vst v0  }
0x3a: {  	[tilespmem:s7+$0x490] =	vst v0  }
.Ltmp2:
0x3b: {  	[tilespmem:s7+$0x4A0] =	vst v0;
	(pc) =	sbr.rel @p0 .LBB2_2-.Ltmp2, $4  }
0x3c: {  	[tilespmem:s7+$0x4B0] =	vst v0  }
0x3d: {  	[tilespmem:s7+$0x4C0] =	vst v0  }
0x3e: {  	[tilespmem:s7+$0x4D0] =	vst v0  }
0x3f: {  	[tilespmem:s7+$0x4E0] =	vst v0;
	s7 =	sshra.s32 s16, $0x2;
	s16 =	sadd.s32 $0x200, s16  }
0x40: {  	[tilespmem:s7+$0x4F0] =	vst v0  }
0x41: {  	[tilespmem:s7+$0x480] =	vst v0  }
0x42: {  	[tilespmem:s7+$0x490] =	vst v0  }
0x43: {  	[tilespmem:s7+$0x4A0] =	vst v0  }
0x44: {  	[tilespmem:s7+$0x4B0] =	vst v0  }
0x45: {  	[tilespmem:s7+$0x4C0] =	vst v0  }
0x46: {  	[tilespmem:s7+$0x4D0] =	vst v0  }
0x47: {  	[tilespmem:s7+$0x4E0] =	vst v0  }
0x48: {  	[spmem:s17] =	stream.linear.scatter [tilespmem:s2], [sflag:$0xA], $0x1800, $0x38;
	[tilespmem:$0x1D080] =	vst v63  }
0x49: {  	_ =	swait.ge [sflag:s8], $0x1800  }
0x4a: {  	[sflag:s8] =	ssyncset.done $0x0  }
0x4b: {  	s19 =	rddreg [dreg:$0x5];
	[sflag:s8] =	ssyncadd.s32 $0xFFFFE800  }
0x4c: {  	[spmem:s19] =	stream.linear.scatter [tilespmem:s2], [sflag:$0xA], $0x1800, $0x38;
	[tilespmem:$0x1D080] =	vst v63  }
0x4d: {  	_ =	swait.ge [sflag:s8], $0x1800  }
0x4e: {  	[sflag:s8] =	ssyncset.done $0x0  }
0x4f: {  	s24 =	rddreg [dreg:$0x6];
	[sflag:s8] =	ssyncadd.s32 $0xFFFFE800  }
0x50: {  	[spmem:s24] =	stream.linear.scatter [tilespmem:s2], [sflag:$0xA], $0x1800, $0x38;
	[tilespmem:$0x1D080] =	vst v63  }
0x51: {  	_ =	swait.ge [sflag:s8], $0x1800  }
0x52: {  	[sflag:s8] =	ssyncset.done $0x0  }
0x53: {  	s26 =	rddreg [dreg:$0x7];
	[sflag:s8] =	ssyncadd.s32 $0xFFFFE800  }
0x54: {  	[spmem:s26] =	stream.linear.scatter [tilespmem:s2], [sflag:$0xA], $0x1800, $0x38;
	[tilespmem:$0x1D080] =	vst v63  }
0x55: {  	_ =	swait.ge [sflag:s8], $0x1800  }
0x56: {  	[sflag:s8] =	ssyncset.done $0x0  }
0x57: {  	s28 =	rddreg [dreg:$0x8];
	[sflag:s8] =	ssyncadd.s32 $0xFFFFE800  }
0x58: {  	[spmem:s28] =	stream.linear.scatter [tilespmem:s2], [sflag:$0xA], $0x1800, $0x38;
	[tilespmem:$0x1D080] =	vst v63  }
0x59: {  	_ =	swait.ge [sflag:s8], $0x1800  }
0x5a: {  	[sflag:s8] =	ssyncset.done $0x0  }
0x5b: {  	s16 =	rddreg [dreg:$0x9];
	[sflag:s8] =	ssyncadd.s32 $0xFFFFE800  }
0x5c: {  	[spmem:s16] =	stream.linear.scatter [tilespmem:s2], [sflag:$0xA], $0x1800, $0x38;
	[tilespmem:$0x1D080] =	vst v63  }
0x5d: {  	_ =	swait.ge [sflag:s8], $0x1800  }
0x5e: {  	[sflag:s8] =	ssyncset.done $0x0  }
0x5f: {  	s17 =	rddreg [dreg:$0xa];
	[sflag:s8] =	ssyncadd.s32 $0xFFFFE800  }
0x60: {  	[spmem:s17] =	stream.linear.scatter [tilespmem:s2], [sflag:$0xA], $0x1800, $0x38;
	[tilespmem:$0x1D080] =	vst v63  }
0x61: {  	_ =	swait.ge [sflag:s8], $0x1800  }
0x62: {  	[sflag:s8] =	ssyncset.done $0x0  }
0x63: {  	s19 =	rddreg [dreg:$0xb];
	[sflag:s8] =	ssyncadd.s32 $0xFFFFE800  }
0x64: {  	[spmem:s19] =	stream.linear.scatter [tilespmem:s2], [sflag:$0xA], $0x1800, $0x38;
	[tilespmem:$0x1D080] =	vst v63  }
0x65: {  	_ =	swait.ge [sflag:s8], $0x1800  }
0x66: {  	[sflag:s8] =	ssyncset.done $0x0  }
0x67: {  	s24 =	rddreg [dreg:$0x14];
	[sflag:s8] =	ssyncadd.s32 $0xFFFFE800  }
0x68: {  	[spmem:s24] =	stream.linear.scatter [tilespmem:s2], [sflag:$0xA], $0x1800, $0x38;
	[tilespmem:$0x1D080] =	vst v63  }
0x69: {  	_ =	swait.ge [sflag:s8], $0x1800  }
0x6a: {  	[sflag:s8] =	ssyncset.done $0x0  }
0x6b: {  	s26 =	rddreg [dreg:$0x15];
	[sflag:s8] =	ssyncadd.s32 $0xFFFFE800  }
0x6c: {  	[spmem:s26] =	stream.linear.scatter [tilespmem:s2], [sflag:$0xA], $0x1800, $0x38;
	[tilespmem:$0x1D080] =	vst v63  }
0x6d: {  	_ =	swait.ge [sflag:s8], $0x1800  }
0x6e: {  	[sflag:s8] =	ssyncset.done $0x0  }
0x6f: {  	s28 =	rddreg [dreg:$0x16];
	[sflag:s8] =	ssyncadd.s32 $0xFFFFE800  }
0x70: {  	[spmem:s28] =	stream.linear.scatter [tilespmem:s2], [sflag:$0xA], $0x1800, $0x38;
	[tilespmem:$0x1D080] =	vst v63  }
0x71: {  	_ =	swait.ge [sflag:s8], $0x1800  }
0x72: {  	[sflag:s8] =	ssyncset.done $0x0  }
0x73: {  	s16 =	rddreg [dreg:$0x17];
	[sflag:s8] =	ssyncadd.s32 $0xFFFFE800  }
0x74: {  	[spmem:s16] =	stream.linear.scatter [tilespmem:s2], [sflag:$0xA], $0x1800, $0x38;
	[tilespmem:$0x1D080] =	vst v63  }
0x75: {  	_ =	swait.ge [sflag:s8], $0x1800  }
0x76: {  	[sflag:s8] =	ssyncset.done $0x0  }
0x77: {  	s17 =	rddreg [dreg:$0x18];
	[sflag:s8] =	ssyncadd.s32 $0xFFFFE800  }
0x78: {  	[spmem:s17] =	stream.linear.scatter [tilespmem:s2], [sflag:$0xA], $0x1800, $0x38;
	[tilespmem:$0x1D080] =	vst v63  }
0x79: {  	_ =	swait.ge [sflag:s8], $0x1800  }
0x7a: {  	[sflag:s8] =	ssyncset.done $0x0  }
0x7b: {  	s19 =	rddreg [dreg:$0x19];
	[sflag:s8] =	ssyncadd.s32 $0xFFFFE800  }
0x7c: {  	[spmem:s19] =	stream.linear.scatter [tilespmem:s2], [sflag:$0xA], $0x400, $0x38;
	[tilespmem:$0x1D080] =	vst v63  }
0x7d: {  	_ =	swait.ge [sflag:s8], $0x400  }
0x7e: {  	[sflag:s8] =	ssyncset.done $0x0  }
0x7f: {  	[sflag:s8] =	ssyncadd.s32 $0xFFFFFC00  }
0x80: {  	[bflag:$0x0] =	sbarrier.arrive $0xFFFF  }
0x81: {  	s7 =	simm.s32 $0x0;
	s16 =	rddreg [dreg:$0xc]  }
0x82: {  	[tilespmem:s7], [sflag:$0xA] =	stream.linear.gather [hbm4b:s16+s7], $0x30, $0x38;
	[tilespmem:$0x1D080] =	vst v63  }
0x83: {  	_ =	swait.ge [sflag:s8], $0x30  }
0x84: {  	[sflag:s8] =	ssyncset.done $0x0  }
0x85: {  	s17 =	simm.s32 $0x80;
	s24 =	rddreg [dreg:$0xd];
	[sflag:s8] =	ssyncadd.s32 $0xFFFFFFD0  }
0x86: {  	[tilespmem:s17], [sflag:$0xA] =	stream.linear.gather [hbm4b:s24+s7], $0x30, $0x38;
	[tilespmem:$0x1D080] =	vst v63  }
0x87: {  	_ =	swait.ge [sflag:s8], $0x30  }
0x88: {  	[sflag:s8] =	ssyncset.done $0x0  }
0x89: {  	s26 =	rddreg [dreg:$0xe];
	[sflag:s8] =	ssyncadd.s32 $0xFFFFFFD0  }
0x8a: {  	[tilespmem:s10], [sflag:$0xA] =	stream.linear.gather [hbm4b:s26+s7], $0x30, $0x38;
	[tilespmem:$0x1D080] =	vst v63  }
0x8b: {  	_ =	swait.ge [sflag:s8], $0x30  }
0x8c: {  	[sflag:s8] =	ssyncset.done $0x0  }
0x8d: {  	s28 =	rddreg [dreg:$0xf];
	[sflag:s8] =	ssyncadd.s32 $0xFFFFFFD0  }
0x8e: {  	[tilespmem:s11], [sflag:$0xA] =	stream.linear.gather [hbm4b:s28+s7], $0x30, $0x38;
	[tilespmem:$0x1D080] =	vst v63  }
0x8f: {  	_ =	swait.ge [sflag:s8], $0x30  }
0x90: {  	[sflag:s8] =	ssyncset.done $0x0  }
0x91: {  	s19 =	rddreg [dreg:$0x10];
	[sflag:s8] =	ssyncadd.s32 $0xFFFFFFD0  }
0x92: {  	[tilespmem:s12], [sflag:$0xA] =	stream.linear.gather [hbm4b:s19+s7], $0x30, $0x38;
	[tilespmem:$0x1D080] =	vst v63  }
0x93: {  	_ =	swait.ge [sflag:s8], $0x30  }
0x94: {  	[sflag:s8] =	ssyncset.done $0x0  }
0x95: {  	s24 =	rddreg [dreg:$0x11];
	[sflag:s8] =	ssyncadd.s32 $0xFFFFFFD0  }
0x96: {  	[tilespmem:s13], [sflag:$0xA] =	stream.linear.gather [hbm4b:s24+s7], $0x30, $0x38;
	[tilespmem:$0x1D080] =	vst v63  }
0x97: {  	_ =	swait.ge [sflag:s8], $0x30  }
0x98: {  	[sflag:s8] =	ssyncset.done $0x0  }
0x99: {  	[sflag:s8] =	ssyncadd.s32 $0xFFFFFFD0  }
0x9a: {  	[tilespmem:s2], [sflag:$0x1] =	stream.indirect.gather [hbm4b:s6+s14], $0x80, s7, s14, $0xb8;
	[tilespmem:$0x1D080] =	vst v63  }
0x9b: {  	s26 =	simm.s32 $0x1C80  }
0x9c: {  	[tilespmem:s26], [sflag:$0x1] =	stream.indirect.gather [hbm4b:s6+s14], $0x80, s17, s14, $0xb8;
	[tilespmem:$0x1D080] =	vst v63  }
0x9d: {  	_ = 	snop  }
0x9e: {  	[tilespmem:s15], [sflag:$0x2] =	stream.indirect.gather [hbm4b:s6+s14], $0x80, s10, s14, $0xb8;
	[tilespmem:$0x1D080] =	vst v63  }
0x9f: {  	s28 =	simm.s32 $0x4C80  }
0xa0: {  	[tilespmem:s28], [sflag:$0x2] =	stream.indirect.gather [hbm4b:s6+s14], $0x80, s11, s14, $0xb8;
	[tilespmem:$0x1D080] =	vst v63  }
.LBB2_4:
0xa1: {  	_ =	swait.ge [sflag:s9], $0x1800  }
0xa2: {  	[sflag:s9] =	ssyncset.done $0x0  }
0xa3: {  	[sflag:s9] =	ssyncadd.s32 $0xFFFFE800  }
0xa4: {  	_ =	swait.ge [sflag:s9], $0x1800  }
0xa5: {  	[sflag:s9] =	ssyncset.done $0x0  }
0xa6: {  	s16 =	simm.s32 $0x580;
	[sflag:s9] =	ssyncadd.s32 $0xFFFFE800  }
0xa7: {  	s17 =	simm.s32 $0x1D80;
	v10 =	vld [tilespmem:s16+$0x0]  }
0xa8: {  	v11 =	vld [tilespmem:s17+$0x0]  }
0xa9: {  	v12 =	vld [tilespmem:s16+$0x80]  }
0xaa: {  	v13 =	vld [tilespmem:s17+$0x80]  }
0xab: {  	v14 =	vld [tilespmem:s17+$0xFFFFFF00]  }
0xac: {  	v15 =	vld [tilespmem:s16+$0xFFFFFF80]  }
0xad: {  	v16 =	vld [tilespmem:s17+$0xFFFFFF80]  }
0xae: {  	v17 =	vld [tilespmem:s16+$0xFFFFFF00]  }
0xaf: {  	v35 =	vld [tilespmem:s16+$0xFFFFFF10]  }
0xb0: {  	v36 =	vld [tilespmem:s16+$0xFFFFFF90];
	v11 =	vsel vm0, v10, v11;
	v12 =	vsel vm0, v12, v13  }
0xb1: {  	v37 =	vld [tilespmem:s16+$0xFFFFFF20];
	v11 =	vperm.xlane v11, v2;
	v12 =	vperm.xlane v12, v2  }
0xb2: {  	v38 =	vld [tilespmem:s16+$0xFFFFFFA0]  }
0xb3: {  	v41 =	vld [tilespmem:s16+$0xFFFFFF30];
	v10 =	vadd.f32 v11, v10;
	v11 =	vadd.f32 v12, v13  }
0xb4: {  	v42 =	vld [tilespmem:s16+$0xFFFFFFB0];
	v12 =	vsel vm0, v15, v16;
	v13 =	vsel vm0, v17, v14  }
0xb5: {  	v43 =	vld [tilespmem:s16+$0xFFFFFF40];
	v12 =	vperm.xlane v12, v2;
	v10 =	vsel vm0, v10, v11;
	v11 =	vperm.xlane v13, v2  }
0xb6: {  	v46 =	vld [tilespmem:s16+$0xFFFFFFC0];
	v13 =	vmul.f32 $2.000000030e-01, v10  }
0xb7: {  	s28 =	simm.s32 $0x780;
	v18 =	vld [tilespmem:s16+$0xC0];
	v12 =	vadd.f32 v12, v16;
	v11 =	vadd.f32 v11, v17  }
0xb8: {  	v20 =	vld [tilespmem:s28+$0x0];
	v10 =	vmax.f32 v10, v13  }
0xb9: {  	s17 =	simm.s32 $0x1F80;
	v21 =	vld [tilespmem:s28+$0x80];
	v10 =	vmul.f32 $1.442695020e+00, v10;
	v11 =	vsel vm0, v11, v12  }
0xba: {  	v22 =	vld [tilespmem:s17+$0x80];
	v17 =	vmul.f32 $2.000000030e-01, v11  }
0xbb: {  	v24 =	vld [tilespmem:s28+$0xFFFFFF80];
	(erf) = vpow2.f32 v10  }
0xbc: {  	v33 =	vld [tilespmem:s28+$0xFFFFFF00];
	v10 =	vmax.f32 v11, v17  }
0xbd: {  	v19 =	vld [tilespmem:s17+$0x0];
	v17 =	vmul.f32 $1.442695020e+00, v10  }
0xbe: {  	v23 =	vld [tilespmem:s17+$0xFFFFFF00]  }
0xbf: {  	v32 =	vld [tilespmem:s17+$0xFFFFFF80];
	v21 =	vsel vm0, v21, v22;
	(erf) = vpow2.f32 v17  }
0xc0: {  	v40 =	vperm.xlane v21, v2;
	v21 =	vld [tilespmem:s28+$0xFFFFFF20]  }
0xc1: {  	v14 =	vld [tilespmem:s16+$0x10]  }
0xc2: {  	v15 =	vld [tilespmem:s16+$0x90]  }
0xc3: {  	v40 =	vadd.f32 v40, v22;
	v22 =	vld [tilespmem:s28+$0xFFFFFF30]  }
0xc4: {  	v16 =	vld [tilespmem:s16+$0x20];
	v17 =	vpop (erf)  }
0xc5: {  	v13 =	vld [tilespmem:s16+$0xA0];
	v25 =	vperm.xlane v17, v9  }
0xc6: {  	v12 =	vld [tilespmem:s16+$0x30];
	v28 =	vperm.xlane v17, v1;
	v31 =	vperm.xlane v17, v3  }
0xc7: {  	v11 =	vld [tilespmem:s16+$0xB0];
	v27 =	vperm.xlane v17, v4;
	v34 =	vmul.f32 v18, v25;
	v25 =	vsel vm0, v20, v19  }
0xc8: {  	v10 =	vld [tilespmem:s16+$0x40];
	v29 =	vperm.xlane v17, v5;
	v26 =	vpop (erf);
	v39 =	vperm.xlane v25, v2  }
0xc9: {  	v24 =	vsel vm0, v24, v32;
	v30 =	vperm.xlane v17, v6;
	v18 =	vld [tilespmem:s28+$0xFFFFFF10];
	v44 =	vperm.xlane v26, v1  }
0xca: {  	v19 =	vld [tilespmem:s28+$0xFFFFFF90];
	v45 =	vperm.xlane v26, v3;
	v47 =	vperm.xlane v26, v4;
	v39 =	vadd.f32 v39, v20  }
0xcb: {  	v25 =	vld [tilespmem:s28+$0xFFFFFFA0];
	v48 =	vperm.xlane v26, v5;
	v49 =	vperm.xlane v26, v6;
	v20 =	vsel vm0, v33, v23  }
0xcc: {  	[tilespmem:s16+$0xC0] =	vst v34;
	v34 =	vld [tilespmem:s28+$0x90];
	v23 =	vperm.xlane v24, v2;
	v24 =	vperm.xlane v20, v2;
	v39 =	vsel vm0, v39, v40  }
0xcd: {  	v50 =	vperm.xlane v26, v7;
	v20 =	vld [tilespmem:s28+$0xFFFFFFB0];
	v62 =	vmul.f32 $2.000000030e-01, v39  }
0xce: {  	v44 =	vmul.f32 v35, v44;
	v35 =	vld [tilespmem:s28+$0xA0];
	v61 =	vadd.f32 v23, v32;
	v33 =	vadd.f32 v24, v33  }
0xcf: {  	v51 =	vperm.xlane v26, v8;
	v45 =	vmul.f32 v36, v45;
	v36 =	vld [tilespmem:s28+$0x30];
	v52 =	vmax.f32 v39, v62  }
0xd0: {  	v47 =	vmul.f32 v37, v47;
	v37 =	vld [tilespmem:s28+$0xB0];
	v54 =	vsel vm0, v33, v61;
	v52 =	vmul.f32 $1.442695020e+00, v52  }
0xd1: {  	[tilespmem:s16+$0x0] =	vst v17;
	v48 =	vmul.f32 v38, v48;
	v38 =	vld [tilespmem:s28+$0x40];
	v55 =	vmul.f32 $2.000000030e-01, v54  }
0xd2: {  	v53 =	vperm.xlane v26, v9;
	[tilespmem:s16+$0xFFFFFF00] =	vst v26;
	v32 =	vld [tilespmem:s28+$0x10];
	(erf) = vpow2.f32 v52  }
0xd3: {  	v40 =	vperm.xlane v17, v8;
	[tilespmem:s16+$0xFFFFFF10] =	vst v44;
	v44 =	vmul.f32 v41, v49;
	v33 =	vld [tilespmem:s28+$0x20];
	v63 =	vmax.f32 v54, v55  }
0xd4: {  	v23 =	vld [tilespmem:s28+$0xFFFFFF40];
	[tilespmem:s16+$0xFFFFFF90] =	vst v45;
	v45 =	vmul.f32 v42, v50;
	v52 =	vmul.f32 $1.442695020e+00, v63  }
0xd5: {  	v24 =	vld [tilespmem:s28+$0xFFFFFFC0];
	[tilespmem:s16+$0xFFFFFF20] =	vst v47;
	v42 =	vmul.f32 v43, v51;
	v43 =	vmul.f32 v46, v53  }
0xd6: {  	s19 =	simm.s32 $0x2;
	s24 =	simm.s32 $0x980;
	v41 =	vld [tilespmem:s28+$0xC0];
	[tilespmem:s16+$0xFFFFFFA0] =	vst v48;
	v39 =	vperm.xlane v17, v7;
	(erf) = vpow2.f32 v52  }
.LBB2_5:
0xd7: {  	v46 =	vld [tilespmem:s24+$0x0];
	s17 =	sadd.s32 $0x200, s17;
	[tilespmem:s16+$0xFFFFFF30] =	vst v44;
	v28 =	vmul.f32 v14, v28;
	v31 =	vmul.f32 v15, v31;
	v14 =	vmovc v32;
	v15 =	vmov v34  }
0xd8: {  	v34 =	vmul.f32 v16, v27;
	v44 =	vmul.f32 v13, v29;
	v16 =	vmovc v33;
	v13 =	vmov v35;
	v32 =	vld [tilespmem:s17+$0x0];
	[tilespmem:s16+$0xFFFFFFB0] =	vst v45  }
0xd9: {  	v35 =	vmul.f32 v12, v30;
	v39 =	vmul.f32 v11, v39;
	v12 =	vmovc v36;
	v33 =	vld [tilespmem:s24+$0x80];
	[tilespmem:s16+$0xFFFFFF40] =	vst v42;
	v11 =	vmov v37  }
0xda: {  	s19 =	sadd.s32 $0x2, s19;
	v40 =	vmul.f32 v10, v40;
	v37 =	vperm.xlane v26, v2;
	v36 =	vld [tilespmem:s17+$0x80];
	[tilespmem:s16+$0xFFFFFFC0] =	vst v43;
	v10 =	vmov v38  }
0xdb: {  	p0 =	slt.u32 s19, $0x16;
	v42 =	vperm.xlane v17, v2;
	v38 =	vld [tilespmem:s17+$0xFFFFFF00];
	[tilespmem:s16+$0x10] =	vst v28;
	v17 =	vpop (erf)  }
0xdc: {  	v43 =	vld [tilespmem:s24+$0xFFFFFF80];
	v28 =	vperm.xlane v17, v1;
	v47 =	vperm.xlane v17, v9;
	[tilespmem:s16+$0x90] =	vst v31  }
0xdd: {  	v31 =	vperm.xlane v17, v3;
	v27 =	vperm.xlane v17, v4;
	v45 =	vld [tilespmem:s17+$0xFFFFFF80];
	[tilespmem:s16+$0x20] =	vst v34  }
0xde: {  	v29 =	vperm.xlane v17, v5;
	v34 =	vld [tilespmem:s24+$0xFFFFFF00];
	v41 =	vmul.f32 v41, v47;
	[tilespmem:s16+$0xA0] =	vst v44  }
0xdf: {  	v30 =	vperm.xlane v17, v6;
	v32 =	vsel vm0, v46, v32;
	v44 =	vld [tilespmem:s24+$0xFFFFFF10];
	v33 =	vsel vm0, v33, v36;
	v26 =	vpop (erf);
	[tilespmem:s16+$0x30] =	vst v35  }
0xe0: {  	v32 =	vperm.xlane v32, v2;
	v47 =	vld [tilespmem:s24+$0xFFFFFF90];
	v33 =	vperm.xlane v33, v2;
	[tilespmem:s28+$0xC0] =	vst v41  }
0xe1: {  	v35 =	vperm.xlane v26, v1;
	v48 =	vperm.xlane v26, v3;
	v41 =	vld [tilespmem:s24+$0xFFFFFF20];
	[tilespmem:s16+$0xB0] =	vst v39  }
0xe2: {  	v32 =	vadd.f32 v32, v46;
	v39 =	vsel vm0, v43, v45;
	v43 =	vld [tilespmem:s24+$0xFFFFFFA0];
	v33 =	vadd.f32 v33, v36;
	[tilespmem:s16+$0x40] =	vst v40  }
0xe3: {  	v49 =	vperm.xlane v26, v4;
	v36 =	vsel vm0, v34, v38;
	v38 =	vperm.xlane v39, v2;
	v46 =	vld [tilespmem:s24+$0xFFFFFF30];
	[tilespmem:s16+$0xFFFFFF80] =	vst v37  }
0xe4: {  	v37 =	vperm.xlane v26, v5;
	v36 =	vperm.xlane v36, v2;
	v50 =	vld [tilespmem:s24+$0xFFFFFFB0];
	v32 =	vsel vm0, v32, v33;
	[tilespmem:s16+$0x80] =	vst v42;
	s16 =	smov.u32 s28;
	s28 =	smov.u32 s24  }
0xe5: {  	v42 =	vperm.xlane v26, v6;
	v33 =	vadd.f32 v38, v45;
	v51 =	vld [tilespmem:s24+$0xFFFFFF40];
	v38 =	vmul.f32 $2.000000030e-01, v32;
	[tilespmem:s16+$0xFFFFFF00] =	vst v26  }
0xe6: {  	v53 =	vperm.xlane v26, v8;
	v45 =	vperm.xlane v26, v7;
	v34 =	vadd.f32 v36, v34;
	v52 =	vld [tilespmem:s24+$0xFFFFFFC0];
	[tilespmem:s16+$0x0] =	vst v17  }
0xe7: {  	v54 =	vperm.xlane v26, v9;
	v39 =	vperm.xlane v17, v7;
	v36 =	vmax.f32 v32, v38;
	v32 =	vld [tilespmem:s24+$0x10]  }
0xe8: {  	v40 =	vperm.xlane v17, v8;
	v38 =	vsel vm0, v34, v33;
	v36 =	vmul.f32 $1.442695020e+00, v36;
	v34 =	vld [tilespmem:s24+$0x90]  }
0xe9: {  	v56 =	vmul.f32 v18, v35;
	v18 =	vmov v44;
	v55 =	vmul.f32 $2.000000030e-01, v38;
	v33 =	vld [tilespmem:s24+$0x20]  }
.Ltmp3:
0xea: {  	v44 =	vmul.f32 v19, v48;
	v19 =	vmov v47;
	v35 =	vld [tilespmem:s24+$0xA0];
	(erf) = vpow2.f32 v36;
	(pc) =	sbr.rel @p0 .LBB2_5-.Ltmp3, $4  }
0xeb: {  	v47 =	vmul.f32 v21, v49;
	v48 =	vmul.f32 v25, v37;
	v38 =	vmax.f32 v38, v55;
	v36 =	vld [tilespmem:s24+$0x30];
	[tilespmem:s16+$0xFFFFFF10] =	vst v56  }
0xec: {  	v21 =	vmovc v41;
	v25 =	vmovc v43;
	v49 =	vmul.f32 $1.442695020e+00, v38;
	v37 =	vld [tilespmem:s24+$0xB0];
	[tilespmem:s16+$0xFFFFFF90] =	vst v44;
	v44 =	vmul.f32 v22, v42;
	v22 =	vmov v46  }
0xed: {  	v45 =	vmul.f32 v20, v45;
	v20 =	vmovc v50;
	v42 =	vmul.f32 v23, v53;
	v23 =	vmov v51;
	v38 =	vld [tilespmem:s24+$0x40];
	[tilespmem:s16+$0xFFFFFF20] =	vst v47  }
0xee: {  	v43 =	vmul.f32 v24, v54;
	v24 =	vmov v52;
	s24 =	sadd.s32 $0x200, s24;
	v41 =	vld [tilespmem:s28+$0xC0];
	(erf) = vpow2.f32 v49;
	[tilespmem:s16+$0xFFFFFFA0] =	vst v48  }
0xef: {  	[tilespmem:s16+$0xFFFFFF30] =	vst v44  }
0xf0: {  	[tilespmem:s16+$0xFFFFFFB0] =	vst v45  }
0xf1: {  	v14 =	vmul.f32 v14, v28;
	[tilespmem:s16+$0xFFFFFF40] =	vst v42  }
0xf2: {  	v15 =	vmul.f32 v15, v31;
	[tilespmem:s16+$0xFFFFFFC0] =	vst v43  }
0xf3: {  	v16 =	vmul.f32 v16, v27;
	[tilespmem:s16+$0x10] =	vst v14  }
0xf4: {  	v13 =	vmul.f32 v13, v29;
	[tilespmem:s16+$0x90] =	vst v15  }
0xf5: {  	v12 =	vmul.f32 v12, v30;
	[tilespmem:s16+$0x20] =	vst v16  }
0xf6: {  	v11 =	vmul.f32 v11, v39;
	[tilespmem:s16+$0xA0] =	vst v13  }
0xf7: {  	v10 =	vmul.f32 v10, v40;
	[tilespmem:s16+$0x30] =	vst v12;
	v27 =	vpop (erf)  }
0xf8: {  	v12 =	vperm.xlane v26, v2;
	[tilespmem:s16+$0xB0] =	vst v11;
	v14 =	vperm.xlane v27, v9  }
0xf9: {  	v11 =	vperm.xlane v17, v2;
	[tilespmem:s16+$0x40] =	vst v10  }
0xfa: {  	[tilespmem:s16+$0xFFFFFF80] =	vst v12;
	v14 =	vmul.f32 v41, v14;
	v13 =	vpop (erf)  }
0xfb: {  	[tilespmem:s16+$0x80] =	vst v11;
	v10 =	vperm.xlane v13, v1  }
0xfc: {  	[tilespmem:s28+$0xC0] =	vst v14;
	v12 =	vperm.xlane v13, v3;
	v14 =	vperm.xlane v13, v5  }
0xfd: {  	[tilespmem:s28+$0x0] =	vst v27;
	v15 =	vperm.xlane v13, v6;
	v10 =	vmul.f32 v18, v10  }
0xfe: {  	v11 =	vperm.xlane v13, v4;
	[tilespmem:s28+$0xFFFFFF00] =	vst v13;
	v12 =	vmul.f32 v19, v12  }
0xff: {  	v14 =	vmul.f32 v25, v14;
	v15 =	vmul.f32 v22, v15;
	[tilespmem:s28+$0xFFFFFF10] =	vst v10  }
0x100: {  	v10 =	vmul.f32 v21, v11;
	v11 =	vperm.xlane v13, v7;
	[tilespmem:s28+$0xFFFFFF90] =	vst v12  }
0x101: {  	v12 =	vperm.xlane v13, v8;
	[tilespmem:s28+$0xFFFFFFA0] =	vst v14  }
0x102: {  	v14 =	vperm.xlane v27, v1;
	[tilespmem:s28+$0xFFFFFF30] =	vst v15;
	v11 =	vmul.f32 v20, v11  }
0x103: {  	[tilespmem:s28+$0xFFFFFF20] =	vst v10;
	v10 =	vperm.xlane v13, v9;
	v12 =	vmul.f32 v23, v12  }
0x104: {  	v15 =	vperm.xlane v27, v3;
	v14 =	vmul.f32 v32, v14;
	[tilespmem:s28+$0xFFFFFFB0] =	vst v11  }
0x105: {  	v10 =	vmul.f32 v24, v10;
	v11 =	vperm.xlane v27, v4;
	[tilespmem:s28+$0xFFFFFF40] =	vst v12  }
0x106: {  	v15 =	vmul.f32 v34, v15;
	v12 =	vperm.xlane v27, v5;
	[tilespmem:s28+$0x10] =	vst v14  }
0x107: {  	[tilespmem:s28+$0xFFFFFFC0] =	vst v10;
	v10 =	vperm.xlane v27, v6;
	v11 =	vmul.f32 v33, v11  }
0x108: {  	v14 =	vperm.xlane v27, v7;
	[tilespmem:s28+$0x90] =	vst v15;
	v12 =	vmul.f32 v35, v12  }
0x109: {  	v15 =	vperm.xlane v27, v8;
	v10 =	vmul.f32 v36, v10;
	[tilespmem:s28+$0x20] =	vst v11  }
0x10a: {  	v11 =	vmul.f32 v37, v14;
	[tilespmem:s28+$0xA0] =	vst v12  }
0x10b: {  	v12 =	vmul.f32 v38, v15;
	[tilespmem:s28+$0x30] =	vst v10  }
0x10c: {  	v10 =	vperm.xlane v13, v2;
	[tilespmem:s28+$0xB0] =	vst v11  }
0x10d: {  	v11 =	vperm.xlane v27, v2;
	[tilespmem:s28+$0x40] =	vst v12  }
0x10e: {  	[tilespmem:s28+$0xFFFFFF80] =	vst v10  }
0x10f: {  	[tilespmem:s28+$0x80] =	vst v11  }
0x110: {  	v10 =	vld [tilespmem:$0x80]  }
0x111: {  	v11 =	vld [tilespmem:$0x90]  }
0x112: {  	v12 =	vld [tilespmem:$0xA0]  }
0x113: {  	p0 =	seq.s32 s7, $0x47  }
0x114: {  	s28 =	smul.u32 @!p0 $0x60, s7  }
0x115: {  	[tilespmem:$0x300] =	vst v10  }
0x116: {  	s16 =	sadd.s32 @!p0 s21, s28;
	[tilespmem:$0x310] =	vst v11  }
0x117: {  	s17 =	simm.s32 $0x300;
	s16 =	smul.u32 @!p0 $0x6, s16;
	[tilespmem:$0x320] =	vst v12  }
0x118: {  	[spmem:s3] =	stream.indirect.scatter.add.f32 [tilespmem:s2], [sflag:$0x7], $0x80, s17, s14, $0xb8;
	[tilespmem:$0x1D080] =	vst v63  }
0x119: {  	s19 =	simm.s32 @!p0 $0x0;
	p1 =	seq.s32 @!p0 s7, $0x0;
	s17 =	sadd.s32 @!p0 s0, s16  }
0x11a: {  	[tilespmem:s19], [sflag:$0x4] =	stream.linear.gather @!p0 [hbm4b:s17+s19], $0x30, $0x38;
	[tilespmem:$0x1D080] =	vst v63  }
0x11b: {  	p1 =	por p0, !p1;
	s16 =	sadd.s32 @!p0 s5, s16;
	s17 =	simm.s32 @!p0 $0x80  }
0x11c: {  	[tilespmem:s17], [sflag:$0x4] =	stream.linear.gather @!p0 [hbm4b:s16+s19], $0x30, $0x38;
	[tilespmem:$0x1D080] =	vst v63  }
0x11d: {  	_ =	swait.ge @p1 [sflag:s30], $0x1800  }
0x11e: {  	[sflag:s30] =	ssyncset.done @p1 $0x0  }
0x11f: {  	[sflag:s30] =	ssyncadd.s32 @p1 $0xFFFFE800  }
0x120: {  	_ =	swait.ge @p1 [sflag:s1], $0x30  }
0x121: {  	[sflag:s1] =	ssyncset.done @p1 $0x0  }
0x122: {  	[sflag:s1] =	ssyncadd.s32 @p1 $0xFFFFFFD0  }
0x123: {  	_ =	swait.ge @p1 [sflag:s1], $0x30  }
0x124: {  	[sflag:s1] =	ssyncset.done @p1 $0x0  }
0x125: {  	[sflag:s1] =	ssyncadd.s32 @p1 $0xFFFFFFD0  }
0x126: {  	[tilespmem:s18], [sflag:$0x3] =	stream.indirect.gather [hbm4b:s6+s14], $0x80, s12, s14, $0xb8;
	[tilespmem:$0x1D080] =	vst v63  }
0x127: {  	s24 =	simm.s32 $0x7C80  }
0x128: {  	[tilespmem:s24], [sflag:$0x3] =	stream.indirect.gather [hbm4b:s6+s14], $0x80, s13, s14, $0xb8;
	[tilespmem:$0x1D080] =	vst v63  }
0x129: {  	_ =	swait.ge [sflag:s20], $0x1800  }
0x12a: {  	[sflag:s20] =	ssyncset.done $0x0  }
0x12b: {  	[sflag:s20] =	ssyncadd.s32 $0xFFFFE800  }
0x12c: {  	_ =	swait.ge [sflag:s20], $0x1800  }
0x12d: {  	[sflag:s20] =	ssyncset.done $0x0  }
0x12e: {  	s17 =	simm.s32 $0x3580;
	[sflag:s20] =	ssyncadd.s32 $0xFFFFE800  }
0x12f: {  	s26 =	simm.s32 $0x4D80;
	v10 =	vld [tilespmem:s17+$0x0]  }
0x130: {  	v11 =	vld [tilespmem:s26+$0x0]  }
0x131: {  	v12 =	vld [tilespmem:s17+$0x80]  }
0x132: {  	v13 =	vld [tilespmem:s26+$0x80]  }
0x133: {  	v14 =	vld [tilespmem:s26+$0xFFFFFF00]  }
0x134: {  	v15 =	vld [tilespmem:s17+$0xFFFFFF80]  }
0x135: {  	v16 =	vld [tilespmem:s26+$0xFFFFFF80]  }
0x136: {  	v17 =	vld [tilespmem:s17+$0xFFFFFF00]  }
0x137: {  	v35 =	vld [tilespmem:s17+$0xFFFFFF10]  }
0x138: {  	v63 =	vld [tilespmem:s17+$0xFFFFFF90];
	v11 =	vsel vm0, v10, v11;
	v12 =	vsel vm0, v12, v13  }
0x139: {  	v37 =	vld [tilespmem:s17+$0xFFFFFF20];
	v11 =	vperm.xlane v11, v2;
	v12 =	vperm.xlane v12, v2  }
0x13a: {  	v38 =	vld [tilespmem:s17+$0xFFFFFFA0]  }
0x13b: {  	v41 =	vld [tilespmem:s17+$0xFFFFFF30];
	v10 =	vadd.f32 v11, v10;
	v11 =	vadd.f32 v12, v13  }
0x13c: {  	v42 =	vld [tilespmem:s17+$0xFFFFFFB0];
	v12 =	vsel vm0, v15, v16;
	v13 =	vsel vm0, v17, v14  }
0x13d: {  	v43 =	vld [tilespmem:s17+$0xFFFFFF40];
	v12 =	vperm.xlane v12, v2;
	v10 =	vsel vm0, v10, v11;
	v11 =	vperm.xlane v13, v2  }
0x13e: {  	v46 =	vld [tilespmem:s17+$0xFFFFFFC0];
	v13 =	vmul.f32 $2.000000030e-01, v10  }
0x13f: {  	s16 =	simm.s32 $0x3780;
	v18 =	vld [tilespmem:s17+$0xC0];
	v12 =	vadd.f32 v12, v16;
	v11 =	vadd.f32 v11, v17  }
0x140: {  	s19 =	simm.s32 $0x4F80;
	v20 =	vld [tilespmem:s16+$0x0];
	v10 =	vmax.f32 v10, v13  }
0x141: {  	v19 =	vld [tilespmem:s19+$0x0];
	v10 =	vmul.f32 $1.442695020e+00, v10;
	v11 =	vsel vm0, v11, v12  }
0x142: {  	v21 =	vld [tilespmem:s16+$0x80];
	v17 =	vmul.f32 $2.000000030e-01, v11  }
0x143: {  	v22 =	vld [tilespmem:s19+$0x80];
	(erf) = vpow2.f32 v10  }
0x144: {  	v23 =	vld [tilespmem:s19+$0xFFFFFF00];
	v10 =	vmax.f32 v11, v17  }
0x145: {  	v24 =	vld [tilespmem:s16+$0xFFFFFF80];
	v17 =	vmul.f32 $1.442695020e+00, v10  }
0x146: {  	v54 =	vld [tilespmem:s19+$0xFFFFFF80]  }
0x147: {  	v55 =	vld [tilespmem:s16+$0xFFFFFF00];
	(erf) = vpow2.f32 v17  }
0x148: {  	v32 =	vld [tilespmem:s16+$0x10]  }
0x149: {  	v34 =	vld [tilespmem:s16+$0x90]  }
0x14a: {  	v36 =	vld [tilespmem:s16+$0x30];
	v21 =	vsel vm0, v21, v22  }
0x14b: {  	v58 =	vperm.xlane v21, v2;
	v21 =	vld [tilespmem:s16+$0xFFFFFF20]  }
0x14c: {  	v14 =	vld [tilespmem:s17+$0x10];
	v17 =	vpop (erf)  }
0x14d: {  	v15 =	vld [tilespmem:s17+$0x90];
	v25 =	vperm.xlane v17, v9  }
0x14e: {  	v40 =	vadd.f32 v58, v22;
	v22 =	vld [tilespmem:s16+$0xFFFFFF30];
	v28 =	vperm.xlane v17, v1;
	v31 =	vperm.xlane v17, v3  }
0x14f: {  	v16 =	vld [tilespmem:s17+$0x20];
	v27 =	vperm.xlane v17, v4;
	v56 =	vmul.f32 v18, v25;
	v25 =	vsel vm0, v20, v19  }
0x150: {  	v13 =	vld [tilespmem:s17+$0xA0];
	v29 =	vperm.xlane v17, v5;
	v26 =	vpop (erf);
	v57 =	vperm.xlane v25, v2  }
0x151: {  	v24 =	vsel vm0, v24, v54;
	v12 =	vld [tilespmem:s17+$0x30];
	v30 =	vperm.xlane v17, v6;
	v59 =	vperm.xlane v26, v1  }
0x152: {  	v11 =	vld [tilespmem:s17+$0xB0];
	v60 =	vperm.xlane v26, v3;
	v47 =	vperm.xlane v26, v4;
	v39 =	vadd.f32 v57, v20  }
0x153: {  	v10 =	vld [tilespmem:s17+$0x40];
	v48 =	vperm.xlane v26, v5;
	v49 =	vperm.xlane v26, v6;
	v20 =	vsel vm0, v55, v23  }
0x154: {  	v18 =	vld [tilespmem:s16+$0xFFFFFF10];
	v23 =	vperm.xlane v24, v2;
	v24 =	vperm.xlane v20, v2;
	v39 =	vsel vm0, v39, v40  }
0x155: {  	v19 =	vld [tilespmem:s16+$0xFFFFFF90];
	v50 =	vperm.xlane v26, v7;
	v62 =	vmul.f32 $2.000000030e-01, v39  }
0x156: {  	v25 =	vld [tilespmem:s16+$0xFFFFFFA0];
	v51 =	vperm.xlane v26, v8;
	v61 =	vadd.f32 v23, v54;
	v33 =	vadd.f32 v24, v55  }
0x157: {  	v53 =	vperm.xlane v26, v9;
	v20 =	vld [tilespmem:s16+$0xFFFFFFB0];
	v44 =	vmul.f32 v35, v59;
	v52 =	vmax.f32 v39, v62  }
0x158: {  	[tilespmem:s17+$0x0] =	vst v17;
	v35 =	vld [tilespmem:s16+$0xA0];
	v45 =	vmul.f32 v63, v60;
	v54 =	vsel vm0, v33, v61;
	v52 =	vmul.f32 $1.442695020e+00, v52  }
0x159: {  	[tilespmem:s17+$0xC0] =	vst v56;
	v47 =	vmul.f32 v37, v47;
	v37 =	vld [tilespmem:s16+$0xB0];
	v55 =	vmul.f32 $2.000000030e-01, v54  }
0x15a: {  	[tilespmem:s17+$0xFFFFFF00] =	vst v26;
	v48 =	vmul.f32 v38, v48;
	v38 =	vld [tilespmem:s16+$0x40];
	(erf) = vpow2.f32 v52  }
0x15b: {  	v40 =	vperm.xlane v17, v8;
	[tilespmem:s17+$0xFFFFFF10] =	vst v44;
	v44 =	vmul.f32 v41, v49;
	v33 =	vld [tilespmem:s16+$0x20];
	v63 =	vmax.f32 v54, v55  }
0x15c: {  	v23 =	vld [tilespmem:s16+$0xFFFFFF40];
	[tilespmem:s17+$0xFFFFFF90] =	vst v45;
	v45 =	vmul.f32 v42, v50;
	v52 =	vmul.f32 $1.442695020e+00, v63  }
0x15d: {  	v24 =	vld [tilespmem:s16+$0xFFFFFFC0];
	[tilespmem:s17+$0xFFFFFF20] =	vst v47;
	v42 =	vmul.f32 v43, v51;
	v43 =	vmul.f32 v46, v53  }
0x15e: {  	s24 =	simm.s32 $0x2;
	s26 =	simm.s32 $0x3980;
	v41 =	vld [tilespmem:s16+$0xC0];
	[tilespmem:s17+$0xFFFFFFA0] =	vst v48;
	v39 =	vperm.xlane v17, v7;
	(erf) = vpow2.f32 v52  }
.LBB2_7:
0x15f: {  	v46 =	vld [tilespmem:s26+$0x0];
	s19 =	sadd.s32 $0x200, s19;
	[tilespmem:s17+$0xFFFFFF30] =	vst v44;
	v28 =	vmul.f32 v14, v28;
	v31 =	vmul.f32 v15, v31;
	v14 =	vmovc v32;
	v15 =	vmov v34  }
0x160: {  	v34 =	vmul.f32 v16, v27;
	v44 =	vmul.f32 v13, v29;
	v16 =	vmovc v33;
	v13 =	vmov v35;
	v32 =	vld [tilespmem:s19+$0x0];
	[tilespmem:s17+$0xFFFFFFB0] =	vst v45  }
0x161: {  	v35 =	vmul.f32 v12, v30;
	v39 =	vmul.f32 v11, v39;
	v12 =	vmovc v36;
	v33 =	vld [tilespmem:s26+$0x80];
	[tilespmem:s17+$0xFFFFFF40] =	vst v42;
	v11 =	vmov v37  }
0x162: {  	s24 =	sadd.s32 $0x2, s24;
	v40 =	vmul.f32 v10, v40;
	v37 =	vperm.xlane v26, v2;
	v36 =	vld [tilespmem:s19+$0x80];
	[tilespmem:s17+$0xFFFFFFC0] =	vst v43;
	v10 =	vmov v38  }
0x163: {  	p1 =	slt.u32 s24, $0x16;
	v42 =	vperm.xlane v17, v2;
	v38 =	vld [tilespmem:s19+$0xFFFFFF00];
	[tilespmem:s17+$0x10] =	vst v28;
	v17 =	vpop (erf)  }
0x164: {  	v43 =	vld [tilespmem:s26+$0xFFFFFF80];
	v28 =	vperm.xlane v17, v1;
	v47 =	vperm.xlane v17, v9;
	[tilespmem:s17+$0x90] =	vst v31  }
0x165: {  	v31 =	vperm.xlane v17, v3;
	v27 =	vperm.xlane v17, v4;
	v45 =	vld [tilespmem:s19+$0xFFFFFF80];
	[tilespmem:s17+$0x20] =	vst v34  }
0x166: {  	v29 =	vperm.xlane v17, v5;
	v34 =	vld [tilespmem:s26+$0xFFFFFF00];
	v41 =	vmul.f32 v41, v47;
	[tilespmem:s17+$0xA0] =	vst v44  }
0x167: {  	v30 =	vperm.xlane v17, v6;
	v32 =	vsel vm0, v46, v32;
	v44 =	vld [tilespmem:s26+$0xFFFFFF10];
	v33 =	vsel vm0, v33, v36;
	v26 =	vpop (erf);
	[tilespmem:s17+$0x30] =	vst v35  }
0x168: {  	v32 =	vperm.xlane v32, v2;
	v47 =	vld [tilespmem:s26+$0xFFFFFF90];
	v33 =	vperm.xlane v33, v2;
	[tilespmem:s16+$0xC0] =	vst v41  }
0x169: {  	v35 =	vperm.xlane v26, v1;
	v48 =	vperm.xlane v26, v3;
	v41 =	vld [tilespmem:s26+$0xFFFFFF20];
	[tilespmem:s17+$0xB0] =	vst v39  }
0x16a: {  	v32 =	vadd.f32 v32, v46;
	v39 =	vsel vm0, v43, v45;
	v43 =	vld [tilespmem:s26+$0xFFFFFFA0];
	v33 =	vadd.f32 v33, v36;
	[tilespmem:s17+$0x40] =	vst v40  }
0x16b: {  	v49 =	vperm.xlane v26, v4;
	v36 =	vsel vm0, v34, v38;
	v38 =	vperm.xlane v39, v2;
	v46 =	vld [tilespmem:s26+$0xFFFFFF30];
	[tilespmem:s17+$0xFFFFFF80] =	vst v37  }
0x16c: {  	v37 =	vperm.xlane v26, v5;
	v36 =	vperm.xlane v36, v2;
	v50 =	vld [tilespmem:s26+$0xFFFFFFB0];
	v32 =	vsel vm0, v32, v33;
	[tilespmem:s17+$0x80] =	vst v42;
	s17 =	smov.u32 s16;
	s16 =	smov.u32 s26  }
0x16d: {  	v42 =	vperm.xlane v26, v6;
	v33 =	vadd.f32 v38, v45;
	v51 =	vld [tilespmem:s26+$0xFFFFFF40];
	v38 =	vmul.f32 $2.000000030e-01, v32;
	[tilespmem:s17+$0xFFFFFF00] =	vst v26  }
0x16e: {  	v53 =	vperm.xlane v26, v8;
	v45 =	vperm.xlane v26, v7;
	v34 =	vadd.f32 v36, v34;
	v52 =	vld [tilespmem:s26+$0xFFFFFFC0];
	[tilespmem:s17+$0x0] =	vst v17  }
0x16f: {  	v54 =	vperm.xlane v26, v9;
	v39 =	vperm.xlane v17, v7;
	v36 =	vmax.f32 v32, v38;
	v32 =	vld [tilespmem:s26+$0x10]  }
0x170: {  	v40 =	vperm.xlane v17, v8;
	v38 =	vsel vm0, v34, v33;
	v36 =	vmul.f32 $1.442695020e+00, v36;
	v34 =	vld [tilespmem:s26+$0x90]  }
0x171: {  	v56 =	vmul.f32 v18, v35;
	v18 =	vmov v44;
	v55 =	vmul.f32 $2.000000030e-01, v38;
	v33 =	vld [tilespmem:s26+$0x20]  }
.Ltmp4:
0x172: {  	v44 =	vmul.f32 v19, v48;
	v19 =	vmov v47;
	v35 =	vld [tilespmem:s26+$0xA0];
	(erf) = vpow2.f32 v36;
	(pc) =	sbr.rel @p1 .LBB2_7-.Ltmp4, $4  }
0x173: {  	v47 =	vmul.f32 v21, v49;
	v48 =	vmul.f32 v25, v37;
	v38 =	vmax.f32 v38, v55;
	v36 =	vld [tilespmem:s26+$0x30];
	[tilespmem:s17+$0xFFFFFF10] =	vst v56  }
0x174: {  	v21 =	vmovc v41;
	v25 =	vmovc v43;
	v49 =	vmul.f32 $1.442695020e+00, v38;
	v37 =	vld [tilespmem:s26+$0xB0];
	[tilespmem:s17+$0xFFFFFF90] =	vst v44;
	v44 =	vmul.f32 v22, v42;
	v22 =	vmov v46  }
0x175: {  	v45 =	vmul.f32 v20, v45;
	v20 =	vmovc v50;
	v42 =	vmul.f32 v23, v53;
	v23 =	vmov v51;
	v38 =	vld [tilespmem:s26+$0x40];
	[tilespmem:s17+$0xFFFFFF20] =	vst v47  }
0x176: {  	v43 =	vmul.f32 v24, v54;
	v24 =	vmov v52;
	s26 =	sadd.s32 $0x200, s26;
	v41 =	vld [tilespmem:s16+$0xC0];
	(erf) = vpow2.f32 v49;
	[tilespmem:s17+$0xFFFFFFA0] =	vst v48  }
0x177: {  	[tilespmem:s17+$0xFFFFFF30] =	vst v44  }
0x178: {  	[tilespmem:s17+$0xFFFFFFB0] =	vst v45  }
0x179: {  	v14 =	vmul.f32 v14, v28;
	[tilespmem:s17+$0xFFFFFF40] =	vst v42  }
0x17a: {  	v15 =	vmul.f32 v15, v31;
	[tilespmem:s17+$0xFFFFFFC0] =	vst v43  }
0x17b: {  	v16 =	vmul.f32 v16, v27;
	[tilespmem:s17+$0x10] =	vst v14  }
0x17c: {  	v13 =	vmul.f32 v13, v29;
	[tilespmem:s17+$0x90] =	vst v15  }
0x17d: {  	v12 =	vmul.f32 v12, v30;
	[tilespmem:s17+$0x20] =	vst v16  }
0x17e: {  	v11 =	vmul.f32 v11, v39;
	[tilespmem:s17+$0xA0] =	vst v13  }
0x17f: {  	v10 =	vmul.f32 v10, v40;
	[tilespmem:s17+$0x30] =	vst v12;
	v27 =	vpop (erf)  }
0x180: {  	v12 =	vperm.xlane v26, v2;
	[tilespmem:s17+$0xB0] =	vst v11;
	v14 =	vperm.xlane v27, v9  }
0x181: {  	v11 =	vperm.xlane v17, v2;
	[tilespmem:s17+$0x40] =	vst v10  }
0x182: {  	[tilespmem:s17+$0xFFFFFF80] =	vst v12;
	v14 =	vmul.f32 v41, v14;
	v13 =	vpop (erf)  }
0x183: {  	[tilespmem:s17+$0x80] =	vst v11;
	v10 =	vperm.xlane v13, v1  }
0x184: {  	[tilespmem:s16+$0xC0] =	vst v14;
	v12 =	vperm.xlane v13, v3;
	v14 =	vperm.xlane v13, v5  }
0x185: {  	[tilespmem:s16+$0x0] =	vst v27;
	v15 =	vperm.xlane v13, v6;
	v10 =	vmul.f32 v18, v10  }
0x186: {  	v11 =	vperm.xlane v13, v4;
	[tilespmem:s16+$0xFFFFFF00] =	vst v13;
	v12 =	vmul.f32 v19, v12  }
0x187: {  	v14 =	vmul.f32 v25, v14;
	v15 =	vmul.f32 v22, v15;
	[tilespmem:s16+$0xFFFFFF10] =	vst v10  }
0x188: {  	v10 =	vmul.f32 v21, v11;
	v11 =	vperm.xlane v13, v7;
	[tilespmem:s16+$0xFFFFFF90] =	vst v12  }
0x189: {  	v12 =	vperm.xlane v13, v8;
	[tilespmem:s16+$0xFFFFFFA0] =	vst v14  }
0x18a: {  	v14 =	vperm.xlane v27, v1;
	[tilespmem:s16+$0xFFFFFF30] =	vst v15;
	v11 =	vmul.f32 v20, v11  }
0x18b: {  	[tilespmem:s16+$0xFFFFFF20] =	vst v10;
	v10 =	vperm.xlane v13, v9;
	v12 =	vmul.f32 v23, v12  }
0x18c: {  	v15 =	vperm.xlane v27, v3;
	v14 =	vmul.f32 v32, v14;
	[tilespmem:s16+$0xFFFFFFB0] =	vst v11  }
0x18d: {  	v10 =	vmul.f32 v24, v10;
	v11 =	vperm.xlane v27, v4;
	[tilespmem:s16+$0xFFFFFF40] =	vst v12  }
0x18e: {  	v15 =	vmul.f32 v34, v15;
	v12 =	vperm.xlane v27, v5;
	[tilespmem:s16+$0x10] =	vst v14  }
0x18f: {  	[tilespmem:s16+$0xFFFFFFC0] =	vst v10;
	v10 =	vperm.xlane v27, v6;
	v11 =	vmul.f32 v33, v11  }
0x190: {  	v14 =	vperm.xlane v27, v7;
	[tilespmem:s16+$0x90] =	vst v15;
	v12 =	vmul.f32 v35, v12  }
0x191: {  	v15 =	vperm.xlane v27, v8;
	v10 =	vmul.f32 v36, v10;
	[tilespmem:s16+$0x20] =	vst v11  }
0x192: {  	v11 =	vmul.f32 v37, v14;
	[tilespmem:s16+$0xA0] =	vst v12  }
0x193: {  	v12 =	vmul.f32 v38, v15;
	[tilespmem:s16+$0x30] =	vst v10  }
0x194: {  	v10 =	vperm.xlane v13, v2;
	[tilespmem:s16+$0xB0] =	vst v11  }
0x195: {  	v11 =	vperm.xlane v27, v2;
	[tilespmem:s16+$0x40] =	vst v12  }
0x196: {  	[tilespmem:s16+$0xFFFFFF80] =	vst v10  }
0x197: {  	[tilespmem:s16+$0x80] =	vst v11  }
0x198: {  	v10 =	vld [tilespmem:$0x180]  }
0x199: {  	v11 =	vld [tilespmem:$0x190]  }
0x19a: {  	v12 =	vld [tilespmem:$0x1A0];
	_ =	sdelay $0x2  }
0x19b: {  	[tilespmem:$0x380] =	vst v10  }
0x19c: {  	s16 =	sadd.s32 @!p0 s22, s28;
	[tilespmem:$0x390] =	vst v11  }
0x19d: {  	s26 =	simm.s32 $0x380;
	s16 =	smul.u32 @!p0 $0x6, s16;
	[tilespmem:$0x3A0] =	vst v12  }
0x19e: {  	[spmem:s3] =	stream.indirect.scatter.add.f32 [tilespmem:s15], [sflag:$0x8], $0x80, s26, s14, $0xb8;
	[tilespmem:$0x1D080] =	vst v63  }
0x19f: {  	s19 =	simm.s32 @!p0 $0x0;
	s24 =	simm.s32 @!p0 $0x100;
	s17 =	sadd.s32 @!p0 s0, s16  }
0x1a0: {  	[tilespmem:s24], [sflag:$0x5] =	stream.linear.gather @!p0 [hbm4b:s17+s19], $0x30, $0x38;
	[tilespmem:$0x1D080] =	vst v63  }
0x1a1: {  	s16 =	sadd.s32 @!p0 s5, s16;
	s17 =	simm.s32 @!p0 $0x180  }
0x1a2: {  	[tilespmem:s17], [sflag:$0x5] =	stream.linear.gather @!p0 [hbm4b:s16+s19], $0x30, $0x38;
	[tilespmem:$0x1D080] =	vst v63  }
0x1a3: {  	s16 =	simm.s32 @!p0 $0x7  }
0x1a4: {  	_ =	swait.ge @!p0 [sflag:s16], $0x1800  }
0x1a5: {  	[sflag:s16] =	ssyncset.done @!p0 $0x0  }
0x1a6: {  	[sflag:s16] =	ssyncadd.s32 @!p0 $0xFFFFE800;
	s16 =	simm.s32 @!p0 $0x4  }
0x1a7: {  	_ =	swait.ge @!p0 [sflag:s16], $0x30  }
0x1a8: {  	[sflag:s16] =	ssyncset.done @!p0 $0x0  }
0x1a9: {  	[sflag:s16] =	ssyncadd.s32 @!p0 $0xFFFFFFD0  }
0x1aa: {  	_ =	swait.ge @!p0 [sflag:s16], $0x30  }
0x1ab: {  	[sflag:s16] =	ssyncset.done @!p0 $0x0  }
0x1ac: {  	s17 =	simm.s32 @!p0 $0x480;
	[sflag:s16] =	ssyncadd.s32 @!p0 $0xFFFFFFD0;
	s16 =	simm.s32 @!p0 $0x30  }
0x1ad: {  	[tilespmem:s17], [sflag:$0x1] =	stream.indirect.gather @!p0 [hbm4b:s6+s16], $0x80, s19, s16, $0xb8;
	[tilespmem:$0x1D080] =	vst v63  }
0x1ae: {  	s17 =	simm.s32 @!p0 $0x80;
	s19 =	simm.s32 @!p0 $0x1C80  }
0x1af: {  	[tilespmem:s19], [sflag:$0x1] =	stream.indirect.gather @!p0 [hbm4b:s6+s16], $0x80, s17, s16, $0xb8;
	[tilespmem:$0x1D080] =	vst v63  }
0x1b0: {  	_ =	swait.ge [sflag:s25], $0x1800  }
0x1b1: {  	[sflag:s25] =	ssyncset.done $0x0  }
0x1b2: {  	[sflag:s25] =	ssyncadd.s32 $0xFFFFE800  }
0x1b3: {  	_ =	swait.ge [sflag:s25], $0x1800  }
0x1b4: {  	[sflag:s25] =	ssyncset.done $0x0  }
0x1b5: {  	s17 =	simm.s32 $0x6580;
	[sflag:s25] =	ssyncadd.s32 $0xFFFFE800  }
0x1b6: {  	s28 =	simm.s32 $0x7D80;
	v10 =	vld [tilespmem:s17+$0x0]  }
0x1b7: {  	v11 =	vld [tilespmem:s28+$0x0]  }
0x1b8: {  	v12 =	vld [tilespmem:s17+$0x80]  }
0x1b9: {  	v13 =	vld [tilespmem:s28+$0x80]  }
0x1ba: {  	v14 =	vld [tilespmem:s28+$0xFFFFFF00]  }
0x1bb: {  	v15 =	vld [tilespmem:s17+$0xFFFFFF80]  }
0x1bc: {  	v16 =	vld [tilespmem:s28+$0xFFFFFF80]  }
0x1bd: {  	v17 =	vld [tilespmem:s17+$0xFFFFFF00]  }
0x1be: {  	v35 =	vld [tilespmem:s17+$0xFFFFFF10]  }
0x1bf: {  	v63 =	vld [tilespmem:s17+$0xFFFFFF90];
	v11 =	vsel vm0, v10, v11;
	v12 =	vsel vm0, v12, v13  }
0x1c0: {  	v37 =	vld [tilespmem:s17+$0xFFFFFF20];
	v11 =	vperm.xlane v11, v2;
	v12 =	vperm.xlane v12, v2  }
0x1c1: {  	v38 =	vld [tilespmem:s17+$0xFFFFFFA0]  }
0x1c2: {  	v41 =	vld [tilespmem:s17+$0xFFFFFF30];
	v10 =	vadd.f32 v11, v10;
	v11 =	vadd.f32 v12, v13  }
0x1c3: {  	v42 =	vld [tilespmem:s17+$0xFFFFFFB0];
	v12 =	vsel vm0, v15, v16;
	v13 =	vsel vm0, v17, v14  }
0x1c4: {  	v43 =	vld [tilespmem:s17+$0xFFFFFF40];
	v12 =	vperm.xlane v12, v2;
	v10 =	vsel vm0, v10, v11;
	v11 =	vperm.xlane v13, v2  }
0x1c5: {  	v46 =	vld [tilespmem:s17+$0xFFFFFFC0];
	v13 =	vmul.f32 $2.000000030e-01, v10  }
0x1c6: {  	s16 =	simm.s32 $0x6780;
	v18 =	vld [tilespmem:s17+$0xC0];
	v12 =	vadd.f32 v12, v16;
	v11 =	vadd.f32 v11, v17  }
0x1c7: {  	s19 =	simm.s32 $0x7F80;
	v20 =	vld [tilespmem:s16+$0x0];
	v10 =	vmax.f32 v10, v13  }
0x1c8: {  	v19 =	vld [tilespmem:s19+$0x0];
	v10 =	vmul.f32 $1.442695020e+00, v10;
	v11 =	vsel vm0, v11, v12  }
0x1c9: {  	v21 =	vld [tilespmem:s16+$0x80];
	v17 =	vmul.f32 $2.000000030e-01, v11  }
0x1ca: {  	v22 =	vld [tilespmem:s19+$0x80];
	(erf) = vpow2.f32 v10  }
0x1cb: {  	v23 =	vld [tilespmem:s19+$0xFFFFFF00];
	v10 =	vmax.f32 v11, v17  }
0x1cc: {  	v24 =	vld [tilespmem:s16+$0xFFFFFF80];
	v17 =	vmul.f32 $1.442695020e+00, v10  }
0x1cd: {  	v54 =	vld [tilespmem:s19+$0xFFFFFF80]  }
0x1ce: {  	v55 =	vld [tilespmem:s16+$0xFFFFFF00];
	(erf) = vpow2.f32 v17  }
0x1cf: {  	v32 =	vld [tilespmem:s16+$0x10]  }
0x1d0: {  	v34 =	vld [tilespmem:s16+$0x90]  }
0x1d1: {  	v36 =	vld [tilespmem:s16+$0x30];
	v21 =	vsel vm0, v21, v22  }
0x1d2: {  	v58 =	vperm.xlane v21, v2;
	v21 =	vld [tilespmem:s16+$0xFFFFFF20]  }
0x1d3: {  	v14 =	vld [tilespmem:s17+$0x10];
	v17 =	vpop (erf)  }
0x1d4: {  	v15 =	vld [tilespmem:s17+$0x90];
	v25 =	vperm.xlane v17, v9  }
0x1d5: {  	v40 =	vadd.f32 v58, v22;
	v22 =	vld [tilespmem:s16+$0xFFFFFF30];
	v28 =	vperm.xlane v17, v1;
	v31 =	vperm.xlane v17, v3  }
0x1d6: {  	v16 =	vld [tilespmem:s17+$0x20];
	v27 =	vperm.xlane v17, v4;
	v56 =	vmul.f32 v18, v25;
	v25 =	vsel vm0, v20, v19  }
0x1d7: {  	v13 =	vld [tilespmem:s17+$0xA0];
	v29 =	vperm.xlane v17, v5;
	v26 =	vpop (erf);
	v57 =	vperm.xlane v25, v2  }
0x1d8: {  	v24 =	vsel vm0, v24, v54;
	v12 =	vld [tilespmem:s17+$0x30];
	v30 =	vperm.xlane v17, v6;
	v59 =	vperm.xlane v26, v1  }
0x1d9: {  	v11 =	vld [tilespmem:s17+$0xB0];
	v60 =	vperm.xlane v26, v3;
	v47 =	vperm.xlane v26, v4;
	v39 =	vadd.f32 v57, v20  }
0x1da: {  	v10 =	vld [tilespmem:s17+$0x40];
	v48 =	vperm.xlane v26, v5;
	v49 =	vperm.xlane v26, v6;
	v20 =	vsel vm0, v55, v23  }
0x1db: {  	v18 =	vld [tilespmem:s16+$0xFFFFFF10];
	v23 =	vperm.xlane v24, v2;
	v24 =	vperm.xlane v20, v2;
	v39 =	vsel vm0, v39, v40  }
0x1dc: {  	v19 =	vld [tilespmem:s16+$0xFFFFFF90];
	v50 =	vperm.xlane v26, v7;
	v62 =	vmul.f32 $2.000000030e-01, v39  }
0x1dd: {  	v25 =	vld [tilespmem:s16+$0xFFFFFFA0];
	v51 =	vperm.xlane v26, v8;
	v61 =	vadd.f32 v23, v54;
	v33 =	vadd.f32 v24, v55  }
0x1de: {  	v53 =	vperm.xlane v26, v9;
	v20 =	vld [tilespmem:s16+$0xFFFFFFB0];
	v44 =	vmul.f32 v35, v59;
	v52 =	vmax.f32 v39, v62  }
0x1df: {  	[tilespmem:s17+$0x0] =	vst v17;
	v35 =	vld [tilespmem:s16+$0xA0];
	v45 =	vmul.f32 v63, v60;
	v54 =	vsel vm0, v33, v61;
	v52 =	vmul.f32 $1.442695020e+00, v52  }
0x1e0: {  	[tilespmem:s17+$0xC0] =	vst v56;
	v47 =	vmul.f32 v37, v47;
	v37 =	vld [tilespmem:s16+$0xB0];
	v55 =	vmul.f32 $2.000000030e-01, v54  }
0x1e1: {  	[tilespmem:s17+$0xFFFFFF00] =	vst v26;
	v48 =	vmul.f32 v38, v48;
	v38 =	vld [tilespmem:s16+$0x40];
	(erf) = vpow2.f32 v52  }
0x1e2: {  	v40 =	vperm.xlane v17, v8;
	[tilespmem:s17+$0xFFFFFF10] =	vst v44;
	v44 =	vmul.f32 v41, v49;
	v33 =	vld [tilespmem:s16+$0x20];
	v63 =	vmax.f32 v54, v55  }
0x1e3: {  	v23 =	vld [tilespmem:s16+$0xFFFFFF40];
	[tilespmem:s17+$0xFFFFFF90] =	vst v45;
	v45 =	vmul.f32 v42, v50;
	v52 =	vmul.f32 $1.442695020e+00, v63  }
0x1e4: {  	v24 =	vld [tilespmem:s16+$0xFFFFFFC0];
	[tilespmem:s17+$0xFFFFFF20] =	vst v47;
	v42 =	vmul.f32 v43, v51;
	v43 =	vmul.f32 v46, v53  }
0x1e5: {  	s26 =	simm.s32 $0x6980;
	s24 =	simm.s32 $0x2;
	v41 =	vld [tilespmem:s16+$0xC0];
	[tilespmem:s17+$0xFFFFFFA0] =	vst v48;
	v39 =	vperm.xlane v17, v7;
	(erf) = vpow2.f32 v52  }
.LBB2_9:
0x1e6: {  	v46 =	vld [tilespmem:s26+$0x0];
	s19 =	sadd.s32 $0x200, s19;
	[tilespmem:s17+$0xFFFFFF30] =	vst v44;
	v28 =	vmul.f32 v14, v28;
	v31 =	vmul.f32 v15, v31;
	v14 =	vmovc v32;
	v15 =	vmov v34  }
0x1e7: {  	v34 =	vmul.f32 v16, v27;
	v44 =	vmul.f32 v13, v29;
	v16 =	vmovc v33;
	v13 =	vmov v35;
	v32 =	vld [tilespmem:s19+$0x0];
	[tilespmem:s17+$0xFFFFFFB0] =	vst v45  }
0x1e8: {  	v35 =	vmul.f32 v12, v30;
	v39 =	vmul.f32 v11, v39;
	v12 =	vmovc v36;
	v33 =	vld [tilespmem:s26+$0x80];
	[tilespmem:s17+$0xFFFFFF40] =	vst v42;
	v11 =	vmov v37  }
0x1e9: {  	s24 =	sadd.s32 $0x2, s24;
	v40 =	vmul.f32 v10, v40;
	v37 =	vperm.xlane v26, v2;
	v36 =	vld [tilespmem:s19+$0x80];
	[tilespmem:s17+$0xFFFFFFC0] =	vst v43;
	v10 =	vmov v38  }
0x1ea: {  	p1 =	slt.u32 s24, $0x16;
	v42 =	vperm.xlane v17, v2;
	v38 =	vld [tilespmem:s19+$0xFFFFFF00];
	[tilespmem:s17+$0x10] =	vst v28;
	v17 =	vpop (erf)  }
0x1eb: {  	v43 =	vld [tilespmem:s26+$0xFFFFFF80];
	v28 =	vperm.xlane v17, v1;
	v47 =	vperm.xlane v17, v9;
	[tilespmem:s17+$0x90] =	vst v31  }
0x1ec: {  	v31 =	vperm.xlane v17, v3;
	v27 =	vperm.xlane v17, v4;
	v45 =	vld [tilespmem:s19+$0xFFFFFF80];
	[tilespmem:s17+$0x20] =	vst v34  }
0x1ed: {  	v29 =	vperm.xlane v17, v5;
	v34 =	vld [tilespmem:s26+$0xFFFFFF00];
	v41 =	vmul.f32 v41, v47;
	[tilespmem:s17+$0xA0] =	vst v44  }
0x1ee: {  	v30 =	vperm.xlane v17, v6;
	v32 =	vsel vm0, v46, v32;
	v44 =	vld [tilespmem:s26+$0xFFFFFF10];
	v33 =	vsel vm0, v33, v36;
	v26 =	vpop (erf);
	[tilespmem:s17+$0x30] =	vst v35  }
0x1ef: {  	v32 =	vperm.xlane v32, v2;
	v47 =	vld [tilespmem:s26+$0xFFFFFF90];
	v33 =	vperm.xlane v33, v2;
	[tilespmem:s16+$0xC0] =	vst v41  }
0x1f0: {  	v35 =	vperm.xlane v26, v1;
	v48 =	vperm.xlane v26, v3;
	v41 =	vld [tilespmem:s26+$0xFFFFFF20];
	[tilespmem:s17+$0xB0] =	vst v39  }
0x1f1: {  	v32 =	vadd.f32 v32, v46;
	v39 =	vsel vm0, v43, v45;
	v43 =	vld [tilespmem:s26+$0xFFFFFFA0];
	v33 =	vadd.f32 v33, v36;
	[tilespmem:s17+$0x40] =	vst v40  }
0x1f2: {  	v49 =	vperm.xlane v26, v4;
	v36 =	vsel vm0, v34, v38;
	v38 =	vperm.xlane v39, v2;
	v46 =	vld [tilespmem:s26+$0xFFFFFF30];
	[tilespmem:s17+$0xFFFFFF80] =	vst v37  }
0x1f3: {  	v37 =	vperm.xlane v26, v5;
	v36 =	vperm.xlane v36, v2;
	v50 =	vld [tilespmem:s26+$0xFFFFFFB0];
	v32 =	vsel vm0, v32, v33;
	[tilespmem:s17+$0x80] =	vst v42;
	s17 =	smov.u32 s16;
	s16 =	smov.u32 s26  }
0x1f4: {  	v42 =	vperm.xlane v26, v6;
	v33 =	vadd.f32 v38, v45;
	v51 =	vld [tilespmem:s26+$0xFFFFFF40];
	v38 =	vmul.f32 $2.000000030e-01, v32;
	[tilespmem:s17+$0xFFFFFF00] =	vst v26  }
0x1f5: {  	v53 =	vperm.xlane v26, v8;
	v45 =	vperm.xlane v26, v7;
	v34 =	vadd.f32 v36, v34;
	v52 =	vld [tilespmem:s26+$0xFFFFFFC0];
	[tilespmem:s17+$0x0] =	vst v17  }
0x1f6: {  	v54 =	vperm.xlane v26, v9;
	v39 =	vperm.xlane v17, v7;
	v36 =	vmax.f32 v32, v38;
	v32 =	vld [tilespmem:s26+$0x10]  }
0x1f7: {  	v40 =	vperm.xlane v17, v8;
	v38 =	vsel vm0, v34, v33;
	v36 =	vmul.f32 $1.442695020e+00, v36;
	v34 =	vld [tilespmem:s26+$0x90]  }
0x1f8: {  	v56 =	vmul.f32 v18, v35;
	v18 =	vmov v44;
	v55 =	vmul.f32 $2.000000030e-01, v38;
	v33 =	vld [tilespmem:s26+$0x20]  }
.Ltmp5:
0x1f9: {  	v44 =	vmul.f32 v19, v48;
	v19 =	vmov v47;
	v35 =	vld [tilespmem:s26+$0xA0];
	(erf) = vpow2.f32 v36;
	(pc) =	sbr.rel @p1 .LBB2_9-.Ltmp5, $4  }
0x1fa: {  	v47 =	vmul.f32 v21, v49;
	v48 =	vmul.f32 v25, v37;
	v38 =	vmax.f32 v38, v55;
	v36 =	vld [tilespmem:s26+$0x30];
	[tilespmem:s17+$0xFFFFFF10] =	vst v56  }
0x1fb: {  	v21 =	vmovc v41;
	v25 =	vmovc v43;
	v49 =	vmul.f32 $1.442695020e+00, v38;
	v37 =	vld [tilespmem:s26+$0xB0];
	[tilespmem:s17+$0xFFFFFF90] =	vst v44;
	v44 =	vmul.f32 v22, v42;
	v22 =	vmov v46  }
0x1fc: {  	v45 =	vmul.f32 v20, v45;
	v20 =	vmovc v50;
	v42 =	vmul.f32 v23, v53;
	v23 =	vmov v51;
	v38 =	vld [tilespmem:s26+$0x40];
	[tilespmem:s17+$0xFFFFFF20] =	vst v47  }
0x1fd: {  	v43 =	vmul.f32 v24, v54;
	v24 =	vmov v52;
	s26 =	sadd.s32 $0x200, s26;
	v41 =	vld [tilespmem:s16+$0xC0];
	(erf) = vpow2.f32 v49;
	[tilespmem:s17+$0xFFFFFFA0] =	vst v48  }
0x1fe: {  	[tilespmem:s17+$0xFFFFFF30] =	vst v44  }
0x1ff: {  	[tilespmem:s17+$0xFFFFFFB0] =	vst v45  }
0x200: {  	v14 =	vmul.f32 v14, v28;
	[tilespmem:s17+$0xFFFFFF40] =	vst v42  }
0x201: {  	v15 =	vmul.f32 v15, v31;
	[tilespmem:s17+$0xFFFFFFC0] =	vst v43  }
0x202: {  	v16 =	vmul.f32 v16, v27;
	[tilespmem:s17+$0x10] =	vst v14  }
0x203: {  	v13 =	vmul.f32 v13, v29;
	[tilespmem:s17+$0x90] =	vst v15  }
0x204: {  	v12 =	vmul.f32 v12, v30;
	[tilespmem:s17+$0x20] =	vst v16  }
0x205: {  	v11 =	vmul.f32 v11, v39;
	[tilespmem:s17+$0xA0] =	vst v13  }
0x206: {  	v10 =	vmul.f32 v10, v40;
	[tilespmem:s17+$0x30] =	vst v12  }
0x207: {  	v52 =	vperm.xlane v26, v2;
	[tilespmem:s17+$0xB0] =	vst v11;
	v50 =	vpop (erf)  }
0x208: {  	v11 =	vperm.xlane v17, v2;
	[tilespmem:s17+$0x40] =	vst v10;
	v51 =	vperm.xlane v50, v9  }
0x209: {  	[tilespmem:s17+$0xFFFFFF80] =	vst v52  }
0x20a: {  	[tilespmem:s17+$0x80] =	vst v11;
	v62 =	vperm.xlane v50, v8;
	v14 =	vmul.f32 v41, v51;
	v53 =	vpop (erf)  }
0x20b: {  	[tilespmem:s16+$0x0] =	vst v50;
	v10 =	vperm.xlane v53, v1  }
0x20c: {  	v63 =	vmul.f32 v38, v62;
	[tilespmem:s16+$0xC0] =	vst v14;
	v54 =	vperm.xlane v53, v3  }
0x20d: {  	[tilespmem:s16+$0xFFFFFF00] =	vst v53;
	v55 =	vperm.xlane v53, v5;
	v10 =	vmul.f32 v18, v10  }
0x20e: {  	v56 =	vperm.xlane v53, v6;
	[tilespmem:s16+$0x40] =	vst v63;
	v12 =	vmul.f32 v19, v54  }
0x20f: {  	v11 =	vperm.xlane v53, v4;
	v14 =	vmul.f32 v25, v55;
	[tilespmem:s16+$0xFFFFFF10] =	vst v10  }
0x210: {  	v57 =	vperm.xlane v53, v8;
	v15 =	vmul.f32 v22, v56;
	[tilespmem:s16+$0xFFFFFF90] =	vst v12  }
0x211: {  	v58 =	vperm.xlane v50, v1;
	v10 =	vmul.f32 v21, v11;
	[tilespmem:s16+$0xFFFFFFA0] =	vst v14  }
0x212: {  	v11 =	vperm.xlane v53, v7;
	v12 =	vmul.f32 v23, v57;
	[tilespmem:s16+$0xFFFFFF30] =	vst v15  }
0x213: {  	v14 =	vmul.f32 v32, v58;
	[tilespmem:s16+$0xFFFFFF20] =	vst v10;
	v10 =	vperm.xlane v53, v9  }
0x214: {  	v59 =	vperm.xlane v50, v3;
	v11 =	vmul.f32 v20, v11;
	[tilespmem:s16+$0xFFFFFF40] =	vst v12  }
0x215: {  	v60 =	vperm.xlane v50, v5;
	[tilespmem:s16+$0x10] =	vst v14;
	v10 =	vmul.f32 v24, v10  }
0x216: {  	v15 =	vmul.f32 v34, v59;
	[tilespmem:s16+$0xFFFFFFB0] =	vst v11;
	v11 =	vperm.xlane v50, v4  }
0x217: {  	v12 =	vmul.f32 v35, v60;
	[tilespmem:s16+$0xFFFFFFC0] =	vst v10;
	v10 =	vperm.xlane v50, v6  }
0x218: {  	v61 =	vperm.xlane v50, v7;
	[tilespmem:s16+$0x90] =	vst v15;
	v11 =	vmul.f32 v33, v11  }
0x219: {  	[tilespmem:s16+$0xA0] =	vst v12;
	v10 =	vmul.f32 v36, v10  }
0x21a: {  	[tilespmem:s16+$0x20] =	vst v11;
	v11 =	vmul.f32 v37, v61  }
0x21b: {  	[tilespmem:s16+$0x30] =	vst v10;
	v10 =	vperm.xlane v53, v2  }
0x21c: {  	[tilespmem:s16+$0xB0] =	vst v11;
	v11 =	vperm.xlane v50, v2  }
0x21d: {  	[tilespmem:s16+$0xFFFFFF80] =	vst v10  }
0x21e: {  	[tilespmem:s16+$0x80] =	vst v11  }
0x21f: {  	v10 =	vld [tilespmem:$0x280]  }
0x220: {  	v11 =	vld [tilespmem:$0x290]  }
0x221: {  	v12 =	vld [tilespmem:$0x2A0];
	_ =	sdelay $0x1  }
.Ltmp6:
0x222: {  	_ = 	snop;
	(pc) =	sbr.rel @p0 .LBB2_12-.Ltmp6, $4  }
0x223: {  	[tilespmem:$0x400] =	vst v10  }
0x224: {  	[tilespmem:$0x410] =	vst v11  }
0x225: {  	s28 =	simm.s32 $0x400;
	[tilespmem:$0x420] =	vst v12  }
0x226: {  	[spmem:s3] =	stream.indirect.scatter.add.f32 [tilespmem:s18], [sflag:$0x9], $0x80, s28, s14, $0xb8;
	[tilespmem:$0x1D080] =	vst v63  }
0x227: {  	s16 =	smul.u32 $0x60, s7;
	_ =	sdelay $0x1  }
0x228: {  	s16 =	sadd.s32 s23, s16  }
0x229: {  	s16 =	smul.u32 $0x6, s16;
	_ =	sdelay $0x1  }
0x22a: {  	s17 =	sadd.s32 s0, s16  }
0x22b: {  	[tilespmem:s12], [sflag:$0x6] =	stream.linear.gather [hbm4b:s17+s4], $0x30, $0x38;
	[tilespmem:$0x1D080] =	vst v63  }
0x22c: {  	s16 =	sadd.s32 s5, s16  }
0x22d: {  	[tilespmem:s13], [sflag:$0x6] =	stream.linear.gather [hbm4b:s16+s4], $0x30, $0x38;
	[tilespmem:$0x1D080] =	vst v63  }
0x22e: {  	_ =	swait.ge [sflag:s29], $0x1800  }
0x22f: {  	[sflag:s29] =	ssyncset.done $0x0  }
0x230: {  	[sflag:s29] =	ssyncadd.s32 $0xFFFFE800  }
0x231: {  	_ =	swait.ge [sflag:s31], $0x30  }
0x232: {  	[sflag:s31] =	ssyncset.done $0x0  }
0x233: {  	[sflag:s31] =	ssyncadd.s32 $0xFFFFFFD0  }
0x234: {  	_ =	swait.ge [sflag:s31], $0x30  }
.Ltmp7:
0x235: {  	[sflag:s31] =	ssyncset.done $0x0;
	(pc) =	sbr.rel .LBB2_4-.Ltmp7, $4  }
0x236: {  	[sflag:s31] =	ssyncadd.s32 $0xFFFFFFD0  }
0x237: {  	[tilespmem:s15], [sflag:$0x2] =	stream.indirect.gather [hbm4b:s6+s14], $0x80, s10, s14, $0xb8;
	[tilespmem:$0x1D080] =	vst v63  }
0x238: {  	s28 =	simm.s32 $0x4C80;
	s7 =	sadd.s32 $0x1, s7  }
0x239: {  	[tilespmem:s28], [sflag:$0x2] =	stream.indirect.gather [hbm4b:s6+s14], $0x80, s11, s14, $0xb8;
	[tilespmem:$0x1D080] =	vst v63  }
.LBB2_13:
0x23a: {  	_ =	sfence.sel $0x180000  }
0x23b: {  	[bflag:$0x0] =	sbarrier.arrive $0xFFFF  }
0x23c: {  	_ =	strace $0x90000047  }
0x23d: {  	s0 =	stileid.u32;
	[bflag:$0x2] =	sbarrier.arrive $0xFFFF  }
0x23e: {  	p0 =	sne.s32 s0, $0x0;
	s0 =	rddreg [dreg:$0x3]  }
0x23f: {  	s0 =	sadd.s32 @!p0 $0x100000, s0  }
0x240: {  	[sflag:s0] =	ssyncadd.tile.s32 @!p0 $0x1;
	_ =	shalt  }
.Lfunc_end2:
_tile_overlayer_lowered:
.L_overlay_start_2:
0x241: {  	(tag) =	ssettag $0x2  }
0x242: {  	s0 =	rddreg [dreg:$0x0];
	s2 =	stileid.u32  }
0x243: {  	s1 =	rddreg [dreg:$0x1];
	p0 =	sne.s32 s2, $0x0  }
0x244: {  	s3 =	rddreg [dreg:$0x2];
	[bflag:$0x3] =	sbarrier.arrive $0xFFFF;
	s2 =	simm.s32 @!p0 $0x1C0A  }
0x245: {  	[timem:s3], [sflag:s2] =	dma.local @!p0 [hbm:s0], s1  }
0x246: {  	s0 =	simm.s32 @!p0 $0xA  }
0x247: {  	_ =	swait.ge @!p0 [sflag:s0], s1  }
0x248: {  	s1 =	ssub.s32 @!p0 $0x0, s1;
	[sflag:s0] =	ssyncset.done @!p0 $0x0  }
0x249: {  	[sflag:s0] =	ssyncadd.s32 @!p0 s1  }
0x24a: {  	[bflag:$0x3] =	sbarrier.arrive $0xFFFF  }
0x24b: {  	_ =	shalt  }

</sc_bundles>
